<compile_context>
chip_gen: v7x
topology: tpu7x:2x2x1
jax: 0.10.2.dev20260603
libtpu: 0.0.44.dev20260713+nightly
codegen_flags: <defaults>
</compile_context>

<pallas_src>
import jax
import jax.numpy as jnp
from jax import lax
from jax.experimental import pallas as pl
from jax.experimental.pallas import tpu as pltpu
from jax.experimental.pallas import tpu_sc as plsc

_NC = 2
_NS = 16
_NW = _NC * _NS
_L = 16
_D = 64
_B = 16384
_BPW = _B // _NW
_DU = 4
_DV = 4


_TAIL = 999936
_LASTC = 999808


def _sc_body(user_hbm, item_hbm, uT_hbm, vT_hbm, tu_hbm, tv_hbm, out_hbm,
             idx_u, idx_v, bu, bv, tail_u, tail_v, p_buf, out_v, *sems):
    wid = lax.axis_index("s") * _NC + lax.axis_index("c")
    base = wid * _BPW
    sems_u = sems[:_DU]
    sems_v = sems[_DU:]

    pltpu.sync_copy(user_hbm.at[pl.ds(base, _BPW)], idx_u)
    pltpu.sync_copy(item_hbm.at[pl.ds(base, _BPW)], idx_v)
    pltpu.sync_copy(tu_hbm, tail_u)
    pltpu.sync_copy(tv_hbm, tail_v)

    def issue_u(iu, slot):
        cu = pl.multiple_of(
            jnp.minimum(lax.shift_right_logical(iu, 7) * 128, _LASTC), 128)
        pltpu.async_copy(uT_hbm.at[:, pl.ds(cu, 128)], bu.at[slot], sems_u[slot])

    def issue_v(iv, slot):
        cv = pl.multiple_of(
            jnp.minimum(lax.shift_right_logical(iv, 7) * 128, _LASTC), 128)
        pltpu.async_copy(vT_hbm.at[:, pl.ds(cv, 128)], bv.at[slot], sems_v[slot])

    def drain_u(slot):
        pltpu.make_async_copy(uT_hbm.at[:, pl.ds(0, 128)], bu.at[slot],
                              sems_u[slot]).wait()

    def drain_v(slot):
        pltpu.make_async_copy(vT_hbm.at[:, pl.ds(0, 128)], bv.at[slot],
                              sems_v[slot]).wait()

    lane = lax.iota(jnp.int32, _L)
    col_idx = lane * _L
    d_vecs = [lane + g * _L for g in range(_D // _L)]

    iu0 = idx_u[pl.ds(0, _L)]
    iv0 = idx_v[pl.ds(0, _L)]
    for k in range(_DU):
        issue_u(iu0[k], k)
    for k in range(_DV):
        issue_v(iv0[k], k)

    def step(j, carry):
        p = j * _L
        iu_vec = idx_u[pl.ds(p, _L)]
        iv_vec = idx_v[pl.ds(p, _L)]
        pn = jnp.minimum(p + _L, _BPW - _L)
        iu_nxt = idx_u[pl.ds(pn, _L)]
        iv_nxt = idx_v[pl.ds(pn, _L)]
        for k in range(_L):
            slot_u = k % _DU
            slot_v = k % _DV
            drain_u(slot_u)
            drain_v(slot_v)
            iu = iu_vec[k]
            iv = iv_vec[k]
            lu = jnp.full((_L,), 0, jnp.int32) + lax.bitwise_and(iu, 127)
            lv = jnp.full((_L,), 0, jnp.int32) + lax.bitwise_and(iv, 127)
            tmu = jnp.full((_L,), iu >= _TAIL)
            tmv = jnp.full((_L,), iv >= _TAIL)
            tlu = jnp.full((_L,), 0, jnp.int32) + jnp.maximum(iu - _TAIL, 0)
            tlv = jnp.full((_L,), 0, jnp.int32) + jnp.maximum(iv - _TAIL, 0)
            acc = jnp.zeros((_L,), jnp.float32)
            for g in range(_D // _L):
                uvals = jnp.where(tmu,
                                  plsc.load_gather(tail_u, [d_vecs[g], tlu]),
                                  plsc.load_gather(bu.at[slot_u], [d_vecs[g], lu]))
                vvals = jnp.where(tmv,
                                  plsc.load_gather(tail_v, [d_vecs[g], tlv]),
                                  plsc.load_gather(bv.at[slot_v], [d_vecs[g], lv]))
                acc += uvals * vvals
            p_buf[pl.ds(k * _L, _L)] = acc
            au = k + _DU
            @pl.when(p + au < _BPW)
            def _():
                if au < _L:
                    issue_u(iu_vec[au], slot_u)
                else:
                    issue_u(iu_nxt[au - _L], slot_u)
            av = k + _DV
            @pl.when(p + av < _BPW)
            def _():
                if av < _L:
                    issue_v(iv_vec[av], slot_v)
                else:
                    issue_v(iv_nxt[av - _L], slot_v)
        tot = plsc.load_gather(p_buf, [col_idx])
        for t in range(1, _L):
            tot += plsc.load_gather(p_buf, [col_idx + t])
        out_v[pl.ds(p, _L)] = tot
        return carry

    lax.fori_loop(0, _BPW // _L, step, 0)

    pltpu.sync_copy(out_v, out_hbm.at[pl.ds(base, _BPW)])


@jax.jit
def kernel(user, item, user_factors, item_factors):
    uT = user_factors.T
    vT = item_factors.T
    tu = user_factors[_TAIL:].T
    tv = item_factors[_TAIL:].T
    mesh = plsc.VectorSubcoreMesh(core_axis_name="c", subcore_axis_name="s",
                                  num_cores=_NC, num_subcores=_NS)
    run = pl.kernel(
        _sc_body,
        out_type=jax.ShapeDtypeStruct((_B,), jnp.float32),
        mesh=mesh,
        scratch_types=[
            pltpu.VMEM((_BPW,), jnp.int32),
            pltpu.VMEM((_BPW,), jnp.int32),
            pltpu.VMEM((_DU, _D, 128), jnp.float32),
            pltpu.VMEM((_DV, _D, 128), jnp.float32),
            pltpu.VMEM((_D, _D), jnp.float32),
            pltpu.VMEM((_D, _D), jnp.float32),
            pltpu.VMEM((_L * _L,), jnp.float32),
            pltpu.VMEM((_BPW,), jnp.float32),
        ] + [pltpu.SemaphoreType.DMA] * (_DU + _DV),
        compiler_params=pltpu.CompilerParams(needs_layout_passes=False,
                                             use_tc_tiling_on_sc=True),
    )
    return run(user, item, uT, vT, tu, tv)

# --- scband reference (transcript-rebuilt; emitter-appended) ---
"""Pipeline reference for scband-matrix-factorization-45251775431146 (READ-ONLY COPY).

The authoritative reference and input builder live on the scoring server;
editing this copy changes nothing except your own understanding.
"""

import jax, jax.numpy as jnp
import numpy as np

NUM_USERS = 1000000
NUM_ITEMS = 1000000
N_FACTORS = 64
BATCH = 16384

def setup_inputs(seed: int = 0) -> dict:
    key = jax.random.key(seed)
    k1, k2, k3, k4 = jax.random.split(key, 4)
    user = jax.random.randint(k1, (BATCH,), 0, NUM_USERS, dtype=jnp.int64 if jax.config.jax_enable_x64 else jnp.int32).astype(jnp.int32)
    item = jax.random.randint(k2, (BATCH,), 0, NUM_ITEMS, dtype=jnp.int32)
    user_factors = jax.random.normal(k3, (NUM_USERS, N_FACTORS), dtype=jnp.float32) * 0.01
    item_factors = jax.random.normal(k4, (NUM_ITEMS, N_FACTORS), dtype=jnp.float32) * 0.01
    return {"user": user, "item": item, "user_factors": user_factors, "item_factors": item_factors}

def reference(user, item, user_factors, item_factors):
    # Embedding lookups (gather rows) then elementwise product and row-sum -> dot product per pair
    u = jnp.take(user_factors, user, axis=0)
    v = jnp.take(item_factors, item, axis=0)
    return (u * v).sum(axis=1)

if __name__ == "__main__":
    import jax
    _d = setup_inputs()
    print(jax.jit(kernel)(*tuple(_d.values())))

</pallas_src>

<mosaic_0001>
#map = affine_map<(d0, d1) -> (0)>
#map1 = affine_map<(d0, d1) -> (0, 0)>
module attributes {stable_mosaic.version = 14 : i64} {
  func.func @_sc_body(%arg0: i32, %arg1: i32, %arg2: memref<16384xi32, #tpu.memory_space<hbm>>, %arg3: memref<16384xi32, #tpu.memory_space<hbm>>, %arg4: memref<64x1000000xf32, #tpu.memory_space<hbm>>, %arg5: memref<64x1000000xf32, #tpu.memory_space<hbm>>, %arg6: memref<64x64xf32, #tpu.memory_space<hbm>>, %arg7: memref<64x64xf32, #tpu.memory_space<hbm>>, %arg8: memref<16384xf32, #tpu.memory_space<hbm>>, %arg9: memref<512xi32, #tpu.memory_space<vmem>>, %arg10: memref<512xi32, #tpu.memory_space<vmem>>, %arg11: memref<4x64x128xf32, #tpu.memory_space<vmem>>, %arg12: memref<4x64x128xf32, #tpu.memory_space<vmem>>, %arg13: memref<64x64xf32, #tpu.memory_space<vmem>>, %arg14: memref<64x64xf32, #tpu.memory_space<vmem>>, %arg15: memref<256xf32, #tpu.memory_space<vmem>>, %arg16: memref<512xf32, #tpu.memory_space<vmem>>, %arg17: memref<!tpu.dma_semaphore, #tpu.memory_space<semaphore_mem>>, %arg18: memref<!tpu.dma_semaphore, #tpu.memory_space<semaphore_mem>>, %arg19: memref<!tpu.dma_semaphore, #tpu.memory_space<semaphore_mem>>, %arg20: memref<!tpu.dma_semaphore, #tpu.memory_space<semaphore_mem>>, %arg21: memref<!tpu.dma_semaphore, #tpu.memory_space<semaphore_mem>>, %arg22: memref<!tpu.dma_semaphore, #tpu.memory_space<semaphore_mem>>, %arg23: memref<!tpu.dma_semaphore, #tpu.memory_space<semaphore_mem>>, %arg24: memref<!tpu.dma_semaphore, #tpu.memory_space<semaphore_mem>>) attributes {dimension_semantics = [#tpu.dimension_semantics<core_parallel>, #tpu.dimension_semantics<subcore_parallel>], iteration_bounds = array<i64: 2, 16>, scalar_prefetch = 0 : i64, scratch_operands = 16 : i64, tpu.core_type = #tpu.core_type<sc_vector_subcore>, window_params = [{transform_indices = #map}, {transform_indices = #map}, {transform_indices = #map1}, {transform_indices = #map1}, {transform_indices = #map1}, {transform_indices = #map1}, {transform_indices = #map}]} {
    %mul3A = arith.constant 2 : i32
    %mul3A_0 = arith.muli %arg1, %mul3A : i32
    %add3A = arith.addi %mul3A_0, %arg0 : i32
    %mul3A_1 = arith.constant 512 : i32
    %mul3A_2 = arith.muli %add3A, %mul3A_1 : i32
    "tpu.region"() ({
      %run_scoped3A = tpu.sem_alloc : memref<!tpu.dma_semaphore, #tpu.memory_space<semaphore_mem>>
      %dma_start3A_196 = tpu.memref_slice %arg2[%mul3A_2] : memref<16384xi32, #tpu.memory_space<hbm>> -> memref<512xi32, #tpu.memory_space<hbm>>
      %dma_start3A_197 = tpu.memref_slice %arg2[%mul3A_2] : memref<16384xi32, #tpu.memory_space<hbm>> -> memref<512xi32, #tpu.memory_space<hbm>>
      tpu.enqueue_dma source(%dma_start3A_197 : memref<512xi32, #tpu.memory_space<hbm>>) target(%arg9 : memref<512xi32, #tpu.memory_space<vmem>>) target_semaphore(%run_scoped3A : memref<!tpu.dma_semaphore, #tpu.memory_space<semaphore_mem>>)
      %dma_wait3A = tpu.memref_slice %arg2[%mul3A_2] : memref<16384xi32, #tpu.memory_space<hbm>> -> memref<512xi32, #tpu.memory_space<hbm>>
      %dma_wait3A_198 = tpu.memref_slice %arg2[%mul3A_2] : memref<16384xi32, #tpu.memory_space<hbm>> -> memref<512xi32, #tpu.memory_space<hbm>>
      tpu.wait_dma2 semaphore(%run_scoped3A : memref<!tpu.dma_semaphore, #tpu.memory_space<semaphore_mem>>) src(%dma_wait3A_198 : memref<512xi32, #tpu.memory_space<hbm>>) dst(%arg9 : memref<512xi32, #tpu.memory_space<vmem>>)
      tpu.yield
    }) : () -> ()
    "tpu.region"() ({
      %run_scoped3A = tpu.sem_alloc : memref<!tpu.dma_semaphore, #tpu.memory_space<semaphore_mem>>
      %dma_start3A_196 = tpu.memref_slice %arg3[%mul3A_2] : memref<16384xi32, #tpu.memory_space<hbm>> -> memref<512xi32, #tpu.memory_space<hbm>>
      %dma_start3A_197 = tpu.memref_slice %arg3[%mul3A_2] : memref<16384xi32, #tpu.memory_space<hbm>> -> memref<512xi32, #tpu.memory_space<hbm>>
      tpu.enqueue_dma source(%dma_start3A_197 : memref<512xi32, #tpu.memory_space<hbm>>) target(%arg10 : memref<512xi32, #tpu.memory_space<vmem>>) target_semaphore(%run_scoped3A : memref<!tpu.dma_semaphore, #tpu.memory_space<semaphore_mem>>)
      %dma_wait3A = tpu.memref_slice %arg3[%mul3A_2] : memref<16384xi32, #tpu.memory_space<hbm>> -> memref<512xi32, #tpu.memory_space<hbm>>
      %dma_wait3A_198 = tpu.memref_slice %arg3[%mul3A_2] : memref<16384xi32, #tpu.memory_space<hbm>> -> memref<512xi32, #tpu.memory_space<hbm>>
      tpu.wait_dma2 semaphore(%run_scoped3A : memref<!tpu.dma_semaphore, #tpu.memory_space<semaphore_mem>>) src(%dma_wait3A_198 : memref<512xi32, #tpu.memory_space<hbm>>) dst(%arg10 : memref<512xi32, #tpu.memory_space<vmem>>)
      tpu.yield
    }) : () -> ()
    "tpu.region"() ({
      %run_scoped3A = tpu.sem_alloc : memref<!tpu.dma_semaphore, #tpu.memory_space<semaphore_mem>>
      tpu.enqueue_dma source(%arg6 : memref<64x64xf32, #tpu.memory_space<hbm>>) target(%arg13 : memref<64x64xf32, #tpu.memory_space<vmem>>) target_semaphore(%run_scoped3A : memref<!tpu.dma_semaphore, #tpu.memory_space<semaphore_mem>>)
      tpu.wait_dma2 semaphore(%run_scoped3A : memref<!tpu.dma_semaphore, #tpu.memory_space<semaphore_mem>>) src(%arg6 : memref<64x64xf32, #tpu.memory_space<hbm>>) dst(%arg13 : memref<64x64xf32, #tpu.memory_space<vmem>>)
      tpu.yield
    }) : () -> ()
    "tpu.region"() ({
      %run_scoped3A = tpu.sem_alloc : memref<!tpu.dma_semaphore, #tpu.memory_space<semaphore_mem>>
      tpu.enqueue_dma source(%arg7 : memref<64x64xf32, #tpu.memory_space<hbm>>) target(%arg14 : memref<64x64xf32, #tpu.memory_space<vmem>>) target_semaphore(%run_scoped3A : memref<!tpu.dma_semaphore, #tpu.memory_space<semaphore_mem>>)
      tpu.wait_dma2 semaphore(%run_scoped3A : memref<!tpu.dma_semaphore, #tpu.memory_space<semaphore_mem>>) src(%arg7 : memref<64x64xf32, #tpu.memory_space<hbm>>) dst(%arg14 : memref<64x64xf32, #tpu.memory_space<vmem>>)
      tpu.yield
    }) : () -> ()
    %iota3A = tpu.iota {dimensions = array<i32: 0>} : vector<16xi32>
    %mul3A_3 = arith.constant 16 : i32
    %mul3A_4 = vector.broadcast %mul3A_3 : i32 to vector<16xi32>
    %mul3A_5 = arith.muli %iota3A, %mul3A_4 : vector<16xi32>
    %add3A_6 = arith.constant 0 : i32
    %add3A_7 = vector.broadcast %add3A_6 : i32 to vector<16xi32>
    %add3A_8 = arith.addi %iota3A, %add3A_7 : vector<16xi32>
    %add3A_9 = arith.constant 16 : i32
    %add3A_10 = vector.broadcast %add3A_9 : i32 to vector<16xi32>
    %add3A_11 = arith.addi %iota3A, %add3A_10 : vector<16xi32>
    %add3A_12 = arith.constant 32 : i32
    %add3A_13 = vector.broadcast %add3A_12 : i32 to vector<16xi32>
    %add3A_14 = arith.addi %iota3A, %add3A_13 : vector<16xi32>
    %add3A_15 = arith.constant 48 : i32
    %add3A_16 = vector.broadcast %add3A_15 : i32 to vector<16xi32>
    %add3A_17 = arith.addi %iota3A, %add3A_16 : vector<16xi32>
    %get3A = arith.constant 0 : index
    %get3A_18 = tpu.vector_load %arg9[%get3A] {strides = array<i32>} : memref<512xi32, #tpu.memory_space<vmem>>, vector<16xi32>,
    %get3A_19 = arith.constant 0 : index
    %get3A_20 = tpu.vector_load %arg10[%get3A_19] {strides = array<i32>} : memref<512xi32, #tpu.memory_space<vmem>>, vector<16xi32>,
    %slice3A = vector.extract_strided_slice %get3A_18 {offsets = [0], sizes = [1], strides = [1]} : vector<16xi32> to vector<1xi32>
    %squeeze3A = vector.extract %slice3A[0] : i32 from vector<1xi32>
    %shift_right_logical3A = arith.constant 7 : i32
    %shift_right_logical3A_21 = arith.shrui %squeeze3A, %shift_right_logical3A : i32
    %mul3A_22 = arith.constant 128 : i32
    %mul3A_23 = arith.muli %shift_right_logical3A_21, %mul3A_22 : i32
    %min3A = arith.constant 999808 : i32
    %min3A_24 = arith.minsi %mul3A_23, %min3A : i32
    %multiple_of3A = tpu.assume_multiple %min3A_24, 128 : i32
    %dma_start3A = arith.constant 0 : i32
    %dma_start3A_25 = arith.constant 0 : i32
    %dma_start3A_26 = arith.constant 0 : i32
    %dma_start3A_27 = tpu.memref_slice %arg11[%dma_start3A, %dma_start3A_25, %dma_start3A_26] : memref<4x64x128xf32, #tpu.memory_space<vmem>> -> memref<1x64x128xf32, #tpu.memory_space<vmem>>
    %dma_start3A_28 = tpu.memref_squeeze %dma_start3A_27 : memref<1x64x128xf32, #tpu.memory_space<vmem>> -> memref<64x128xf32, #tpu.memory_space<vmem>>
    %dma_start3A_29 = arith.constant 0 : i32
    %dma_start3A_30 = tpu.memref_slice %arg4[%dma_start3A_29, %multiple_of3A] : memref<64x1000000xf32, #tpu.memory_space<hbm>> -> memref<64x128xf32, #tpu.memory_space<hbm>>
    %dma_start3A_31 = arith.constant 0 : i32
    %dma_start3A_32 = arith.constant 0 : i32
    %dma_start3A_33 = tpu.memref_slice %arg11[%dma_start3A, %dma_start3A_31, %dma_start3A_32] : memref<4x64x128xf32, #tpu.memory_space<vmem>> -> memref<1x64x128xf32, #tpu.memory_space<vmem>>
    %dma_start3A_34 = tpu.memref_squeeze %dma_start3A_33 : memref<1x64x128xf32, #tpu.memory_space<vmem>> -> memref<64x128xf32, #tpu.memory_space<vmem>>
    %dma_start3A_35 = arith.constant 0 : i32
    %dma_start3A_36 = tpu.memref_slice %arg4[%dma_start3A_35, %multiple_of3A] : memref<64x1000000xf32, #tpu.memory_space<hbm>> -> memref<64x128xf32, #tpu.memory_space<hbm>>
    tpu.enqueue_dma source(%dma_start3A_36 : memref<64x128xf32, #tpu.memory_space<hbm>>) target(%dma_start3A_34 : memref<64x128xf32, #tpu.memory_space<vmem>>) target_semaphore(%arg17 : memref<!tpu.dma_semaphore, #tpu.memory_space<semaphore_mem>>)
    %slice3A_37 = vector.extract_strided_slice %get3A_18 {offsets = [1], sizes = [1], strides = [1]} : vector<16xi32> to vector<1xi32>
    %squeeze3A_38 = vector.extract %slice3A_37[0] : i32 from vector<1xi32>
    %shift_right_logical3A_39 = arith.constant 7 : i32
    %shift_right_logical3A_40 = arith.shrui %squeeze3A_38, %shift_right_logical3A_39 : i32
    %mul3A_41 = arith.constant 128 : i32
    %mul3A_42 = arith.muli %shift_right_logical3A_40, %mul3A_41 : i32
    %min3A_43 = arith.constant 999808 : i32
    %min3A_44 = arith.minsi %mul3A_42, %min3A_43 : i32
    %multiple_of3A_45 = tpu.assume_multiple %min3A_44, 128 : i32
    %dma_start3A_46 = arith.constant 1 : i32
    %dma_start3A_47 = arith.constant 0 : i32
    %dma_start3A_48 = arith.constant 0 : i32
    %dma_start3A_49 = tpu.memref_slice %arg11[%dma_start3A_46, %dma_start3A_47, %dma_start3A_48] : memref<4x64x128xf32, #tpu.memory_space<vmem>> -> memref<1x64x128xf32, #tpu.memory_space<vmem>>
    %dma_start3A_50 = tpu.memref_squeeze %dma_start3A_49 : memref<1x64x128xf32, #tpu.memory_space<vmem>> -> memref<64x128xf32, #tpu.memory_space<vmem>>
    %dma_start3A_51 = arith.constant 0 : i32
    %dma_start3A_52 = tpu.memref_slice %arg4[%dma_start3A_51, %multiple_of3A_45] : memref<64x1000000xf32, #tpu.memory_space<hbm>> -> memref<64x128xf32, #tpu.memory_space<hbm>>
    %dma_start3A_53 = arith.constant 0 : i32
    %dma_start3A_54 = arith.constant 0 : i32
    %dma_start3A_55 = tpu.memref_slice %arg11[%dma_start3A_46, %dma_start3A_53, %dma_start3A_54] : memref<4x64x128xf32, #tpu.memory_space<vmem>> -> memref<1x64x128xf32, #tpu.memory_space<vmem>>
    %dma_start3A_56 = tpu.memref_squeeze %dma_start3A_55 : memref<1x64x128xf32, #tpu.memory_space<vmem>> -> memref<64x128xf32, #tpu.memory_space<vmem>>
    %dma_start3A_57 = arith.constant 0 : i32
    %dma_start3A_58 = tpu.memref_slice %arg4[%dma_start3A_57, %multiple_of3A_45] : memref<64x1000000xf32, #tpu.memory_space<hbm>> -> memref<64x128xf32, #tpu.memory_space<hbm>>
    tpu.enqueue_dma source(%dma_start3A_58 : memref<64x128xf32, #tpu.memory_space<hbm>>) target(%dma_start3A_56 : memref<64x128xf32, #tpu.memory_space<vmem>>) target_semaphore(%arg18 : memref<!tpu.dma_semaphore, #tpu.memory_space<semaphore_mem>>)
    %slice3A_59 = vector.extract_strided_slice %get3A_18 {offsets = [2], sizes = [1], strides = [1]} : vector<16xi32> to vector<1xi32>
    %squeeze3A_60 = vector.extract %slice3A_59[0] : i32 from vector<1xi32>
    %shift_right_logical3A_61 = arith.constant 7 : i32
    %shift_right_logical3A_62 = arith.shrui %squeeze3A_60, %shift_right_logical3A_61 : i32
    %mul3A_63 = arith.constant 128 : i32
    %mul3A_64 = arith.muli %shift_right_logical3A_62, %mul3A_63 : i32
    %min3A_65 = arith.constant 999808 : i32
    %min3A_66 = arith.minsi %mul3A_64, %min3A_65 : i32
    %multiple_of3A_67 = tpu.assume_multiple %min3A_66, 128 : i32
    %dma_start3A_68 = arith.constant 2 : i32
    %dma_start3A_69 = arith.constant 0 : i32
    %dma_start3A_70 = arith.constant 0 : i32
    %dma_start3A_71 = tpu.memref_slice %arg11[%dma_start3A_68, %dma_start3A_69, %dma_start3A_70] : memref<4x64x128xf32, #tpu.memory_space<vmem>> -> memref<1x64x128xf32, #tpu.memory_space<vmem>>
    %dma_start3A_72 = tpu.memref_squeeze %dma_start3A_71 : memref<1x64x128xf32, #tpu.memory_space<vmem>> -> memref<64x128xf32, #tpu.memory_space<vmem>>
    %dma_start3A_73 = arith.constant 0 : i32
    %dma_start3A_74 = tpu.memref_slice %arg4[%dma_start3A_73, %multiple_of3A_67] : memref<64x1000000xf32, #tpu.memory_space<hbm>> -> memref<64x128xf32, #tpu.memory_space<hbm>>
    %dma_start3A_75 = arith.constant 0 : i32
    %dma_start3A_76 = arith.constant 0 : i32
    %dma_start3A_77 = tpu.memref_slice %arg11[%dma_start3A_68, %dma_start3A_75, %dma_start3A_76] : memref<4x64x128xf32, #tpu.memory_space<vmem>> -> memref<1x64x128xf32, #tpu.memory_space<vmem>>
    %dma_start3A_78 = tpu.memref_squeeze %dma_start3A_77 : memref<1x64x128xf32, #tpu.memory_space<vmem>> -> memref<64x128xf32, #tpu.memory_space<vmem>>
    %dma_start3A_79 = arith.constant 0 : i32
    %dma_start3A_80 = tpu.memref_slice %arg4[%dma_start3A_79, %multiple_of3A_67] : memref<64x1000000xf32, #tpu.memory_space<hbm>> -> memref<64x128xf32, #tpu.memory_space<hbm>>
    tpu.enqueue_dma source(%dma_start3A_80 : memref<64x128xf32, #tpu.memory_space<hbm>>) target(%dma_start3A_78 : memref<64x128xf32, #tpu.memory_space<vmem>>) target_semaphore(%arg19 : memref<!tpu.dma_semaphore, #tpu.memory_space<semaphore_mem>>)
    %slice3A_81 = vector.extract_strided_slice %get3A_18 {offsets = [3], sizes = [1], strides = [1]} : vector<16xi32> to vector<1xi32>
    %squeeze3A_82 = vector.extract %slice3A_81[0] : i32 from vector<1xi32>
    %shift_right_logical3A_83 = arith.constant 7 : i32
    %shift_right_logical3A_84 = arith.shrui %squeeze3A_82, %shift_right_logical3A_83 : i32
    %mul3A_85 = arith.constant 128 : i32
    %mul3A_86 = arith.muli %shift_right_logical3A_84, %mul3A_85 : i32
    %min3A_87 = arith.constant 999808 : i32
    %min3A_88 = arith.minsi %mul3A_86, %min3A_87 : i32
    %multiple_of3A_89 = tpu.assume_multiple %min3A_88, 128 : i32
    %dma_start3A_90 = arith.constant 3 : i32
    %dma_start3A_91 = arith.constant 0 : i32
    %dma_start3A_92 = arith.constant 0 : i32
    %dma_start3A_93 = tpu.memref_slice %arg11[%dma_start3A_90, %dma_start3A_91, %dma_start3A_92] : memref<4x64x128xf32, #tpu.memory_space<vmem>> -> memref<1x64x128xf32, #tpu.memory_space<vmem>>
    %dma_start3A_94 = tpu.memref_squeeze %dma_start3A_93 : memref<1x64x128xf32, #tpu.memory_space<vmem>> -> memref<64x128xf32, #tpu.memory_space<vmem>>
    %dma_start3A_95 = arith.constant 0 : i32
    %dma_start3A_96 = tpu.memref_slice %arg4[%dma_start3A_95, %multiple_of3A_89] : memref<64x1000000xf32, #tpu.memory_space<hbm>> -> memref<64x128xf32, #tpu.memory_space<hbm>>
    %dma_start3A_97 = arith.constant 0 : i32
    %dma_start3A_98 = arith.constant 0 : i32
    %dma_start3A_99 = tpu.memref_slice %arg11[%dma_start3A_90, %dma_start3A_97, %dma_start3A_98] : memref<4x64x128xf32, #tpu.memory_space<vmem>> -> memref<1x64x128xf32, #tpu.memory_space<vmem>>
    %dma_start3A_100 = tpu.memref_squeeze %dma_start3A_99 : memref<1x64x128xf32, #tpu.memory_space<vmem>> -> memref<64x128xf32, #tpu.memory_space<vmem>>
    %dma_start3A_101 = arith.constant 0 : i32
    %dma_start3A_102 = tpu.memref_slice %arg4[%dma_start3A_101, %multiple_of3A_89] : memref<64x1000000xf32, #tpu.memory_space<hbm>> -> memref<64x128xf32, #tpu.memory_space<hbm>>
    tpu.enqueue_dma source(%dma_start3A_102 : memref<64x128xf32, #tpu.memory_space<hbm>>) target(%dma_start3A_100 : memref<64x128xf32, #tpu.memory_space<vmem>>) target_semaphore(%arg20 : memref<!tpu.dma_semaphore, #tpu.memory_space<semaphore_mem>>)
    %slice3A_103 = vector.extract_strided_slice %get3A_20 {offsets = [0], sizes = [1], strides = [1]} : vector<16xi32> to vector<1xi32>
    %squeeze3A_104 = vector.extract %slice3A_103[0] : i32 from vector<1xi32>
    %shift_right_logical3A_105 = arith.constant 7 : i32
    %shift_right_logical3A_106 = arith.shrui %squeeze3A_104, %shift_right_logical3A_105 : i32
    %mul3A_107 = arith.constant 128 : i32
    %mul3A_108 = arith.muli %shift_right_logical3A_106, %mul3A_107 : i32
    %min3A_109 = arith.constant 999808 : i32
    %min3A_110 = arith.minsi %mul3A_108, %min3A_109 : i32
    %multiple_of3A_111 = tpu.assume_multiple %min3A_110, 128 : i32
    %dma_start3A_112 = arith.constant 0 : i32
    %dma_start3A_113 = arith.constant 0 : i32
    %dma_start3A_114 = arith.constant 0 : i32
    %dma_start3A_115 = tpu.memref_slice %arg12[%dma_start3A_112, %dma_start3A_113, %dma_start3A_114] : memref<4x64x128xf32, #tpu.memory_space<vmem>> -> memref<1x64x128xf32, #tpu.memory_space<vmem>>
    %dma_start3A_116 = tpu.memref_squeeze %dma_start3A_115 : memref<1x64x128xf32, #tpu.memory_space<vmem>> -> memref<64x128xf32, #tpu.memory_space<vmem>>
    %dma_start3A_117 = arith.constant 0 : i32
    %dma_start3A_118 = tpu.memref_slice %arg5[%dma_start3A_117, %multiple_of3A_111] : memref<64x1000000xf32, #tpu.memory_space<hbm>> -> memref<64x128xf32, #tpu.memory_space<hbm>>
    %dma_start3A_119 = arith.constant 0 : i32
    %dma_start3A_120 = arith.constant 0 : i32
    %dma_start3A_121 = tpu.memref_slice %arg12[%dma_start3A_112, %dma_start3A_119, %dma_start3A_120] : memref<4x64x128xf32, #tpu.memory_space<vmem>> -> memref<1x64x128xf32, #tpu.memory_space<vmem>>
    %dma_start3A_122 = tpu.memref_squeeze %dma_start3A_121 : memref<1x64x128xf32, #tpu.memory_space<vmem>> -> memref<64x128xf32, #tpu.memory_space<vmem>>
    %dma_start3A_123 = arith.constant 0 : i32
    %dma_start3A_124 = tpu.memref_slice %arg5[%dma_start3A_123, %multiple_of3A_111] : memref<64x1000000xf32, #tpu.memory_space<hbm>> -> memref<64x128xf32, #tpu.memory_space<hbm>>
    tpu.enqueue_dma source(%dma_start3A_124 : memref<64x128xf32, #tpu.memory_space<hbm>>) target(%dma_start3A_122 : memref<64x128xf32, #tpu.memory_space<vmem>>) target_semaphore(%arg21 : memref<!tpu.dma_semaphore, #tpu.memory_space<semaphore_mem>>)
    %slice3A_125 = vector.extract_strided_slice %get3A_20 {offsets = [1], sizes = [1], strides = [1]} : vector<16xi32> to vector<1xi32>
    %squeeze3A_126 = vector.extract %slice3A_125[0] : i32 from vector<1xi32>
    %shift_right_logical3A_127 = arith.constant 7 : i32
    %shift_right_logical3A_128 = arith.shrui %squeeze3A_126, %shift_right_logical3A_127 : i32
    %mul3A_129 = arith.constant 128 : i32
    %mul3A_130 = arith.muli %shift_right_logical3A_128, %mul3A_129 : i32
    %min3A_131 = arith.constant 999808 : i32
    %min3A_132 = arith.minsi %mul3A_130, %min3A_131 : i32
    %multiple_of3A_133 = tpu.assume_multiple %min3A_132, 128 : i32
    %dma_start3A_134 = arith.constant 1 : i32
    %dma_start3A_135 = arith.constant 0 : i32
    %dma_start3A_136 = arith.constant 0 : i32
    %dma_start3A_137 = tpu.memref_slice %arg12[%dma_start3A_134, %dma_start3A_135, %dma_start3A_136] : memref<4x64x128xf32, #tpu.memory_space<vmem>> -> memref<1x64x128xf32, #tpu.memory_space<vmem>>
    %dma_start3A_138 = tpu.memref_squeeze %dma_start3A_137 : memref<1x64x128xf32, #tpu.memory_space<vmem>> -> memref<64x128xf32, #tpu.memory_space<vmem>>
    %dma_start3A_139 = arith.constant 0 : i32
    %dma_start3A_140 = tpu.memref_slice %arg5[%dma_start3A_139, %multiple_of3A_133] : memref<64x1000000xf32, #tpu.memory_space<hbm>> -> memref<64x128xf32, #tpu.memory_space<hbm>>
    %dma_start3A_141 = arith.constant 0 : i32
    %dma_start3A_142 = arith.constant 0 : i32
    %dma_start3A_143 = tpu.memref_slice %arg12[%dma_start3A_134, %dma_start3A_141, %dma_start3A_142] : memref<4x64x128xf32, #tpu.memory_space<vmem>> -> memref<1x64x128xf32, #tpu.memory_space<vmem>>
    %dma_start3A_144 = tpu.memref_squeeze %dma_start3A_143 : memref<1x64x128xf32, #tpu.memory_space<vmem>> -> memref<64x128xf32, #tpu.memory_space<vmem>>
    %dma_start3A_145 = arith.constant 0 : i32
    %dma_start3A_146 = tpu.memref_slice %arg5[%dma_start3A_145, %multiple_of3A_133] : memref<64x1000000xf32, #tpu.memory_space<hbm>> -> memref<64x128xf32, #tpu.memory_space<hbm>>
    tpu.enqueue_dma source(%dma_start3A_146 : memref<64x128xf32, #tpu.memory_space<hbm>>) target(%dma_start3A_144 : memref<64x128xf32, #tpu.memory_space<vmem>>) target_semaphore(%arg22 : memref<!tpu.dma_semaphore, #tpu.memory_space<semaphore_mem>>)
    %slice3A_147 = vector.extract_strided_slice %get3A_20 {offsets = [2], sizes = [1], strides = [1]} : vector<16xi32> to vector<1xi32>
    %squeeze3A_148 = vector.extract %slice3A_147[0] : i32 from vector<1xi32>
    %shift_right_logical3A_149 = arith.constant 7 : i32
    %shift_right_logical3A_150 = arith.shrui %squeeze3A_148, %shift_right_logical3A_149 : i32
    %mul3A_151 = arith.constant 128 : i32
    %mul3A_152 = arith.muli %shift_right_logical3A_150, %mul3A_151 : i32
    %min3A_153 = arith.constant 999808 : i32
    %min3A_154 = arith.minsi %mul3A_152, %min3A_153 : i32
    %multiple_of3A_155 = tpu.assume_multiple %min3A_154, 128 : i32
    %dma_start3A_156 = arith.constant 2 : i32
    %dma_start3A_157 = arith.constant 0 : i32
    %dma_start3A_158 = arith.constant 0 : i32
    %dma_start3A_159 = tpu.memref_slice %arg12[%dma_start3A_156, %dma_start3A_157, %dma_start3A_158] : memref<4x64x128xf32, #tpu.memory_space<vmem>> -> memref<1x64x128xf32, #tpu.memory_space<vmem>>
    %dma_start3A_160 = tpu.memref_squeeze %dma_start3A_159 : memref<1x64x128xf32, #tpu.memory_space<vmem>> -> memref<64x128xf32, #tpu.memory_space<vmem>>
    %dma_start3A_161 = arith.constant 0 : i32
    %dma_start3A_162 = tpu.memref_slice %arg5[%dma_start3A_161, %multiple_of3A_155] : memref<64x1000000xf32, #tpu.memory_space<hbm>> -> memref<64x128xf32, #tpu.memory_space<hbm>>
    %dma_start3A_163 = arith.constant 0 : i32
    %dma_start3A_164 = arith.constant 0 : i32
    %dma_start3A_165 = tpu.memref_slice %arg12[%dma_start3A_156, %dma_start3A_163, %dma_start3A_164] : memref<4x64x128xf32, #tpu.memory_space<vmem>> -> memref<1x64x128xf32, #tpu.memory_space<vmem>>
    %dma_start3A_166 = tpu.memref_squeeze %dma_start3A_165 : memref<1x64x128xf32, #tpu.memory_space<vmem>> -> memref<64x128xf32, #tpu.memory_space<vmem>>
    %dma_start3A_167 = arith.constant 0 : i32
    %dma_start3A_168 = tpu.memref_slice %arg5[%dma_start3A_167, %multiple_of3A_155] : memref<64x1000000xf32, #tpu.memory_space<hbm>> -> memref<64x128xf32, #tpu.memory_space<hbm>>
    tpu.enqueue_dma source(%dma_start3A_168 : memref<64x128xf32, #tpu.memory_space<hbm>>) target(%dma_start3A_166 : memref<64x128xf32, #tpu.memory_space<vmem>>) target_semaphore(%arg23 : memref<!tpu.dma_semaphore, #tpu.memory_space<semaphore_mem>>)
    %slice3A_169 = vector.extract_strided_slice %get3A_20 {offsets = [3], sizes = [1], strides = [1]} : vector<16xi32> to vector<1xi32>
    %squeeze3A_170 = vector.extract %slice3A_169[0] : i32 from vector<1xi32>
    %shift_right_logical3A_171 = arith.constant 7 : i32
    %shift_right_logical3A_172 = arith.shrui %squeeze3A_170, %shift_right_logical3A_171 : i32
    %mul3A_173 = arith.constant 128 : i32
    %mul3A_174 = arith.muli %shift_right_logical3A_172, %mul3A_173 : i32
    %min3A_175 = arith.constant 999808 : i32
    %min3A_176 = arith.minsi %mul3A_174, %min3A_175 : i32
    %multiple_of3A_177 = tpu.assume_multiple %min3A_176, 128 : i32
    %dma_start3A_178 = arith.constant 3 : i32
    %dma_start3A_179 = arith.constant 0 : i32
    %dma_start3A_180 = arith.constant 0 : i32
    %dma_start3A_181 = tpu.memref_slice %arg12[%dma_start3A_178, %dma_start3A_179, %dma_start3A_180] : memref<4x64x128xf32, #tpu.memory_space<vmem>> -> memref<1x64x128xf32, #tpu.memory_space<vmem>>
    %dma_start3A_182 = tpu.memref_squeeze %dma_start3A_181 : memref<1x64x128xf32, #tpu.memory_space<vmem>> -> memref<64x128xf32, #tpu.memory_space<vmem>>
    %dma_start3A_183 = arith.constant 0 : i32
    %dma_start3A_184 = tpu.memref_slice %arg5[%dma_start3A_183, %multiple_of3A_177] : memref<64x1000000xf32, #tpu.memory_space<hbm>> -> memref<64x128xf32, #tpu.memory_space<hbm>>
    %dma_start3A_185 = arith.constant 0 : i32
    %dma_start3A_186 = arith.constant 0 : i32
    %dma_start3A_187 = tpu.memref_slice %arg12[%dma_start3A_178, %dma_start3A_185, %dma_start3A_186] : memref<4x64x128xf32, #tpu.memory_space<vmem>> -> memref<1x64x128xf32, #tpu.memory_space<vmem>>
    %dma_start3A_188 = tpu.memref_squeeze %dma_start3A_187 : memref<1x64x128xf32, #tpu.memory_space<vmem>> -> memref<64x128xf32, #tpu.memory_space<vmem>>
    %dma_start3A_189 = arith.constant 0 : i32
    %dma_start3A_190 = tpu.memref_slice %arg5[%dma_start3A_189, %multiple_of3A_177] : memref<64x1000000xf32, #tpu.memory_space<hbm>> -> memref<64x128xf32, #tpu.memory_space<hbm>>
    tpu.enqueue_dma source(%dma_start3A_190 : memref<64x128xf32, #tpu.memory_space<hbm>>) target(%dma_start3A_188 : memref<64x128xf32, #tpu.memory_space<vmem>>) target_semaphore(%arg24 : memref<!tpu.dma_semaphore, #tpu.memory_space<semaphore_mem>>)
    %scan3A = arith.constant 0 : i32
    %scan3A_191 = arith.constant 0 : i32
    %scan3A_192 = arith.constant 32 : i32
    %scan3A_193 = arith.addi %scan3A_191, %scan3A_192 : i32
    %scan3A_194 = arith.constant 1 : i32
    scf.for %scan3A_196 = %scan3A_191 to %scan3A_193 step %scan3A_194  : i32 {
      %mul3A_197 = arith.constant 16 : i32
      %mul3A_198 = arith.muli %scan3A_196, %mul3A_197 : i32
      %get3A_199 = arith.index_cast %mul3A_198 : i32 to index
      %get3A_200 = tpu.vector_load %arg9[%get3A_199] {strides = array<i32>} : memref<512xi32, #tpu.memory_space<vmem>>, vector<16xi32>,
      %get3A_201 = arith.index_cast %mul3A_198 : i32 to index
      %get3A_202 = tpu.vector_load %arg10[%get3A_201] {strides = array<i32>} : memref<512xi32, #tpu.memory_space<vmem>>, vector<16xi32>,
      %add3A_203 = arith.constant 16 : i32
      %add3A_204 = arith.addi %mul3A_198, %add3A_203 : i32
      %min3A_205 = arith.constant 496 : i32
      %min3A_206 = arith.minsi %add3A_204, %min3A_205 : i32
      %get3A_207 = arith.index_cast %min3A_206 : i32 to index
      %get3A_208 = tpu.vector_load %arg9[%get3A_207] {strides = array<i32>} : memref<512xi32, #tpu.memory_space<vmem>>, vector<16xi32>,
      %get3A_209 = arith.index_cast %min3A_206 : i32 to index
      %get3A_210 = tpu.vector_load %arg10[%get3A_209] {strides = array<i32>} : memref<512xi32, #tpu.memory_space<vmem>>, vector<16xi32>,
      %dma_wait3A = arith.constant 0 : i32
      %dma_wait3A_211 = arith.constant 0 : i32
      %dma_wait3A_212 = arith.constant 0 : i32
      %dma_wait3A_213 = tpu.memref_slice %arg11[%dma_wait3A, %dma_wait3A_211, %dma_wait3A_212] : memref<4x64x128xf32, #tpu.memory_space<vmem>> -> memref<1x64x128xf32, #tpu.memory_space<vmem>>
      %dma_wait3A_214 = tpu.memref_squeeze %dma_wait3A_213 : memref<1x64x128xf32, #tpu.memory_space<vmem>> -> memref<64x128xf32, #tpu.memory_space<vmem>>
      %dma_wait3A_215 = arith.constant 0 : i32
      %dma_wait3A_216 = arith.constant 0 : i32
      %dma_wait3A_217 = tpu.memref_slice %arg4[%dma_wait3A_215, %dma_wait3A_216] : memref<64x1000000xf32, #tpu.memory_space<hbm>> -> memref<64x128xf32, #tpu.memory_space<hbm>>
      %dma_wait3A_218 = arith.constant 0 : i32
      %dma_wait3A_219 = arith.constant 0 : i32
      %dma_wait3A_220 = tpu.memref_slice %arg11[%dma_wait3A, %dma_wait3A_218, %dma_wait3A_219] : memref<4x64x128xf32, #tpu.memory_space<vmem>> -> memref<1x64x128xf32, #tpu.memory_space<vmem>>
      %dma_wait3A_221 = tpu.memref_squeeze %dma_wait3A_220 : memref<1x64x128xf32, #tpu.memory_space<vmem>> -> memref<64x128xf32, #tpu.memory_space<vmem>>
      %dma_wait3A_222 = arith.constant 0 : i32
      %dma_wait3A_223 = arith.constant 0 : i32
      %dma_wait3A_224 = tpu.memref_slice %arg4[%dma_wait3A_222, %dma_wait3A_223] : memref<64x1000000xf32, #tpu.memory_space<hbm>> -> memref<64x128xf32, #tpu.memory_space<hbm>>
      tpu.wait_dma2 semaphore(%arg17 : memref<!tpu.dma_semaphore, #tpu.memory_space<semaphore_mem>>) src(%dma_wait3A_224 : memref<64x128xf32, #tpu.memory_space<hbm>>) dst(%dma_wait3A_221 : memref<64x128xf32, #tpu.memory_space<vmem>>)
      %dma_wait3A_225 = arith.constant 0 : i32
      %dma_wait3A_226 = arith.constant 0 : i32
      %dma_wait3A_227 = arith.constant 0 : i32
      %dma_wait3A_228 = tpu.memref_slice %arg12[%dma_wait3A_225, %dma_wait3A_226, %dma_wait3A_227] : memref<4x64x128xf32, #tpu.memory_space<vmem>> -> memref<1x64x128xf32, #tpu.memory_space<vmem>>
      %dma_wait3A_229 = tpu.memref_squeeze %dma_wait3A_228 : memref<1x64x128xf32, #tpu.memory_space<vmem>> -> memref<64x128xf32, #tpu.memory_space<vmem>>
      %dma_wait3A_230 = arith.constant 0 : i32
      %dma_wait3A_231 = arith.constant 0 : i32
      %dma_wait3A_232 = tpu.memref_slice %arg5[%dma_wait3A_230, %dma_wait3A_231] : memref<64x1000000xf32, #tpu.memory_space<hbm>> -> memref<64x128xf32, #tpu.memory_space<hbm>>
      %dma_wait3A_233 = arith.constant 0 : i32
      %dma_wait3A_234 = arith.constant 0 : i32
      %dma_wait3A_235 = tpu.memref_slice %arg12[%dma_wait3A_225, %dma_wait3A_233, %dma_wait3A_234] : memref<4x64x128xf32, #tpu.memory_space<vmem>> -> memref<1x64x128xf32, #tpu.memory_space<vmem>>
      %dma_wait3A_236 = tpu.memref_squeeze %dma_wait3A_235 : memref<1x64x128xf32, #tpu.memory_space<vmem>> -> memref<64x128xf32, #tpu.memory_space<vmem>>
      %dma_wait3A_237 = arith.constant 0 : i32
      %dma_wait3A_238 = arith.constant 0 : i32
      %dma_wait3A_239 = tpu.memref_slice %arg5[%dma_wait3A_237, %dma_wait3A_238] : memref<64x1000000xf32, #tpu.memory_space<hbm>> -> memref<64x128xf32, #tpu.memory_space<hbm>>
      tpu.wait_dma2 semaphore(%arg21 : memref<!tpu.dma_semaphore, #tpu.memory_space<semaphore_mem>>) src(%dma_wait3A_239 : memref<64x128xf32, #tpu.memory_space<hbm>>) dst(%dma_wait3A_236 : memref<64x128xf32, #tpu.memory_space<vmem>>)
      %slice3A_240 = vector.extract_strided_slice %get3A_200 {offsets = [0], sizes = [1], strides = [1]} : vector<16xi32> to vector<1xi32>
      %squeeze3A_241 = vector.extract %slice3A_240[0] : i32 from vector<1xi32>
      %slice3A_242 = vector.extract_strided_slice %get3A_202 {offsets = [0], sizes = [1], strides = [1]} : vector<16xi32> to vector<1xi32>
      %squeeze3A_243 = vector.extract %slice3A_242[0] : i32 from vector<1xi32>
      %broadcast_in_dim3A = arith.constant 0 : i32
      %broadcast_in_dim3A_244 = vector.broadcast %broadcast_in_dim3A : i32 to vector<16xi32>
      %and3A = arith.constant 127 : i32
      %and3A_245 = arith.andi %squeeze3A_241, %and3A : i32
      %add3A_246 = vector.broadcast %and3A_245 : i32 to vector<16xi32>
      %add3A_247 = arith.addi %broadcast_in_dim3A_244, %add3A_246 : vector<16xi32>
      %broadcast_in_dim3A_248 = arith.constant 0 : i32
      %broadcast_in_dim3A_249 = vector.broadcast %broadcast_in_dim3A_248 : i32 to vector<16xi32>
      %and3A_250 = arith.constant 127 : i32
      %and3A_251 = arith.andi %squeeze3A_243, %and3A_250 : i32
      %add3A_252 = vector.broadcast %and3A_251 : i32 to vector<16xi32>
      %add3A_253 = arith.addi %broadcast_in_dim3A_249, %add3A_252 : vector<16xi32>
      %ge3A = arith.constant 999936 : i32
      %ge3A_254 = arith.cmpi sge, %squeeze3A_241, %ge3A : i32
      %broadcast_in_dim3A_255 = vector.broadcast %ge3A_254 : i1 to vector<16xi1>
      %ge3A_256 = arith.constant 999936 : i32
      %ge3A_257 = arith.cmpi sge, %squeeze3A_243, %ge3A_256 : i32
      %broadcast_in_dim3A_258 = vector.broadcast %ge3A_257 : i1 to vector<16xi1>
      %broadcast_in_dim3A_259 = arith.constant 0 : i32
      %broadcast_in_dim3A_260 = vector.broadcast %broadcast_in_dim3A_259 : i32 to vector<16xi32>
      %sub3A = arith.constant 999936 : i32
      %sub3A_261 = arith.subi %squeeze3A_241, %sub3A : i32
      %max3A = arith.constant 0 : i32
      %max3A_262 = arith.maxsi %sub3A_261, %max3A : i32
      %add3A_263 = vector.broadcast %max3A_262 : i32 to vector<16xi32>
      %add3A_264 = arith.addi %broadcast_in_dim3A_260, %add3A_263 : vector<16xi32>
      %broadcast_in_dim3A_265 = arith.constant 0 : i32
      %broadcast_in_dim3A_266 = vector.broadcast %broadcast_in_dim3A_265 : i32 to vector<16xi32>
      %sub3A_267 = arith.constant 999936 : i32
      %sub3A_268 = arith.subi %squeeze3A_243, %sub3A_267 : i32
      %max3A_269 = arith.constant 0 : i32
      %max3A_270 = arith.maxsi %sub3A_268, %max3A_269 : i32
      %add3A_271 = vector.broadcast %max3A_270 : i32 to vector<16xi32>
      %add3A_272 = arith.addi %broadcast_in_dim3A_266, %add3A_271 : vector<16xi32>
      %broadcast_in_dim3A_273 = arith.constant 0.000000e+00 : f32
      %broadcast_in_dim3A_274 = vector.broadcast %broadcast_in_dim3A_273 : f32 to vector<16xf32>
      %gather3A = tpu.vector_load_idx %arg13[%add3A_8, %add3A_264] : memref<64x64xf32, #tpu.memory_space<vmem>>[vector<16xi32>, vector<16xi32>], vector<16xf32>,
      %gather3A_275 = arith.constant 0 : i32
      %gather3A_276 = arith.constant 0 : i32
      %gather3A_277 = arith.constant 0 : i32
      %gather3A_278 = tpu.memref_slice %arg11[%gather3A_275, %gather3A_276, %gather3A_277] : memref<4x64x128xf32, #tpu.memory_space<vmem>> -> memref<1x64x128xf32, #tpu.memory_space<vmem>>
      %gather3A_279 = tpu.memref_squeeze %gather3A_278 : memref<1x64x128xf32, #tpu.memory_space<vmem>> -> memref<64x128xf32, #tpu.memory_space<vmem>>
      %gather3A_280 = tpu.vector_load_idx %gather3A_279[%add3A_8, %add3A_247] : memref<64x128xf32, #tpu.memory_space<vmem>>[vector<16xi32>, vector<16xi32>], vector<16xf32>,
      %select_n3A = arith.select %broadcast_in_dim3A_255, %gather3A, %gather3A_280 : vector<16xi1>, vector<16xf32>
      %gather3A_281 = tpu.vector_load_idx %arg14[%add3A_8, %add3A_272] : memref<64x64xf32, #tpu.memory_space<vmem>>[vector<16xi32>, vector<16xi32>], vector<16xf32>,
      %gather3A_282 = arith.constant 0 : i32
      %gather3A_283 = arith.constant 0 : i32
      %gather3A_284 = arith.constant 0 : i32
      %gather3A_285 = tpu.memref_slice %arg12[%gather3A_282, %gather3A_283, %gather3A_284] : memref<4x64x128xf32, #tpu.memory_space<vmem>> -> memref<1x64x128xf32, #tpu.memory_space<vmem>>
      %gather3A_286 = tpu.memref_squeeze %gather3A_285 : memref<1x64x128xf32, #tpu.memory_space<vmem>> -> memref<64x128xf32, #tpu.memory_space<vmem>>
      %gather3A_287 = tpu.vector_load_idx %gather3A_286[%add3A_8, %add3A_253] : memref<64x128xf32, #tpu.memory_space<vmem>>[vector<16xi32>, vector<16xi32>], vector<16xf32>,
      %select_n3A_288 = arith.select %broadcast_in_dim3A_258, %gather3A_281, %gather3A_287 : vector<16xi1>, vector<16xf32>
      %mul3A_289 = arith.mulf %select_n3A, %select_n3A_288 : vector<16xf32>
      %add3A_290 = arith.addf %broadcast_in_dim3A_274, %mul3A_289 : vector<16xf32>
      %gather3A_291 = tpu.vector_load_idx %arg13[%add3A_11, %add3A_264] : memref<64x64xf32, #tpu.memory_space<vmem>>[vector<16xi32>, vector<16xi32>], vector<16xf32>,
      %gather3A_292 = arith.constant 0 : i32
      %gather3A_293 = arith.constant 0 : i32
      %gather3A_294 = arith.constant 0 : i32
      %gather3A_295 = tpu.memref_slice %arg11[%gather3A_292, %gather3A_293, %gather3A_294] : memref<4x64x128xf32, #tpu.memory_space<vmem>> -> memref<1x64x128xf32, #tpu.memory_space<vmem>>
      %gather3A_296 = tpu.memref_squeeze %gather3A_295 : memref<1x64x128xf32, #tpu.memory_space<vmem>> -> memref<64x128xf32, #tpu.memory_space<vmem>>
      %gather3A_297 = tpu.vector_load_idx %gather3A_296[%add3A_11, %add3A_247] : memref<64x128xf32, #tpu.memory_space<vmem>>[vector<16xi32>, vector<16xi32>], vector<16xf32>,
      %select_n3A_298 = arith.select %broadcast_in_dim3A_255, %gather3A_291, %gather3A_297 : vector<16xi1>, vector<16xf32>
      %gather3A_299 = tpu.vector_load_idx %arg14[%add3A_11, %add3A_272] : memref<64x64xf32, #tpu.memory_space<vmem>>[vector<16xi32>, vector<16xi32>], vector<16xf32>,
      %gather3A_300 = arith.constant 0 : i32
      %gather3A_301 = arith.constant 0 : i32
      %gather3A_302 = arith.constant 0 : i32
      %gather3A_303 = tpu.memref_slice %arg12[%gather3A_300, %gather3A_301, %gather3A_302] : memref<4x64x128xf32, #tpu.memory_space<vmem>> -> memref<1x64x128xf32, #tpu.memory_space<vmem>>
      %gather3A_304 = tpu.memref_squeeze %gather3A_303 : memref<1x64x128xf32, #tpu.memory_space<vmem>> -> memref<64x128xf32, #tpu.memory_space<vmem>>
      %gather3A_305 = tpu.vector_load_idx %gather3A_304[%add3A_11, %add3A_253] : memref<64x128xf32, #tpu.memory_space<vmem>>[vector<16xi32>, vector<16xi32>], vector<16xf32>,
      %select_n3A_306 = arith.select %broadcast_in_dim3A_258, %gather3A_299, %gather3A_305 : vector<16xi1>, vector<16xf32>
      %mul3A_307 = arith.mulf %select_n3A_298, %select_n3A_306 : vector<16xf32>
      %add3A_308 = arith.addf %add3A_290, %mul3A_307 : vector<16xf32>
      %gather3A_309 = tpu.vector_load_idx %arg13[%add3A_14, %add3A_264] : memref<64x64xf32, #tpu.memory_space<vmem>>[vector<16xi32>, vector<16xi32>], vector<16xf32>,
      %gather3A_310 = arith.constant 0 : i32
      %gather3A_311 = arith.constant 0 : i32
      %gather3A_312 = arith.constant 0 : i32
      %gather3A_313 = tpu.memref_slice %arg11[%gather3A_310, %gather3A_311, %gather3A_312] : memref<4x64x128xf32, #tpu.memory_space<vmem>> -> memref<1x64x128xf32, #tpu.memory_space<vmem>>
      %gather3A_314 = tpu.memref_squeeze %gather3A_313 : memref<1x64x128xf32, #tpu.memory_space<vmem>> -> memref<64x128xf32, #tpu.memory_space<vmem>>
      %gather3A_315 = tpu.vector_load_idx %gather3A_314[%add3A_14, %add3A_247] : memref<64x128xf32, #tpu.memory_space<vmem>>[vector<16xi32>, vector<16xi32>], vector<16xf32>,
      %select_n3A_316 = arith.select %broadcast_in_dim3A_255, %gather3A_309, %gather3A_315 : vector<16xi1>, vector<16xf32>
      %gather3A_317 = tpu.vector_load_idx %arg14[%add3A_14, %add3A_272] : memref<64x64xf32, #tpu.memory_space<vmem>>[vector<16xi32>, vector<16xi32>], vector<16xf32>,
      %gather3A_318 = arith.constant 0 : i32
      %gather3A_319 = arith.constant 0 : i32
      %gather3A_320 = arith.constant 0 : i32
      %gather3A_321 = tpu.memref_slice %arg12[%gather3A_318, %gather3A_319, %gather3A_320] : memref<4x64x128xf32, #tpu.memory_space<vmem>> -> memref<1x64x128xf32, #tpu.memory_space<vmem>>
      %gather3A_322 = tpu.memref_squeeze %gather3A_321 : memref<1x64x128xf32, #tpu.memory_space<vmem>> -> memref<64x128xf32, #tpu.memory_space<vmem>>
      %gather3A_323 = tpu.vector_load_idx %gather3A_322[%add3A_14, %add3A_253] : memref<64x128xf32, #tpu.memory_space<vmem>>[vector<16xi32>, vector<16xi32>], vector<16xf32>,
      %select_n3A_324 = arith.select %broadcast_in_dim3A_258, %gather3A_317, %gather3A_323 : vector<16xi1>, vector<16xf32>
      %mul3A_325 = arith.mulf %select_n3A_316, %select_n3A_324 : vector<16xf32>
      %add3A_326 = arith.addf %add3A_308, %mul3A_325 : vector<16xf32>
      %gather3A_327 = tpu.vector_load_idx %arg13[%add3A_17, %add3A_264] : memref<64x64xf32, #tpu.memory_space<vmem>>[vector<16xi32>, vector<16xi32>], vector<16xf32>,
      %gather3A_328 = arith.constant 0 : i32
      %gather3A_329 = arith.constant 0 : i32
      %gather3A_330 = arith.constant 0 : i32
      %gather3A_331 = tpu.memref_slice %arg11[%gather3A_328, %gather3A_329, %gather3A_330] : memref<4x64x128xf32, #tpu.memory_space<vmem>> -> memref<1x64x128xf32, #tpu.memory_space<vmem>>
      %gather3A_332 = tpu.memref_squeeze %gather3A_331 : memref<1x64x128xf32, #tpu.memory_space<vmem>> -> memref<64x128xf32, #tpu.memory_space<vmem>>
      %gather3A_333 = tpu.vector_load_idx %gather3A_332[%add3A_17, %add3A_247] : memref<64x128xf32, #tpu.memory_space<vmem>>[vector<16xi32>, vector<16xi32>], vector<16xf32>,
      %select_n3A_334 = arith.select %broadcast_in_dim3A_255, %gather3A_327, %gather3A_333 : vector<16xi1>, vector<16xf32>
      %gather3A_335 = tpu.vector_load_idx %arg14[%add3A_17, %add3A_272] : memref<64x64xf32, #tpu.memory_space<vmem>>[vector<16xi32>, vector<16xi32>], vector<16xf32>,
      %gather3A_336 = arith.constant 0 : i32
      %gather3A_337 = arith.constant 0 : i32
      %gather3A_338 = arith.constant 0 : i32
      %gather3A_339 = tpu.memref_slice %arg12[%gather3A_336, %gather3A_337, %gather3A_338] : memref<4x64x128xf32, #tpu.memory_space<vmem>> -> memref<1x64x128xf32, #tpu.memory_space<vmem>>
      %gather3A_340 = tpu.memref_squeeze %gather3A_339 : memref<1x64x128xf32, #tpu.memory_space<vmem>> -> memref<64x128xf32, #tpu.memory_space<vmem>>
      %gather3A_341 = tpu.vector_load_idx %gather3A_340[%add3A_17, %add3A_253] : memref<64x128xf32, #tpu.memory_space<vmem>>[vector<16xi32>, vector<16xi32>], vector<16xf32>,
      %select_n3A_342 = arith.select %broadcast_in_dim3A_258, %gather3A_335, %gather3A_341 : vector<16xi1>, vector<16xf32>
      %mul3A_343 = arith.mulf %select_n3A_334, %select_n3A_342 : vector<16xf32>
      %add3A_344 = arith.addf %add3A_326, %mul3A_343 : vector<16xf32>
      %swap3A = arith.constant 0 : index
      %swap3A_345 = tpu.vector_load %arg15[%swap3A] {strides = array<i32>} : memref<256xf32, #tpu.memory_space<vmem>>, vector<16xf32>,
      tpu.vector_store %arg15[%swap3A], %add3A_344 {strides = array<i32>} : memref<256xf32, #tpu.memory_space<vmem>>, vector<16xf32>,
      %add3A_346 = arith.constant 4 : i32
      %add3A_347 = arith.addi %mul3A_198, %add3A_346 : i32
      %lt3A = arith.constant 512 : i32
      %lt3A_348 = arith.cmpi slt, %add3A_347, %lt3A : i32
      %convert_element_type3A = arith.extui %lt3A_348 : i1 to i32
      %cond3A = arith.constant 0 : i32
      %cond3A_349 = arith.cmpi ne, %convert_element_type3A, %cond3A : i32
      scf.if %cond3A_349 {
        %slice3A_2805 = vector.extract_strided_slice %get3A_200 {offsets = [4], sizes = [1], strides = [1]} : vector<16xi32> to vector<1xi32>
        %squeeze3A_2806 = vector.extract %slice3A_2805[0] : i32 from vector<1xi32>
        %shift_right_logical3A_2807 = arith.constant 7 : i32
        %shift_right_logical3A_2808 = arith.shrui %squeeze3A_2806, %shift_right_logical3A_2807 : i32
        %mul3A_2809 = arith.constant 128 : i32
        %mul3A_2810 = arith.muli %shift_right_logical3A_2808, %mul3A_2809 : i32
        %min3A_2811 = arith.constant 999808 : i32
        %min3A_2812 = arith.minsi %mul3A_2810, %min3A_2811 : i32
        %multiple_of3A_2813 = tpu.assume_multiple %min3A_2812, 128 : i32
        %dma_start3A_2814 = arith.constant 0 : i32
        %dma_start3A_2815 = arith.constant 0 : i32
        %dma_start3A_2816 = arith.constant 0 : i32
        %dma_start3A_2817 = tpu.memref_slice %arg11[%dma_start3A_2814, %dma_start3A_2815, %dma_start3A_2816] : memref<4x64x128xf32, #tpu.memory_space<vmem>> -> memref<1x64x128xf32, #tpu.memory_space<vmem>>
        %dma_start3A_2818 = tpu.memref_squeeze %dma_start3A_2817 : memref<1x64x128xf32, #tpu.memory_space<vmem>> -> memref<64x128xf32, #tpu.memory_space<vmem>>
        %dma_start3A_2819 = arith.constant 0 : i32
        %dma_start3A_2820 = tpu.memref_slice %arg4[%dma_start3A_2819, %multiple_of3A_2813] : memref<64x1000000xf32, #tpu.memory_space<hbm>> -> memref<64x128xf32, #tpu.memory_space<hbm>>
        %dma_start3A_2821 = arith.constant 0 : i32
        %dma_start3A_2822 = arith.constant 0 : i32
        %dma_start3A_2823 = tpu.memref_slice %arg11[%dma_start3A_2814, %dma_start3A_2821, %dma_start3A_2822] : memref<4x64x128xf32, #tpu.memory_space<vmem>> -> memref<1x64x128xf32, #tpu.memory_space<vmem>>
        %dma_start3A_2824 = tpu.memref_squeeze %dma_start3A_2823 : memref<1x64x128xf32, #tpu.memory_space<vmem>> -> memref<64x128xf32, #tpu.memory_space<vmem>>
        %dma_start3A_2825 = arith.constant 0 : i32
        %dma_start3A_2826 = tpu.memref_slice %arg4[%dma_start3A_2825, %multiple_of3A_2813] : memref<64x1000000xf32, #tpu.memory_space<hbm>> -> memref<64x128xf32, #tpu.memory_space<hbm>>
        tpu.enqueue_dma source(%dma_start3A_2826 : memref<64x128xf32, #tpu.memory_space<hbm>>) target(%dma_start3A_2824 : memref<64x128xf32, #tpu.memory_space<vmem>>) target_semaphore(%arg17 : memref<!tpu.dma_semaphore, #tpu.memory_space<semaphore_mem>>)
      } else {
      }
      %add3A_350 = arith.constant 4 : i32
      %add3A_351 = arith.addi %mul3A_198, %add3A_350 : i32
      %lt3A_352 = arith.constant 512 : i32
      %lt3A_353 = arith.cmpi slt, %add3A_351, %lt3A_352 : i32
      %convert_element_type3A_354 = arith.extui %lt3A_353 : i1 to i32
      %cond3A_355 = arith.constant 0 : i32
      %cond3A_356 = arith.cmpi ne, %convert_element_type3A_354, %cond3A_355 : i32
      scf.if %cond3A_356 {
        %slice3A_2805 = vector.extract_strided_slice %get3A_202 {offsets = [4], sizes = [1], strides = [1]} : vector<16xi32> to vector<1xi32>
        %squeeze3A_2806 = vector.extract %slice3A_2805[0] : i32 from vector<1xi32>
        %shift_right_logical3A_2807 = arith.constant 7 : i32
        %shift_right_logical3A_2808 = arith.shrui %squeeze3A_2806, %shift_right_logical3A_2807 : i32
        %mul3A_2809 = arith.constant 128 : i32
        %mul3A_2810 = arith.muli %shift_right_logical3A_2808, %mul3A_2809 : i32
        %min3A_2811 = arith.constant 999808 : i32
        %min3A_2812 = arith.minsi %mul3A_2810, %min3A_2811 : i32
        %multiple_of3A_2813 = tpu.assume_multiple %min3A_2812, 128 : i32
        %dma_start3A_2814 = arith.constant 0 : i32
        %dma_start3A_2815 = arith.constant 0 : i32
        %dma_start3A_2816 = arith.constant 0 : i32
        %dma_start3A_2817 = tpu.memref_slice %arg12[%dma_start3A_2814, %dma_start3A_2815, %dma_start3A_2816] : memref<4x64x128xf32, #tpu.memory_space<vmem>> -> memref<1x64x128xf32, #tpu.memory_space<vmem>>
        %dma_start3A_2818 = tpu.memref_squeeze %dma_start3A_2817 : memref<1x64x128xf32, #tpu.memory_space<vmem>> -> memref<64x128xf32, #tpu.memory_space<vmem>>
        %dma_start3A_2819 = arith.constant 0 : i32
        %dma_start3A_2820 = tpu.memref_slice %arg5[%dma_start3A_2819, %multiple_of3A_2813] : memref<64x1000000xf32, #tpu.memory_space<hbm>> -> memref<64x128xf32, #tpu.memory_space<hbm>>
        %dma_start3A_2821 = arith.constant 0 : i32
        %dma_start3A_2822 = arith.constant 0 : i32
        %dma_start3A_2823 = tpu.memref_slice %arg12[%dma_start3A_2814, %dma_start3A_2821, %dma_start3A_2822] : memref<4x64x128xf32, #tpu.memory_space<vmem>> -> memref<1x64x128xf32, #tpu.memory_space<vmem>>
        %dma_start3A_2824 = tpu.memref_squeeze %dma_start3A_2823 : memref<1x64x128xf32, #tpu.memory_space<vmem>> -> memref<64x128xf32, #tpu.memory_space<vmem>>
        %dma_start3A_2825 = arith.constant 0 : i32
        %dma_start3A_2826 = tpu.memref_slice %arg5[%dma_start3A_2825, %multiple_of3A_2813] : memref<64x1000000xf32, #tpu.memory_space<hbm>> -> memref<64x128xf32, #tpu.memory_space<hbm>>
        tpu.enqueue_dma source(%dma_start3A_2826 : memref<64x128xf32, #tpu.memory_space<hbm>>) target(%dma_start3A_2824 : memref<64x128xf32, #tpu.memory_space<vmem>>) target_semaphore(%arg21 : memref<!tpu.dma_semaphore, #tpu.memory_space<semaphore_mem>>)
      } else {
      }
      %dma_wait3A_357 = arith.constant 1 : i32
      %dma_wait3A_358 = arith.constant 0 : i32
      %dma_wait3A_359 = arith.constant 0 : i32
      %dma_wait3A_360 = tpu.memref_slice %arg11[%dma_wait3A_357, %dma_wait3A_358, %dma_wait3A_359] : memref<4x64x128xf32, #tpu.memory_space<vmem>> -> memref<1x64x128xf32, #tpu.memory_space<vmem>>
      %dma_wait3A_361 = tpu.memref_squeeze %dma_wait3A_360 : memref<1x64x128xf32, #tpu.memory_space<vmem>> -> memref<64x128xf32, #tpu.memory_space<vmem>>
      %dma_wait3A_362 = arith.constant 0 : i32
      %dma_wait3A_363 = arith.constant 0 : i32
      %dma_wait3A_364 = tpu.memref_slice %arg4[%dma_wait3A_362, %dma_wait3A_363] : memref<64x1000000xf32, #tpu.memory_space<hbm>> -> memref<64x128xf32, #tpu.memory_space<hbm>>
      %dma_wait3A_365 = arith.constant 0 : i32
      %dma_wait3A_366 = arith.constant 0 : i32
      %dma_wait3A_367 = tpu.memref_slice %arg11[%dma_wait3A_357, %dma_wait3A_365, %dma_wait3A_366] : memref<4x64x128xf32, #tpu.memory_space<vmem>> -> memref<1x64x128xf32, #tpu.memory_space<vmem>>
      %dma_wait3A_368 = tpu.memref_squeeze %dma_wait3A_367 : memref<1x64x128xf32, #tpu.memory_space<vmem>> -> memref<64x128xf32, #tpu.memory_space<vmem>>
      %dma_wait3A_369 = arith.constant 0 : i32
      %dma_wait3A_370 = arith.constant 0 : i32
      %dma_wait3A_371 = tpu.memref_slice %arg4[%dma_wait3A_369, %dma_wait3A_370] : memref<64x1000000xf32, #tpu.memory_space<hbm>> -> memref<64x128xf32, #tpu.memory_space<hbm>>
      tpu.wait_dma2 semaphore(%arg18 : memref<!tpu.dma_semaphore, #tpu.memory_space<semaphore_mem>>) src(%dma_wait3A_371 : memref<64x128xf32, #tpu.memory_space<hbm>>) dst(%dma_wait3A_368 : memref<64x128xf32, #tpu.memory_space<vmem>>)
      %dma_wait3A_372 = arith.constant 1 : i32
      %dma_wait3A_373 = arith.constant 0 : i32
      %dma_wait3A_374 = arith.constant 0 : i32
      %dma_wait3A_375 = tpu.memref_slice %arg12[%dma_wait3A_372, %dma_wait3A_373, %dma_wait3A_374] : memref<4x64x128xf32, #tpu.memory_space<vmem>> -> memref<1x64x128xf32, #tpu.memory_space<vmem>>
      %dma_wait3A_376 = tpu.memref_squeeze %dma_wait3A_375 : memref<1x64x128xf32, #tpu.memory_space<vmem>> -> memref<64x128xf32, #tpu.memory_space<vmem>>
      %dma_wait3A_377 = arith.constant 0 : i32
      %dma_wait3A_378 = arith.constant 0 : i32
      %dma_wait3A_379 = tpu.memref_slice %arg5[%dma_wait3A_377, %dma_wait3A_378] : memref<64x1000000xf32, #tpu.memory_space<hbm>> -> memref<64x128xf32, #tpu.memory_space<hbm>>
      %dma_wait3A_380 = arith.constant 0 : i32
      %dma_wait3A_381 = arith.constant 0 : i32
      %dma_wait3A_382 = tpu.memref_slice %arg12[%dma_wait3A_372, %dma_wait3A_380, %dma_wait3A_381] : memref<4x64x128xf32, #tpu.memory_space<vmem>> -> memref<1x64x128xf32, #tpu.memory_space<vmem>>
      %dma_wait3A_383 = tpu.memref_squeeze %dma_wait3A_382 : memref<1x64x128xf32, #tpu.memory_space<vmem>> -> memref<64x128xf32, #tpu.memory_space<vmem>>
      %dma_wait3A_384 = arith.constant 0 : i32
      %dma_wait3A_385 = arith.constant 0 : i32
      %dma_wait3A_386 = tpu.memref_slice %arg5[%dma_wait3A_384, %dma_wait3A_385] : memref<64x1000000xf32, #tpu.memory_space<hbm>> -> memref<64x128xf32, #tpu.memory_space<hbm>>
      tpu.wait_dma2 semaphore(%arg22 : memref<!tpu.dma_semaphore, #tpu.memory_space<semaphore_mem>>) src(%dma_wait3A_386 : memref<64x128xf32, #tpu.memory_space<hbm>>) dst(%dma_wait3A_383 : memref<64x128xf32, #tpu.memory_space<vmem>>)
      %slice3A_387 = vector.extract_strided_slice %get3A_200 {offsets = [1], sizes = [1], strides = [1]} : vector<16xi32> to vector<1xi32>
      %squeeze3A_388 = vector.extract %slice3A_387[0] : i32 from vector<1xi32>
      %slice3A_389 = vector.extract_strided_slice %get3A_202 {offsets = [1], sizes = [1], strides = [1]} : vector<16xi32> to vector<1xi32>
      %squeeze3A_390 = vector.extract %slice3A_389[0] : i32 from vector<1xi32>
      %broadcast_in_dim3A_391 = arith.constant 0 : i32
      %broadcast_in_dim3A_392 = vector.broadcast %broadcast_in_dim3A_391 : i32 to vector<16xi32>
      %and3A_393 = arith.constant 127 : i32
      %and3A_394 = arith.andi %squeeze3A_388, %and3A_393 : i32
      %add3A_395 = vector.broadcast %and3A_394 : i32 to vector<16xi32>
      %add3A_396 = arith.addi %broadcast_in_dim3A_392, %add3A_395 : vector<16xi32>
      %broadcast_in_dim3A_397 = arith.constant 0 : i32
      %broadcast_in_dim3A_398 = vector.broadcast %broadcast_in_dim3A_397 : i32 to vector<16xi32>
      %and3A_399 = arith.constant 127 : i32
      %and3A_400 = arith.andi %squeeze3A_390, %and3A_399 : i32
      %add3A_401 = vector.broadcast %and3A_400 : i32 to vector<16xi32>
      %add3A_402 = arith.addi %broadcast_in_dim3A_398, %add3A_401 : vector<16xi32>
      %ge3A_403 = arith.constant 999936 : i32
      %ge3A_404 = arith.cmpi sge, %squeeze3A_388, %ge3A_403 : i32
      %broadcast_in_dim3A_405 = vector.broadcast %ge3A_404 : i1 to vector<16xi1>
      %ge3A_406 = arith.constant 999936 : i32
      %ge3A_407 = arith.cmpi sge, %squeeze3A_390, %ge3A_406 : i32
      %broadcast_in_dim3A_408 = vector.broadcast %ge3A_407 : i1 to vector<16xi1>
      %broadcast_in_dim3A_409 = arith.constant 0 : i32
      %broadcast_in_dim3A_410 = vector.broadcast %broadcast_in_dim3A_409 : i32 to vector<16xi32>
      %sub3A_411 = arith.constant 999936 : i32
      %sub3A_412 = arith.subi %squeeze3A_388, %sub3A_411 : i32
      %max3A_413 = arith.constant 0 : i32
      %max3A_414 = arith.maxsi %sub3A_412, %max3A_413 : i32
      %add3A_415 = vector.broadcast %max3A_414 : i32 to vector<16xi32>
      %add3A_416 = arith.addi %broadcast_in_dim3A_410, %add3A_415 : vector<16xi32>
      %broadcast_in_dim3A_417 = arith.constant 0 : i32
      %broadcast_in_dim3A_418 = vector.broadcast %broadcast_in_dim3A_417 : i32 to vector<16xi32>
      %sub3A_419 = arith.constant 999936 : i32
      %sub3A_420 = arith.subi %squeeze3A_390, %sub3A_419 : i32
      %max3A_421 = arith.constant 0 : i32
      %max3A_422 = arith.maxsi %sub3A_420, %max3A_421 : i32
      %add3A_423 = vector.broadcast %max3A_422 : i32 to vector<16xi32>
      %add3A_424 = arith.addi %broadcast_in_dim3A_418, %add3A_423 : vector<16xi32>
      %broadcast_in_dim3A_425 = arith.constant 0.000000e+00 : f32
      %broadcast_in_dim3A_426 = vector.broadcast %broadcast_in_dim3A_425 : f32 to vector<16xf32>
      %gather3A_427 = tpu.vector_load_idx %arg13[%add3A_8, %add3A_416] : memref<64x64xf32, #tpu.memory_space<vmem>>[vector<16xi32>, vector<16xi32>], vector<16xf32>,
      %gather3A_428 = arith.constant 1 : i32
      %gather3A_429 = arith.constant 0 : i32
      %gather3A_430 = arith.constant 0 : i32
      %gather3A_431 = tpu.memref_slice %arg11[%gather3A_428, %gather3A_429, %gather3A_430] : memref<4x64x128xf32, #tpu.memory_space<vmem>> -> memref<1x64x128xf32, #tpu.memory_space<vmem>>
      %gather3A_432 = tpu.memref_squeeze %gather3A_431 : memref<1x64x128xf32, #tpu.memory_space<vmem>> -> memref<64x128xf32, #tpu.memory_space<vmem>>
      %gather3A_433 = tpu.vector_load_idx %gather3A_432[%add3A_8, %add3A_396] : memref<64x128xf32, #tpu.memory_space<vmem>>[vector<16xi32>, vector<16xi32>], vector<16xf32>,
      %select_n3A_434 = arith.select %broadcast_in_dim3A_405, %gather3A_427, %gather3A_433 : vector<16xi1>, vector<16xf32>
      %gather3A_435 = tpu.vector_load_idx %arg14[%add3A_8, %add3A_424] : memref<64x64xf32, #tpu.memory_space<vmem>>[vector<16xi32>, vector<16xi32>], vector<16xf32>,
      %gather3A_436 = arith.constant 1 : i32
      %gather3A_437 = arith.constant 0 : i32
      %gather3A_438 = arith.constant 0 : i32
      %gather3A_439 = tpu.memref_slice %arg12[%gather3A_436, %gather3A_437, %gather3A_438] : memref<4x64x128xf32, #tpu.memory_space<vmem>> -> memref<1x64x128xf32, #tpu.memory_space<vmem>>
      %gather3A_440 = tpu.memref_squeeze %gather3A_439 : memref<1x64x128xf32, #tpu.memory_space<vmem>> -> memref<64x128xf32, #tpu.memory_space<vmem>>
      %gather3A_441 = tpu.vector_load_idx %gather3A_440[%add3A_8, %add3A_402] : memref<64x128xf32, #tpu.memory_space<vmem>>[vector<16xi32>, vector<16xi32>], vector<16xf32>,
      %select_n3A_442 = arith.select %broadcast_in_dim3A_408, %gather3A_435, %gather3A_441 : vector<16xi1>, vector<16xf32>
      %mul3A_443 = arith.mulf %select_n3A_434, %select_n3A_442 : vector<16xf32>
      %add3A_444 = arith.addf %broadcast_in_dim3A_426, %mul3A_443 : vector<16xf32>
      %gather3A_445 = tpu.vector_load_idx %arg13[%add3A_11, %add3A_416] : memref<64x64xf32, #tpu.memory_space<vmem>>[vector<16xi32>, vector<16xi32>], vector<16xf32>,
      %gather3A_446 = arith.constant 1 : i32
      %gather3A_447 = arith.constant 0 : i32
      %gather3A_448 = arith.constant 0 : i32
      %gather3A_449 = tpu.memref_slice %arg11[%gather3A_446, %gather3A_447, %gather3A_448] : memref<4x64x128xf32, #tpu.memory_space<vmem>> -> memref<1x64x128xf32, #tpu.memory_space<vmem>>
      %gather3A_450 = tpu.memref_squeeze %gather3A_449 : memref<1x64x128xf32, #tpu.memory_space<vmem>> -> memref<64x128xf32, #tpu.memory_space<vmem>>
      %gather3A_451 = tpu.vector_load_idx %gather3A_450[%add3A_11, %add3A_396] : memref<64x128xf32, #tpu.memory_space<vmem>>[vector<16xi32>, vector<16xi32>], vector<16xf32>,
      %select_n3A_452 = arith.select %broadcast_in_dim3A_405, %gather3A_445, %gather3A_451 : vector<16xi1>, vector<16xf32>
      %gather3A_453 = tpu.vector_load_idx %arg14[%add3A_11, %add3A_424] : memref<64x64xf32, #tpu.memory_space<vmem>>[vector<16xi32>, vector<16xi32>], vector<16xf32>,
      %gather3A_454 = arith.constant 1 : i32
      %gather3A_455 = arith.constant 0 : i32
      %gather3A_456 = arith.constant 0 : i32
      %gather3A_457 = tpu.memref_slice %arg12[%gather3A_454, %gather3A_455, %gather3A_456] : memref<4x64x128xf32, #tpu.memory_space<vmem>> -> memref<1x64x128xf32, #tpu.memory_space<vmem>>
      %gather3A_458 = tpu.memref_squeeze %gather3A_457 : memref<1x64x128xf32, #tpu.memory_space<vmem>> -> memref<64x128xf32, #tpu.memory_space<vmem>>
      %gather3A_459 = tpu.vector_load_idx %gather3A_458[%add3A_11, %add3A_402] : memref<64x128xf32, #tpu.memory_space<vmem>>[vector<16xi32>, vector<16xi32>], vector<16xf32>,
      %select_n3A_460 = arith.select %broadcast_in_dim3A_408, %gather3A_453, %gather3A_459 : vector<16xi1>, vector<16xf32>
      %mul3A_461 = arith.mulf %select_n3A_452, %select_n3A_460 : vector<16xf32>
      %add3A_462 = arith.addf %add3A_444, %mul3A_461 : vector<16xf32>
      %gather3A_463 = tpu.vector_load_idx %arg13[%add3A_14, %add3A_416] : memref<64x64xf32, #tpu.memory_space<vmem>>[vector<16xi32>, vector<16xi32>], vector<16xf32>,
      %gather3A_464 = arith.constant 1 : i32
      %gather3A_465 = arith.constant 0 : i32
      %gather3A_466 = arith.constant 0 : i32
      %gather3A_467 = tpu.memref_slice %arg11[%gather3A_464, %gather3A_465, %gather3A_466] : memref<4x64x128xf32, #tpu.memory_space<vmem>> -> memref<1x64x128xf32, #tpu.memory_space<vmem>>
      %gather3A_468 = tpu.memref_squeeze %gather3A_467 : memref<1x64x128xf32, #tpu.memory_space<vmem>> -> memref<64x128xf32, #tpu.memory_space<vmem>>
      %gather3A_469 = tpu.vector_load_idx %gather3A_468[%add3A_14, %add3A_396] : memref<64x128xf32, #tpu.memory_space<vmem>>[vector<16xi32>, vector<16xi32>], vector<16xf32>,
      %select_n3A_470 = arith.select %broadcast_in_dim3A_405, %gather3A_463, %gather3A_469 : vector<16xi1>, vector<16xf32>
      %gather3A_471 = tpu.vector_load_idx %arg14[%add3A_14, %add3A_424] : memref<64x64xf32, #tpu.memory_space<vmem>>[vector<16xi32>, vector<16xi32>], vector<16xf32>,
      %gather3A_472 = arith.constant 1 : i32
      %gather3A_473 = arith.constant 0 : i32
      %gather3A_474 = arith.constant 0 : i32
      %gather3A_475 = tpu.memref_slice %arg12[%gather3A_472, %gather3A_473, %gather3A_474] : memref<4x64x128xf32, #tpu.memory_space<vmem>> -> memref<1x64x128xf32, #tpu.memory_space<vmem>>
      %gather3A_476 = tpu.memref_squeeze %gather3A_475 : memref<1x64x128xf32, #tpu.memory_space<vmem>> -> memref<64x128xf32, #tpu.memory_space<vmem>>
      %gather3A_477 = tpu.vector_load_idx %gather3A_476[%add3A_14, %add3A_402] : memref<64x128xf32, #tpu.memory_space<vmem>>[vector<16xi32>, vector<16xi32>], vector<16xf32>,
      %select_n3A_478 = arith.select %broadcast_in_dim3A_408, %gather3A_471, %gather3A_477 : vector<16xi1>, vector<16xf32>
      %mul3A_479 = arith.mulf %select_n3A_470, %select_n3A_478 : vector<16xf32>
      %add3A_480 = arith.addf %add3A_462, %mul3A_479 : vector<16xf32>
      %gather3A_481 = tpu.vector_load_idx %arg13[%add3A_17, %add3A_416] : memref<64x64xf32, #tpu.memory_space<vmem>>[vector<16xi32>, vector<16xi32>], vector<16xf32>,
      %gather3A_482 = arith.constant 1 : i32
      %gather3A_483 = arith.constant 0 : i32
      %gather3A_484 = arith.constant 0 : i32
      %gather3A_485 = tpu.memref_slice %arg11[%gather3A_482, %gather3A_483, %gather3A_484] : memref<4x64x128xf32, #tpu.memory_space<vmem>> -> memref<1x64x128xf32, #tpu.memory_space<vmem>>
      %gather3A_486 = tpu.memref_squeeze %gather3A_485 : memref<1x64x128xf32, #tpu.memory_space<vmem>> -> memref<64x128xf32, #tpu.memory_space<vmem>>
      %gather3A_487 = tpu.vector_load_idx %gather3A_486[%add3A_17, %add3A_396] : memref<64x128xf32, #tpu.memory_space<vmem>>[vector<16xi32>, vector<16xi32>], vector<16xf32>,
      %select_n3A_488 = arith.select %broadcast_in_dim3A_405, %gather3A_481, %gather3A_487 : vector<16xi1>, vector<16xf32>
      %gather3A_489 = tpu.vector_load_idx %arg14[%add3A_17, %add3A_424] : memref<64x64xf32, #tpu.memory_space<vmem>>[vector<16xi32>, vector<16xi32>], vector<16xf32>,
      %gather3A_490 = arith.constant 1 : i32
      %gather3A_491 = arith.constant 0 : i32
      %gather3A_492 = arith.constant 0 : i32
      %gather3A_493 = tpu.memref_slice %arg12[%gather3A_490, %gather3A_491, %gather3A_492] : memref<4x64x128xf32, #tpu.memory_space<vmem>> -> memref<1x64x128xf32, #tpu.memory_space<vmem>>
      %gather3A_494 = tpu.memref_squeeze %gather3A_493 : memref<1x64x128xf32, #tpu.memory_space<vmem>> -> memref<64x128xf32, #tpu.memory_space<vmem>>
      %gather3A_495 = tpu.vector_load_idx %gather3A_494[%add3A_17, %add3A_402] : memref<64x128xf32, #tpu.memory_space<vmem>>[vector<16xi32>, vector<16xi32>], vector<16xf32>,
      %select_n3A_496 = arith.select %broadcast_in_dim3A_408, %gather3A_489, %gather3A_495 : vector<16xi1>, vector<16xf32>
      %mul3A_497 = arith.mulf %select_n3A_488, %select_n3A_496 : vector<16xf32>
      %add3A_498 = arith.addf %add3A_480, %mul3A_497 : vector<16xf32>
      %swap3A_499 = arith.constant 16 : index
      %swap3A_500 = tpu.vector_load %arg15[%swap3A_499] {strides = array<i32>} : memref<256xf32, #tpu.memory_space<vmem>>, vector<16xf32>,
      tpu.vector_store %arg15[%swap3A_499], %add3A_498 {strides = array<i32>} : memref<256xf32, #tpu.memory_space<vmem>>, vector<16xf32>,
      %add3A_501 = arith.constant 5 : i32
      %add3A_502 = arith.addi %mul3A_198, %add3A_501 : i32
      %lt3A_503 = arith.constant 512 : i32
      %lt3A_504 = arith.cmpi slt, %add3A_502, %lt3A_503 : i32
      %convert_element_type3A_505 = arith.extui %lt3A_504 : i1 to i32
      %cond3A_506 = arith.constant 0 : i32
      %cond3A_507 = arith.cmpi ne, %convert_element_type3A_505, %cond3A_506 : i32
      scf.if %cond3A_507 {
        %slice3A_2805 = vector.extract_strided_slice %get3A_200 {offsets = [5], sizes = [1], strides = [1]} : vector<16xi32> to vector<1xi32>
        %squeeze3A_2806 = vector.extract %slice3A_2805[0] : i32 from vector<1xi32>
        %shift_right_logical3A_2807 = arith.constant 7 : i32
        %shift_right_logical3A_2808 = arith.shrui %squeeze3A_2806, %shift_right_logical3A_2807 : i32
        %mul3A_2809 = arith.constant 128 : i32
        %mul3A_2810 = arith.muli %shift_right_logical3A_2808, %mul3A_2809 : i32
        %min3A_2811 = arith.constant 999808 : i32
        %min3A_2812 = arith.minsi %mul3A_2810, %min3A_2811 : i32
        %multiple_of3A_2813 = tpu.assume_multiple %min3A_2812, 128 : i32
        %dma_start3A_2814 = arith.constant 1 : i32
        %dma_start3A_2815 = arith.constant 0 : i32
        %dma_start3A_2816 = arith.constant 0 : i32
        %dma_start3A_2817 = tpu.memref_slice %arg11[%dma_start3A_2814, %dma_start3A_2815, %dma_start3A_2816] : memref<4x64x128xf32, #tpu.memory_space<vmem>> -> memref<1x64x128xf32, #tpu.memory_space<vmem>>
        %dma_start3A_2818 = tpu.memref_squeeze %dma_start3A_2817 : memref<1x64x128xf32, #tpu.memory_space<vmem>> -> memref<64x128xf32, #tpu.memory_space<vmem>>
        %dma_start3A_2819 = arith.constant 0 : i32
        %dma_start3A_2820 = tpu.memref_slice %arg4[%dma_start3A_2819, %multiple_of3A_2813] : memref<64x1000000xf32, #tpu.memory_space<hbm>> -> memref<64x128xf32, #tpu.memory_space<hbm>>
        %dma_start3A_2821 = arith.constant 0 : i32
        %dma_start3A_2822 = arith.constant 0 : i32
        %dma_start3A_2823 = tpu.memref_slice %arg11[%dma_start3A_2814, %dma_start3A_2821, %dma_start3A_2822] : memref<4x64x128xf32, #tpu.memory_space<vmem>> -> memref<1x64x128xf32, #tpu.memory_space<vmem>>
        %dma_start3A_2824 = tpu.memref_squeeze %dma_start3A_2823 : memref<1x64x128xf32, #tpu.memory_space<vmem>> -> memref<64x128xf32, #tpu.memory_space<vmem>>
        %dma_start3A_2825 = arith.constant 0 : i32
        %dma_start3A_2826 = tpu.memref_slice %arg4[%dma_start3A_2825, %multiple_of3A_2813] : memref<64x1000000xf32, #tpu.memory_space<hbm>> -> memref<64x128xf32, #tpu.memory_space<hbm>>
        tpu.enqueue_dma source(%dma_start3A_2826 : memref<64x128xf32, #tpu.memory_space<hbm>>) target(%dma_start3A_2824 : memref<64x128xf32, #tpu.memory_space<vmem>>) target_semaphore(%arg18 : memref<!tpu.dma_semaphore, #tpu.memory_space<semaphore_mem>>)
      } else {
      }
      %add3A_508 = arith.constant 5 : i32
      %add3A_509 = arith.addi %mul3A_198, %add3A_508 : i32
      %lt3A_510 = arith.constant 512 : i32
      %lt3A_511 = arith.cmpi slt, %add3A_509, %lt3A_510 : i32
      %convert_element_type3A_512 = arith.extui %lt3A_511 : i1 to i32
      %cond3A_513 = arith.constant 0 : i32
      %cond3A_514 = arith.cmpi ne, %convert_element_type3A_512, %cond3A_513 : i32
      scf.if %cond3A_514 {
        %slice3A_2805 = vector.extract_strided_slice %get3A_202 {offsets = [5], sizes = [1], strides = [1]} : vector<16xi32> to vector<1xi32>
        %squeeze3A_2806 = vector.extract %slice3A_2805[0] : i32 from vector<1xi32>
        %shift_right_logical3A_2807 = arith.constant 7 : i32
        %shift_right_logical3A_2808 = arith.shrui %squeeze3A_2806, %shift_right_logical3A_2807 : i32
        %mul3A_2809 = arith.constant 128 : i32
        %mul3A_2810 = arith.muli %shift_right_logical3A_2808, %mul3A_2809 : i32
        %min3A_2811 = arith.constant 999808 : i32
        %min3A_2812 = arith.minsi %mul3A_2810, %min3A_2811 : i32
        %multiple_of3A_2813 = tpu.assume_multiple %min3A_2812, 128 : i32
        %dma_start3A_2814 = arith.constant 1 : i32
        %dma_start3A_2815 = arith.constant 0 : i32
        %dma_start3A_2816 = arith.constant 0 : i32
        %dma_start3A_2817 = tpu.memref_slice %arg12[%dma_start3A_2814, %dma_start3A_2815, %dma_start3A_2816] : memref<4x64x128xf32, #tpu.memory_space<vmem>> -> memref<1x64x128xf32, #tpu.memory_space<vmem>>
        %dma_start3A_2818 = tpu.memref_squeeze %dma_start3A_2817 : memref<1x64x128xf32, #tpu.memory_space<vmem>> -> memref<64x128xf32, #tpu.memory_space<vmem>>
        %dma_start3A_2819 = arith.constant 0 : i32
        %dma_start3A_2820 = tpu.memref_slice %arg5[%dma_start3A_2819, %multiple_of3A_2813] : memref<64x1000000xf32, #tpu.memory_space<hbm>> -> memref<64x128xf32, #tpu.memory_space<hbm>>
        %dma_start3A_2821 = arith.constant 0 : i32
        %dma_start3A_2822 = arith.constant 0 : i32
        %dma_start3A_2823 = tpu.memref_slice %arg12[%dma_start3A_2814, %dma_start3A_2821, %dma_start3A_2822] : memref<4x64x128xf32, #tpu.memory_space<vmem>> -> memref<1x64x128xf32, #tpu.memory_space<vmem>>
        %dma_start3A_2824 = tpu.memref_squeeze %dma_start3A_2823 : memref<1x64x128xf32, #tpu.memory_space<vmem>> -> memref<64x128xf32, #tpu.memory_space<vmem>>
        %dma_start3A_2825 = arith.constant 0 : i32
        %dma_start3A_2826 = tpu.memref_slice %arg5[%dma_start3A_2825, %multiple_of3A_2813] : memref<64x1000000xf32, #tpu.memory_space<hbm>> -> memref<64x128xf32, #tpu.memory_space<hbm>>
        tpu.enqueue_dma source(%dma_start3A_2826 : memref<64x128xf32, #tpu.memory_space<hbm>>) target(%dma_start3A_2824 : memref<64x128xf32, #tpu.memory_space<vmem>>) target_semaphore(%arg22 : memref<!tpu.dma_semaphore, #tpu.memory_space<semaphore_mem>>)
      } else {
      }
      %dma_wait3A_515 = arith.constant 2 : i32
      %dma_wait3A_516 = arith.constant 0 : i32
      %dma_wait3A_517 = arith.constant 0 : i32
      %dma_wait3A_518 = tpu.memref_slice %arg11[%dma_wait3A_515, %dma_wait3A_516, %dma_wait3A_517] : memref<4x64x128xf32, #tpu.memory_space<vmem>> -> memref<1x64x128xf32, #tpu.memory_space<vmem>>
      %dma_wait3A_519 = tpu.memref_squeeze %dma_wait3A_518 : memref<1x64x128xf32, #tpu.memory_space<vmem>> -> memref<64x128xf32, #tpu.memory_space<vmem>>
      %dma_wait3A_520 = arith.constant 0 : i32
      %dma_wait3A_521 = arith.constant 0 : i32
      %dma_wait3A_522 = tpu.memref_slice %arg4[%dma_wait3A_520, %dma_wait3A_521] : memref<64x1000000xf32, #tpu.memory_space<hbm>> -> memref<64x128xf32, #tpu.memory_space<hbm>>
      %dma_wait3A_523 = arith.constant 0 : i32
      %dma_wait3A_524 = arith.constant 0 : i32
      %dma_wait3A_525 = tpu.memref_slice %arg11[%dma_wait3A_515, %dma_wait3A_523, %dma_wait3A_524] : memref<4x64x128xf32, #tpu.memory_space<vmem>> -> memref<1x64x128xf32, #tpu.memory_space<vmem>>
      %dma_wait3A_526 = tpu.memref_squeeze %dma_wait3A_525 : memref<1x64x128xf32, #tpu.memory_space<vmem>> -> memref<64x128xf32, #tpu.memory_space<vmem>>
      %dma_wait3A_527 = arith.constant 0 : i32
      %dma_wait3A_528 = arith.constant 0 : i32
      %dma_wait3A_529 = tpu.memref_slice %arg4[%dma_wait3A_527, %dma_wait3A_528] : memref<64x1000000xf32, #tpu.memory_space<hbm>> -> memref<64x128xf32, #tpu.memory_space<hbm>>
      tpu.wait_dma2 semaphore(%arg19 : memref<!tpu.dma_semaphore, #tpu.memory_space<semaphore_mem>>) src(%dma_wait3A_529 : memref<64x128xf32, #tpu.memory_space<hbm>>) dst(%dma_wait3A_526 : memref<64x128xf32, #tpu.memory_space<vmem>>)
      %dma_wait3A_530 = arith.constant 2 : i32
      %dma_wait3A_531 = arith.constant 0 : i32
      %dma_wait3A_532 = arith.constant 0 : i32
      %dma_wait3A_533 = tpu.memref_slice %arg12[%dma_wait3A_530, %dma_wait3A_531, %dma_wait3A_532] : memref<4x64x128xf32, #tpu.memory_space<vmem>> -> memref<1x64x128xf32, #tpu.memory_space<vmem>>
      %dma_wait3A_534 = tpu.memref_squeeze %dma_wait3A_533 : memref<1x64x128xf32, #tpu.memory_space<vmem>> -> memref<64x128xf32, #tpu.memory_space<vmem>>
      %dma_wait3A_535 = arith.constant 0 : i32
      %dma_wait3A_536 = arith.constant 0 : i32
      %dma_wait3A_537 = tpu.memref_slice %arg5[%dma_wait3A_535, %dma_wait3A_536] : memref<64x1000000xf32, #tpu.memory_space<hbm>> -> memref<64x128xf32, #tpu.memory_space<hbm>>
      %dma_wait3A_538 = arith.constant 0 : i32
      %dma_wait3A_539 = arith.constant 0 : i32
      %dma_wait3A_540 = tpu.memref_slice %arg12[%dma_wait3A_530, %dma_wait3A_538, %dma_wait3A_539] : memref<4x64x128xf32, #tpu.memory_space<vmem>> -> memref<1x64x128xf32, #tpu.memory_space<vmem>>
      %dma_wait3A_541 = tpu.memref_squeeze %dma_wait3A_540 : memref<1x64x128xf32, #tpu.memory_space<vmem>> -> memref<64x128xf32, #tpu.memory_space<vmem>>
      %dma_wait3A_542 = arith.constant 0 : i32
      %dma_wait3A_543 = arith.constant 0 : i32
      %dma_wait3A_544 = tpu.memref_slice %arg5[%dma_wait3A_542, %dma_wait3A_543] : memref<64x1000000xf32, #tpu.memory_space<hbm>> -> memref<64x128xf32, #tpu.memory_space<hbm>>
      tpu.wait_dma2 semaphore(%arg23 : memref<!tpu.dma_semaphore, #tpu.memory_space<semaphore_mem>>) src(%dma_wait3A_544 : memref<64x128xf32, #tpu.memory_space<hbm>>) dst(%dma_wait3A_541 : memref<64x128xf32, #tpu.memory_space<vmem>>)
      %slice3A_545 = vector.extract_strided_slice %get3A_200 {offsets = [2], sizes = [1], strides = [1]} : vector<16xi32> to vector<1xi32>
      %squeeze3A_546 = vector.extract %slice3A_545[0] : i32 from vector<1xi32>
      %slice3A_547 = vector.extract_strided_slice %get3A_202 {offsets = [2], sizes = [1], strides = [1]} : vector<16xi32> to vector<1xi32>
      %squeeze3A_548 = vector.extract %slice3A_547[0] : i32 from vector<1xi32>
      %broadcast_in_dim3A_549 = arith.constant 0 : i32
      %broadcast_in_dim3A_550 = vector.broadcast %broadcast_in_dim3A_549 : i32 to vector<16xi32>
      %and3A_551 = arith.constant 127 : i32
      %and3A_552 = arith.andi %squeeze3A_546, %and3A_551 : i32
      %add3A_553 = vector.broadcast %and3A_552 : i32 to vector<16xi32>
      %add3A_554 = arith.addi %broadcast_in_dim3A_550, %add3A_553 : vector<16xi32>
      %broadcast_in_dim3A_555 = arith.constant 0 : i32
      %broadcast_in_dim3A_556 = vector.broadcast %broadcast_in_dim3A_555 : i32 to vector<16xi32>
      %and3A_557 = arith.constant 127 : i32
      %and3A_558 = arith.andi %squeeze3A_548, %and3A_557 : i32
      %add3A_559 = vector.broadcast %and3A_558 : i32 to vector<16xi32>
      %add3A_560 = arith.addi %broadcast_in_dim3A_556, %add3A_559 : vector<16xi32>
      %ge3A_561 = arith.constant 999936 : i32
      %ge3A_562 = arith.cmpi sge, %squeeze3A_546, %ge3A_561 : i32
      %broadcast_in_dim3A_563 = vector.broadcast %ge3A_562 : i1 to vector<16xi1>
      %ge3A_564 = arith.constant 999936 : i32
      %ge3A_565 = arith.cmpi sge, %squeeze3A_548, %ge3A_564 : i32
      %broadcast_in_dim3A_566 = vector.broadcast %ge3A_565 : i1 to vector<16xi1>
      %broadcast_in_dim3A_567 = arith.constant 0 : i32
      %broadcast_in_dim3A_568 = vector.broadcast %broadcast_in_dim3A_567 : i32 to vector<16xi32>
      %sub3A_569 = arith.constant 999936 : i32
      %sub3A_570 = arith.subi %squeeze3A_546, %sub3A_569 : i32
      %max3A_571 = arith.constant 0 : i32
      %max3A_572 = arith.maxsi %sub3A_570, %max3A_571 : i32
      %add3A_573 = vector.broadcast %max3A_572 : i32 to vector<16xi32>
      %add3A_574 = arith.addi %broadcast_in_dim3A_568, %add3A_573 : vector<16xi32>
      %broadcast_in_dim3A_575 = arith.constant 0 : i32
      %broadcast_in_dim3A_576 = vector.broadcast %broadcast_in_dim3A_575 : i32 to vector<16xi32>
      %sub3A_577 = arith.constant 999936 : i32
      %sub3A_578 = arith.subi %squeeze3A_548, %sub3A_577 : i32
      %max3A_579 = arith.constant 0 : i32
      %max3A_580 = arith.maxsi %sub3A_578, %max3A_579 : i32
      %add3A_581 = vector.broadcast %max3A_580 : i32 to vector<16xi32>
      %add3A_582 = arith.addi %broadcast_in_dim3A_576, %add3A_581 : vector<16xi32>
      %broadcast_in_dim3A_583 = arith.constant 0.000000e+00 : f32
      %broadcast_in_dim3A_584 = vector.broadcast %broadcast_in_dim3A_583 : f32 to vector<16xf32>
      %gather3A_585 = tpu.vector_load_idx %arg13[%add3A_8, %add3A_574] : memref<64x64xf32, #tpu.memory_space<vmem>>[vector<16xi32>, vector<16xi32>], vector<16xf32>,
      %gather3A_586 = arith.constant 2 : i32
      %gather3A_587 = arith.constant 0 : i32
      %gather3A_588 = arith.constant 0 : i32
      %gather3A_589 = tpu.memref_slice %arg11[%gather3A_586, %gather3A_587, %gather3A_588] : memref<4x64x128xf32, #tpu.memory_space<vmem>> -> memref<1x64x128xf32, #tpu.memory_space<vmem>>
      %gather3A_590 = tpu.memref_squeeze %gather3A_589 : memref<1x64x128xf32, #tpu.memory_space<vmem>> -> memref<64x128xf32, #tpu.memory_space<vmem>>
      %gather3A_591 = tpu.vector_load_idx %gather3A_590[%add3A_8, %add3A_554] : memref<64x128xf32, #tpu.memory_space<vmem>>[vector<16xi32>, vector<16xi32>], vector<16xf32>,
      %select_n3A_592 = arith.select %broadcast_in_dim3A_563, %gather3A_585, %gather3A_591 : vector<16xi1>, vector<16xf32>
      %gather3A_593 = tpu.vector_load_idx %arg14[%add3A_8, %add3A_582] : memref<64x64xf32, #tpu.memory_space<vmem>>[vector<16xi32>, vector<16xi32>], vector<16xf32>,
      %gather3A_594 = arith.constant 2 : i32
      %gather3A_595 = arith.constant 0 : i32
      %gather3A_596 = arith.constant 0 : i32
      %gather3A_597 = tpu.memref_slice %arg12[%gather3A_594, %gather3A_595, %gather3A_596] : memref<4x64x128xf32, #tpu.memory_space<vmem>> -> memref<1x64x128xf32, #tpu.memory_space<vmem>>
      %gather3A_598 = tpu.memref_squeeze %gather3A_597 : memref<1x64x128xf32, #tpu.memory_space<vmem>> -> memref<64x128xf32, #tpu.memory_space<vmem>>
      %gather3A_599 = tpu.vector_load_idx %gather3A_598[%add3A_8, %add3A_560] : memref<64x128xf32, #tpu.memory_space<vmem>>[vector<16xi32>, vector<16xi32>], vector<16xf32>,
      %select_n3A_600 = arith.select %broadcast_in_dim3A_566, %gather3A_593, %gather3A_599 : vector<16xi1>, vector<16xf32>
      %mul3A_601 = arith.mulf %select_n3A_592, %select_n3A_600 : vector<16xf32>
      %add3A_602 = arith.addf %broadcast_in_dim3A_584, %mul3A_601 : vector<16xf32>
      %gather3A_603 = tpu.vector_load_idx %arg13[%add3A_11, %add3A_574] : memref<64x64xf32, #tpu.memory_space<vmem>>[vector<16xi32>, vector<16xi32>], vector<16xf32>,
      %gather3A_604 = arith.constant 2 : i32
      %gather3A_605 = arith.constant 0 : i32
      %gather3A_606 = arith.constant 0 : i32
      %gather3A_607 = tpu.memref_slice %arg11[%gather3A_604, %gather3A_605, %gather3A_606] : memref<4x64x128xf32, #tpu.memory_space<vmem>> -> memref<1x64x128xf32, #tpu.memory_space<vmem>>
      %gather3A_608 = tpu.memref_squeeze %gather3A_607 : memref<1x64x128xf32, #tpu.memory_space<vmem>> -> memref<64x128xf32, #tpu.memory_space<vmem>>
      %gather3A_609 = tpu.vector_load_idx %gather3A_608[%add3A_11, %add3A_554] : memref<64x128xf32, #tpu.memory_space<vmem>>[vector<16xi32>, vector<16xi32>], vector<16xf32>,
      %select_n3A_610 = arith.select %broadcast_in_dim3A_563, %gather3A_603, %gather3A_609 : vector<16xi1>, vector<16xf32>
      %gather3A_611 = tpu.vector_load_idx %arg14[%add3A_11, %add3A_582] : memref<64x64xf32, #tpu.memory_space<vmem>>[vector<16xi32>, vector<16xi32>], vector<16xf32>,
      %gather3A_612 = arith.constant 2 : i32
      %gather3A_613 = arith.constant 0 : i32
      %gather3A_614 = arith.constant 0 : i32
      %gather3A_615 = tpu.memref_slice %arg12[%gather3A_612, %gather3A_613, %gather3A_614] : memref<4x64x128xf32, #tpu.memory_space<vmem>> -> memref<1x64x128xf32, #tpu.memory_space<vmem>>
      %gather3A_616 = tpu.memref_squeeze %gather3A_615 : memref<1x64x128xf32, #tpu.memory_space<vmem>> -> memref<64x128xf32, #tpu.memory_space<vmem>>
      %gather3A_617 = tpu.vector_load_idx %gather3A_616[%add3A_11, %add3A_560] : memref<64x128xf32, #tpu.memory_space<vmem>>[vector<16xi32>, vector<16xi32>], vector<16xf32>,
      %select_n3A_618 = arith.select %broadcast_in_dim3A_566, %gather3A_611, %gather3A_617 : vector<16xi1>, vector<16xf32>
      %mul3A_619 = arith.mulf %select_n3A_610, %select_n3A_618 : vector<16xf32>
      %add3A_620 = arith.addf %add3A_602, %mul3A_619 : vector<16xf32>
      %gather3A_621 = tpu.vector_load_idx %arg13[%add3A_14, %add3A_574] : memref<64x64xf32, #tpu.memory_space<vmem>>[vector<16xi32>, vector<16xi32>], vector<16xf32>,
      %gather3A_622 = arith.constant 2 : i32
      %gather3A_623 = arith.constant 0 : i32
      %gather3A_624 = arith.constant 0 : i32
      %gather3A_625 = tpu.memref_slice %arg11[%gather3A_622, %gather3A_623, %gather3A_624] : memref<4x64x128xf32, #tpu.memory_space<vmem>> -> memref<1x64x128xf32, #tpu.memory_space<vmem>>
      %gather3A_626 = tpu.memref_squeeze %gather3A_625 : memref<1x64x128xf32, #tpu.memory_space<vmem>> -> memref<64x128xf32, #tpu.memory_space<vmem>>
      %gather3A_627 = tpu.vector_load_idx %gather3A_626[%add3A_14, %add3A_554] : memref<64x128xf32, #tpu.memory_space<vmem>>[vector<16xi32>, vector<16xi32>], vector<16xf32>,
      %select_n3A_628 = arith.select %broadcast_in_dim3A_563, %gather3A_621, %gather3A_627 : vector<16xi1>, vector<16xf32>
      %gather3A_629 = tpu.vector_load_idx %arg14[%add3A_14, %add3A_582] : memref<64x64xf32, #tpu.memory_space<vmem>>[vector<16xi32>, vector<16xi32>], vector<16xf32>,
      %gather3A_630 = arith.constant 2 : i32
      %gather3A_631 = arith.constant 0 : i32
      %gather3A_632 = arith.constant 0 : i32
      %gather3A_633 = tpu.memref_slice %arg12[%gather3A_630, %gather3A_631, %gather3A_632] : memref<4x64x128xf32, #tpu.memory_space<vmem>> -> memref<1x64x128xf32, #tpu.memory_space<vmem>>
      %gather3A_634 = tpu.memref_squeeze %gather3A_633 : memref<1x64x128xf32, #tpu.memory_space<vmem>> -> memref<64x128xf32, #tpu.memory_space<vmem>>
      %gather3A_635 = tpu.vector_load_idx %gather3A_634[%add3A_14, %add3A_560] : memref<64x128xf32, #tpu.memory_space<vmem>>[vector<16xi32>, vector<16xi32>], vector<16xf32>,
      %select_n3A_636 = arith.select %broadcast_in_dim3A_566, %gather3A_629, %gather3A_635 : vector<16xi1>, vector<16xf32>
      %mul3A_637 = arith.mulf %select_n3A_628, %select_n3A_636 : vector<16xf32>
      %add3A_638 = arith.addf %add3A_620, %mul3A_637 : vector<16xf32>
      %gather3A_639 = tpu.vector_load_idx %arg13[%add3A_17, %add3A_574] : memref<64x64xf32, #tpu.memory_space<vmem>>[vector<16xi32>, vector<16xi32>], vector<16xf32>,
      %gather3A_640 = arith.constant 2 : i32
      %gather3A_641 = arith.constant 0 : i32
      %gather3A_642 = arith.constant 0 : i32
      %gather3A_643 = tpu.memref_slice %arg11[%gather3A_640, %gather3A_641, %gather3A_642] : memref<4x64x128xf32, #tpu.memory_space<vmem>> -> memref<1x64x128xf32, #tpu.memory_space<vmem>>
      %gather3A_644 = tpu.memref_squeeze %gather3A_643 : memref<1x64x128xf32, #tpu.memory_space<vmem>> -> memref<64x128xf32, #tpu.memory_space<vmem>>
      %gather3A_645 = tpu.vector_load_idx %gather3A_644[%add3A_17, %add3A_554] : memref<64x128xf32, #tpu.memory_space<vmem>>[vector<16xi32>, vector<16xi32>], vector<16xf32>,
      %select_n3A_646 = arith.select %broadcast_in_dim3A_563, %gather3A_639, %gather3A_645 : vector<16xi1>, vector<16xf32>
      %gather3A_647 = tpu.vector_load_idx %arg14[%add3A_17, %add3A_582] : memref<64x64xf32, #tpu.memory_space<vmem>>[vector<16xi32>, vector<16xi32>], vector<16xf32>,
      %gather3A_648 = arith.constant 2 : i32
      %gather3A_649 = arith.constant 0 : i32
      %gather3A_650 = arith.constant 0 : i32
      %gather3A_651 = tpu.memref_slice %arg12[%gather3A_648, %gather3A_649, %gather3A_650] : memref<4x64x128xf32, #tpu.memory_space<vmem>> -> memref<1x64x128xf32, #tpu.memory_space<vmem>>
      %gather3A_652 = tpu.memref_squeeze %gather3A_651 : memref<1x64x128xf32, #tpu.memory_space<vmem>> -> memref<64x128xf32, #tpu.memory_space<vmem>>
      %gather3A_653 = tpu.vector_load_idx %gather3A_652[%add3A_17, %add3A_560] : memref<64x128xf32, #tpu.memory_space<vmem>>[vector<16xi32>, vector<16xi32>], vector<16xf32>,
      %select_n3A_654 = arith.select %broadcast_in_dim3A_566, %gather3A_647, %gather3A_653 : vector<16xi1>, vector<16xf32>
      %mul3A_655 = arith.mulf %select_n3A_646, %select_n3A_654 : vector<16xf32>
      %add3A_656 = arith.addf %add3A_638, %mul3A_655 : vector<16xf32>
      %swap3A_657 = arith.constant 32 : index
      %swap3A_658 = tpu.vector_load %arg15[%swap3A_657] {strides = array<i32>} : memref<256xf32, #tpu.memory_space<vmem>>, vector<16xf32>,
      tpu.vector_store %arg15[%swap3A_657], %add3A_656 {strides = array<i32>} : memref<256xf32, #tpu.memory_space<vmem>>, vector<16xf32>,
      %add3A_659 = arith.constant 6 : i32
      %add3A_660 = arith.addi %mul3A_198, %add3A_659 : i32
      %lt3A_661 = arith.constant 512 : i32
      %lt3A_662 = arith.cmpi slt, %add3A_660, %lt3A_661 : i32
      %convert_element_type3A_663 = arith.extui %lt3A_662 : i1 to i32
      %cond3A_664 = arith.constant 0 : i32
      %cond3A_665 = arith.cmpi ne, %convert_element_type3A_663, %cond3A_664 : i32
      scf.if %cond3A_665 {
        %slice3A_2805 = vector.extract_strided_slice %get3A_200 {offsets = [6], sizes = [1], strides = [1]} : vector<16xi32> to vector<1xi32>
        %squeeze3A_2806 = vector.extract %slice3A_2805[0] : i32 from vector<1xi32>
        %shift_right_logical3A_2807 = arith.constant 7 : i32
        %shift_right_logical3A_2808 = arith.shrui %squeeze3A_2806, %shift_right_logical3A_2807 : i32
        %mul3A_2809 = arith.constant 128 : i32
        %mul3A_2810 = arith.muli %shift_right_logical3A_2808, %mul3A_2809 : i32
        %min3A_2811 = arith.constant 999808 : i32
        %min3A_2812 = arith.minsi %mul3A_2810, %min3A_2811 : i32
        %multiple_of3A_2813 = tpu.assume_multiple %min3A_2812, 128 : i32
        %dma_start3A_2814 = arith.constant 2 : i32
        %dma_start3A_2815 = arith.constant 0 : i32
        %dma_start3A_2816 = arith.constant 0 : i32
        %dma_start3A_2817 = tpu.memref_slice %arg11[%dma_start3A_2814, %dma_start3A_2815, %dma_start3A_2816] : memref<4x64x128xf32, #tpu.memory_space<vmem>> -> memref<1x64x128xf32, #tpu.memory_space<vmem>>
        %dma_start3A_2818 = tpu.memref_squeeze %dma_start3A_2817 : memref<1x64x128xf32, #tpu.memory_space<vmem>> -> memref<64x128xf32, #tpu.memory_space<vmem>>
        %dma_start3A_2819 = arith.constant 0 : i32
        %dma_start3A_2820 = tpu.memref_slice %arg4[%dma_start3A_2819, %multiple_of3A_2813] : memref<64x1000000xf32, #tpu.memory_space<hbm>> -> memref<64x128xf32, #tpu.memory_space<hbm>>
        %dma_start3A_2821 = arith.constant 0 : i32
        %dma_start3A_2822 = arith.constant 0 : i32
        %dma_start3A_2823 = tpu.memref_slice %arg11[%dma_start3A_2814, %dma_start3A_2821, %dma_start3A_2822] : memref<4x64x128xf32, #tpu.memory_space<vmem>> -> memref<1x64x128xf32, #tpu.memory_space<vmem>>
        %dma_start3A_2824 = tpu.memref_squeeze %dma_start3A_2823 : memref<1x64x128xf32, #tpu.memory_space<vmem>> -> memref<64x128xf32, #tpu.memory_space<vmem>>
        %dma_start3A_2825 = arith.constant 0 : i32
        %dma_start3A_2826 = tpu.memref_slice %arg4[%dma_start3A_2825, %multiple_of3A_2813] : memref<64x1000000xf32, #tpu.memory_space<hbm>> -> memref<64x128xf32, #tpu.memory_space<hbm>>
        tpu.enqueue_dma source(%dma_start3A_2826 : memref<64x128xf32, #tpu.memory_space<hbm>>) target(%dma_start3A_2824 : memref<64x128xf32, #tpu.memory_space<vmem>>) target_semaphore(%arg19 : memref<!tpu.dma_semaphore, #tpu.memory_space<semaphore_mem>>)
      } else {
      }
      %add3A_666 = arith.constant 6 : i32
      %add3A_667 = arith.addi %mul3A_198, %add3A_666 : i32
      %lt3A_668 = arith.constant 512 : i32
      %lt3A_669 = arith.cmpi slt, %add3A_667, %lt3A_668 : i32
      %convert_element_type3A_670 = arith.extui %lt3A_669 : i1 to i32
      %cond3A_671 = arith.constant 0 : i32
      %cond3A_672 = arith.cmpi ne, %convert_element_type3A_670, %cond3A_671 : i32
      scf.if %cond3A_672 {
        %slice3A_2805 = vector.extract_strided_slice %get3A_202 {offsets = [6], sizes = [1], strides = [1]} : vector<16xi32> to vector<1xi32>
        %squeeze3A_2806 = vector.extract %slice3A_2805[0] : i32 from vector<1xi32>
        %shift_right_logical3A_2807 = arith.constant 7 : i32
        %shift_right_logical3A_2808 = arith.shrui %squeeze3A_2806, %shift_right_logical3A_2807 : i32
        %mul3A_2809 = arith.constant 128 : i32
        %mul3A_2810 = arith.muli %shift_right_logical3A_2808, %mul3A_2809 : i32
        %min3A_2811 = arith.constant 999808 : i32
        %min3A_2812 = arith.minsi %mul3A_2810, %min3A_2811 : i32
        %multiple_of3A_2813 = tpu.assume_multiple %min3A_2812, 128 : i32
        %dma_start3A_2814 = arith.constant 2 : i32
        %dma_start3A_2815 = arith.constant 0 : i32
        %dma_start3A_2816 = arith.constant 0 : i32
        %dma_start3A_2817 = tpu.memref_slice %arg12[%dma_start3A_2814, %dma_start3A_2815, %dma_start3A_2816] : memref<4x64x128xf32, #tpu.memory_space<vmem>> -> memref<1x64x128xf32, #tpu.memory_space<vmem>>
        %dma_start3A_2818 = tpu.memref_squeeze %dma_start3A_2817 : memref<1x64x128xf32, #tpu.memory_space<vmem>> -> memref<64x128xf32, #tpu.memory_space<vmem>>
        %dma_start3A_2819 = arith.constant 0 : i32
        %dma_start3A_2820 = tpu.memref_slice %arg5[%dma_start3A_2819, %multiple_of3A_2813] : memref<64x1000000xf32, #tpu.memory_space<hbm>> -> memref<64x128xf32, #tpu.memory_space<hbm>>
        %dma_start3A_2821 = arith.constant 0 : i32
        %dma_start3A_2822 = arith.constant 0 : i32
        %dma_start3A_2823 = tpu.memref_slice %arg12[%dma_start3A_2814, %dma_start3A_2821, %dma_start3A_2822] : memref<4x64x128xf32, #tpu.memory_space<vmem>> -> memref<1x64x128xf32, #tpu.memory_space<vmem>>
        %dma_start3A_2824 = tpu.memref_squeeze %dma_start3A_2823 : memref<1x64x128xf32, #tpu.memory_space<vmem>> -> memref<64x128xf32, #tpu.memory_space<vmem>>
        %dma_start3A_2825 = arith.constant 0 : i32
        %dma_start3A_2826 = tpu.memref_slice %arg5[%dma_start3A_2825, %multiple_of3A_2813] : memref<64x1000000xf32, #tpu.memory_space<hbm>> -> memref<64x128xf32, #tpu.memory_space<hbm>>
        tpu.enqueue_dma source(%dma_start3A_2826 : memref<64x128xf32, #tpu.memory_space<hbm>>) target(%dma_start3A_2824 : memref<64x128xf32, #tpu.memory_space<vmem>>) target_semaphore(%arg23 : memref<!tpu.dma_semaphore, #tpu.memory_space<semaphore_mem>>)
      } else {
      }
      %dma_wait3A_673 = arith.constant 3 : i32
      %dma_wait3A_674 = arith.constant 0 : i32
      %dma_wait3A_675 = arith.constant 0 : i32
      %dma_wait3A_676 = tpu.memref_slice %arg11[%dma_wait3A_673, %dma_wait3A_674, %dma_wait3A_675] : memref<4x64x128xf32, #tpu.memory_space<vmem>> -> memref<1x64x128xf32, #tpu.memory_space<vmem>>
      %dma_wait3A_677 = tpu.memref_squeeze %dma_wait3A_676 : memref<1x64x128xf32, #tpu.memory_space<vmem>> -> memref<64x128xf32, #tpu.memory_space<vmem>>
      %dma_wait3A_678 = arith.constant 0 : i32
      %dma_wait3A_679 = arith.constant 0 : i32
      %dma_wait3A_680 = tpu.memref_slice %arg4[%dma_wait3A_678, %dma_wait3A_679] : memref<64x1000000xf32, #tpu.memory_space<hbm>> -> memref<64x128xf32, #tpu.memory_space<hbm>>
      %dma_wait3A_681 = arith.constant 0 : i32
      %dma_wait3A_682 = arith.constant 0 : i32
      %dma_wait3A_683 = tpu.memref_slice %arg11[%dma_wait3A_673, %dma_wait3A_681, %dma_wait3A_682] : memref<4x64x128xf32, #tpu.memory_space<vmem>> -> memref<1x64x128xf32, #tpu.memory_space<vmem>>
      %dma_wait3A_684 = tpu.memref_squeeze %dma_wait3A_683 : memref<1x64x128xf32, #tpu.memory_space<vmem>> -> memref<64x128xf32, #tpu.memory_space<vmem>>
      %dma_wait3A_685 = arith.constant 0 : i32
      %dma_wait3A_686 = arith.constant 0 : i32
      %dma_wait3A_687 = tpu.memref_slice %arg4[%dma_wait3A_685, %dma_wait3A_686] : memref<64x1000000xf32, #tpu.memory_space<hbm>> -> memref<64x128xf32, #tpu.memory_space<hbm>>
      tpu.wait_dma2 semaphore(%arg20 : memref<!tpu.dma_semaphore, #tpu.memory_space<semaphore_mem>>) src(%dma_wait3A_687 : memref<64x128xf32, #tpu.memory_space<hbm>>) dst(%dma_wait3A_684 : memref<64x128xf32, #tpu.memory_space<vmem>>)
      %dma_wait3A_688 = arith.constant 3 : i32
      %dma_wait3A_689 = arith.constant 0 : i32
      %dma_wait3A_690 = arith.constant 0 : i32
      %dma_wait3A_691 = tpu.memref_slice %arg12[%dma_wait3A_688, %dma_wait3A_689, %dma_wait3A_690] : memref<4x64x128xf32, #tpu.memory_space<vmem>> -> memref<1x64x128xf32, #tpu.memory_space<vmem>>
      %dma_wait3A_692 = tpu.memref_squeeze %dma_wait3A_691 : memref<1x64x128xf32, #tpu.memory_space<vmem>> -> memref<64x128xf32, #tpu.memory_space<vmem>>
      %dma_wait3A_693 = arith.constant 0 : i32
      %dma_wait3A_694 = arith.constant 0 : i32
      %dma_wait3A_695 = tpu.memref_slice %arg5[%dma_wait3A_693, %dma_wait3A_694] : memref<64x1000000xf32, #tpu.memory_space<hbm>> -> memref<64x128xf32, #tpu.memory_space<hbm>>
      %dma_wait3A_696 = arith.constant 0 : i32
      %dma_wait3A_697 = arith.constant 0 : i32
      %dma_wait3A_698 = tpu.memref_slice %arg12[%dma_wait3A_688, %dma_wait3A_696, %dma_wait3A_697] : memref<4x64x128xf32, #tpu.memory_space<vmem>> -> memref<1x64x128xf32, #tpu.memory_space<vmem>>
      %dma_wait3A_699 = tpu.memref_squeeze %dma_wait3A_698 : memref<1x64x128xf32, #tpu.memory_space<vmem>> -> memref<64x128xf32, #tpu.memory_space<vmem>>
      %dma_wait3A_700 = arith.constant 0 : i32
      %dma_wait3A_701 = arith.constant 0 : i32
      %dma_wait3A_702 = tpu.memref_slice %arg5[%dma_wait3A_700, %dma_wait3A_701] : memref<64x1000000xf32, #tpu.memory_space<hbm>> -> memref<64x128xf32, #tpu.memory_space<hbm>>
      tpu.wait_dma2 semaphore(%arg24 : memref<!tpu.dma_semaphore, #tpu.memory_space<semaphore_mem>>) src(%dma_wait3A_702 : memref<64x128xf32, #tpu.memory_space<hbm>>) dst(%dma_wait3A_699 : memref<64x128xf32, #tpu.memory_space<vmem>>)
      %slice3A_703 = vector.extract_strided_slice %get3A_200 {offsets = [3], sizes = [1], strides = [1]} : vector<16xi32> to vector<1xi32>
      %squeeze3A_704 = vector.extract %slice3A_703[0] : i32 from vector<1xi32>
      %slice3A_705 = vector.extract_strided_slice %get3A_202 {offsets = [3], sizes = [1], strides = [1]} : vector<16xi32> to vector<1xi32>
      %squeeze3A_706 = vector.extract %slice3A_705[0] : i32 from vector<1xi32>
      %broadcast_in_dim3A_707 = arith.constant 0 : i32
      %broadcast_in_dim3A_708 = vector.broadcast %broadcast_in_dim3A_707 : i32 to vector<16xi32>
      %and3A_709 = arith.constant 127 : i32
      %and3A_710 = arith.andi %squeeze3A_704, %and3A_709 : i32
      %add3A_711 = vector.broadcast %and3A_710 : i32 to vector<16xi32>
      %add3A_712 = arith.addi %broadcast_in_dim3A_708, %add3A_711 : vector<16xi32>
      %broadcast_in_dim3A_713 = arith.constant 0 : i32
      %broadcast_in_dim3A_714 = vector.broadcast %broadcast_in_dim3A_713 : i32 to vector<16xi32>
      %and3A_715 = arith.constant 127 : i32
      %and3A_716 = arith.andi %squeeze3A_706, %and3A_715 : i32
      %add3A_717 = vector.broadcast %and3A_716 : i32 to vector<16xi32>
      %add3A_718 = arith.addi %broadcast_in_dim3A_714, %add3A_717 : vector<16xi32>
      %ge3A_719 = arith.constant 999936 : i32
      %ge3A_720 = arith.cmpi sge, %squeeze3A_704, %ge3A_719 : i32
      %broadcast_in_dim3A_721 = vector.broadcast %ge3A_720 : i1 to vector<16xi1>
      %ge3A_722 = arith.constant 999936 : i32
      %ge3A_723 = arith.cmpi sge, %squeeze3A_706, %ge3A_722 : i32
      %broadcast_in_dim3A_724 = vector.broadcast %ge3A_723 : i1 to vector<16xi1>
      %broadcast_in_dim3A_725 = arith.constant 0 : i32
      %broadcast_in_dim3A_726 = vector.broadcast %broadcast_in_dim3A_725 : i32 to vector<16xi32>
      %sub3A_727 = arith.constant 999936 : i32
      %sub3A_728 = arith.subi %squeeze3A_704, %sub3A_727 : i32
      %max3A_729 = arith.constant 0 : i32
      %max3A_730 = arith.maxsi %sub3A_728, %max3A_729 : i32
      %add3A_731 = vector.broadcast %max3A_730 : i32 to vector<16xi32>
      %add3A_732 = arith.addi %broadcast_in_dim3A_726, %add3A_731 : vector<16xi32>
      %broadcast_in_dim3A_733 = arith.constant 0 : i32
      %broadcast_in_dim3A_734 = vector.broadcast %broadcast_in_dim3A_733 : i32 to vector<16xi32>
      %sub3A_735 = arith.constant 999936 : i32
      %sub3A_736 = arith.subi %squeeze3A_706, %sub3A_735 : i32
      %max3A_737 = arith.constant 0 : i32
      %max3A_738 = arith.maxsi %sub3A_736, %max3A_737 : i32
      %add3A_739 = vector.broadcast %max3A_738 : i32 to vector<16xi32>
      %add3A_740 = arith.addi %broadcast_in_dim3A_734, %add3A_739 : vector<16xi32>
      %broadcast_in_dim3A_741 = arith.constant 0.000000e+00 : f32
      %broadcast_in_dim3A_742 = vector.broadcast %broadcast_in_dim3A_741 : f32 to vector<16xf32>
      %gather3A_743 = tpu.vector_load_idx %arg13[%add3A_8, %add3A_732] : memref<64x64xf32, #tpu.memory_space<vmem>>[vector<16xi32>, vector<16xi32>], vector<16xf32>,
      %gather3A_744 = arith.constant 3 : i32
      %gather3A_745 = arith.constant 0 : i32
      %gather3A_746 = arith.constant 0 : i32
      %gather3A_747 = tpu.memref_slice %arg11[%gather3A_744, %gather3A_745, %gather3A_746] : memref<4x64x128xf32, #tpu.memory_space<vmem>> -> memref<1x64x128xf32, #tpu.memory_space<vmem>>
      %gather3A_748 = tpu.memref_squeeze %gather3A_747 : memref<1x64x128xf32, #tpu.memory_space<vmem>> -> memref<64x128xf32, #tpu.memory_space<vmem>>
      %gather3A_749 = tpu.vector_load_idx %gather3A_748[%add3A_8, %add3A_712] : memref<64x128xf32, #tpu.memory_space<vmem>>[vector<16xi32>, vector<16xi32>], vector<16xf32>,
      %select_n3A_750 = arith.select %broadcast_in_dim3A_721, %gather3A_743, %gather3A_749 : vector<16xi1>, vector<16xf32>
      %gather3A_751 = tpu.vector_load_idx %arg14[%add3A_8, %add3A_740] : memref<64x64xf32, #tpu.memory_space<vmem>>[vector<16xi32>, vector<16xi32>], vector<16xf32>,
      %gather3A_752 = arith.constant 3 : i32
      %gather3A_753 = arith.constant 0 : i32
      %gather3A_754 = arith.constant 0 : i32
      %gather3A_755 = tpu.memref_slice %arg12[%gather3A_752, %gather3A_753, %gather3A_754] : memref<4x64x128xf32, #tpu.memory_space<vmem>> -> memref<1x64x128xf32, #tpu.memory_space<vmem>>
      %gather3A_756 = tpu.memref_squeeze %gather3A_755 : memref<1x64x128xf32, #tpu.memory_space<vmem>> -> memref<64x128xf32, #tpu.memory_space<vmem>>
      %gather3A_757 = tpu.vector_load_idx %gather3A_756[%add3A_8, %add3A_718] : memref<64x128xf32, #tpu.memory_space<vmem>>[vector<16xi32>, vector<16xi32>], vector<16xf32>,
      %select_n3A_758 = arith.select %broadcast_in_dim3A_724, %gather3A_751, %gather3A_757 : vector<16xi1>, vector<16xf32>
      %mul3A_759 = arith.mulf %select_n3A_750, %select_n3A_758 : vector<16xf32>
      %add3A_760 = arith.addf %broadcast_in_dim3A_742, %mul3A_759 : vector<16xf32>
      %gather3A_761 = tpu.vector_load_idx %arg13[%add3A_11, %add3A_732] : memref<64x64xf32, #tpu.memory_space<vmem>>[vector<16xi32>, vector<16xi32>], vector<16xf32>,
      %gather3A_762 = arith.constant 3 : i32
      %gather3A_763 = arith.constant 0 : i32
      %gather3A_764 = arith.constant 0 : i32
      %gather3A_765 = tpu.memref_slice %arg11[%gather3A_762, %gather3A_763, %gather3A_764] : memref<4x64x128xf32, #tpu.memory_space<vmem>> -> memref<1x64x128xf32, #tpu.memory_space<vmem>>
      %gather3A_766 = tpu.memref_squeeze %gather3A_765 : memref<1x64x128xf32, #tpu.memory_space<vmem>> -> memref<64x128xf32, #tpu.memory_space<vmem>>
      %gather3A_767 = tpu.vector_load_idx %gather3A_766[%add3A_11, %add3A_712] : memref<64x128xf32, #tpu.memory_space<vmem>>[vector<16xi32>, vector<16xi32>], vector<16xf32>,
      %select_n3A_768 = arith.select %broadcast_in_dim3A_721, %gather3A_761, %gather3A_767 : vector<16xi1>, vector<16xf32>
      %gather3A_769 = tpu.vector_load_idx %arg14[%add3A_11, %add3A_740] : memref<64x64xf32, #tpu.memory_space<vmem>>[vector<16xi32>, vector<16xi32>], vector<16xf32>,
      %gather3A_770 = arith.constant 3 : i32
      %gather3A_771 = arith.constant 0 : i32
      %gather3A_772 = arith.constant 0 : i32
      %gather3A_773 = tpu.memref_slice %arg12[%gather3A_770, %gather3A_771, %gather3A_772] : memref<4x64x128xf32, #tpu.memory_space<vmem>> -> memref<1x64x128xf32, #tpu.memory_space<vmem>>
      %gather3A_774 = tpu.memref_squeeze %gather3A_773 : memref<1x64x128xf32, #tpu.memory_space<vmem>> -> memref<64x128xf32, #tpu.memory_space<vmem>>
      %gather3A_775 = tpu.vector_load_idx %gather3A_774[%add3A_11, %add3A_718] : memref<64x128xf32, #tpu.memory_space<vmem>>[vector<16xi32>, vector<16xi32>], vector<16xf32>,
      %select_n3A_776 = arith.select %broadcast_in_dim3A_724, %gather3A_769, %gather3A_775 : vector<16xi1>, vector<16xf32>
      %mul3A_777 = arith.mulf %select_n3A_768, %select_n3A_776 : vector<16xf32>
      %add3A_778 = arith.addf %add3A_760, %mul3A_777 : vector<16xf32>
      %gather3A_779 = tpu.vector_load_idx %arg13[%add3A_14, %add3A_732] : memref<64x64xf32, #tpu.memory_space<vmem>>[vector<16xi32>, vector<16xi32>], vector<16xf32>,
      %gather3A_780 = arith.constant 3 : i32
      %gather3A_781 = arith.constant 0 : i32
      %gather3A_782 = arith.constant 0 : i32
      %gather3A_783 = tpu.memref_slice %arg11[%gather3A_780, %gather3A_781, %gather3A_782] : memref<4x64x128xf32, #tpu.memory_space<vmem>> -> memref<1x64x128xf32, #tpu.memory_space<vmem>>
      %gather3A_784 = tpu.memref_squeeze %gather3A_783 : memref<1x64x128xf32, #tpu.memory_space<vmem>> -> memref<64x128xf32, #tpu.memory_space<vmem>>
      %gather3A_785 = tpu.vector_load_idx %gather3A_784[%add3A_14, %add3A_712] : memref<64x128xf32, #tpu.memory_space<vmem>>[vector<16xi32>, vector<16xi32>], vector<16xf32>,
      %select_n3A_786 = arith.select %broadcast_in_dim3A_721, %gather3A_779, %gather3A_785 : vector<16xi1>, vector<16xf32>
      %gather3A_787 = tpu.vector_load_idx %arg14[%add3A_14, %add3A_740] : memref<64x64xf32, #tpu.memory_space<vmem>>[vector<16xi32>, vector<16xi32>], vector<16xf32>,
      %gather3A_788 = arith.constant 3 : i32
      %gather3A_789 = arith.constant 0 : i32
      %gather3A_790 = arith.constant 0 : i32
      %gather3A_791 = tpu.memref_slice %arg12[%gather3A_788, %gather3A_789, %gather3A_790] : memref<4x64x128xf32, #tpu.memory_space<vmem>> -> memref<1x64x128xf32, #tpu.memory_space<vmem>>
      %gather3A_792 = tpu.memref_squeeze %gather3A_791 : memref<1x64x128xf32, #tpu.memory_space<vmem>> -> memref<64x128xf32, #tpu.memory_space<vmem>>
      %gather3A_793 = tpu.vector_load_idx %gather3A_792[%add3A_14, %add3A_718] : memref<64x128xf32, #tpu.memory_space<vmem>>[vector<16xi32>, vector<16xi32>], vector<16xf32>,
      %select_n3A_794 = arith.select %broadcast_in_dim3A_724, %gather3A_787, %gather3A_793 : vector<16xi1>, vector<16xf32>
      %mul3A_795 = arith.mulf %select_n3A_786, %select_n3A_794 : vector<16xf32>
      %add3A_796 = arith.addf %add3A_778, %mul3A_795 : vector<16xf32>
      %gather3A_797 = tpu.vector_load_idx %arg13[%add3A_17, %add3A_732] : memref<64x64xf32, #tpu.memory_space<vmem>>[vector<16xi32>, vector<16xi32>], vector<16xf32>,
      %gather3A_798 = arith.constant 3 : i32
      %gather3A_799 = arith.constant 0 : i32
      %gather3A_800 = arith.constant 0 : i32
      %gather3A_801 = tpu.memref_slice %arg11[%gather3A_798, %gather3A_799, %gather3A_800] : memref<4x64x128xf32, #tpu.memory_space<vmem>> -> memref<1x64x128xf32, #tpu.memory_space<vmem>>
      %gather3A_802 = tpu.memref_squeeze %gather3A_801 : memref<1x64x128xf32, #tpu.memory_space<vmem>> -> memref<64x128xf32, #tpu.memory_space<vmem>>
      %gather3A_803 = tpu.vector_load_idx %gather3A_802[%add3A_17, %add3A_712] : memref<64x128xf32, #tpu.memory_space<vmem>>[vector<16xi32>, vector<16xi32>], vector<16xf32>,
      %select_n3A_804 = arith.select %broadcast_in_dim3A_721, %gather3A_797, %gather3A_803 : vector<16xi1>, vector<16xf32>
      %gather3A_805 = tpu.vector_load_idx %arg14[%add3A_17, %add3A_740] : memref<64x64xf32, #tpu.memory_space<vmem>>[vector<16xi32>, vector<16xi32>], vector<16xf32>,
      %gather3A_806 = arith.constant 3 : i32
      %gather3A_807 = arith.constant 0 : i32
      %gather3A_808 = arith.constant 0 : i32
      %gather3A_809 = tpu.memref_slice %arg12[%gather3A_806, %gather3A_807, %gather3A_808] : memref<4x64x128xf32, #tpu.memory_space<vmem>> -> memref<1x64x128xf32, #tpu.memory_space<vmem>>
      %gather3A_810 = tpu.memref_squeeze %gather3A_809 : memref<1x64x128xf32, #tpu.memory_space<vmem>> -> memref<64x128xf32, #tpu.memory_space<vmem>>
      %gather3A_811 = tpu.vector_load_idx %gather3A_810[%add3A_17, %add3A_718] : memref<64x128xf32, #tpu.memory_space<vmem>>[vector<16xi32>, vector<16xi32>], vector<16xf32>,
      %select_n3A_812 = arith.select %broadcast_in_dim3A_724, %gather3A_805, %gather3A_811 : vector<16xi1>, vector<16xf32>
      %mul3A_813 = arith.mulf %select_n3A_804, %select_n3A_812 : vector<16xf32>
      %add3A_814 = arith.addf %add3A_796, %mul3A_813 : vector<16xf32>
      %swap3A_815 = arith.constant 48 : index
      %swap3A_816 = tpu.vector_load %arg15[%swap3A_815] {strides = array<i32>} : memref<256xf32, #tpu.memory_space<vmem>>, vector<16xf32>,
      tpu.vector_store %arg15[%swap3A_815], %add3A_814 {strides = array<i32>} : memref<256xf32, #tpu.memory_space<vmem>>, vector<16xf32>,
      %add3A_817 = arith.constant 7 : i32
      %add3A_818 = arith.addi %mul3A_198, %add3A_817 : i32
      %lt3A_819 = arith.constant 512 : i32
      %lt3A_820 = arith.cmpi slt, %add3A_818, %lt3A_819 : i32
      %convert_element_type3A_821 = arith.extui %lt3A_820 : i1 to i32
      %cond3A_822 = arith.constant 0 : i32
      %cond3A_823 = arith.cmpi ne, %convert_element_type3A_821, %cond3A_822 : i32
      scf.if %cond3A_823 {
        %slice3A_2805 = vector.extract_strided_slice %get3A_200 {offsets = [7], sizes = [1], strides = [1]} : vector<16xi32> to vector<1xi32>
        %squeeze3A_2806 = vector.extract %slice3A_2805[0] : i32 from vector<1xi32>
        %shift_right_logical3A_2807 = arith.constant 7 : i32
        %shift_right_logical3A_2808 = arith.shrui %squeeze3A_2806, %shift_right_logical3A_2807 : i32
        %mul3A_2809 = arith.constant 128 : i32
        %mul3A_2810 = arith.muli %shift_right_logical3A_2808, %mul3A_2809 : i32
        %min3A_2811 = arith.constant 999808 : i32
        %min3A_2812 = arith.minsi %mul3A_2810, %min3A_2811 : i32
        %multiple_of3A_2813 = tpu.assume_multiple %min3A_2812, 128 : i32
        %dma_start3A_2814 = arith.constant 3 : i32
        %dma_start3A_2815 = arith.constant 0 : i32
        %dma_start3A_2816 = arith.constant 0 : i32
        %dma_start3A_2817 = tpu.memref_slice %arg11[%dma_start3A_2814, %dma_start3A_2815, %dma_start3A_2816] : memref<4x64x128xf32, #tpu.memory_space<vmem>> -> memref<1x64x128xf32, #tpu.memory_space<vmem>>
        %dma_start3A_2818 = tpu.memref_squeeze %dma_start3A_2817 : memref<1x64x128xf32, #tpu.memory_space<vmem>> -> memref<64x128xf32, #tpu.memory_space<vmem>>
        %dma_start3A_2819 = arith.constant 0 : i32
        %dma_start3A_2820 = tpu.memref_slice %arg4[%dma_start3A_2819, %multiple_of3A_2813] : memref<64x1000000xf32, #tpu.memory_space<hbm>> -> memref<64x128xf32, #tpu.memory_space<hbm>>
        %dma_start3A_2821 = arith.constant 0 : i32
        %dma_start3A_2822 = arith.constant 0 : i32
        %dma_start3A_2823 = tpu.memref_slice %arg11[%dma_start3A_2814, %dma_start3A_2821, %dma_start3A_2822] : memref<4x64x128xf32, #tpu.memory_space<vmem>> -> memref<1x64x128xf32, #tpu.memory_space<vmem>>
        %dma_start3A_2824 = tpu.memref_squeeze %dma_start3A_2823 : memref<1x64x128xf32, #tpu.memory_space<vmem>> -> memref<64x128xf32, #tpu.memory_space<vmem>>
        %dma_start3A_2825 = arith.constant 0 : i32
        %dma_start3A_2826 = tpu.memref_slice %arg4[%dma_start3A_2825, %multiple_of3A_2813] : memref<64x1000000xf32, #tpu.memory_space<hbm>> -> memref<64x128xf32, #tpu.memory_space<hbm>>
        tpu.enqueue_dma source(%dma_start3A_2826 : memref<64x128xf32, #tpu.memory_space<hbm>>) target(%dma_start3A_2824 : memref<64x128xf32, #tpu.memory_space<vmem>>) target_semaphore(%arg20 : memref<!tpu.dma_semaphore, #tpu.memory_space<semaphore_mem>>)
      } else {
      }
      %add3A_824 = arith.constant 7 : i32
      %add3A_825 = arith.addi %mul3A_198, %add3A_824 : i32
      %lt3A_826 = arith.constant 512 : i32
      %lt3A_827 = arith.cmpi slt, %add3A_825, %lt3A_826 : i32
      %convert_element_type3A_828 = arith.extui %lt3A_827 : i1 to i32
      %cond3A_829 = arith.constant 0 : i32
      %cond3A_830 = arith.cmpi ne, %convert_element_type3A_828, %cond3A_829 : i32
      scf.if %cond3A_830 {
        %slice3A_2805 = vector.extract_strided_slice %get3A_202 {offsets = [7], sizes = [1], strides = [1]} : vector<16xi32> to vector<1xi32>
        %squeeze3A_2806 = vector.extract %slice3A_2805[0] : i32 from vector<1xi32>
        %shift_right_logical3A_2807 = arith.constant 7 : i32
        %shift_right_logical3A_2808 = arith.shrui %squeeze3A_2806, %shift_right_logical3A_2807 : i32
        %mul3A_2809 = arith.constant 128 : i32
        %mul3A_2810 = arith.muli %shift_right_logical3A_2808, %mul3A_2809 : i32
        %min3A_2811 = arith.constant 999808 : i32
        %min3A_2812 = arith.minsi %mul3A_2810, %min3A_2811 : i32
        %multiple_of3A_2813 = tpu.assume_multiple %min3A_2812, 128 : i32
        %dma_start3A_2814 = arith.constant 3 : i32
        %dma_start3A_2815 = arith.constant 0 : i32
        %dma_start3A_2816 = arith.constant 0 : i32
        %dma_start3A_2817 = tpu.memref_slice %arg12[%dma_start3A_2814, %dma_start3A_2815, %dma_start3A_2816] : memref<4x64x128xf32, #tpu.memory_space<vmem>> -> memref<1x64x128xf32, #tpu.memory_space<vmem>>
        %dma_start3A_2818 = tpu.memref_squeeze %dma_start3A_2817 : memref<1x64x128xf32, #tpu.memory_space<vmem>> -> memref<64x128xf32, #tpu.memory_space<vmem>>
        %dma_start3A_2819 = arith.constant 0 : i32
        %dma_start3A_2820 = tpu.memref_slice %arg5[%dma_start3A_2819, %multiple_of3A_2813] : memref<64x1000000xf32, #tpu.memory_space<hbm>> -> memref<64x128xf32, #tpu.memory_space<hbm>>
        %dma_start3A_2821 = arith.constant 0 : i32
        %dma_start3A_2822 = arith.constant 0 : i32
        %dma_start3A_2823 = tpu.memref_slice %arg12[%dma_start3A_2814, %dma_start3A_2821, %dma_start3A_2822] : memref<4x64x128xf32, #tpu.memory_space<vmem>> -> memref<1x64x128xf32, #tpu.memory_space<vmem>>
        %dma_start3A_2824 = tpu.memref_squeeze %dma_start3A_2823 : memref<1x64x128xf32, #tpu.memory_space<vmem>> -> memref<64x128xf32, #tpu.memory_space<vmem>>
        %dma_start3A_2825 = arith.constant 0 : i32
        %dma_start3A_2826 = tpu.memref_slice %arg5[%dma_start3A_2825, %multiple_of3A_2813] : memref<64x1000000xf32, #tpu.memory_space<hbm>> -> memref<64x128xf32, #tpu.memory_space<hbm>>
        tpu.enqueue_dma source(%dma_start3A_2826 : memref<64x128xf32, #tpu.memory_space<hbm>>) target(%dma_start3A_2824 : memref<64x128xf32, #tpu.memory_space<vmem>>) target_semaphore(%arg24 : memref<!tpu.dma_semaphore, #tpu.memory_space<semaphore_mem>>)
      } else {
      }
      %dma_wait3A_831 = arith.constant 0 : i32
      %dma_wait3A_832 = arith.constant 0 : i32
      %dma_wait3A_833 = arith.constant 0 : i32
      %dma_wait3A_834 = tpu.memref_slice %arg11[%dma_wait3A_831, %dma_wait3A_832, %dma_wait3A_833] : memref<4x64x128xf32, #tpu.memory_space<vmem>> -> memref<1x64x128xf32, #tpu.memory_space<vmem>>
      %dma_wait3A_835 = tpu.memref_squeeze %dma_wait3A_834 : memref<1x64x128xf32, #tpu.memory_space<vmem>> -> memref<64x128xf32, #tpu.memory_space<vmem>>
      %dma_wait3A_836 = arith.constant 0 : i32
      %dma_wait3A_837 = arith.constant 0 : i32
      %dma_wait3A_838 = tpu.memref_slice %arg4[%dma_wait3A_836, %dma_wait3A_837] : memref<64x1000000xf32, #tpu.memory_space<hbm>> -> memref<64x128xf32, #tpu.memory_space<hbm>>
      %dma_wait3A_839 = arith.constant 0 : i32
      %dma_wait3A_840 = arith.constant 0 : i32
      %dma_wait3A_841 = tpu.memref_slice %arg11[%dma_wait3A_831, %dma_wait3A_839, %dma_wait3A_840] : memref<4x64x128xf32, #tpu.memory_space<vmem>> -> memref<1x64x128xf32, #tpu.memory_space<vmem>>
      %dma_wait3A_842 = tpu.memref_squeeze %dma_wait3A_841 : memref<1x64x128xf32, #tpu.memory_space<vmem>> -> memref<64x128xf32, #tpu.memory_space<vmem>>
      %dma_wait3A_843 = arith.constant 0 : i32
      %dma_wait3A_844 = arith.constant 0 : i32
      %dma_wait3A_845 = tpu.memref_slice %arg4[%dma_wait3A_843, %dma_wait3A_844] : memref<64x1000000xf32, #tpu.memory_space<hbm>> -> memref<64x128xf32, #tpu.memory_space<hbm>>
      tpu.wait_dma2 semaphore(%arg17 : memref<!tpu.dma_semaphore, #tpu.memory_space<semaphore_mem>>) src(%dma_wait3A_845 : memref<64x128xf32, #tpu.memory_space<hbm>>) dst(%dma_wait3A_842 : memref<64x128xf32, #tpu.memory_space<vmem>>)
      %dma_wait3A_846 = arith.constant 0 : i32
      %dma_wait3A_847 = arith.constant 0 : i32
      %dma_wait3A_848 = arith.constant 0 : i32
      %dma_wait3A_849 = tpu.memref_slice %arg12[%dma_wait3A_846, %dma_wait3A_847, %dma_wait3A_848] : memref<4x64x128xf32, #tpu.memory_space<vmem>> -> memref<1x64x128xf32, #tpu.memory_space<vmem>>
      %dma_wait3A_850 = tpu.memref_squeeze %dma_wait3A_849 : memref<1x64x128xf32, #tpu.memory_space<vmem>> -> memref<64x128xf32, #tpu.memory_space<vmem>>
      %dma_wait3A_851 = arith.constant 0 : i32
      %dma_wait3A_852 = arith.constant 0 : i32
      %dma_wait3A_853 = tpu.memref_slice %arg5[%dma_wait3A_851, %dma_wait3A_852] : memref<64x1000000xf32, #tpu.memory_space<hbm>> -> memref<64x128xf32, #tpu.memory_space<hbm>>
      %dma_wait3A_854 = arith.constant 0 : i32
      %dma_wait3A_855 = arith.constant 0 : i32
      %dma_wait3A_856 = tpu.memref_slice %arg12[%dma_wait3A_846, %dma_wait3A_854, %dma_wait3A_855] : memref<4x64x128xf32, #tpu.memory_space<vmem>> -> memref<1x64x128xf32, #tpu.memory_space<vmem>>
      %dma_wait3A_857 = tpu.memref_squeeze %dma_wait3A_856 : memref<1x64x128xf32, #tpu.memory_space<vmem>> -> memref<64x128xf32, #tpu.memory_space<vmem>>
      %dma_wait3A_858 = arith.constant 0 : i32
      %dma_wait3A_859 = arith.constant 0 : i32
      %dma_wait3A_860 = tpu.memref_slice %arg5[%dma_wait3A_858, %dma_wait3A_859] : memref<64x1000000xf32, #tpu.memory_space<hbm>> -> memref<64x128xf32, #tpu.memory_space<hbm>>
      tpu.wait_dma2 semaphore(%arg21 : memref<!tpu.dma_semaphore, #tpu.memory_space<semaphore_mem>>) src(%dma_wait3A_860 : memref<64x128xf32, #tpu.memory_space<hbm>>) dst(%dma_wait3A_857 : memref<64x128xf32, #tpu.memory_space<vmem>>)
      %slice3A_861 = vector.extract_strided_slice %get3A_200 {offsets = [4], sizes = [1], strides = [1]} : vector<16xi32> to vector<1xi32>
      %squeeze3A_862 = vector.extract %slice3A_861[0] : i32 from vector<1xi32>
      %slice3A_863 = vector.extract_strided_slice %get3A_202 {offsets = [4], sizes = [1], strides = [1]} : vector<16xi32> to vector<1xi32>
      %squeeze3A_864 = vector.extract %slice3A_863[0] : i32 from vector<1xi32>
      %broadcast_in_dim3A_865 = arith.constant 0 : i32
      %broadcast_in_dim3A_866 = vector.broadcast %broadcast_in_dim3A_865 : i32 to vector<16xi32>
      %and3A_867 = arith.constant 127 : i32
      %and3A_868 = arith.andi %squeeze3A_862, %and3A_867 : i32
      %add3A_869 = vector.broadcast %and3A_868 : i32 to vector<16xi32>
      %add3A_870 = arith.addi %broadcast_in_dim3A_866, %add3A_869 : vector<16xi32>
      %broadcast_in_dim3A_871 = arith.constant 0 : i32
      %broadcast_in_dim3A_872 = vector.broadcast %broadcast_in_dim3A_871 : i32 to vector<16xi32>
      %and3A_873 = arith.constant 127 : i32
      %and3A_874 = arith.andi %squeeze3A_864, %and3A_873 : i32
      %add3A_875 = vector.broadcast %and3A_874 : i32 to vector<16xi32>
      %add3A_876 = arith.addi %broadcast_in_dim3A_872, %add3A_875 : vector<16xi32>
      %ge3A_877 = arith.constant 999936 : i32
      %ge3A_878 = arith.cmpi sge, %squeeze3A_862, %ge3A_877 : i32
      %broadcast_in_dim3A_879 = vector.broadcast %ge3A_878 : i1 to vector<16xi1>
      %ge3A_880 = arith.constant 999936 : i32
      %ge3A_881 = arith.cmpi sge, %squeeze3A_864, %ge3A_880 : i32
      %broadcast_in_dim3A_882 = vector.broadcast %ge3A_881 : i1 to vector<16xi1>
      %broadcast_in_dim3A_883 = arith.constant 0 : i32
      %broadcast_in_dim3A_884 = vector.broadcast %broadcast_in_dim3A_883 : i32 to vector<16xi32>
      %sub3A_885 = arith.constant 999936 : i32
      %sub3A_886 = arith.subi %squeeze3A_862, %sub3A_885 : i32
      %max3A_887 = arith.constant 0 : i32
      %max3A_888 = arith.maxsi %sub3A_886, %max3A_887 : i32
      %add3A_889 = vector.broadcast %max3A_888 : i32 to vector<16xi32>
      %add3A_890 = arith.addi %broadcast_in_dim3A_884, %add3A_889 : vector<16xi32>
      %broadcast_in_dim3A_891 = arith.constant 0 : i32
      %broadcast_in_dim3A_892 = vector.broadcast %broadcast_in_dim3A_891 : i32 to vector<16xi32>
      %sub3A_893 = arith.constant 999936 : i32
      %sub3A_894 = arith.subi %squeeze3A_864, %sub3A_893 : i32
      %max3A_895 = arith.constant 0 : i32
      %max3A_896 = arith.maxsi %sub3A_894, %max3A_895 : i32
      %add3A_897 = vector.broadcast %max3A_896 : i32 to vector<16xi32>
      %add3A_898 = arith.addi %broadcast_in_dim3A_892, %add3A_897 : vector<16xi32>
      %broadcast_in_dim3A_899 = arith.constant 0.000000e+00 : f32
      %broadcast_in_dim3A_900 = vector.broadcast %broadcast_in_dim3A_899 : f32 to vector<16xf32>
      %gather3A_901 = tpu.vector_load_idx %arg13[%add3A_8, %add3A_890] : memref<64x64xf32, #tpu.memory_space<vmem>>[vector<16xi32>, vector<16xi32>], vector<16xf32>,
      %gather3A_902 = arith.constant 0 : i32
      %gather3A_903 = arith.constant 0 : i32
      %gather3A_904 = arith.constant 0 : i32
      %gather3A_905 = tpu.memref_slice %arg11[%gather3A_902, %gather3A_903, %gather3A_904] : memref<4x64x128xf32, #tpu.memory_space<vmem>> -> memref<1x64x128xf32, #tpu.memory_space<vmem>>
      %gather3A_906 = tpu.memref_squeeze %gather3A_905 : memref<1x64x128xf32, #tpu.memory_space<vmem>> -> memref<64x128xf32, #tpu.memory_space<vmem>>
      %gather3A_907 = tpu.vector_load_idx %gather3A_906[%add3A_8, %add3A_870] : memref<64x128xf32, #tpu.memory_space<vmem>>[vector<16xi32>, vector<16xi32>], vector<16xf32>,
      %select_n3A_908 = arith.select %broadcast_in_dim3A_879, %gather3A_901, %gather3A_907 : vector<16xi1>, vector<16xf32>
      %gather3A_909 = tpu.vector_load_idx %arg14[%add3A_8, %add3A_898] : memref<64x64xf32, #tpu.memory_space<vmem>>[vector<16xi32>, vector<16xi32>], vector<16xf32>,
      %gather3A_910 = arith.constant 0 : i32
      %gather3A_911 = arith.constant 0 : i32
      %gather3A_912 = arith.constant 0 : i32
      %gather3A_913 = tpu.memref_slice %arg12[%gather3A_910, %gather3A_911, %gather3A_912] : memref<4x64x128xf32, #tpu.memory_space<vmem>> -> memref<1x64x128xf32, #tpu.memory_space<vmem>>
      %gather3A_914 = tpu.memref_squeeze %gather3A_913 : memref<1x64x128xf32, #tpu.memory_space<vmem>> -> memref<64x128xf32, #tpu.memory_space<vmem>>
      %gather3A_915 = tpu.vector_load_idx %gather3A_914[%add3A_8, %add3A_876] : memref<64x128xf32, #tpu.memory_space<vmem>>[vector<16xi32>, vector<16xi32>], vector<16xf32>,
      %select_n3A_916 = arith.select %broadcast_in_dim3A_882, %gather3A_909, %gather3A_915 : vector<16xi1>, vector<16xf32>
      %mul3A_917 = arith.mulf %select_n3A_908, %select_n3A_916 : vector<16xf32>
      %add3A_918 = arith.addf %broadcast_in_dim3A_900, %mul3A_917 : vector<16xf32>
      %gather3A_919 = tpu.vector_load_idx %arg13[%add3A_11, %add3A_890] : memref<64x64xf32, #tpu.memory_space<vmem>>[vector<16xi32>, vector<16xi32>], vector<16xf32>,
      %gather3A_920 = arith.constant 0 : i32
      %gather3A_921 = arith.constant 0 : i32
      %gather3A_922 = arith.constant 0 : i32
      %gather3A_923 = tpu.memref_slice %arg11[%gather3A_920, %gather3A_921, %gather3A_922] : memref<4x64x128xf32, #tpu.memory_space<vmem>> -> memref<1x64x128xf32, #tpu.memory_space<vmem>>
      %gather3A_924 = tpu.memref_squeeze %gather3A_923 : memref<1x64x128xf32, #tpu.memory_space<vmem>> -> memref<64x128xf32, #tpu.memory_space<vmem>>
      %gather3A_925 = tpu.vector_load_idx %gather3A_924[%add3A_11, %add3A_870] : memref<64x128xf32, #tpu.memory_space<vmem>>[vector<16xi32>, vector<16xi32>], vector<16xf32>,
      %select_n3A_926 = arith.select %broadcast_in_dim3A_879, %gather3A_919, %gather3A_925 : vector<16xi1>, vector<16xf32>
      %gather3A_927 = tpu.vector_load_idx %arg14[%add3A_11, %add3A_898] : memref<64x64xf32, #tpu.memory_space<vmem>>[vector<16xi32>, vector<16xi32>], vector<16xf32>,
      %gather3A_928 = arith.constant 0 : i32
      %gather3A_929 = arith.constant 0 : i32
      %gather3A_930 = arith.constant 0 : i32
      %gather3A_931 = tpu.memref_slice %arg12[%gather3A_928, %gather3A_929, %gather3A_930] : memref<4x64x128xf32, #tpu.memory_space<vmem>> -> memref<1x64x128xf32, #tpu.memory_space<vmem>>
      %gather3A_932 = tpu.memref_squeeze %gather3A_931 : memref<1x64x128xf32, #tpu.memory_space<vmem>> -> memref<64x128xf32, #tpu.memory_space<vmem>>
      %gather3A_933 = tpu.vector_load_idx %gather3A_932[%add3A_11, %add3A_876] : memref<64x128xf32, #tpu.memory_space<vmem>>[vector<16xi32>, vector<16xi32>], vector<16xf32>,
      %select_n3A_934 = arith.select %broadcast_in_dim3A_882, %gather3A_927, %gather3A_933 : vector<16xi1>, vector<16xf32>
      %mul3A_935 = arith.mulf %select_n3A_926, %select_n3A_934 : vector<16xf32>
      %add3A_936 = arith.addf %add3A_918, %mul3A_935 : vector<16xf32>
      %gather3A_937 = tpu.vector_load_idx %arg13[%add3A_14, %add3A_890] : memref<64x64xf32, #tpu.memory_space<vmem>>[vector<16xi32>, vector<16xi32>], vector<16xf32>,
      %gather3A_938 = arith.constant 0 : i32
      %gather3A_939 = arith.constant 0 : i32
      %gather3A_940 = arith.constant 0 : i32
      %gather3A_941 = tpu.memref_slice %arg11[%gather3A_938, %gather3A_939, %gather3A_940] : memref<4x64x128xf32, #tpu.memory_space<vmem>> -> memref<1x64x128xf32, #tpu.memory_space<vmem>>
      %gather3A_942 = tpu.memref_squeeze %gather3A_941 : memref<1x64x128xf32, #tpu.memory_space<vmem>> -> memref<64x128xf32, #tpu.memory_space<vmem>>
      %gather3A_943 = tpu.vector_load_idx %gather3A_942[%add3A_14, %add3A_870] : memref<64x128xf32, #tpu.memory_space<vmem>>[vector<16xi32>, vector<16xi32>], vector<16xf32>,
      %select_n3A_944 = arith.select %broadcast_in_dim3A_879, %gather3A_937, %gather3A_943 : vector<16xi1>, vector<16xf32>
      %gather3A_945 = tpu.vector_load_idx %arg14[%add3A_14, %add3A_898] : memref<64x64xf32, #tpu.memory_space<vmem>>[vector<16xi32>, vector<16xi32>], vector<16xf32>,
      %gather3A_946 = arith.constant 0 : i32
      %gather3A_947 = arith.constant 0 : i32
      %gather3A_948 = arith.constant 0 : i32
      %gather3A_949 = tpu.memref_slice %arg12[%gather3A_946, %gather3A_947, %gather3A_948] : memref<4x64x128xf32, #tpu.memory_space<vmem>> -> memref<1x64x128xf32, #tpu.memory_space<vmem>>
      %gather3A_950 = tpu.memref_squeeze %gather3A_949 : memref<1x64x128xf32, #tpu.memory_space<vmem>> -> memref<64x128xf32, #tpu.memory_space<vmem>>
      %gather3A_951 = tpu.vector_load_idx %gather3A_950[%add3A_14, %add3A_876] : memref<64x128xf32, #tpu.memory_space<vmem>>[vector<16xi32>, vector<16xi32>], vector<16xf32>,
      %select_n3A_952 = arith.select %broadcast_in_dim3A_882, %gather3A_945, %gather3A_951 : vector<16xi1>, vector<16xf32>
      %mul3A_953 = arith.mulf %select_n3A_944, %select_n3A_952 : vector<16xf32>
      %add3A_954 = arith.addf %add3A_936, %mul3A_953 : vector<16xf32>
      %gather3A_955 = tpu.vector_load_idx %arg13[%add3A_17, %add3A_890] : memref<64x64xf32, #tpu.memory_space<vmem>>[vector<16xi32>, vector<16xi32>], vector<16xf32>,
      %gather3A_956 = arith.constant 0 : i32
      %gather3A_957 = arith.constant 0 : i32
      %gather3A_958 = arith.constant 0 : i32
      %gather3A_959 = tpu.memref_slice %arg11[%gather3A_956, %gather3A_957, %gather3A_958] : memref<4x64x128xf32, #tpu.memory_space<vmem>> -> memref<1x64x128xf32, #tpu.memory_space<vmem>>
      %gather3A_960 = tpu.memref_squeeze %gather3A_959 : memref<1x64x128xf32, #tpu.memory_space<vmem>> -> memref<64x128xf32, #tpu.memory_space<vmem>>
      %gather3A_961 = tpu.vector_load_idx %gather3A_960[%add3A_17, %add3A_870] : memref<64x128xf32, #tpu.memory_space<vmem>>[vector<16xi32>, vector<16xi32>], vector<16xf32>,
      %select_n3A_962 = arith.select %broadcast_in_dim3A_879, %gather3A_955, %gather3A_961 : vector<16xi1>, vector<16xf32>
      %gather3A_963 = tpu.vector_load_idx %arg14[%add3A_17, %add3A_898] : memref<64x64xf32, #tpu.memory_space<vmem>>[vector<16xi32>, vector<16xi32>], vector<16xf32>,
      %gather3A_964 = arith.constant 0 : i32
      %gather3A_965 = arith.constant 0 : i32
      %gather3A_966 = arith.constant 0 : i32
      %gather3A_967 = tpu.memref_slice %arg12[%gather3A_964, %gather3A_965, %gather3A_966] : memref<4x64x128xf32, #tpu.memory_space<vmem>> -> memref<1x64x128xf32, #tpu.memory_space<vmem>>
      %gather3A_968 = tpu.memref_squeeze %gather3A_967 : memref<1x64x128xf32, #tpu.memory_space<vmem>> -> memref<64x128xf32, #tpu.memory_space<vmem>>
      %gather3A_969 = tpu.vector_load_idx %gather3A_968[%add3A_17, %add3A_876] : memref<64x128xf32, #tpu.memory_space<vmem>>[vector<16xi32>, vector<16xi32>], vector<16xf32>,
      %select_n3A_970 = arith.select %broadcast_in_dim3A_882, %gather3A_963, %gather3A_969 : vector<16xi1>, vector<16xf32>
      %mul3A_971 = arith.mulf %select_n3A_962, %select_n3A_970 : vector<16xf32>
      %add3A_972 = arith.addf %add3A_954, %mul3A_971 : vector<16xf32>
      %swap3A_973 = arith.constant 64 : index
      %swap3A_974 = tpu.vector_load %arg15[%swap3A_973] {strides = array<i32>} : memref<256xf32, #tpu.memory_space<vmem>>, vector<16xf32>,
      tpu.vector_store %arg15[%swap3A_973], %add3A_972 {strides = array<i32>} : memref<256xf32, #tpu.memory_space<vmem>>, vector<16xf32>,
      %add3A_975 = arith.constant 8 : i32
      %add3A_976 = arith.addi %mul3A_198, %add3A_975 : i32
      %lt3A_977 = arith.constant 512 : i32
      %lt3A_978 = arith.cmpi slt, %add3A_976, %lt3A_977 : i32
      %convert_element_type3A_979 = arith.extui %lt3A_978 : i1 to i32
      %cond3A_980 = arith.constant 0 : i32
      %cond3A_981 = arith.cmpi ne, %convert_element_type3A_979, %cond3A_980 : i32
      scf.if %cond3A_981 {
        %slice3A_2805 = vector.extract_strided_slice %get3A_200 {offsets = [8], sizes = [1], strides = [1]} : vector<16xi32> to vector<1xi32>
        %squeeze3A_2806 = vector.extract %slice3A_2805[0] : i32 from vector<1xi32>
        %shift_right_logical3A_2807 = arith.constant 7 : i32
        %shift_right_logical3A_2808 = arith.shrui %squeeze3A_2806, %shift_right_logical3A_2807 : i32
        %mul3A_2809 = arith.constant 128 : i32
        %mul3A_2810 = arith.muli %shift_right_logical3A_2808, %mul3A_2809 : i32
        %min3A_2811 = arith.constant 999808 : i32
        %min3A_2812 = arith.minsi %mul3A_2810, %min3A_2811 : i32
        %multiple_of3A_2813 = tpu.assume_multiple %min3A_2812, 128 : i32
        %dma_start3A_2814 = arith.constant 0 : i32
        %dma_start3A_2815 = arith.constant 0 : i32
        %dma_start3A_2816 = arith.constant 0 : i32
        %dma_start3A_2817 = tpu.memref_slice %arg11[%dma_start3A_2814, %dma_start3A_2815, %dma_start3A_2816] : memref<4x64x128xf32, #tpu.memory_space<vmem>> -> memref<1x64x128xf32, #tpu.memory_space<vmem>>
        %dma_start3A_2818 = tpu.memref_squeeze %dma_start3A_2817 : memref<1x64x128xf32, #tpu.memory_space<vmem>> -> memref<64x128xf32, #tpu.memory_space<vmem>>
        %dma_start3A_2819 = arith.constant 0 : i32
        %dma_start3A_2820 = tpu.memref_slice %arg4[%dma_start3A_2819, %multiple_of3A_2813] : memref<64x1000000xf32, #tpu.memory_space<hbm>> -> memref<64x128xf32, #tpu.memory_space<hbm>>
        %dma_start3A_2821 = arith.constant 0 : i32
        %dma_start3A_2822 = arith.constant 0 : i32
        %dma_start3A_2823 = tpu.memref_slice %arg11[%dma_start3A_2814, %dma_start3A_2821, %dma_start3A_2822] : memref<4x64x128xf32, #tpu.memory_space<vmem>> -> memref<1x64x128xf32, #tpu.memory_space<vmem>>
        %dma_start3A_2824 = tpu.memref_squeeze %dma_start3A_2823 : memref<1x64x128xf32, #tpu.memory_space<vmem>> -> memref<64x128xf32, #tpu.memory_space<vmem>>
        %dma_start3A_2825 = arith.constant 0 : i32
        %dma_start3A_2826 = tpu.memref_slice %arg4[%dma_start3A_2825, %multiple_of3A_2813] : memref<64x1000000xf32, #tpu.memory_space<hbm>> -> memref<64x128xf32, #tpu.memory_space<hbm>>
        tpu.enqueue_dma source(%dma_start3A_2826 : memref<64x128xf32, #tpu.memory_space<hbm>>) target(%dma_start3A_2824 : memref<64x128xf32, #tpu.memory_space<vmem>>) target_semaphore(%arg17 : memref<!tpu.dma_semaphore, #tpu.memory_space<semaphore_mem>>)
      } else {
      }
      %add3A_982 = arith.constant 8 : i32
      %add3A_983 = arith.addi %mul3A_198, %add3A_982 : i32
      %lt3A_984 = arith.constant 512 : i32
      %lt3A_985 = arith.cmpi slt, %add3A_983, %lt3A_984 : i32
      %convert_element_type3A_986 = arith.extui %lt3A_985 : i1 to i32
      %cond3A_987 = arith.constant 0 : i32
      %cond3A_988 = arith.cmpi ne, %convert_element_type3A_986, %cond3A_987 : i32
      scf.if %cond3A_988 {
        %slice3A_2805 = vector.extract_strided_slice %get3A_202 {offsets = [8], sizes = [1], strides = [1]} : vector<16xi32> to vector<1xi32>
        %squeeze3A_2806 = vector.extract %slice3A_2805[0] : i32 from vector<1xi32>
        %shift_right_logical3A_2807 = arith.constant 7 : i32
        %shift_right_logical3A_2808 = arith.shrui %squeeze3A_2806, %shift_right_logical3A_2807 : i32
        %mul3A_2809 = arith.constant 128 : i32
        %mul3A_2810 = arith.muli %shift_right_logical3A_2808, %mul3A_2809 : i32
        %min3A_2811 = arith.constant 999808 : i32
        %min3A_2812 = arith.minsi %mul3A_2810, %min3A_2811 : i32
        %multiple_of3A_2813 = tpu.assume_multiple %min3A_2812, 128 : i32
        %dma_start3A_2814 = arith.constant 0 : i32
        %dma_start3A_2815 = arith.constant 0 : i32
        %dma_start3A_2816 = arith.constant 0 : i32
        %dma_start3A_2817 = tpu.memref_slice %arg12[%dma_start3A_2814, %dma_start3A_2815, %dma_start3A_2816] : memref<4x64x128xf32, #tpu.memory_space<vmem>> -> memref<1x64x128xf32, #tpu.memory_space<vmem>>
        %dma_start3A_2818 = tpu.memref_squeeze %dma_start3A_2817 : memref<1x64x128xf32, #tpu.memory_space<vmem>> -> memref<64x128xf32, #tpu.memory_space<vmem>>
        %dma_start3A_2819 = arith.constant 0 : i32
        %dma_start3A_2820 = tpu.memref_slice %arg5[%dma_start3A_2819, %multiple_of3A_2813] : memref<64x1000000xf32, #tpu.memory_space<hbm>> -> memref<64x128xf32, #tpu.memory_space<hbm>>
        %dma_start3A_2821 = arith.constant 0 : i32
        %dma_start3A_2822 = arith.constant 0 : i32
        %dma_start3A_2823 = tpu.memref_slice %arg12[%dma_start3A_2814, %dma_start3A_2821, %dma_start3A_2822] : memref<4x64x128xf32, #tpu.memory_space<vmem>> -> memref<1x64x128xf32, #tpu.memory_space<vmem>>
        %dma_start3A_2824 = tpu.memref_squeeze %dma_start3A_2823 : memref<1x64x128xf32, #tpu.memory_space<vmem>> -> memref<64x128xf32, #tpu.memory_space<vmem>>
        %dma_start3A_2825 = arith.constant 0 : i32
        %dma_start3A_2826 = tpu.memref_slice %arg5[%dma_start3A_2825, %multiple_of3A_2813] : memref<64x1000000xf32, #tpu.memory_space<hbm>> -> memref<64x128xf32, #tpu.memory_space<hbm>>
        tpu.enqueue_dma source(%dma_start3A_2826 : memref<64x128xf32, #tpu.memory_space<hbm>>) target(%dma_start3A_2824 : memref<64x128xf32, #tpu.memory_space<vmem>>) target_semaphore(%arg21 : memref<!tpu.dma_semaphore, #tpu.memory_space<semaphore_mem>>)
      } else {
      }
      %dma_wait3A_989 = arith.constant 1 : i32
      %dma_wait3A_990 = arith.constant 0 : i32
      %dma_wait3A_991 = arith.constant 0 : i32
      %dma_wait3A_992 = tpu.memref_slice %arg11[%dma_wait3A_989, %dma_wait3A_990, %dma_wait3A_991] : memref<4x64x128xf32, #tpu.memory_space<vmem>> -> memref<1x64x128xf32, #tpu.memory_space<vmem>>
      %dma_wait3A_993 = tpu.memref_squeeze %dma_wait3A_992 : memref<1x64x128xf32, #tpu.memory_space<vmem>> -> memref<64x128xf32, #tpu.memory_space<vmem>>
      %dma_wait3A_994 = arith.constant 0 : i32
      %dma_wait3A_995 = arith.constant 0 : i32
      %dma_wait3A_996 = tpu.memref_slice %arg4[%dma_wait3A_994, %dma_wait3A_995] : memref<64x1000000xf32, #tpu.memory_space<hbm>> -> memref<64x128xf32, #tpu.memory_space<hbm>>
      %dma_wait3A_997 = arith.constant 0 : i32
      %dma_wait3A_998 = arith.constant 0 : i32
      %dma_wait3A_999 = tpu.memref_slice %arg11[%dma_wait3A_989, %dma_wait3A_997, %dma_wait3A_998] : memref<4x64x128xf32, #tpu.memory_space<vmem>> -> memref<1x64x128xf32, #tpu.memory_space<vmem>>
      %dma_wait3A_1000 = tpu.memref_squeeze %dma_wait3A_999 : memref<1x64x128xf32, #tpu.memory_space<vmem>> -> memref<64x128xf32, #tpu.memory_space<vmem>>
      %dma_wait3A_1001 = arith.constant 0 : i32
      %dma_wait3A_1002 = arith.constant 0 : i32
      %dma_wait3A_1003 = tpu.memref_slice %arg4[%dma_wait3A_1001, %dma_wait3A_1002] : memref<64x1000000xf32, #tpu.memory_space<hbm>> -> memref<64x128xf32, #tpu.memory_space<hbm>>
      tpu.wait_dma2 semaphore(%arg18 : memref<!tpu.dma_semaphore, #tpu.memory_space<semaphore_mem>>) src(%dma_wait3A_1003 : memref<64x128xf32, #tpu.memory_space<hbm>>) dst(%dma_wait3A_1000 : memref<64x128xf32, #tpu.memory_space<vmem>>)
      %dma_wait3A_1004 = arith.constant 1 : i32
      %dma_wait3A_1005 = arith.constant 0 : i32
      %dma_wait3A_1006 = arith.constant 0 : i32
      %dma_wait3A_1007 = tpu.memref_slice %arg12[%dma_wait3A_1004, %dma_wait3A_1005, %dma_wait3A_1006] : memref<4x64x128xf32, #tpu.memory_space<vmem>> -> memref<1x64x128xf32, #tpu.memory_space<vmem>>
      %dma_wait3A_1008 = tpu.memref_squeeze %dma_wait3A_1007 : memref<1x64x128xf32, #tpu.memory_space<vmem>> -> memref<64x128xf32, #tpu.memory_space<vmem>>
      %dma_wait3A_1009 = arith.constant 0 : i32
      %dma_wait3A_1010 = arith.constant 0 : i32
      %dma_wait3A_1011 = tpu.memref_slice %arg5[%dma_wait3A_1009, %dma_wait3A_1010] : memref<64x1000000xf32, #tpu.memory_space<hbm>> -> memref<64x128xf32, #tpu.memory_space<hbm>>
      %dma_wait3A_1012 = arith.constant 0 : i32
      %dma_wait3A_1013 = arith.constant 0 : i32
      %dma_wait3A_1014 = tpu.memref_slice %arg12[%dma_wait3A_1004, %dma_wait3A_1012, %dma_wait3A_1013] : memref<4x64x128xf32, #tpu.memory_space<vmem>> -> memref<1x64x128xf32, #tpu.memory_space<vmem>>
      %dma_wait3A_1015 = tpu.memref_squeeze %dma_wait3A_1014 : memref<1x64x128xf32, #tpu.memory_space<vmem>> -> memref<64x128xf32, #tpu.memory_space<vmem>>
      %dma_wait3A_1016 = arith.constant 0 : i32
      %dma_wait3A_1017 = arith.constant 0 : i32
      %dma_wait3A_1018 = tpu.memref_slice %arg5[%dma_wait3A_1016, %dma_wait3A_1017] : memref<64x1000000xf32, #tpu.memory_space<hbm>> -> memref<64x128xf32, #tpu.memory_space<hbm>>
      tpu.wait_dma2 semaphore(%arg22 : memref<!tpu.dma_semaphore, #tpu.memory_space<semaphore_mem>>) src(%dma_wait3A_1018 : memref<64x128xf32, #tpu.memory_space<hbm>>) dst(%dma_wait3A_1015 : memref<64x128xf32, #tpu.memory_space<vmem>>)
      %slice3A_1019 = vector.extract_strided_slice %get3A_200 {offsets = [5], sizes = [1], strides = [1]} : vector<16xi32> to vector<1xi32>
      %squeeze3A_1020 = vector.extract %slice3A_1019[0] : i32 from vector<1xi32>
      %slice3A_1021 = vector.extract_strided_slice %get3A_202 {offsets = [5], sizes = [1], strides = [1]} : vector<16xi32> to vector<1xi32>
      %squeeze3A_1022 = vector.extract %slice3A_1021[0] : i32 from vector<1xi32>
      %broadcast_in_dim3A_1023 = arith.constant 0 : i32
      %broadcast_in_dim3A_1024 = vector.broadcast %broadcast_in_dim3A_1023 : i32 to vector<16xi32>
      %and3A_1025 = arith.constant 127 : i32
      %and3A_1026 = arith.andi %squeeze3A_1020, %and3A_1025 : i32
      %add3A_1027 = vector.broadcast %and3A_1026 : i32 to vector<16xi32>
      %add3A_1028 = arith.addi %broadcast_in_dim3A_1024, %add3A_1027 : vector<16xi32>
      %broadcast_in_dim3A_1029 = arith.constant 0 : i32
      %broadcast_in_dim3A_1030 = vector.broadcast %broadcast_in_dim3A_1029 : i32 to vector<16xi32>
      %and3A_1031 = arith.constant 127 : i32
      %and3A_1032 = arith.andi %squeeze3A_1022, %and3A_1031 : i32
      %add3A_1033 = vector.broadcast %and3A_1032 : i32 to vector<16xi32>
      %add3A_1034 = arith.addi %broadcast_in_dim3A_1030, %add3A_1033 : vector<16xi32>
      %ge3A_1035 = arith.constant 999936 : i32
      %ge3A_1036 = arith.cmpi sge, %squeeze3A_1020, %ge3A_1035 : i32
      %broadcast_in_dim3A_1037 = vector.broadcast %ge3A_1036 : i1 to vector<16xi1>
      %ge3A_1038 = arith.constant 999936 : i32
      %ge3A_1039 = arith.cmpi sge, %squeeze3A_1022, %ge3A_1038 : i32
      %broadcast_in_dim3A_1040 = vector.broadcast %ge3A_1039 : i1 to vector<16xi1>
      %broadcast_in_dim3A_1041 = arith.constant 0 : i32
      %broadcast_in_dim3A_1042 = vector.broadcast %broadcast_in_dim3A_1041 : i32 to vector<16xi32>
      %sub3A_1043 = arith.constant 999936 : i32
      %sub3A_1044 = arith.subi %squeeze3A_1020, %sub3A_1043 : i32
      %max3A_1045 = arith.constant 0 : i32
      %max3A_1046 = arith.maxsi %sub3A_1044, %max3A_1045 : i32
      %add3A_1047 = vector.broadcast %max3A_1046 : i32 to vector<16xi32>
      %add3A_1048 = arith.addi %broadcast_in_dim3A_1042, %add3A_1047 : vector<16xi32>
      %broadcast_in_dim3A_1049 = arith.constant 0 : i32
      %broadcast_in_dim3A_1050 = vector.broadcast %broadcast_in_dim3A_1049 : i32 to vector<16xi32>
      %sub3A_1051 = arith.constant 999936 : i32
      %sub3A_1052 = arith.subi %squeeze3A_1022, %sub3A_1051 : i32
      %max3A_1053 = arith.constant 0 : i32
      %max3A_1054 = arith.maxsi %sub3A_1052, %max3A_1053 : i32
      %add3A_1055 = vector.broadcast %max3A_1054 : i32 to vector<16xi32>
      %add3A_1056 = arith.addi %broadcast_in_dim3A_1050, %add3A_1055 : vector<16xi32>
      %broadcast_in_dim3A_1057 = arith.constant 0.000000e+00 : f32
      %broadcast_in_dim3A_1058 = vector.broadcast %broadcast_in_dim3A_1057 : f32 to vector<16xf32>
      %gather3A_1059 = tpu.vector_load_idx %arg13[%add3A_8, %add3A_1048] : memref<64x64xf32, #tpu.memory_space<vmem>>[vector<16xi32>, vector<16xi32>], vector<16xf32>,
      %gather3A_1060 = arith.constant 1 : i32
      %gather3A_1061 = arith.constant 0 : i32
      %gather3A_1062 = arith.constant 0 : i32
      %gather3A_1063 = tpu.memref_slice %arg11[%gather3A_1060, %gather3A_1061, %gather3A_1062] : memref<4x64x128xf32, #tpu.memory_space<vmem>> -> memref<1x64x128xf32, #tpu.memory_space<vmem>>
      %gather3A_1064 = tpu.memref_squeeze %gather3A_1063 : memref<1x64x128xf32, #tpu.memory_space<vmem>> -> memref<64x128xf32, #tpu.memory_space<vmem>>
      %gather3A_1065 = tpu.vector_load_idx %gather3A_1064[%add3A_8, %add3A_1028] : memref<64x128xf32, #tpu.memory_space<vmem>>[vector<16xi32>, vector<16xi32>], vector<16xf32>,
      %select_n3A_1066 = arith.select %broadcast_in_dim3A_1037, %gather3A_1059, %gather3A_1065 : vector<16xi1>, vector<16xf32>
      %gather3A_1067 = tpu.vector_load_idx %arg14[%add3A_8, %add3A_1056] : memref<64x64xf32, #tpu.memory_space<vmem>>[vector<16xi32>, vector<16xi32>], vector<16xf32>,
      %gather3A_1068 = arith.constant 1 : i32
      %gather3A_1069 = arith.constant 0 : i32
      %gather3A_1070 = arith.constant 0 : i32
      %gather3A_1071 = tpu.memref_slice %arg12[%gather3A_1068, %gather3A_1069, %gather3A_1070] : memref<4x64x128xf32, #tpu.memory_space<vmem>> -> memref<1x64x128xf32, #tpu.memory_space<vmem>>
      %gather3A_1072 = tpu.memref_squeeze %gather3A_1071 : memref<1x64x128xf32, #tpu.memory_space<vmem>> -> memref<64x128xf32, #tpu.memory_space<vmem>>
      %gather3A_1073 = tpu.vector_load_idx %gather3A_1072[%add3A_8, %add3A_1034] : memref<64x128xf32, #tpu.memory_space<vmem>>[vector<16xi32>, vector<16xi32>], vector<16xf32>,
      %select_n3A_1074 = arith.select %broadcast_in_dim3A_1040, %gather3A_1067, %gather3A_1073 : vector<16xi1>, vector<16xf32>
      %mul3A_1075 = arith.mulf %select_n3A_1066, %select_n3A_1074 : vector<16xf32>
      %add3A_1076 = arith.addf %broadcast_in_dim3A_1058, %mul3A_1075 : vector<16xf32>
      %gather3A_1077 = tpu.vector_load_idx %arg13[%add3A_11, %add3A_1048] : memref<64x64xf32, #tpu.memory_space<vmem>>[vector<16xi32>, vector<16xi32>], vector<16xf32>,
      %gather3A_1078 = arith.constant 1 : i32
      %gather3A_1079 = arith.constant 0 : i32
      %gather3A_1080 = arith.constant 0 : i32
      %gather3A_1081 = tpu.memref_slice %arg11[%gather3A_1078, %gather3A_1079, %gather3A_1080] : memref<4x64x128xf32, #tpu.memory_space<vmem>> -> memref<1x64x128xf32, #tpu.memory_space<vmem>>
      %gather3A_1082 = tpu.memref_squeeze %gather3A_1081 : memref<1x64x128xf32, #tpu.memory_space<vmem>> -> memref<64x128xf32, #tpu.memory_space<vmem>>
      %gather3A_1083 = tpu.vector_load_idx %gather3A_1082[%add3A_11, %add3A_1028] : memref<64x128xf32, #tpu.memory_space<vmem>>[vector<16xi32>, vector<16xi32>], vector<16xf32>,
      %select_n3A_1084 = arith.select %broadcast_in_dim3A_1037, %gather3A_1077, %gather3A_1083 : vector<16xi1>, vector<16xf32>
      %gather3A_1085 = tpu.vector_load_idx %arg14[%add3A_11, %add3A_1056] : memref<64x64xf32, #tpu.memory_space<vmem>>[vector<16xi32>, vector<16xi32>], vector<16xf32>,
      %gather3A_1086 = arith.constant 1 : i32
      %gather3A_1087 = arith.constant 0 : i32
      %gather3A_1088 = arith.constant 0 : i32
      %gather3A_1089 = tpu.memref_slice %arg12[%gather3A_1086, %gather3A_1087, %gather3A_1088] : memref<4x64x128xf32, #tpu.memory_space<vmem>> -> memref<1x64x128xf32, #tpu.memory_space<vmem>>
      %gather3A_1090 = tpu.memref_squeeze %gather3A_1089 : memref<1x64x128xf32, #tpu.memory_space<vmem>> -> memref<64x128xf32, #tpu.memory_space<vmem>>
      %gather3A_1091 = tpu.vector_load_idx %gather3A_1090[%add3A_11, %add3A_1034] : memref<64x128xf32, #tpu.memory_space<vmem>>[vector<16xi32>, vector<16xi32>], vector<16xf32>,
      %select_n3A_1092 = arith.select %broadcast_in_dim3A_1040, %gather3A_1085, %gather3A_1091 : vector<16xi1>, vector<16xf32>
      %mul3A_1093 = arith.mulf %select_n3A_1084, %select_n3A_1092 : vector<16xf32>
      %add3A_1094 = arith.addf %add3A_1076, %mul3A_1093 : vector<16xf32>
      %gather3A_1095 = tpu.vector_load_idx %arg13[%add3A_14, %add3A_1048] : memref<64x64xf32, #tpu.memory_space<vmem>>[vector<16xi32>, vector<16xi32>], vector<16xf32>,
      %gather3A_1096 = arith.constant 1 : i32
      %gather3A_1097 = arith.constant 0 : i32
      %gather3A_1098 = arith.constant 0 : i32
      %gather3A_1099 = tpu.memref_slice %arg11[%gather3A_1096, %gather3A_1097, %gather3A_1098] : memref<4x64x128xf32, #tpu.memory_space<vmem>> -> memref<1x64x128xf32, #tpu.memory_space<vmem>>
      %gather3A_1100 = tpu.memref_squeeze %gather3A_1099 : memref<1x64x128xf32, #tpu.memory_space<vmem>> -> memref<64x128xf32, #tpu.memory_space<vmem>>
      %gather3A_1101 = tpu.vector_load_idx %gather3A_1100[%add3A_14, %add3A_1028] : memref<64x128xf32, #tpu.memory_space<vmem>>[vector<16xi32>, vector<16xi32>], vector<16xf32>,
      %select_n3A_1102 = arith.select %broadcast_in_dim3A_1037, %gather3A_1095, %gather3A_1101 : vector<16xi1>, vector<16xf32>
      %gather3A_1103 = tpu.vector_load_idx %arg14[%add3A_14, %add3A_1056] : memref<64x64xf32, #tpu.memory_space<vmem>>[vector<16xi32>, vector<16xi32>], vector<16xf32>,
      %gather3A_1104 = arith.constant 1 : i32
      %gather3A_1105 = arith.constant 0 : i32
      %gather3A_1106 = arith.constant 0 : i32
      %gather3A_1107 = tpu.memref_slice %arg12[%gather3A_1104, %gather3A_1105, %gather3A_1106] : memref<4x64x128xf32, #tpu.memory_space<vmem>> -> memref<1x64x128xf32, #tpu.memory_space<vmem>>
      %gather3A_1108 = tpu.memref_squeeze %gather3A_1107 : memref<1x64x128xf32, #tpu.memory_space<vmem>> -> memref<64x128xf32, #tpu.memory_space<vmem>>
      %gather3A_1109 = tpu.vector_load_idx %gather3A_1108[%add3A_14, %add3A_1034] : memref<64x128xf32, #tpu.memory_space<vmem>>[vector<16xi32>, vector<16xi32>], vector<16xf32>,
      %select_n3A_1110 = arith.select %broadcast_in_dim3A_1040, %gather3A_1103, %gather3A_1109 : vector<16xi1>, vector<16xf32>
      %mul3A_1111 = arith.mulf %select_n3A_1102, %select_n3A_1110 : vector<16xf32>
      %add3A_1112 = arith.addf %add3A_1094, %mul3A_1111 : vector<16xf32>
      %gather3A_1113 = tpu.vector_load_idx %arg13[%add3A_17, %add3A_1048] : memref<64x64xf32, #tpu.memory_space<vmem>>[vector<16xi32>, vector<16xi32>], vector<16xf32>,
      %gather3A_1114 = arith.constant 1 : i32
      %gather3A_1115 = arith.constant 0 : i32
      %gather3A_1116 = arith.constant 0 : i32
      %gather3A_1117 = tpu.memref_slice %arg11[%gather3A_1114, %gather3A_1115, %gather3A_1116] : memref<4x64x128xf32, #tpu.memory_space<vmem>> -> memref<1x64x128xf32, #tpu.memory_space<vmem>>
      %gather3A_1118 = tpu.memref_squeeze %gather3A_1117 : memref<1x64x128xf32, #tpu.memory_space<vmem>> -> memref<64x128xf32, #tpu.memory_space<vmem>>
      %gather3A_1119 = tpu.vector_load_idx %gather3A_1118[%add3A_17, %add3A_1028] : memref<64x128xf32, #tpu.memory_space<vmem>>[vector<16xi32>, vector<16xi32>], vector<16xf32>,
      %select_n3A_1120 = arith.select %broadcast_in_dim3A_1037, %gather3A_1113, %gather3A_1119 : vector<16xi1>, vector<16xf32>
      %gather3A_1121 = tpu.vector_load_idx %arg14[%add3A_17, %add3A_1056] : memref<64x64xf32, #tpu.memory_space<vmem>>[vector<16xi32>, vector<16xi32>], vector<16xf32>,
      %gather3A_1122 = arith.constant 1 : i32
      %gather3A_1123 = arith.constant 0 : i32
      %gather3A_1124 = arith.constant 0 : i32
      %gather3A_1125 = tpu.memref_slice %arg12[%gather3A_1122, %gather3A_1123, %gather3A_1124] : memref<4x64x128xf32, #tpu.memory_space<vmem>> -> memref<1x64x128xf32, #tpu.memory_space<vmem>>
      %gather3A_1126 = tpu.memref_squeeze %gather3A_1125 : memref<1x64x128xf32, #tpu.memory_space<vmem>> -> memref<64x128xf32, #tpu.memory_space<vmem>>
      %gather3A_1127 = tpu.vector_load_idx %gather3A_1126[%add3A_17, %add3A_1034] : memref<64x128xf32, #tpu.memory_space<vmem>>[vector<16xi32>, vector<16xi32>], vector<16xf32>,
      %select_n3A_1128 = arith.select %broadcast_in_dim3A_1040, %gather3A_1121, %gather3A_1127 : vector<16xi1>, vector<16xf32>
      %mul3A_1129 = arith.mulf %select_n3A_1120, %select_n3A_1128 : vector<16xf32>
      %add3A_1130 = arith.addf %add3A_1112, %mul3A_1129 : vector<16xf32>
      %swap3A_1131 = arith.constant 80 : index
      %swap3A_1132 = tpu.vector_load %arg15[%swap3A_1131] {strides = array<i32>} : memref<256xf32, #tpu.memory_space<vmem>>, vector<16xf32>,
      tpu.vector_store %arg15[%swap3A_1131], %add3A_1130 {strides = array<i32>} : memref<256xf32, #tpu.memory_space<vmem>>, vector<16xf32>,
      %add3A_1133 = arith.constant 9 : i32
      %add3A_1134 = arith.addi %mul3A_198, %add3A_1133 : i32
      %lt3A_1135 = arith.constant 512 : i32
      %lt3A_1136 = arith.cmpi slt, %add3A_1134, %lt3A_1135 : i32
      %convert_element_type3A_1137 = arith.extui %lt3A_1136 : i1 to i32
      %cond3A_1138 = arith.constant 0 : i32
      %cond3A_1139 = arith.cmpi ne, %convert_element_type3A_1137, %cond3A_1138 : i32
      scf.if %cond3A_1139 {
        %slice3A_2805 = vector.extract_strided_slice %get3A_200 {offsets = [9], sizes = [1], strides = [1]} : vector<16xi32> to vector<1xi32>
        %squeeze3A_2806 = vector.extract %slice3A_2805[0] : i32 from vector<1xi32>
        %shift_right_logical3A_2807 = arith.constant 7 : i32
        %shift_right_logical3A_2808 = arith.shrui %squeeze3A_2806, %shift_right_logical3A_2807 : i32
        %mul3A_2809 = arith.constant 128 : i32
        %mul3A_2810 = arith.muli %shift_right_logical3A_2808, %mul3A_2809 : i32
        %min3A_2811 = arith.constant 999808 : i32
        %min3A_2812 = arith.minsi %mul3A_2810, %min3A_2811 : i32
        %multiple_of3A_2813 = tpu.assume_multiple %min3A_2812, 128 : i32
        %dma_start3A_2814 = arith.constant 1 : i32
        %dma_start3A_2815 = arith.constant 0 : i32
        %dma_start3A_2816 = arith.constant 0 : i32
        %dma_start3A_2817 = tpu.memref_slice %arg11[%dma_start3A_2814, %dma_start3A_2815, %dma_start3A_2816] : memref<4x64x128xf32, #tpu.memory_space<vmem>> -> memref<1x64x128xf32, #tpu.memory_space<vmem>>
        %dma_start3A_2818 = tpu.memref_squeeze %dma_start3A_2817 : memref<1x64x128xf32, #tpu.memory_space<vmem>> -> memref<64x128xf32, #tpu.memory_space<vmem>>
        %dma_start3A_2819 = arith.constant 0 : i32
        %dma_start3A_2820 = tpu.memref_slice %arg4[%dma_start3A_2819, %multiple_of3A_2813] : memref<64x1000000xf32, #tpu.memory_space<hbm>> -> memref<64x128xf32, #tpu.memory_space<hbm>>
        %dma_start3A_2821 = arith.constant 0 : i32
        %dma_start3A_2822 = arith.constant 0 : i32
        %dma_start3A_2823 = tpu.memref_slice %arg11[%dma_start3A_2814, %dma_start3A_2821, %dma_start3A_2822] : memref<4x64x128xf32, #tpu.memory_space<vmem>> -> memref<1x64x128xf32, #tpu.memory_space<vmem>>
        %dma_start3A_2824 = tpu.memref_squeeze %dma_start3A_2823 : memref<1x64x128xf32, #tpu.memory_space<vmem>> -> memref<64x128xf32, #tpu.memory_space<vmem>>
        %dma_start3A_2825 = arith.constant 0 : i32
        %dma_start3A_2826 = tpu.memref_slice %arg4[%dma_start3A_2825, %multiple_of3A_2813] : memref<64x1000000xf32, #tpu.memory_space<hbm>> -> memref<64x128xf32, #tpu.memory_space<hbm>>
        tpu.enqueue_dma source(%dma_start3A_2826 : memref<64x128xf32, #tpu.memory_space<hbm>>) target(%dma_start3A_2824 : memref<64x128xf32, #tpu.memory_space<vmem>>) target_semaphore(%arg18 : memref<!tpu.dma_semaphore, #tpu.memory_space<semaphore_mem>>)
      } else {
      }
      %add3A_1140 = arith.constant 9 : i32
      %add3A_1141 = arith.addi %mul3A_198, %add3A_1140 : i32
      %lt3A_1142 = arith.constant 512 : i32
      %lt3A_1143 = arith.cmpi slt, %add3A_1141, %lt3A_1142 : i32
      %convert_element_type3A_1144 = arith.extui %lt3A_1143 : i1 to i32
      %cond3A_1145 = arith.constant 0 : i32
      %cond3A_1146 = arith.cmpi ne, %convert_element_type3A_1144, %cond3A_1145 : i32
      scf.if %cond3A_1146 {
        %slice3A_2805 = vector.extract_strided_slice %get3A_202 {offsets = [9], sizes = [1], strides = [1]} : vector<16xi32> to vector<1xi32>
        %squeeze3A_2806 = vector.extract %slice3A_2805[0] : i32 from vector<1xi32>
        %shift_right_logical3A_2807 = arith.constant 7 : i32
        %shift_right_logical3A_2808 = arith.shrui %squeeze3A_2806, %shift_right_logical3A_2807 : i32
        %mul3A_2809 = arith.constant 128 : i32
        %mul3A_2810 = arith.muli %shift_right_logical3A_2808, %mul3A_2809 : i32
        %min3A_2811 = arith.constant 999808 : i32
        %min3A_2812 = arith.minsi %mul3A_2810, %min3A_2811 : i32
        %multiple_of3A_2813 = tpu.assume_multiple %min3A_2812, 128 : i32
        %dma_start3A_2814 = arith.constant 1 : i32
        %dma_start3A_2815 = arith.constant 0 : i32
        %dma_start3A_2816 = arith.constant 0 : i32
        %dma_start3A_2817 = tpu.memref_slice %arg12[%dma_start3A_2814, %dma_start3A_2815, %dma_start3A_2816] : memref<4x64x128xf32, #tpu.memory_space<vmem>> -> memref<1x64x128xf32, #tpu.memory_space<vmem>>
        %dma_start3A_2818 = tpu.memref_squeeze %dma_start3A_2817 : memref<1x64x128xf32, #tpu.memory_space<vmem>> -> memref<64x128xf32, #tpu.memory_space<vmem>>
        %dma_start3A_2819 = arith.constant 0 : i32
        %dma_start3A_2820 = tpu.memref_slice %arg5[%dma_start3A_2819, %multiple_of3A_2813] : memref<64x1000000xf32, #tpu.memory_space<hbm>> -> memref<64x128xf32, #tpu.memory_space<hbm>>
        %dma_start3A_2821 = arith.constant 0 : i32
        %dma_start3A_2822 = arith.constant 0 : i32
        %dma_start3A_2823 = tpu.memref_slice %arg12[%dma_start3A_2814, %dma_start3A_2821, %dma_start3A_2822] : memref<4x64x128xf32, #tpu.memory_space<vmem>> -> memref<1x64x128xf32, #tpu.memory_space<vmem>>
        %dma_start3A_2824 = tpu.memref_squeeze %dma_start3A_2823 : memref<1x64x128xf32, #tpu.memory_space<vmem>> -> memref<64x128xf32, #tpu.memory_space<vmem>>
        %dma_start3A_2825 = arith.constant 0 : i32
        %dma_start3A_2826 = tpu.memref_slice %arg5[%dma_start3A_2825, %multiple_of3A_2813] : memref<64x1000000xf32, #tpu.memory_space<hbm>> -> memref<64x128xf32, #tpu.memory_space<hbm>>
        tpu.enqueue_dma source(%dma_start3A_2826 : memref<64x128xf32, #tpu.memory_space<hbm>>) target(%dma_start3A_2824 : memref<64x128xf32, #tpu.memory_space<vmem>>) target_semaphore(%arg22 : memref<!tpu.dma_semaphore, #tpu.memory_space<semaphore_mem>>)
      } else {
      }
      %dma_wait3A_1147 = arith.constant 2 : i32
      %dma_wait3A_1148 = arith.constant 0 : i32
      %dma_wait3A_1149 = arith.constant 0 : i32
      %dma_wait3A_1150 = tpu.memref_slice %arg11[%dma_wait3A_1147, %dma_wait3A_1148, %dma_wait3A_1149] : memref<4x64x128xf32, #tpu.memory_space<vmem>> -> memref<1x64x128xf32, #tpu.memory_space<vmem>>
      %dma_wait3A_1151 = tpu.memref_squeeze %dma_wait3A_1150 : memref<1x64x128xf32, #tpu.memory_space<vmem>> -> memref<64x128xf32, #tpu.memory_space<vmem>>
      %dma_wait3A_1152 = arith.constant 0 : i32
      %dma_wait3A_1153 = arith.constant 0 : i32
      %dma_wait3A_1154 = tpu.memref_slice %arg4[%dma_wait3A_1152, %dma_wait3A_1153] : memref<64x1000000xf32, #tpu.memory_space<hbm>> -> memref<64x128xf32, #tpu.memory_space<hbm>>
      %dma_wait3A_1155 = arith.constant 0 : i32
      %dma_wait3A_1156 = arith.constant 0 : i32
      %dma_wait3A_1157 = tpu.memref_slice %arg11[%dma_wait3A_1147, %dma_wait3A_1155, %dma_wait3A_1156] : memref<4x64x128xf32, #tpu.memory_space<vmem>> -> memref<1x64x128xf32, #tpu.memory_space<vmem>>
      %dma_wait3A_1158 = tpu.memref_squeeze %dma_wait3A_1157 : memref<1x64x128xf32, #tpu.memory_space<vmem>> -> memref<64x128xf32, #tpu.memory_space<vmem>>
      %dma_wait3A_1159 = arith.constant 0 : i32
      %dma_wait3A_1160 = arith.constant 0 : i32
      %dma_wait3A_1161 = tpu.memref_slice %arg4[%dma_wait3A_1159, %dma_wait3A_1160] : memref<64x1000000xf32, #tpu.memory_space<hbm>> -> memref<64x128xf32, #tpu.memory_space<hbm>>
      tpu.wait_dma2 semaphore(%arg19 : memref<!tpu.dma_semaphore, #tpu.memory_space<semaphore_mem>>) src(%dma_wait3A_1161 : memref<64x128xf32, #tpu.memory_space<hbm>>) dst(%dma_wait3A_1158 : memref<64x128xf32, #tpu.memory_space<vmem>>)
      %dma_wait3A_1162 = arith.constant 2 : i32
      %dma_wait3A_1163 = arith.constant 0 : i32
      %dma_wait3A_1164 = arith.constant 0 : i32
      %dma_wait3A_1165 = tpu.memref_slice %arg12[%dma_wait3A_1162, %dma_wait3A_1163, %dma_wait3A_1164] : memref<4x64x128xf32, #tpu.memory_space<vmem>> -> memref<1x64x128xf32, #tpu.memory_space<vmem>>
      %dma_wait3A_1166 = tpu.memref_squeeze %dma_wait3A_1165 : memref<1x64x128xf32, #tpu.memory_space<vmem>> -> memref<64x128xf32, #tpu.memory_space<vmem>>
      %dma_wait3A_1167 = arith.constant 0 : i32
      %dma_wait3A_1168 = arith.constant 0 : i32
      %dma_wait3A_1169 = tpu.memref_slice %arg5[%dma_wait3A_1167, %dma_wait3A_1168] : memref<64x1000000xf32, #tpu.memory_space<hbm>> -> memref<64x128xf32, #tpu.memory_space<hbm>>
      %dma_wait3A_1170 = arith.constant 0 : i32
      %dma_wait3A_1171 = arith.constant 0 : i32
      %dma_wait3A_1172 = tpu.memref_slice %arg12[%dma_wait3A_1162, %dma_wait3A_1170, %dma_wait3A_1171] : memref<4x64x128xf32, #tpu.memory_space<vmem>> -> memref<1x64x128xf32, #tpu.memory_space<vmem>>
      %dma_wait3A_1173 = tpu.memref_squeeze %dma_wait3A_1172 : memref<1x64x128xf32, #tpu.memory_space<vmem>> -> memref<64x128xf32, #tpu.memory_space<vmem>>
      %dma_wait3A_1174 = arith.constant 0 : i32
      %dma_wait3A_1175 = arith.constant 0 : i32
      %dma_wait3A_1176 = tpu.memref_slice %arg5[%dma_wait3A_1174, %dma_wait3A_1175] : memref<64x1000000xf32, #tpu.memory_space<hbm>> -> memref<64x128xf32, #tpu.memory_space<hbm>>
      tpu.wait_dma2 semaphore(%arg23 : memref<!tpu.dma_semaphore, #tpu.memory_space<semaphore_mem>>) src(%dma_wait3A_1176 : memref<64x128xf32, #tpu.memory_space<hbm>>) dst(%dma_wait3A_1173 : memref<64x128xf32, #tpu.memory_space<vmem>>)
      %slice3A_1177 = vector.extract_strided_slice %get3A_200 {offsets = [6], sizes = [1], strides = [1]} : vector<16xi32> to vector<1xi32>
      %squeeze3A_1178 = vector.extract %slice3A_1177[0] : i32 from vector<1xi32>
      %slice3A_1179 = vector.extract_strided_slice %get3A_202 {offsets = [6], sizes = [1], strides = [1]} : vector<16xi32> to vector<1xi32>
      %squeeze3A_1180 = vector.extract %slice3A_1179[0] : i32 from vector<1xi32>
      %broadcast_in_dim3A_1181 = arith.constant 0 : i32
      %broadcast_in_dim3A_1182 = vector.broadcast %broadcast_in_dim3A_1181 : i32 to vector<16xi32>
      %and3A_1183 = arith.constant 127 : i32
      %and3A_1184 = arith.andi %squeeze3A_1178, %and3A_1183 : i32
      %add3A_1185 = vector.broadcast %and3A_1184 : i32 to vector<16xi32>
      %add3A_1186 = arith.addi %broadcast_in_dim3A_1182, %add3A_1185 : vector<16xi32>
      %broadcast_in_dim3A_1187 = arith.constant 0 : i32
      %broadcast_in_dim3A_1188 = vector.broadcast %broadcast_in_dim3A_1187 : i32 to vector<16xi32>
      %and3A_1189 = arith.constant 127 : i32
      %and3A_1190 = arith.andi %squeeze3A_1180, %and3A_1189 : i32
      %add3A_1191 = vector.broadcast %and3A_1190 : i32 to vector<16xi32>
      %add3A_1192 = arith.addi %broadcast_in_dim3A_1188, %add3A_1191 : vector<16xi32>
      %ge3A_1193 = arith.constant 999936 : i32
      %ge3A_1194 = arith.cmpi sge, %squeeze3A_1178, %ge3A_1193 : i32
      %broadcast_in_dim3A_1195 = vector.broadcast %ge3A_1194 : i1 to vector<16xi1>
      %ge3A_1196 = arith.constant 999936 : i32
      %ge3A_1197 = arith.cmpi sge, %squeeze3A_1180, %ge3A_1196 : i32
      %broadcast_in_dim3A_1198 = vector.broadcast %ge3A_1197 : i1 to vector<16xi1>
      %broadcast_in_dim3A_1199 = arith.constant 0 : i32
      %broadcast_in_dim3A_1200 = vector.broadcast %broadcast_in_dim3A_1199 : i32 to vector<16xi32>
      %sub3A_1201 = arith.constant 999936 : i32
      %sub3A_1202 = arith.subi %squeeze3A_1178, %sub3A_1201 : i32
      %max3A_1203 = arith.constant 0 : i32
      %max3A_1204 = arith.maxsi %sub3A_1202, %max3A_1203 : i32
      %add3A_1205 = vector.broadcast %max3A_1204 : i32 to vector<16xi32>
      %add3A_1206 = arith.addi %broadcast_in_dim3A_1200, %add3A_1205 : vector<16xi32>
      %broadcast_in_dim3A_1207 = arith.constant 0 : i32
      %broadcast_in_dim3A_1208 = vector.broadcast %broadcast_in_dim3A_1207 : i32 to vector<16xi32>
      %sub3A_1209 = arith.constant 999936 : i32
      %sub3A_1210 = arith.subi %squeeze3A_1180, %sub3A_1209 : i32
      %max3A_1211 = arith.constant 0 : i32
      %max3A_1212 = arith.maxsi %sub3A_1210, %max3A_1211 : i32
      %add3A_1213 = vector.broadcast %max3A_1212 : i32 to vector<16xi32>
      %add3A_1214 = arith.addi %broadcast_in_dim3A_1208, %add3A_1213 : vector<16xi32>
      %broadcast_in_dim3A_1215 = arith.constant 0.000000e+00 : f32
      %broadcast_in_dim3A_1216 = vector.broadcast %broadcast_in_dim3A_1215 : f32 to vector<16xf32>
      %gather3A_1217 = tpu.vector_load_idx %arg13[%add3A_8, %add3A_1206] : memref<64x64xf32, #tpu.memory_space<vmem>>[vector<16xi32>, vector<16xi32>], vector<16xf32>,
      %gather3A_1218 = arith.constant 2 : i32
      %gather3A_1219 = arith.constant 0 : i32
      %gather3A_1220 = arith.constant 0 : i32
      %gather3A_1221 = tpu.memref_slice %arg11[%gather3A_1218, %gather3A_1219, %gather3A_1220] : memref<4x64x128xf32, #tpu.memory_space<vmem>> -> memref<1x64x128xf32, #tpu.memory_space<vmem>>
      %gather3A_1222 = tpu.memref_squeeze %gather3A_1221 : memref<1x64x128xf32, #tpu.memory_space<vmem>> -> memref<64x128xf32, #tpu.memory_space<vmem>>
      %gather3A_1223 = tpu.vector_load_idx %gather3A_1222[%add3A_8, %add3A_1186] : memref<64x128xf32, #tpu.memory_space<vmem>>[vector<16xi32>, vector<16xi32>], vector<16xf32>,
      %select_n3A_1224 = arith.select %broadcast_in_dim3A_1195, %gather3A_1217, %gather3A_1223 : vector<16xi1>, vector<16xf32>
      %gather3A_1225 = tpu.vector_load_idx %arg14[%add3A_8, %add3A_1214] : memref<64x64xf32, #tpu.memory_space<vmem>>[vector<16xi32>, vector<16xi32>], vector<16xf32>,
      %gather3A_1226 = arith.constant 2 : i32
      %gather3A_1227 = arith.constant 0 : i32
      %gather3A_1228 = arith.constant 0 : i32
      %gather3A_1229 = tpu.memref_slice %arg12[%gather3A_1226, %gather3A_1227, %gather3A_1228] : memref<4x64x128xf32, #tpu.memory_space<vmem>> -> memref<1x64x128xf32, #tpu.memory_space<vmem>>
      %gather3A_1230 = tpu.memref_squeeze %gather3A_1229 : memref<1x64x128xf32, #tpu.memory_space<vmem>> -> memref<64x128xf32, #tpu.memory_space<vmem>>
      %gather3A_1231 = tpu.vector_load_idx %gather3A_1230[%add3A_8, %add3A_1192] : memref<64x128xf32, #tpu.memory_space<vmem>>[vector<16xi32>, vector<16xi32>], vector<16xf32>,
      %select_n3A_1232 = arith.select %broadcast_in_dim3A_1198, %gather3A_1225, %gather3A_1231 : vector<16xi1>, vector<16xf32>
      %mul3A_1233 = arith.mulf %select_n3A_1224, %select_n3A_1232 : vector<16xf32>
      %add3A_1234 = arith.addf %broadcast_in_dim3A_1216, %mul3A_1233 : vector<16xf32>
      %gather3A_1235 = tpu.vector_load_idx %arg13[%add3A_11, %add3A_1206] : memref<64x64xf32, #tpu.memory_space<vmem>>[vector<16xi32>, vector<16xi32>], vector<16xf32>,
      %gather3A_1236 = arith.constant 2 : i32
      %gather3A_1237 = arith.constant 0 : i32
      %gather3A_1238 = arith.constant 0 : i32
      %gather3A_1239 = tpu.memref_slice %arg11[%gather3A_1236, %gather3A_1237, %gather3A_1238] : memref<4x64x128xf32, #tpu.memory_space<vmem>> -> memref<1x64x128xf32, #tpu.memory_space<vmem>>
      %gather3A_1240 = tpu.memref_squeeze %gather3A_1239 : memref<1x64x128xf32, #tpu.memory_space<vmem>> -> memref<64x128xf32, #tpu.memory_space<vmem>>
      %gather3A_1241 = tpu.vector_load_idx %gather3A_1240[%add3A_11, %add3A_1186] : memref<64x128xf32, #tpu.memory_space<vmem>>[vector<16xi32>, vector<16xi32>], vector<16xf32>,
      %select_n3A_1242 = arith.select %broadcast_in_dim3A_1195, %gather3A_1235, %gather3A_1241 : vector<16xi1>, vector<16xf32>
      %gather3A_1243 = tpu.vector_load_idx %arg14[%add3A_11, %add3A_1214] : memref<64x64xf32, #tpu.memory_space<vmem>>[vector<16xi32>, vector<16xi32>], vector<16xf32>,
      %gather3A_1244 = arith.constant 2 : i32
      %gather3A_1245 = arith.constant 0 : i32
      %gather3A_1246 = arith.constant 0 : i32
      %gather3A_1247 = tpu.memref_slice %arg12[%gather3A_1244, %gather3A_1245, %gather3A_1246] : memref<4x64x128xf32, #tpu.memory_space<vmem>> -> memref<1x64x128xf32, #tpu.memory_space<vmem>>
      %gather3A_1248 = tpu.memref_squeeze %gather3A_1247 : memref<1x64x128xf32, #tpu.memory_space<vmem>> -> memref<64x128xf32, #tpu.memory_space<vmem>>
      %gather3A_1249 = tpu.vector_load_idx %gather3A_1248[%add3A_11, %add3A_1192] : memref<64x128xf32, #tpu.memory_space<vmem>>[vector<16xi32>, vector<16xi32>], vector<16xf32>,
      %select_n3A_1250 = arith.select %broadcast_in_dim3A_1198, %gather3A_1243, %gather3A_1249 : vector<16xi1>, vector<16xf32>
      %mul3A_1251 = arith.mulf %select_n3A_1242, %select_n3A_1250 : vector<16xf32>
      %add3A_1252 = arith.addf %add3A_1234, %mul3A_1251 : vector<16xf32>
      %gather3A_1253 = tpu.vector_load_idx %arg13[%add3A_14, %add3A_1206] : memref<64x64xf32, #tpu.memory_space<vmem>>[vector<16xi32>, vector<16xi32>], vector<16xf32>,
      %gather3A_1254 = arith.constant 2 : i32
      %gather3A_1255 = arith.constant 0 : i32
      %gather3A_1256 = arith.constant 0 : i32
      %gather3A_1257 = tpu.memref_slice %arg11[%gather3A_1254, %gather3A_1255, %gather3A_1256] : memref<4x64x128xf32, #tpu.memory_space<vmem>> -> memref<1x64x128xf32, #tpu.memory_space<vmem>>
      %gather3A_1258 = tpu.memref_squeeze %gather3A_1257 : memref<1x64x128xf32, #tpu.memory_space<vmem>> -> memref<64x128xf32, #tpu.memory_space<vmem>>
      %gather3A_1259 = tpu.vector_load_idx %gather3A_1258[%add3A_14, %add3A_1186] : memref<64x128xf32, #tpu.memory_space<vmem>>[vector<16xi32>, vector<16xi32>], vector<16xf32>,
      %select_n3A_1260 = arith.select %broadcast_in_dim3A_1195, %gather3A_1253, %gather3A_1259 : vector<16xi1>, vector<16xf32>
      %gather3A_1261 = tpu.vector_load_idx %arg14[%add3A_14, %add3A_1214] : memref<64x64xf32, #tpu.memory_space<vmem>>[vector<16xi32>, vector<16xi32>], vector<16xf32>,
      %gather3A_1262 = arith.constant 2 : i32
      %gather3A_1263 = arith.constant 0 : i32
      %gather3A_1264 = arith.constant 0 : i32
      %gather3A_1265 = tpu.memref_slice %arg12[%gather3A_1262, %gather3A_1263, %gather3A_1264] : memref<4x64x128xf32, #tpu.memory_space<vmem>> -> memref<1x64x128xf32, #tpu.memory_space<vmem>>
      %gather3A_1266 = tpu.memref_squeeze %gather3A_1265 : memref<1x64x128xf32, #tpu.memory_space<vmem>> -> memref<64x128xf32, #tpu.memory_space<vmem>>
      %gather3A_1267 = tpu.vector_load_idx %gather3A_1266[%add3A_14, %add3A_1192] : memref<64x128xf32, #tpu.memory_space<vmem>>[vector<16xi32>, vector<16xi32>], vector<16xf32>,
      %select_n3A_1268 = arith.select %broadcast_in_dim3A_1198, %gather3A_1261, %gather3A_1267 : vector<16xi1>, vector<16xf32>
      %mul3A_1269 = arith.mulf %select_n3A_1260, %select_n3A_1268 : vector<16xf32>
      %add3A_1270 = arith.addf %add3A_1252, %mul3A_1269 : vector<16xf32>
      %gather3A_1271 = tpu.vector_load_idx %arg13[%add3A_17, %add3A_1206] : memref<64x64xf32, #tpu.memory_space<vmem>>[vector<16xi32>, vector<16xi32>], vector<16xf32>,
      %gather3A_1272 = arith.constant 2 : i32
      %gather3A_1273 = arith.constant 0 : i32
      %gather3A_1274 = arith.constant 0 : i32
      %gather3A_1275 = tpu.memref_slice %arg11[%gather3A_1272, %gather3A_1273, %gather3A_1274] : memref<4x64x128xf32, #tpu.memory_space<vmem>> -> memref<1x64x128xf32, #tpu.memory_space<vmem>>
      %gather3A_1276 = tpu.memref_squeeze %gather3A_1275 : memref<1x64x128xf32, #tpu.memory_space<vmem>> -> memref<64x128xf32, #tpu.memory_space<vmem>>
      %gather3A_1277 = tpu.vector_load_idx %gather3A_1276[%add3A_17, %add3A_1186] : memref<64x128xf32, #tpu.memory_space<vmem>>[vector<16xi32>, vector<16xi32>], vector<16xf32>,
      %select_n3A_1278 = arith.select %broadcast_in_dim3A_1195, %gather3A_1271, %gather3A_1277 : vector<16xi1>, vector<16xf32>
      %gather3A_1279 = tpu.vector_load_idx %arg14[%add3A_17, %add3A_1214] : memref<64x64xf32, #tpu.memory_space<vmem>>[vector<16xi32>, vector<16xi32>], vector<16xf32>,
      %gather3A_1280 = arith.constant 2 : i32
      %gather3A_1281 = arith.constant 0 : i32
      %gather3A_1282 = arith.constant 0 : i32
      %gather3A_1283 = tpu.memref_slice %arg12[%gather3A_1280, %gather3A_1281, %gather3A_1282] : memref<4x64x128xf32, #tpu.memory_space<vmem>> -> memref<1x64x128xf32, #tpu.memory_space<vmem>>
      %gather3A_1284 = tpu.memref_squeeze %gather3A_1283 : memref<1x64x128xf32, #tpu.memory_space<vmem>> -> memref<64x128xf32, #tpu.memory_space<vmem>>
      %gather3A_1285 = tpu.vector_load_idx %gather3A_1284[%add3A_17, %add3A_1192] : memref<64x128xf32, #tpu.memory_space<vmem>>[vector<16xi32>, vector<16xi32>], vector<16xf32>,
      %select_n3A_1286 = arith.select %broadcast_in_dim3A_1198, %gather3A_1279, %gather3A_1285 : vector<16xi1>, vector<16xf32>
      %mul3A_1287 = arith.mulf %select_n3A_1278, %select_n3A_1286 : vector<16xf32>
      %add3A_1288 = arith.addf %add3A_1270, %mul3A_1287 : vector<16xf32>
      %swap3A_1289 = arith.constant 96 : index
      %swap3A_1290 = tpu.vector_load %arg15[%swap3A_1289] {strides = array<i32>} : memref<256xf32, #tpu.memory_space<vmem>>, vector<16xf32>,
      tpu.vector_store %arg15[%swap3A_1289], %add3A_1288 {strides = array<i32>} : memref<256xf32, #tpu.memory_space<vmem>>, vector<16xf32>,
      %add3A_1291 = arith.constant 10 : i32
      %add3A_1292 = arith.addi %mul3A_198, %add3A_1291 : i32
      %lt3A_1293 = arith.constant 512 : i32
      %lt3A_1294 = arith.cmpi slt, %add3A_1292, %lt3A_1293 : i32
      %convert_element_type3A_1295 = arith.extui %lt3A_1294 : i1 to i32
      %cond3A_1296 = arith.constant 0 : i32
      %cond3A_1297 = arith.cmpi ne, %convert_element_type3A_1295, %cond3A_1296 : i32
      scf.if %cond3A_1297 {
        %slice3A_2805 = vector.extract_strided_slice %get3A_200 {offsets = [10], sizes = [1], strides = [1]} : vector<16xi32> to vector<1xi32>
        %squeeze3A_2806 = vector.extract %slice3A_2805[0] : i32 from vector<1xi32>
        %shift_right_logical3A_2807 = arith.constant 7 : i32
        %shift_right_logical3A_2808 = arith.shrui %squeeze3A_2806, %shift_right_logical3A_2807 : i32
        %mul3A_2809 = arith.constant 128 : i32
        %mul3A_2810 = arith.muli %shift_right_logical3A_2808, %mul3A_2809 : i32
        %min3A_2811 = arith.constant 999808 : i32
        %min3A_2812 = arith.minsi %mul3A_2810, %min3A_2811 : i32
        %multiple_of3A_2813 = tpu.assume_multiple %min3A_2812, 128 : i32
        %dma_start3A_2814 = arith.constant 2 : i32
        %dma_start3A_2815 = arith.constant 0 : i32
        %dma_start3A_2816 = arith.constant 0 : i32
        %dma_start3A_2817 = tpu.memref_slice %arg11[%dma_start3A_2814, %dma_start3A_2815, %dma_start3A_2816] : memref<4x64x128xf32, #tpu.memory_space<vmem>> -> memref<1x64x128xf32, #tpu.memory_space<vmem>>
        %dma_start3A_2818 = tpu.memref_squeeze %dma_start3A_2817 : memref<1x64x128xf32, #tpu.memory_space<vmem>> -> memref<64x128xf32, #tpu.memory_space<vmem>>
        %dma_start3A_2819 = arith.constant 0 : i32
        %dma_start3A_2820 = tpu.memref_slice %arg4[%dma_start3A_2819, %multiple_of3A_2813] : memref<64x1000000xf32, #tpu.memory_space<hbm>> -> memref<64x128xf32, #tpu.memory_space<hbm>>
        %dma_start3A_2821 = arith.constant 0 : i32
        %dma_start3A_2822 = arith.constant 0 : i32
        %dma_start3A_2823 = tpu.memref_slice %arg11[%dma_start3A_2814, %dma_start3A_2821, %dma_start3A_2822] : memref<4x64x128xf32, #tpu.memory_space<vmem>> -> memref<1x64x128xf32, #tpu.memory_space<vmem>>
        %dma_start3A_2824 = tpu.memref_squeeze %dma_start3A_2823 : memref<1x64x128xf32, #tpu.memory_space<vmem>> -> memref<64x128xf32, #tpu.memory_space<vmem>>
        %dma_start3A_2825 = arith.constant 0 : i32
        %dma_start3A_2826 = tpu.memref_slice %arg4[%dma_start3A_2825, %multiple_of3A_2813] : memref<64x1000000xf32, #tpu.memory_space<hbm>> -> memref<64x128xf32, #tpu.memory_space<hbm>>
        tpu.enqueue_dma source(%dma_start3A_2826 : memref<64x128xf32, #tpu.memory_space<hbm>>) target(%dma_start3A_2824 : memref<64x128xf32, #tpu.memory_space<vmem>>) target_semaphore(%arg19 : memref<!tpu.dma_semaphore, #tpu.memory_space<semaphore_mem>>)
      } else {
      }
      %add3A_1298 = arith.constant 10 : i32
      %add3A_1299 = arith.addi %mul3A_198, %add3A_1298 : i32
      %lt3A_1300 = arith.constant 512 : i32
      %lt3A_1301 = arith.cmpi slt, %add3A_1299, %lt3A_1300 : i32
      %convert_element_type3A_1302 = arith.extui %lt3A_1301 : i1 to i32
      %cond3A_1303 = arith.constant 0 : i32
      %cond3A_1304 = arith.cmpi ne, %convert_element_type3A_1302, %cond3A_1303 : i32
      scf.if %cond3A_1304 {
        %slice3A_2805 = vector.extract_strided_slice %get3A_202 {offsets = [10], sizes = [1], strides = [1]} : vector<16xi32> to vector<1xi32>
        %squeeze3A_2806 = vector.extract %slice3A_2805[0] : i32 from vector<1xi32>
        %shift_right_logical3A_2807 = arith.constant 7 : i32
        %shift_right_logical3A_2808 = arith.shrui %squeeze3A_2806, %shift_right_logical3A_2807 : i32
        %mul3A_2809 = arith.constant 128 : i32
        %mul3A_2810 = arith.muli %shift_right_logical3A_2808, %mul3A_2809 : i32
        %min3A_2811 = arith.constant 999808 : i32
        %min3A_2812 = arith.minsi %mul3A_2810, %min3A_2811 : i32
        %multiple_of3A_2813 = tpu.assume_multiple %min3A_2812, 128 : i32
        %dma_start3A_2814 = arith.constant 2 : i32
        %dma_start3A_2815 = arith.constant 0 : i32
        %dma_start3A_2816 = arith.constant 0 : i32
        %dma_start3A_2817 = tpu.memref_slice %arg12[%dma_start3A_2814, %dma_start3A_2815, %dma_start3A_2816] : memref<4x64x128xf32, #tpu.memory_space<vmem>> -> memref<1x64x128xf32, #tpu.memory_space<vmem>>
        %dma_start3A_2818 = tpu.memref_squeeze %dma_start3A_2817 : memref<1x64x128xf32, #tpu.memory_space<vmem>> -> memref<64x128xf32, #tpu.memory_space<vmem>>
        %dma_start3A_2819 = arith.constant 0 : i32
        %dma_start3A_2820 = tpu.memref_slice %arg5[%dma_start3A_2819, %multiple_of3A_2813] : memref<64x1000000xf32, #tpu.memory_space<hbm>> -> memref<64x128xf32, #tpu.memory_space<hbm>>
        %dma_start3A_2821 = arith.constant 0 : i32
        %dma_start3A_2822 = arith.constant 0 : i32
        %dma_start3A_2823 = tpu.memref_slice %arg12[%dma_start3A_2814, %dma_start3A_2821, %dma_start3A_2822] : memref<4x64x128xf32, #tpu.memory_space<vmem>> -> memref<1x64x128xf32, #tpu.memory_space<vmem>>
        %dma_start3A_2824 = tpu.memref_squeeze %dma_start3A_2823 : memref<1x64x128xf32, #tpu.memory_space<vmem>> -> memref<64x128xf32, #tpu.memory_space<vmem>>
        %dma_start3A_2825 = arith.constant 0 : i32
        %dma_start3A_2826 = tpu.memref_slice %arg5[%dma_start3A_2825, %multiple_of3A_2813] : memref<64x1000000xf32, #tpu.memory_space<hbm>> -> memref<64x128xf32, #tpu.memory_space<hbm>>
        tpu.enqueue_dma source(%dma_start3A_2826 : memref<64x128xf32, #tpu.memory_space<hbm>>) target(%dma_start3A_2824 : memref<64x128xf32, #tpu.memory_space<vmem>>) target_semaphore(%arg23 : memref<!tpu.dma_semaphore, #tpu.memory_space<semaphore_mem>>)
      } else {
      }
      %dma_wait3A_1305 = arith.constant 3 : i32
      %dma_wait3A_1306 = arith.constant 0 : i32
      %dma_wait3A_1307 = arith.constant 0 : i32
      %dma_wait3A_1308 = tpu.memref_slice %arg11[%dma_wait3A_1305, %dma_wait3A_1306, %dma_wait3A_1307] : memref<4x64x128xf32, #tpu.memory_space<vmem>> -> memref<1x64x128xf32, #tpu.memory_space<vmem>>
      %dma_wait3A_1309 = tpu.memref_squeeze %dma_wait3A_1308 : memref<1x64x128xf32, #tpu.memory_space<vmem>> -> memref<64x128xf32, #tpu.memory_space<vmem>>
      %dma_wait3A_1310 = arith.constant 0 : i32
      %dma_wait3A_1311 = arith.constant 0 : i32
      %dma_wait3A_1312 = tpu.memref_slice %arg4[%dma_wait3A_1310, %dma_wait3A_1311] : memref<64x1000000xf32, #tpu.memory_space<hbm>> -> memref<64x128xf32, #tpu.memory_space<hbm>>
      %dma_wait3A_1313 = arith.constant 0 : i32
      %dma_wait3A_1314 = arith.constant 0 : i32
      %dma_wait3A_1315 = tpu.memref_slice %arg11[%dma_wait3A_1305, %dma_wait3A_1313, %dma_wait3A_1314] : memref<4x64x128xf32, #tpu.memory_space<vmem>> -> memref<1x64x128xf32, #tpu.memory_space<vmem>>
      %dma_wait3A_1316 = tpu.memref_squeeze %dma_wait3A_1315 : memref<1x64x128xf32, #tpu.memory_space<vmem>> -> memref<64x128xf32, #tpu.memory_space<vmem>>
      %dma_wait3A_1317 = arith.constant 0 : i32
      %dma_wait3A_1318 = arith.constant 0 : i32
      %dma_wait3A_1319 = tpu.memref_slice %arg4[%dma_wait3A_1317, %dma_wait3A_1318] : memref<64x1000000xf32, #tpu.memory_space<hbm>> -> memref<64x128xf32, #tpu.memory_space<hbm>>
      tpu.wait_dma2 semaphore(%arg20 : memref<!tpu.dma_semaphore, #tpu.memory_space<semaphore_mem>>) src(%dma_wait3A_1319 : memref<64x128xf32, #tpu.memory_space<hbm>>) dst(%dma_wait3A_1316 : memref<64x128xf32, #tpu.memory_space<vmem>>)
      %dma_wait3A_1320 = arith.constant 3 : i32
      %dma_wait3A_1321 = arith.constant 0 : i32
      %dma_wait3A_1322 = arith.constant 0 : i32
      %dma_wait3A_1323 = tpu.memref_slice %arg12[%dma_wait3A_1320, %dma_wait3A_1321, %dma_wait3A_1322] : memref<4x64x128xf32, #tpu.memory_space<vmem>> -> memref<1x64x128xf32, #tpu.memory_space<vmem>>
      %dma_wait3A_1324 = tpu.memref_squeeze %dma_wait3A_1323 : memref<1x64x128xf32, #tpu.memory_space<vmem>> -> memref<64x128xf32, #tpu.memory_space<vmem>>
      %dma_wait3A_1325 = arith.constant 0 : i32
      %dma_wait3A_1326 = arith.constant 0 : i32
      %dma_wait3A_1327 = tpu.memref_slice %arg5[%dma_wait3A_1325, %dma_wait3A_1326] : memref<64x1000000xf32, #tpu.memory_space<hbm>> -> memref<64x128xf32, #tpu.memory_space<hbm>>
      %dma_wait3A_1328 = arith.constant 0 : i32
      %dma_wait3A_1329 = arith.constant 0 : i32
      %dma_wait3A_1330 = tpu.memref_slice %arg12[%dma_wait3A_1320, %dma_wait3A_1328, %dma_wait3A_1329] : memref<4x64x128xf32, #tpu.memory_space<vmem>> -> memref<1x64x128xf32, #tpu.memory_space<vmem>>
      %dma_wait3A_1331 = tpu.memref_squeeze %dma_wait3A_1330 : memref<1x64x128xf32, #tpu.memory_space<vmem>> -> memref<64x128xf32, #tpu.memory_space<vmem>>
      %dma_wait3A_1332 = arith.constant 0 : i32
      %dma_wait3A_1333 = arith.constant 0 : i32
      %dma_wait3A_1334 = tpu.memref_slice %arg5[%dma_wait3A_1332, %dma_wait3A_1333] : memref<64x1000000xf32, #tpu.memory_space<hbm>> -> memref<64x128xf32, #tpu.memory_space<hbm>>
      tpu.wait_dma2 semaphore(%arg24 : memref<!tpu.dma_semaphore, #tpu.memory_space<semaphore_mem>>) src(%dma_wait3A_1334 : memref<64x128xf32, #tpu.memory_space<hbm>>) dst(%dma_wait3A_1331 : memref<64x128xf32, #tpu.memory_space<vmem>>)
      %slice3A_1335 = vector.extract_strided_slice %get3A_200 {offsets = [7], sizes = [1], strides = [1]} : vector<16xi32> to vector<1xi32>
      %squeeze3A_1336 = vector.extract %slice3A_1335[0] : i32 from vector<1xi32>
      %slice3A_1337 = vector.extract_strided_slice %get3A_202 {offsets = [7], sizes = [1], strides = [1]} : vector<16xi32> to vector<1xi32>
      %squeeze3A_1338 = vector.extract %slice3A_1337[0] : i32 from vector<1xi32>
      %broadcast_in_dim3A_1339 = arith.constant 0 : i32
      %broadcast_in_dim3A_1340 = vector.broadcast %broadcast_in_dim3A_1339 : i32 to vector<16xi32>
      %and3A_1341 = arith.constant 127 : i32
      %and3A_1342 = arith.andi %squeeze3A_1336, %and3A_1341 : i32
      %add3A_1343 = vector.broadcast %and3A_1342 : i32 to vector<16xi32>
      %add3A_1344 = arith.addi %broadcast_in_dim3A_1340, %add3A_1343 : vector<16xi32>
      %broadcast_in_dim3A_1345 = arith.constant 0 : i32
      %broadcast_in_dim3A_1346 = vector.broadcast %broadcast_in_dim3A_1345 : i32 to vector<16xi32>
      %and3A_1347 = arith.constant 127 : i32
      %and3A_1348 = arith.andi %squeeze3A_1338, %and3A_1347 : i32
      %add3A_1349 = vector.broadcast %and3A_1348 : i32 to vector<16xi32>
      %add3A_1350 = arith.addi %broadcast_in_dim3A_1346, %add3A_1349 : vector<16xi32>
      %ge3A_1351 = arith.constant 999936 : i32
      %ge3A_1352 = arith.cmpi sge, %squeeze3A_1336, %ge3A_1351 : i32
      %broadcast_in_dim3A_1353 = vector.broadcast %ge3A_1352 : i1 to vector<16xi1>
      %ge3A_1354 = arith.constant 999936 : i32
      %ge3A_1355 = arith.cmpi sge, %squeeze3A_1338, %ge3A_1354 : i32
      %broadcast_in_dim3A_1356 = vector.broadcast %ge3A_1355 : i1 to vector<16xi1>
      %broadcast_in_dim3A_1357 = arith.constant 0 : i32
      %broadcast_in_dim3A_1358 = vector.broadcast %broadcast_in_dim3A_1357 : i32 to vector<16xi32>
      %sub3A_1359 = arith.constant 999936 : i32
      %sub3A_1360 = arith.subi %squeeze3A_1336, %sub3A_1359 : i32
      %max3A_1361 = arith.constant 0 : i32
      %max3A_1362 = arith.maxsi %sub3A_1360, %max3A_1361 : i32
      %add3A_1363 = vector.broadcast %max3A_1362 : i32 to vector<16xi32>
      %add3A_1364 = arith.addi %broadcast_in_dim3A_1358, %add3A_1363 : vector<16xi32>
      %broadcast_in_dim3A_1365 = arith.constant 0 : i32
      %broadcast_in_dim3A_1366 = vector.broadcast %broadcast_in_dim3A_1365 : i32 to vector<16xi32>
      %sub3A_1367 = arith.constant 999936 : i32
      %sub3A_1368 = arith.subi %squeeze3A_1338, %sub3A_1367 : i32
      %max3A_1369 = arith.constant 0 : i32
      %max3A_1370 = arith.maxsi %sub3A_1368, %max3A_1369 : i32
      %add3A_1371 = vector.broadcast %max3A_1370 : i32 to vector<16xi32>
      %add3A_1372 = arith.addi %broadcast_in_dim3A_1366, %add3A_1371 : vector<16xi32>
      %broadcast_in_dim3A_1373 = arith.constant 0.000000e+00 : f32
      %broadcast_in_dim3A_1374 = vector.broadcast %broadcast_in_dim3A_1373 : f32 to vector<16xf32>
      %gather3A_1375 = tpu.vector_load_idx %arg13[%add3A_8, %add3A_1364] : memref<64x64xf32, #tpu.memory_space<vmem>>[vector<16xi32>, vector<16xi32>], vector<16xf32>,
      %gather3A_1376 = arith.constant 3 : i32
      %gather3A_1377 = arith.constant 0 : i32
      %gather3A_1378 = arith.constant 0 : i32
      %gather3A_1379 = tpu.memref_slice %arg11[%gather3A_1376, %gather3A_1377, %gather3A_1378] : memref<4x64x128xf32, #tpu.memory_space<vmem>> -> memref<1x64x128xf32, #tpu.memory_space<vmem>>
      %gather3A_1380 = tpu.memref_squeeze %gather3A_1379 : memref<1x64x128xf32, #tpu.memory_space<vmem>> -> memref<64x128xf32, #tpu.memory_space<vmem>>
      %gather3A_1381 = tpu.vector_load_idx %gather3A_1380[%add3A_8, %add3A_1344] : memref<64x128xf32, #tpu.memory_space<vmem>>[vector<16xi32>, vector<16xi32>], vector<16xf32>,
      %select_n3A_1382 = arith.select %broadcast_in_dim3A_1353, %gather3A_1375, %gather3A_1381 : vector<16xi1>, vector<16xf32>
      %gather3A_1383 = tpu.vector_load_idx %arg14[%add3A_8, %add3A_1372] : memref<64x64xf32, #tpu.memory_space<vmem>>[vector<16xi32>, vector<16xi32>], vector<16xf32>,
      %gather3A_1384 = arith.constant 3 : i32
      %gather3A_1385 = arith.constant 0 : i32
      %gather3A_1386 = arith.constant 0 : i32
      %gather3A_1387 = tpu.memref_slice %arg12[%gather3A_1384, %gather3A_1385, %gather3A_1386] : memref<4x64x128xf32, #tpu.memory_space<vmem>> -> memref<1x64x128xf32, #tpu.memory_space<vmem>>
      %gather3A_1388 = tpu.memref_squeeze %gather3A_1387 : memref<1x64x128xf32, #tpu.memory_space<vmem>> -> memref<64x128xf32, #tpu.memory_space<vmem>>
      %gather3A_1389 = tpu.vector_load_idx %gather3A_1388[%add3A_8, %add3A_1350] : memref<64x128xf32, #tpu.memory_space<vmem>>[vector<16xi32>, vector<16xi32>], vector<16xf32>,
      %select_n3A_1390 = arith.select %broadcast_in_dim3A_1356, %gather3A_1383, %gather3A_1389 : vector<16xi1>, vector<16xf32>
      %mul3A_1391 = arith.mulf %select_n3A_1382, %select_n3A_1390 : vector<16xf32>
      %add3A_1392 = arith.addf %broadcast_in_dim3A_1374, %mul3A_1391 : vector<16xf32>
      %gather3A_1393 = tpu.vector_load_idx %arg13[%add3A_11, %add3A_1364] : memref<64x64xf32, #tpu.memory_space<vmem>>[vector<16xi32>, vector<16xi32>], vector<16xf32>,
      %gather3A_1394 = arith.constant 3 : i32
      %gather3A_1395 = arith.constant 0 : i32
      %gather3A_1396 = arith.constant 0 : i32
      %gather3A_1397 = tpu.memref_slice %arg11[%gather3A_1394, %gather3A_1395, %gather3A_1396] : memref<4x64x128xf32, #tpu.memory_space<vmem>> -> memref<1x64x128xf32, #tpu.memory_space<vmem>>
      %gather3A_1398 = tpu.memref_squeeze %gather3A_1397 : memref<1x64x128xf32, #tpu.memory_space<vmem>> -> memref<64x128xf32, #tpu.memory_space<vmem>>
      %gather3A_1399 = tpu.vector_load_idx %gather3A_1398[%add3A_11, %add3A_1344] : memref<64x128xf32, #tpu.memory_space<vmem>>[vector<16xi32>, vector<16xi32>], vector<16xf32>,
      %select_n3A_1400 = arith.select %broadcast_in_dim3A_1353, %gather3A_1393, %gather3A_1399 : vector<16xi1>, vector<16xf32>
      %gather3A_1401 = tpu.vector_load_idx %arg14[%add3A_11, %add3A_1372] : memref<64x64xf32, #tpu.memory_space<vmem>>[vector<16xi32>, vector<16xi32>], vector<16xf32>,
      %gather3A_1402 = arith.constant 3 : i32
      %gather3A_1403 = arith.constant 0 : i32
      %gather3A_1404 = arith.constant 0 : i32
      %gather3A_1405 = tpu.memref_slice %arg12[%gather3A_1402, %gather3A_1403, %gather3A_1404] : memref<4x64x128xf32, #tpu.memory_space<vmem>> -> memref<1x64x128xf32, #tpu.memory_space<vmem>>
      %gather3A_1406 = tpu.memref_squeeze %gather3A_1405 : memref<1x64x128xf32, #tpu.memory_space<vmem>> -> memref<64x128xf32, #tpu.memory_space<vmem>>
      %gather3A_1407 = tpu.vector_load_idx %gather3A_1406[%add3A_11, %add3A_1350] : memref<64x128xf32, #tpu.memory_space<vmem>>[vector<16xi32>, vector<16xi32>], vector<16xf32>,
      %select_n3A_1408 = arith.select %broadcast_in_dim3A_1356, %gather3A_1401, %gather3A_1407 : vector<16xi1>, vector<16xf32>
      %mul3A_1409 = arith.mulf %select_n3A_1400, %select_n3A_1408 : vector<16xf32>
      %add3A_1410 = arith.addf %add3A_1392, %mul3A_1409 : vector<16xf32>
      %gather3A_1411 = tpu.vector_load_idx %arg13[%add3A_14, %add3A_1364] : memref<64x64xf32, #tpu.memory_space<vmem>>[vector<16xi32>, vector<16xi32>], vector<16xf32>,
      %gather3A_1412 = arith.constant 3 : i32
      %gather3A_1413 = arith.constant 0 : i32
      %gather3A_1414 = arith.constant 0 : i32
      %gather3A_1415 = tpu.memref_slice %arg11[%gather3A_1412, %gather3A_1413, %gather3A_1414] : memref<4x64x128xf32, #tpu.memory_space<vmem>> -> memref<1x64x128xf32, #tpu.memory_space<vmem>>
      %gather3A_1416 = tpu.memref_squeeze %gather3A_1415 : memref<1x64x128xf32, #tpu.memory_space<vmem>> -> memref<64x128xf32, #tpu.memory_space<vmem>>
      %gather3A_1417 = tpu.vector_load_idx %gather3A_1416[%add3A_14, %add3A_1344] : memref<64x128xf32, #tpu.memory_space<vmem>>[vector<16xi32>, vector<16xi32>], vector<16xf32>,
      %select_n3A_1418 = arith.select %broadcast_in_dim3A_1353, %gather3A_1411, %gather3A_1417 : vector<16xi1>, vector<16xf32>
      %gather3A_1419 = tpu.vector_load_idx %arg14[%add3A_14, %add3A_1372] : memref<64x64xf32, #tpu.memory_space<vmem>>[vector<16xi32>, vector<16xi32>], vector<16xf32>,
      %gather3A_1420 = arith.constant 3 : i32
      %gather3A_1421 = arith.constant 0 : i32
      %gather3A_1422 = arith.constant 0 : i32
      %gather3A_1423 = tpu.memref_slice %arg12[%gather3A_1420, %gather3A_1421, %gather3A_1422] : memref<4x64x128xf32, #tpu.memory_space<vmem>> -> memref<1x64x128xf32, #tpu.memory_space<vmem>>
      %gather3A_1424 = tpu.memref_squeeze %gather3A_1423 : memref<1x64x128xf32, #tpu.memory_space<vmem>> -> memref<64x128xf32, #tpu.memory_space<vmem>>
      %gather3A_1425 = tpu.vector_load_idx %gather3A_1424[%add3A_14, %add3A_1350] : memref<64x128xf32, #tpu.memory_space<vmem>>[vector<16xi32>, vector<16xi32>], vector<16xf32>,
      %select_n3A_1426 = arith.select %broadcast_in_dim3A_1356, %gather3A_1419, %gather3A_1425 : vector<16xi1>, vector<16xf32>
      %mul3A_1427 = arith.mulf %select_n3A_1418, %select_n3A_1426 : vector<16xf32>
      %add3A_1428 = arith.addf %add3A_1410, %mul3A_1427 : vector<16xf32>
      %gather3A_1429 = tpu.vector_load_idx %arg13[%add3A_17, %add3A_1364] : memref<64x64xf32, #tpu.memory_space<vmem>>[vector<16xi32>, vector<16xi32>], vector<16xf32>,
      %gather3A_1430 = arith.constant 3 : i32
      %gather3A_1431 = arith.constant 0 : i32
      %gather3A_1432 = arith.constant 0 : i32
      %gather3A_1433 = tpu.memref_slice %arg11[%gather3A_1430, %gather3A_1431, %gather3A_1432] : memref<4x64x128xf32, #tpu.memory_space<vmem>> -> memref<1x64x128xf32, #tpu.memory_space<vmem>>
      %gather3A_1434 = tpu.memref_squeeze %gather3A_1433 : memref<1x64x128xf32, #tpu.memory_space<vmem>> -> memref<64x128xf32, #tpu.memory_space<vmem>>
      %gather3A_1435 = tpu.vector_load_idx %gather3A_1434[%add3A_17, %add3A_1344] : memref<64x128xf32, #tpu.memory_space<vmem>>[vector<16xi32>, vector<16xi32>], vector<16xf32>,
      %select_n3A_1436 = arith.select %broadcast_in_dim3A_1353, %gather3A_1429, %gather3A_1435 : vector<16xi1>, vector<16xf32>
      %gather3A_1437 = tpu.vector_load_idx %arg14[%add3A_17, %add3A_1372] : memref<64x64xf32, #tpu.memory_space<vmem>>[vector<16xi32>, vector<16xi32>], vector<16xf32>,
      %gather3A_1438 = arith.constant 3 : i32
      %gather3A_1439 = arith.constant 0 : i32
      %gather3A_1440 = arith.constant 0 : i32
      %gather3A_1441 = tpu.memref_slice %arg12[%gather3A_1438, %gather3A_1439, %gather3A_1440] : memref<4x64x128xf32, #tpu.memory_space<vmem>> -> memref<1x64x128xf32, #tpu.memory_space<vmem>>
      %gather3A_1442 = tpu.memref_squeeze %gather3A_1441 : memref<1x64x128xf32, #tpu.memory_space<vmem>> -> memref<64x128xf32, #tpu.memory_space<vmem>>
      %gather3A_1443 = tpu.vector_load_idx %gather3A_1442[%add3A_17, %add3A_1350] : memref<64x128xf32, #tpu.memory_space<vmem>>[vector<16xi32>, vector<16xi32>], vector<16xf32>,
      %select_n3A_1444 = arith.select %broadcast_in_dim3A_1356, %gather3A_1437, %gather3A_1443 : vector<16xi1>, vector<16xf32>
      %mul3A_1445 = arith.mulf %select_n3A_1436, %select_n3A_1444 : vector<16xf32>
      %add3A_1446 = arith.addf %add3A_1428, %mul3A_1445 : vector<16xf32>
      %swap3A_1447 = arith.constant 112 : index
      %swap3A_1448 = tpu.vector_load %arg15[%swap3A_1447] {strides = array<i32>} : memref<256xf32, #tpu.memory_space<vmem>>, vector<16xf32>,
      tpu.vector_store %arg15[%swap3A_1447], %add3A_1446 {strides = array<i32>} : memref<256xf32, #tpu.memory_space<vmem>>, vector<16xf32>,
      %add3A_1449 = arith.constant 11 : i32
      %add3A_1450 = arith.addi %mul3A_198, %add3A_1449 : i32
      %lt3A_1451 = arith.constant 512 : i32
      %lt3A_1452 = arith.cmpi slt, %add3A_1450, %lt3A_1451 : i32
      %convert_element_type3A_1453 = arith.extui %lt3A_1452 : i1 to i32
      %cond3A_1454 = arith.constant 0 : i32
      %cond3A_1455 = arith.cmpi ne, %convert_element_type3A_1453, %cond3A_1454 : i32
      scf.if %cond3A_1455 {
        %slice3A_2805 = vector.extract_strided_slice %get3A_200 {offsets = [11], sizes = [1], strides = [1]} : vector<16xi32> to vector<1xi32>
        %squeeze3A_2806 = vector.extract %slice3A_2805[0] : i32 from vector<1xi32>
        %shift_right_logical3A_2807 = arith.constant 7 : i32
        %shift_right_logical3A_2808 = arith.shrui %squeeze3A_2806, %shift_right_logical3A_2807 : i32
        %mul3A_2809 = arith.constant 128 : i32
        %mul3A_2810 = arith.muli %shift_right_logical3A_2808, %mul3A_2809 : i32
        %min3A_2811 = arith.constant 999808 : i32
        %min3A_2812 = arith.minsi %mul3A_2810, %min3A_2811 : i32
        %multiple_of3A_2813 = tpu.assume_multiple %min3A_2812, 128 : i32
        %dma_start3A_2814 = arith.constant 3 : i32
        %dma_start3A_2815 = arith.constant 0 : i32
        %dma_start3A_2816 = arith.constant 0 : i32
        %dma_start3A_2817 = tpu.memref_slice %arg11[%dma_start3A_2814, %dma_start3A_2815, %dma_start3A_2816] : memref<4x64x128xf32, #tpu.memory_space<vmem>> -> memref<1x64x128xf32, #tpu.memory_space<vmem>>
        %dma_start3A_2818 = tpu.memref_squeeze %dma_start3A_2817 : memref<1x64x128xf32, #tpu.memory_space<vmem>> -> memref<64x128xf32, #tpu.memory_space<vmem>>
        %dma_start3A_2819 = arith.constant 0 : i32
        %dma_start3A_2820 = tpu.memref_slice %arg4[%dma_start3A_2819, %multiple_of3A_2813] : memref<64x1000000xf32, #tpu.memory_space<hbm>> -> memref<64x128xf32, #tpu.memory_space<hbm>>
        %dma_start3A_2821 = arith.constant 0 : i32
        %dma_start3A_2822 = arith.constant 0 : i32
        %dma_start3A_2823 = tpu.memref_slice %arg11[%dma_start3A_2814, %dma_start3A_2821, %dma_start3A_2822] : memref<4x64x128xf32, #tpu.memory_space<vmem>> -> memref<1x64x128xf32, #tpu.memory_space<vmem>>
        %dma_start3A_2824 = tpu.memref_squeeze %dma_start3A_2823 : memref<1x64x128xf32, #tpu.memory_space<vmem>> -> memref<64x128xf32, #tpu.memory_space<vmem>>
        %dma_start3A_2825 = arith.constant 0 : i32
        %dma_start3A_2826 = tpu.memref_slice %arg4[%dma_start3A_2825, %multiple_of3A_2813] : memref<64x1000000xf32, #tpu.memory_space<hbm>> -> memref<64x128xf32, #tpu.memory_space<hbm>>
        tpu.enqueue_dma source(%dma_start3A_2826 : memref<64x128xf32, #tpu.memory_space<hbm>>) target(%dma_start3A_2824 : memref<64x128xf32, #tpu.memory_space<vmem>>) target_semaphore(%arg20 : memref<!tpu.dma_semaphore, #tpu.memory_space<semaphore_mem>>)
      } else {
      }
      %add3A_1456 = arith.constant 11 : i32
      %add3A_1457 = arith.addi %mul3A_198, %add3A_1456 : i32
      %lt3A_1458 = arith.constant 512 : i32
      %lt3A_1459 = arith.cmpi slt, %add3A_1457, %lt3A_1458 : i32
      %convert_element_type3A_1460 = arith.extui %lt3A_1459 : i1 to i32
      %cond3A_1461 = arith.constant 0 : i32
      %cond3A_1462 = arith.cmpi ne, %convert_element_type3A_1460, %cond3A_1461 : i32
      scf.if %cond3A_1462 {
        %slice3A_2805 = vector.extract_strided_slice %get3A_202 {offsets = [11], sizes = [1], strides = [1]} : vector<16xi32> to vector<1xi32>
        %squeeze3A_2806 = vector.extract %slice3A_2805[0] : i32 from vector<1xi32>
        %shift_right_logical3A_2807 = arith.constant 7 : i32
        %shift_right_logical3A_2808 = arith.shrui %squeeze3A_2806, %shift_right_logical3A_2807 : i32
        %mul3A_2809 = arith.constant 128 : i32
        %mul3A_2810 = arith.muli %shift_right_logical3A_2808, %mul3A_2809 : i32
        %min3A_2811 = arith.constant 999808 : i32
        %min3A_2812 = arith.minsi %mul3A_2810, %min3A_2811 : i32
        %multiple_of3A_2813 = tpu.assume_multiple %min3A_2812, 128 : i32
        %dma_start3A_2814 = arith.constant 3 : i32
        %dma_start3A_2815 = arith.constant 0 : i32
        %dma_start3A_2816 = arith.constant 0 : i32
        %dma_start3A_2817 = tpu.memref_slice %arg12[%dma_start3A_2814, %dma_start3A_2815, %dma_start3A_2816] : memref<4x64x128xf32, #tpu.memory_space<vmem>> -> memref<1x64x128xf32, #tpu.memory_space<vmem>>
        %dma_start3A_2818 = tpu.memref_squeeze %dma_start3A_2817 : memref<1x64x128xf32, #tpu.memory_space<vmem>> -> memref<64x128xf32, #tpu.memory_space<vmem>>
        %dma_start3A_2819 = arith.constant 0 : i32
        %dma_start3A_2820 = tpu.memref_slice %arg5[%dma_start3A_2819, %multiple_of3A_2813] : memref<64x1000000xf32, #tpu.memory_space<hbm>> -> memref<64x128xf32, #tpu.memory_space<hbm>>
        %dma_start3A_2821 = arith.constant 0 : i32
        %dma_start3A_2822 = arith.constant 0 : i32
        %dma_start3A_2823 = tpu.memref_slice %arg12[%dma_start3A_2814, %dma_start3A_2821, %dma_start3A_2822] : memref<4x64x128xf32, #tpu.memory_space<vmem>> -> memref<1x64x128xf32, #tpu.memory_space<vmem>>
        %dma_start3A_2824 = tpu.memref_squeeze %dma_start3A_2823 : memref<1x64x128xf32, #tpu.memory_space<vmem>> -> memref<64x128xf32, #tpu.memory_space<vmem>>
        %dma_start3A_2825 = arith.constant 0 : i32
        %dma_start3A_2826 = tpu.memref_slice %arg5[%dma_start3A_2825, %multiple_of3A_2813] : memref<64x1000000xf32, #tpu.memory_space<hbm>> -> memref<64x128xf32, #tpu.memory_space<hbm>>
        tpu.enqueue_dma source(%dma_start3A_2826 : memref<64x128xf32, #tpu.memory_space<hbm>>) target(%dma_start3A_2824 : memref<64x128xf32, #tpu.memory_space<vmem>>) target_semaphore(%arg24 : memref<!tpu.dma_semaphore, #tpu.memory_space<semaphore_mem>>)
      } else {
      }
      %dma_wait3A_1463 = arith.constant 0 : i32
      %dma_wait3A_1464 = arith.constant 0 : i32
      %dma_wait3A_1465 = arith.constant 0 : i32
      %dma_wait3A_1466 = tpu.memref_slice %arg11[%dma_wait3A_1463, %dma_wait3A_1464, %dma_wait3A_1465] : memref<4x64x128xf32, #tpu.memory_space<vmem>> -> memref<1x64x128xf32, #tpu.memory_space<vmem>>
      %dma_wait3A_1467 = tpu.memref_squeeze %dma_wait3A_1466 : memref<1x64x128xf32, #tpu.memory_space<vmem>> -> memref<64x128xf32, #tpu.memory_space<vmem>>
      %dma_wait3A_1468 = arith.constant 0 : i32
      %dma_wait3A_1469 = arith.constant 0 : i32
      %dma_wait3A_1470 = tpu.memref_slice %arg4[%dma_wait3A_1468, %dma_wait3A_1469] : memref<64x1000000xf32, #tpu.memory_space<hbm>> -> memref<64x128xf32, #tpu.memory_space<hbm>>
      %dma_wait3A_1471 = arith.constant 0 : i32
      %dma_wait3A_1472 = arith.constant 0 : i32
      %dma_wait3A_1473 = tpu.memref_slice %arg11[%dma_wait3A_1463, %dma_wait3A_1471, %dma_wait3A_1472] : memref<4x64x128xf32, #tpu.memory_space<vmem>> -> memref<1x64x128xf32, #tpu.memory_space<vmem>>
      %dma_wait3A_1474 = tpu.memref_squeeze %dma_wait3A_1473 : memref<1x64x128xf32, #tpu.memory_space<vmem>> -> memref<64x128xf32, #tpu.memory_space<vmem>>
      %dma_wait3A_1475 = arith.constant 0 : i32
      %dma_wait3A_1476 = arith.constant 0 : i32
      %dma_wait3A_1477 = tpu.memref_slice %arg4[%dma_wait3A_1475, %dma_wait3A_1476] : memref<64x1000000xf32, #tpu.memory_space<hbm>> -> memref<64x128xf32, #tpu.memory_space<hbm>>
      tpu.wait_dma2 semaphore(%arg17 : memref<!tpu.dma_semaphore, #tpu.memory_space<semaphore_mem>>) src(%dma_wait3A_1477 : memref<64x128xf32, #tpu.memory_space<hbm>>) dst(%dma_wait3A_1474 : memref<64x128xf32, #tpu.memory_space<vmem>>)
      %dma_wait3A_1478 = arith.constant 0 : i32
      %dma_wait3A_1479 = arith.constant 0 : i32
      %dma_wait3A_1480 = arith.constant 0 : i32
      %dma_wait3A_1481 = tpu.memref_slice %arg12[%dma_wait3A_1478, %dma_wait3A_1479, %dma_wait3A_1480] : memref<4x64x128xf32, #tpu.memory_space<vmem>> -> memref<1x64x128xf32, #tpu.memory_space<vmem>>
      %dma_wait3A_1482 = tpu.memref_squeeze %dma_wait3A_1481 : memref<1x64x128xf32, #tpu.memory_space<vmem>> -> memref<64x128xf32, #tpu.memory_space<vmem>>
      %dma_wait3A_1483 = arith.constant 0 : i32
      %dma_wait3A_1484 = arith.constant 0 : i32
      %dma_wait3A_1485 = tpu.memref_slice %arg5[%dma_wait3A_1483, %dma_wait3A_1484] : memref<64x1000000xf32, #tpu.memory_space<hbm>> -> memref<64x128xf32, #tpu.memory_space<hbm>>
      %dma_wait3A_1486 = arith.constant 0 : i32
      %dma_wait3A_1487 = arith.constant 0 : i32
      %dma_wait3A_1488 = tpu.memref_slice %arg12[%dma_wait3A_1478, %dma_wait3A_1486, %dma_wait3A_1487] : memref<4x64x128xf32, #tpu.memory_space<vmem>> -> memref<1x64x128xf32, #tpu.memory_space<vmem>>
      %dma_wait3A_1489 = tpu.memref_squeeze %dma_wait3A_1488 : memref<1x64x128xf32, #tpu.memory_space<vmem>> -> memref<64x128xf32, #tpu.memory_space<vmem>>
      %dma_wait3A_1490 = arith.constant 0 : i32
      %dma_wait3A_1491 = arith.constant 0 : i32
      %dma_wait3A_1492 = tpu.memref_slice %arg5[%dma_wait3A_1490, %dma_wait3A_1491] : memref<64x1000000xf32, #tpu.memory_space<hbm>> -> memref<64x128xf32, #tpu.memory_space<hbm>>
      tpu.wait_dma2 semaphore(%arg21 : memref<!tpu.dma_semaphore, #tpu.memory_space<semaphore_mem>>) src(%dma_wait3A_1492 : memref<64x128xf32, #tpu.memory_space<hbm>>) dst(%dma_wait3A_1489 : memref<64x128xf32, #tpu.memory_space<vmem>>)
      %slice3A_1493 = vector.extract_strided_slice %get3A_200 {offsets = [8], sizes = [1], strides = [1]} : vector<16xi32> to vector<1xi32>
      %squeeze3A_1494 = vector.extract %slice3A_1493[0] : i32 from vector<1xi32>
      %slice3A_1495 = vector.extract_strided_slice %get3A_202 {offsets = [8], sizes = [1], strides = [1]} : vector<16xi32> to vector<1xi32>
      %squeeze3A_1496 = vector.extract %slice3A_1495[0] : i32 from vector<1xi32>
      %broadcast_in_dim3A_1497 = arith.constant 0 : i32
      %broadcast_in_dim3A_1498 = vector.broadcast %broadcast_in_dim3A_1497 : i32 to vector<16xi32>
      %and3A_1499 = arith.constant 127 : i32
      %and3A_1500 = arith.andi %squeeze3A_1494, %and3A_1499 : i32
      %add3A_1501 = vector.broadcast %and3A_1500 : i32 to vector<16xi32>
      %add3A_1502 = arith.addi %broadcast_in_dim3A_1498, %add3A_1501 : vector<16xi32>
      %broadcast_in_dim3A_1503 = arith.constant 0 : i32
      %broadcast_in_dim3A_1504 = vector.broadcast %broadcast_in_dim3A_1503 : i32 to vector<16xi32>
      %and3A_1505 = arith.constant 127 : i32
      %and3A_1506 = arith.andi %squeeze3A_1496, %and3A_1505 : i32
      %add3A_1507 = vector.broadcast %and3A_1506 : i32 to vector<16xi32>
      %add3A_1508 = arith.addi %broadcast_in_dim3A_1504, %add3A_1507 : vector<16xi32>
      %ge3A_1509 = arith.constant 999936 : i32
      %ge3A_1510 = arith.cmpi sge, %squeeze3A_1494, %ge3A_1509 : i32
      %broadcast_in_dim3A_1511 = vector.broadcast %ge3A_1510 : i1 to vector<16xi1>
      %ge3A_1512 = arith.constant 999936 : i32
      %ge3A_1513 = arith.cmpi sge, %squeeze3A_1496, %ge3A_1512 : i32
      %broadcast_in_dim3A_1514 = vector.broadcast %ge3A_1513 : i1 to vector<16xi1>
      %broadcast_in_dim3A_1515 = arith.constant 0 : i32
      %broadcast_in_dim3A_1516 = vector.broadcast %broadcast_in_dim3A_1515 : i32 to vector<16xi32>
      %sub3A_1517 = arith.constant 999936 : i32
      %sub3A_1518 = arith.subi %squeeze3A_1494, %sub3A_1517 : i32
      %max3A_1519 = arith.constant 0 : i32
      %max3A_1520 = arith.maxsi %sub3A_1518, %max3A_1519 : i32
      %add3A_1521 = vector.broadcast %max3A_1520 : i32 to vector<16xi32>
      %add3A_1522 = arith.addi %broadcast_in_dim3A_1516, %add3A_1521 : vector<16xi32>
      %broadcast_in_dim3A_1523 = arith.constant 0 : i32
      %broadcast_in_dim3A_1524 = vector.broadcast %broadcast_in_dim3A_1523 : i32 to vector<16xi32>
      %sub3A_1525 = arith.constant 999936 : i32
      %sub3A_1526 = arith.subi %squeeze3A_1496, %sub3A_1525 : i32
      %max3A_1527 = arith.constant 0 : i32
      %max3A_1528 = arith.maxsi %sub3A_1526, %max3A_1527 : i32
      %add3A_1529 = vector.broadcast %max3A_1528 : i32 to vector<16xi32>
      %add3A_1530 = arith.addi %broadcast_in_dim3A_1524, %add3A_1529 : vector<16xi32>
      %broadcast_in_dim3A_1531 = arith.constant 0.000000e+00 : f32
      %broadcast_in_dim3A_1532 = vector.broadcast %broadcast_in_dim3A_1531 : f32 to vector<16xf32>
      %gather3A_1533 = tpu.vector_load_idx %arg13[%add3A_8, %add3A_1522] : memref<64x64xf32, #tpu.memory_space<vmem>>[vector<16xi32>, vector<16xi32>], vector<16xf32>,
      %gather3A_1534 = arith.constant 0 : i32
      %gather3A_1535 = arith.constant 0 : i32
      %gather3A_1536 = arith.constant 0 : i32
      %gather3A_1537 = tpu.memref_slice %arg11[%gather3A_1534, %gather3A_1535, %gather3A_1536] : memref<4x64x128xf32, #tpu.memory_space<vmem>> -> memref<1x64x128xf32, #tpu.memory_space<vmem>>
      %gather3A_1538 = tpu.memref_squeeze %gather3A_1537 : memref<1x64x128xf32, #tpu.memory_space<vmem>> -> memref<64x128xf32, #tpu.memory_space<vmem>>
      %gather3A_1539 = tpu.vector_load_idx %gather3A_1538[%add3A_8, %add3A_1502] : memref<64x128xf32, #tpu.memory_space<vmem>>[vector<16xi32>, vector<16xi32>], vector<16xf32>,
      %select_n3A_1540 = arith.select %broadcast_in_dim3A_1511, %gather3A_1533, %gather3A_1539 : vector<16xi1>, vector<16xf32>
      %gather3A_1541 = tpu.vector_load_idx %arg14[%add3A_8, %add3A_1530] : memref<64x64xf32, #tpu.memory_space<vmem>>[vector<16xi32>, vector<16xi32>], vector<16xf32>,
      %gather3A_1542 = arith.constant 0 : i32
      %gather3A_1543 = arith.constant 0 : i32
      %gather3A_1544 = arith.constant 0 : i32
      %gather3A_1545 = tpu.memref_slice %arg12[%gather3A_1542, %gather3A_1543, %gather3A_1544] : memref<4x64x128xf32, #tpu.memory_space<vmem>> -> memref<1x64x128xf32, #tpu.memory_space<vmem>>
      %gather3A_1546 = tpu.memref_squeeze %gather3A_1545 : memref<1x64x128xf32, #tpu.memory_space<vmem>> -> memref<64x128xf32, #tpu.memory_space<vmem>>
      %gather3A_1547 = tpu.vector_load_idx %gather3A_1546[%add3A_8, %add3A_1508] : memref<64x128xf32, #tpu.memory_space<vmem>>[vector<16xi32>, vector<16xi32>], vector<16xf32>,
      %select_n3A_1548 = arith.select %broadcast_in_dim3A_1514, %gather3A_1541, %gather3A_1547 : vector<16xi1>, vector<16xf32>
      %mul3A_1549 = arith.mulf %select_n3A_1540, %select_n3A_1548 : vector<16xf32>
      %add3A_1550 = arith.addf %broadcast_in_dim3A_1532, %mul3A_1549 : vector<16xf32>
      %gather3A_1551 = tpu.vector_load_idx %arg13[%add3A_11, %add3A_1522] : memref<64x64xf32, #tpu.memory_space<vmem>>[vector<16xi32>, vector<16xi32>], vector<16xf32>,
      %gather3A_1552 = arith.constant 0 : i32
      %gather3A_1553 = arith.constant 0 : i32
      %gather3A_1554 = arith.constant 0 : i32
      %gather3A_1555 = tpu.memref_slice %arg11[%gather3A_1552, %gather3A_1553, %gather3A_1554] : memref<4x64x128xf32, #tpu.memory_space<vmem>> -> memref<1x64x128xf32, #tpu.memory_space<vmem>>
      %gather3A_1556 = tpu.memref_squeeze %gather3A_1555 : memref<1x64x128xf32, #tpu.memory_space<vmem>> -> memref<64x128xf32, #tpu.memory_space<vmem>>
      %gather3A_1557 = tpu.vector_load_idx %gather3A_1556[%add3A_11, %add3A_1502] : memref<64x128xf32, #tpu.memory_space<vmem>>[vector<16xi32>, vector<16xi32>], vector<16xf32>,
      %select_n3A_1558 = arith.select %broadcast_in_dim3A_1511, %gather3A_1551, %gather3A_1557 : vector<16xi1>, vector<16xf32>
      %gather3A_1559 = tpu.vector_load_idx %arg14[%add3A_11, %add3A_1530] : memref<64x64xf32, #tpu.memory_space<vmem>>[vector<16xi32>, vector<16xi32>], vector<16xf32>,
      %gather3A_1560 = arith.constant 0 : i32
      %gather3A_1561 = arith.constant 0 : i32
      %gather3A_1562 = arith.constant 0 : i32
      %gather3A_1563 = tpu.memref_slice %arg12[%gather3A_1560, %gather3A_1561, %gather3A_1562] : memref<4x64x128xf32, #tpu.memory_space<vmem>> -> memref<1x64x128xf32, #tpu.memory_space<vmem>>
      %gather3A_1564 = tpu.memref_squeeze %gather3A_1563 : memref<1x64x128xf32, #tpu.memory_space<vmem>> -> memref<64x128xf32, #tpu.memory_space<vmem>>
      %gather3A_1565 = tpu.vector_load_idx %gather3A_1564[%add3A_11, %add3A_1508] : memref<64x128xf32, #tpu.memory_space<vmem>>[vector<16xi32>, vector<16xi32>], vector<16xf32>,
      %select_n3A_1566 = arith.select %broadcast_in_dim3A_1514, %gather3A_1559, %gather3A_1565 : vector<16xi1>, vector<16xf32>
      %mul3A_1567 = arith.mulf %select_n3A_1558, %select_n3A_1566 : vector<16xf32>
      %add3A_1568 = arith.addf %add3A_1550, %mul3A_1567 : vector<16xf32>
      %gather3A_1569 = tpu.vector_load_idx %arg13[%add3A_14, %add3A_1522] : memref<64x64xf32, #tpu.memory_space<vmem>>[vector<16xi32>, vector<16xi32>], vector<16xf32>,
      %gather3A_1570 = arith.constant 0 : i32
      %gather3A_1571 = arith.constant 0 : i32
      %gather3A_1572 = arith.constant 0 : i32
      %gather3A_1573 = tpu.memref_slice %arg11[%gather3A_1570, %gather3A_1571, %gather3A_1572] : memref<4x64x128xf32, #tpu.memory_space<vmem>> -> memref<1x64x128xf32, #tpu.memory_space<vmem>>
      %gather3A_1574 = tpu.memref_squeeze %gather3A_1573 : memref<1x64x128xf32, #tpu.memory_space<vmem>> -> memref<64x128xf32, #tpu.memory_space<vmem>>
      %gather3A_1575 = tpu.vector_load_idx %gather3A_1574[%add3A_14, %add3A_1502] : memref<64x128xf32, #tpu.memory_space<vmem>>[vector<16xi32>, vector<16xi32>], vector<16xf32>,
      %select_n3A_1576 = arith.select %broadcast_in_dim3A_1511, %gather3A_1569, %gather3A_1575 : vector<16xi1>, vector<16xf32>
      %gather3A_1577 = tpu.vector_load_idx %arg14[%add3A_14, %add3A_1530] : memref<64x64xf32, #tpu.memory_space<vmem>>[vector<16xi32>, vector<16xi32>], vector<16xf32>,
      %gather3A_1578 = arith.constant 0 : i32
      %gather3A_1579 = arith.constant 0 : i32
      %gather3A_1580 = arith.constant 0 : i32
      %gather3A_1581 = tpu.memref_slice %arg12[%gather3A_1578, %gather3A_1579, %gather3A_1580] : memref<4x64x128xf32, #tpu.memory_space<vmem>> -> memref<1x64x128xf32, #tpu.memory_space<vmem>>
      %gather3A_1582 = tpu.memref_squeeze %gather3A_1581 : memref<1x64x128xf32, #tpu.memory_space<vmem>> -> memref<64x128xf32, #tpu.memory_space<vmem>>
      %gather3A_1583 = tpu.vector_load_idx %gather3A_1582[%add3A_14, %add3A_1508] : memref<64x128xf32, #tpu.memory_space<vmem>>[vector<16xi32>, vector<16xi32>], vector<16xf32>,
      %select_n3A_1584 = arith.select %broadcast_in_dim3A_1514, %gather3A_1577, %gather3A_1583 : vector<16xi1>, vector<16xf32>
      %mul3A_1585 = arith.mulf %select_n3A_1576, %select_n3A_1584 : vector<16xf32>
      %add3A_1586 = arith.addf %add3A_1568, %mul3A_1585 : vector<16xf32>
      %gather3A_1587 = tpu.vector_load_idx %arg13[%add3A_17, %add3A_1522] : memref<64x64xf32, #tpu.memory_space<vmem>>[vector<16xi32>, vector<16xi32>], vector<16xf32>,
      %gather3A_1588 = arith.constant 0 : i32
      %gather3A_1589 = arith.constant 0 : i32
      %gather3A_1590 = arith.constant 0 : i32
      %gather3A_1591 = tpu.memref_slice %arg11[%gather3A_1588, %gather3A_1589, %gather3A_1590] : memref<4x64x128xf32, #tpu.memory_space<vmem>> -> memref<1x64x128xf32, #tpu.memory_space<vmem>>
      %gather3A_1592 = tpu.memref_squeeze %gather3A_1591 : memref<1x64x128xf32, #tpu.memory_space<vmem>> -> memref<64x128xf32, #tpu.memory_space<vmem>>
      %gather3A_1593 = tpu.vector_load_idx %gather3A_1592[%add3A_17, %add3A_1502] : memref<64x128xf32, #tpu.memory_space<vmem>>[vector<16xi32>, vector<16xi32>], vector<16xf32>,
      %select_n3A_1594 = arith.select %broadcast_in_dim3A_1511, %gather3A_1587, %gather3A_1593 : vector<16xi1>, vector<16xf32>
      %gather3A_1595 = tpu.vector_load_idx %arg14[%add3A_17, %add3A_1530] : memref<64x64xf32, #tpu.memory_space<vmem>>[vector<16xi32>, vector<16xi32>], vector<16xf32>,
      %gather3A_1596 = arith.constant 0 : i32
      %gather3A_1597 = arith.constant 0 : i32
      %gather3A_1598 = arith.constant 0 : i32
      %gather3A_1599 = tpu.memref_slice %arg12[%gather3A_1596, %gather3A_1597, %gather3A_1598] : memref<4x64x128xf32, #tpu.memory_space<vmem>> -> memref<1x64x128xf32, #tpu.memory_space<vmem>>
      %gather3A_1600 = tpu.memref_squeeze %gather3A_1599 : memref<1x64x128xf32, #tpu.memory_space<vmem>> -> memref<64x128xf32, #tpu.memory_space<vmem>>
      %gather3A_1601 = tpu.vector_load_idx %gather3A_1600[%add3A_17, %add3A_1508] : memref<64x128xf32, #tpu.memory_space<vmem>>[vector<16xi32>, vector<16xi32>], vector<16xf32>,
      %select_n3A_1602 = arith.select %broadcast_in_dim3A_1514, %gather3A_1595, %gather3A_1601 : vector<16xi1>, vector<16xf32>
      %mul3A_1603 = arith.mulf %select_n3A_1594, %select_n3A_1602 : vector<16xf32>
      %add3A_1604 = arith.addf %add3A_1586, %mul3A_1603 : vector<16xf32>
      %swap3A_1605 = arith.constant 128 : index
      %swap3A_1606 = tpu.vector_load %arg15[%swap3A_1605] {strides = array<i32>} : memref<256xf32, #tpu.memory_space<vmem>>, vector<16xf32>,
      tpu.vector_store %arg15[%swap3A_1605], %add3A_1604 {strides = array<i32>} : memref<256xf32, #tpu.memory_space<vmem>>, vector<16xf32>,
      %add3A_1607 = arith.constant 12 : i32
      %add3A_1608 = arith.addi %mul3A_198, %add3A_1607 : i32
      %lt3A_1609 = arith.constant 512 : i32
      %lt3A_1610 = arith.cmpi slt, %add3A_1608, %lt3A_1609 : i32
      %convert_element_type3A_1611 = arith.extui %lt3A_1610 : i1 to i32
      %cond3A_1612 = arith.constant 0 : i32
      %cond3A_1613 = arith.cmpi ne, %convert_element_type3A_1611, %cond3A_1612 : i32
      scf.if %cond3A_1613 {
        %slice3A_2805 = vector.extract_strided_slice %get3A_200 {offsets = [12], sizes = [1], strides = [1]} : vector<16xi32> to vector<1xi32>
        %squeeze3A_2806 = vector.extract %slice3A_2805[0] : i32 from vector<1xi32>
        %shift_right_logical3A_2807 = arith.constant 7 : i32
        %shift_right_logical3A_2808 = arith.shrui %squeeze3A_2806, %shift_right_logical3A_2807 : i32
        %mul3A_2809 = arith.constant 128 : i32
        %mul3A_2810 = arith.muli %shift_right_logical3A_2808, %mul3A_2809 : i32
        %min3A_2811 = arith.constant 999808 : i32
        %min3A_2812 = arith.minsi %mul3A_2810, %min3A_2811 : i32
        %multiple_of3A_2813 = tpu.assume_multiple %min3A_2812, 128 : i32
        %dma_start3A_2814 = arith.constant 0 : i32
        %dma_start3A_2815 = arith.constant 0 : i32
        %dma_start3A_2816 = arith.constant 0 : i32
        %dma_start3A_2817 = tpu.memref_slice %arg11[%dma_start3A_2814, %dma_start3A_2815, %dma_start3A_2816] : memref<4x64x128xf32, #tpu.memory_space<vmem>> -> memref<1x64x128xf32, #tpu.memory_space<vmem>>
        %dma_start3A_2818 = tpu.memref_squeeze %dma_start3A_2817 : memref<1x64x128xf32, #tpu.memory_space<vmem>> -> memref<64x128xf32, #tpu.memory_space<vmem>>
        %dma_start3A_2819 = arith.constant 0 : i32
        %dma_start3A_2820 = tpu.memref_slice %arg4[%dma_start3A_2819, %multiple_of3A_2813] : memref<64x1000000xf32, #tpu.memory_space<hbm>> -> memref<64x128xf32, #tpu.memory_space<hbm>>
        %dma_start3A_2821 = arith.constant 0 : i32
        %dma_start3A_2822 = arith.constant 0 : i32
        %dma_start3A_2823 = tpu.memref_slice %arg11[%dma_start3A_2814, %dma_start3A_2821, %dma_start3A_2822] : memref<4x64x128xf32, #tpu.memory_space<vmem>> -> memref<1x64x128xf32, #tpu.memory_space<vmem>>
        %dma_start3A_2824 = tpu.memref_squeeze %dma_start3A_2823 : memref<1x64x128xf32, #tpu.memory_space<vmem>> -> memref<64x128xf32, #tpu.memory_space<vmem>>
        %dma_start3A_2825 = arith.constant 0 : i32
        %dma_start3A_2826 = tpu.memref_slice %arg4[%dma_start3A_2825, %multiple_of3A_2813] : memref<64x1000000xf32, #tpu.memory_space<hbm>> -> memref<64x128xf32, #tpu.memory_space<hbm>>
        tpu.enqueue_dma source(%dma_start3A_2826 : memref<64x128xf32, #tpu.memory_space<hbm>>) target(%dma_start3A_2824 : memref<64x128xf32, #tpu.memory_space<vmem>>) target_semaphore(%arg17 : memref<!tpu.dma_semaphore, #tpu.memory_space<semaphore_mem>>)
      } else {
      }
      %add3A_1614 = arith.constant 12 : i32
      %add3A_1615 = arith.addi %mul3A_198, %add3A_1614 : i32
      %lt3A_1616 = arith.constant 512 : i32
      %lt3A_1617 = arith.cmpi slt, %add3A_1615, %lt3A_1616 : i32
      %convert_element_type3A_1618 = arith.extui %lt3A_1617 : i1 to i32
      %cond3A_1619 = arith.constant 0 : i32
      %cond3A_1620 = arith.cmpi ne, %convert_element_type3A_1618, %cond3A_1619 : i32
      scf.if %cond3A_1620 {
        %slice3A_2805 = vector.extract_strided_slice %get3A_202 {offsets = [12], sizes = [1], strides = [1]} : vector<16xi32> to vector<1xi32>
        %squeeze3A_2806 = vector.extract %slice3A_2805[0] : i32 from vector<1xi32>
        %shift_right_logical3A_2807 = arith.constant 7 : i32
        %shift_right_logical3A_2808 = arith.shrui %squeeze3A_2806, %shift_right_logical3A_2807 : i32
        %mul3A_2809 = arith.constant 128 : i32
        %mul3A_2810 = arith.muli %shift_right_logical3A_2808, %mul3A_2809 : i32
        %min3A_2811 = arith.constant 999808 : i32
        %min3A_2812 = arith.minsi %mul3A_2810, %min3A_2811 : i32
        %multiple_of3A_2813 = tpu.assume_multiple %min3A_2812, 128 : i32
        %dma_start3A_2814 = arith.constant 0 : i32
        %dma_start3A_2815 = arith.constant 0 : i32
        %dma_start3A_2816 = arith.constant 0 : i32
        %dma_start3A_2817 = tpu.memref_slice %arg12[%dma_start3A_2814, %dma_start3A_2815, %dma_start3A_2816] : memref<4x64x128xf32, #tpu.memory_space<vmem>> -> memref<1x64x128xf32, #tpu.memory_space<vmem>>
        %dma_start3A_2818 = tpu.memref_squeeze %dma_start3A_2817 : memref<1x64x128xf32, #tpu.memory_space<vmem>> -> memref<64x128xf32, #tpu.memory_space<vmem>>
        %dma_start3A_2819 = arith.constant 0 : i32
        %dma_start3A_2820 = tpu.memref_slice %arg5[%dma_start3A_2819, %multiple_of3A_2813] : memref<64x1000000xf32, #tpu.memory_space<hbm>> -> memref<64x128xf32, #tpu.memory_space<hbm>>
        %dma_start3A_2821 = arith.constant 0 : i32
        %dma_start3A_2822 = arith.constant 0 : i32
        %dma_start3A_2823 = tpu.memref_slice %arg12[%dma_start3A_2814, %dma_start3A_2821, %dma_start3A_2822] : memref<4x64x128xf32, #tpu.memory_space<vmem>> -> memref<1x64x128xf32, #tpu.memory_space<vmem>>
        %dma_start3A_2824 = tpu.memref_squeeze %dma_start3A_2823 : memref<1x64x128xf32, #tpu.memory_space<vmem>> -> memref<64x128xf32, #tpu.memory_space<vmem>>
        %dma_start3A_2825 = arith.constant 0 : i32
        %dma_start3A_2826 = tpu.memref_slice %arg5[%dma_start3A_2825, %multiple_of3A_2813] : memref<64x1000000xf32, #tpu.memory_space<hbm>> -> memref<64x128xf32, #tpu.memory_space<hbm>>
        tpu.enqueue_dma source(%dma_start3A_2826 : memref<64x128xf32, #tpu.memory_space<hbm>>) target(%dma_start3A_2824 : memref<64x128xf32, #tpu.memory_space<vmem>>) target_semaphore(%arg21 : memref<!tpu.dma_semaphore, #tpu.memory_space<semaphore_mem>>)
      } else {
      }
      %dma_wait3A_1621 = arith.constant 1 : i32
      %dma_wait3A_1622 = arith.constant 0 : i32
      %dma_wait3A_1623 = arith.constant 0 : i32
      %dma_wait3A_1624 = tpu.memref_slice %arg11[%dma_wait3A_1621, %dma_wait3A_1622, %dma_wait3A_1623] : memref<4x64x128xf32, #tpu.memory_space<vmem>> -> memref<1x64x128xf32, #tpu.memory_space<vmem>>
      %dma_wait3A_1625 = tpu.memref_squeeze %dma_wait3A_1624 : memref<1x64x128xf32, #tpu.memory_space<vmem>> -> memref<64x128xf32, #tpu.memory_space<vmem>>
      %dma_wait3A_1626 = arith.constant 0 : i32
      %dma_wait3A_1627 = arith.constant 0 : i32
      %dma_wait3A_1628 = tpu.memref_slice %arg4[%dma_wait3A_1626, %dma_wait3A_1627] : memref<64x1000000xf32, #tpu.memory_space<hbm>> -> memref<64x128xf32, #tpu.memory_space<hbm>>
      %dma_wait3A_1629 = arith.constant 0 : i32
      %dma_wait3A_1630 = arith.constant 0 : i32
      %dma_wait3A_1631 = tpu.memref_slice %arg11[%dma_wait3A_1621, %dma_wait3A_1629, %dma_wait3A_1630] : memref<4x64x128xf32, #tpu.memory_space<vmem>> -> memref<1x64x128xf32, #tpu.memory_space<vmem>>
      %dma_wait3A_1632 = tpu.memref_squeeze %dma_wait3A_1631 : memref<1x64x128xf32, #tpu.memory_space<vmem>> -> memref<64x128xf32, #tpu.memory_space<vmem>>
      %dma_wait3A_1633 = arith.constant 0 : i32
      %dma_wait3A_1634 = arith.constant 0 : i32
      %dma_wait3A_1635 = tpu.memref_slice %arg4[%dma_wait3A_1633, %dma_wait3A_1634] : memref<64x1000000xf32, #tpu.memory_space<hbm>> -> memref<64x128xf32, #tpu.memory_space<hbm>>
      tpu.wait_dma2 semaphore(%arg18 : memref<!tpu.dma_semaphore, #tpu.memory_space<semaphore_mem>>) src(%dma_wait3A_1635 : memref<64x128xf32, #tpu.memory_space<hbm>>) dst(%dma_wait3A_1632 : memref<64x128xf32, #tpu.memory_space<vmem>>)
      %dma_wait3A_1636 = arith.constant 1 : i32
      %dma_wait3A_1637 = arith.constant 0 : i32
      %dma_wait3A_1638 = arith.constant 0 : i32
      %dma_wait3A_1639 = tpu.memref_slice %arg12[%dma_wait3A_1636, %dma_wait3A_1637, %dma_wait3A_1638] : memref<4x64x128xf32, #tpu.memory_space<vmem>> -> memref<1x64x128xf32, #tpu.memory_space<vmem>>
      %dma_wait3A_1640 = tpu.memref_squeeze %dma_wait3A_1639 : memref<1x64x128xf32, #tpu.memory_space<vmem>> -> memref<64x128xf32, #tpu.memory_space<vmem>>
      %dma_wait3A_1641 = arith.constant 0 : i32
      %dma_wait3A_1642 = arith.constant 0 : i32
      %dma_wait3A_1643 = tpu.memref_slice %arg5[%dma_wait3A_1641, %dma_wait3A_1642] : memref<64x1000000xf32, #tpu.memory_space<hbm>> -> memref<64x128xf32, #tpu.memory_space<hbm>>
      %dma_wait3A_1644 = arith.constant 0 : i32
      %dma_wait3A_1645 = arith.constant 0 : i32
      %dma_wait3A_1646 = tpu.memref_slice %arg12[%dma_wait3A_1636, %dma_wait3A_1644, %dma_wait3A_1645] : memref<4x64x128xf32, #tpu.memory_space<vmem>> -> memref<1x64x128xf32, #tpu.memory_space<vmem>>
      %dma_wait3A_1647 = tpu.memref_squeeze %dma_wait3A_1646 : memref<1x64x128xf32, #tpu.memory_space<vmem>> -> memref<64x128xf32, #tpu.memory_space<vmem>>
      %dma_wait3A_1648 = arith.constant 0 : i32
      %dma_wait3A_1649 = arith.constant 0 : i32
      %dma_wait3A_1650 = tpu.memref_slice %arg5[%dma_wait3A_1648, %dma_wait3A_1649] : memref<64x1000000xf32, #tpu.memory_space<hbm>> -> memref<64x128xf32, #tpu.memory_space<hbm>>
      tpu.wait_dma2 semaphore(%arg22 : memref<!tpu.dma_semaphore, #tpu.memory_space<semaphore_mem>>) src(%dma_wait3A_1650 : memref<64x128xf32, #tpu.memory_space<hbm>>) dst(%dma_wait3A_1647 : memref<64x128xf32, #tpu.memory_space<vmem>>)
      %slice3A_1651 = vector.extract_strided_slice %get3A_200 {offsets = [9], sizes = [1], strides = [1]} : vector<16xi32> to vector<1xi32>
      %squeeze3A_1652 = vector.extract %slice3A_1651[0] : i32 from vector<1xi32>
      %slice3A_1653 = vector.extract_strided_slice %get3A_202 {offsets = [9], sizes = [1], strides = [1]} : vector<16xi32> to vector<1xi32>
      %squeeze3A_1654 = vector.extract %slice3A_1653[0] : i32 from vector<1xi32>
      %broadcast_in_dim3A_1655 = arith.constant 0 : i32
      %broadcast_in_dim3A_1656 = vector.broadcast %broadcast_in_dim3A_1655 : i32 to vector<16xi32>
      %and3A_1657 = arith.constant 127 : i32
      %and3A_1658 = arith.andi %squeeze3A_1652, %and3A_1657 : i32
      %add3A_1659 = vector.broadcast %and3A_1658 : i32 to vector<16xi32>
      %add3A_1660 = arith.addi %broadcast_in_dim3A_1656, %add3A_1659 : vector<16xi32>
      %broadcast_in_dim3A_1661 = arith.constant 0 : i32
      %broadcast_in_dim3A_1662 = vector.broadcast %broadcast_in_dim3A_1661 : i32 to vector<16xi32>
      %and3A_1663 = arith.constant 127 : i32
      %and3A_1664 = arith.andi %squeeze3A_1654, %and3A_1663 : i32
      %add3A_1665 = vector.broadcast %and3A_1664 : i32 to vector<16xi32>
      %add3A_1666 = arith.addi %broadcast_in_dim3A_1662, %add3A_1665 : vector<16xi32>
      %ge3A_1667 = arith.constant 999936 : i32
      %ge3A_1668 = arith.cmpi sge, %squeeze3A_1652, %ge3A_1667 : i32
      %broadcast_in_dim3A_1669 = vector.broadcast %ge3A_1668 : i1 to vector<16xi1>
      %ge3A_1670 = arith.constant 999936 : i32
      %ge3A_1671 = arith.cmpi sge, %squeeze3A_1654, %ge3A_1670 : i32
      %broadcast_in_dim3A_1672 = vector.broadcast %ge3A_1671 : i1 to vector<16xi1>
      %broadcast_in_dim3A_1673 = arith.constant 0 : i32
      %broadcast_in_dim3A_1674 = vector.broadcast %broadcast_in_dim3A_1673 : i32 to vector<16xi32>
      %sub3A_1675 = arith.constant 999936 : i32
      %sub3A_1676 = arith.subi %squeeze3A_1652, %sub3A_1675 : i32
      %max3A_1677 = arith.constant 0 : i32
      %max3A_1678 = arith.maxsi %sub3A_1676, %max3A_1677 : i32
      %add3A_1679 = vector.broadcast %max3A_1678 : i32 to vector<16xi32>
      %add3A_1680 = arith.addi %broadcast_in_dim3A_1674, %add3A_1679 : vector<16xi32>
      %broadcast_in_dim3A_1681 = arith.constant 0 : i32
      %broadcast_in_dim3A_1682 = vector.broadcast %broadcast_in_dim3A_1681 : i32 to vector<16xi32>
      %sub3A_1683 = arith.constant 999936 : i32
      %sub3A_1684 = arith.subi %squeeze3A_1654, %sub3A_1683 : i32
      %max3A_1685 = arith.constant 0 : i32
      %max3A_1686 = arith.maxsi %sub3A_1684, %max3A_1685 : i32
      %add3A_1687 = vector.broadcast %max3A_1686 : i32 to vector<16xi32>
      %add3A_1688 = arith.addi %broadcast_in_dim3A_1682, %add3A_1687 : vector<16xi32>
      %broadcast_in_dim3A_1689 = arith.constant 0.000000e+00 : f32
      %broadcast_in_dim3A_1690 = vector.broadcast %broadcast_in_dim3A_1689 : f32 to vector<16xf32>
      %gather3A_1691 = tpu.vector_load_idx %arg13[%add3A_8, %add3A_1680] : memref<64x64xf32, #tpu.memory_space<vmem>>[vector<16xi32>, vector<16xi32>], vector<16xf32>,
      %gather3A_1692 = arith.constant 1 : i32
      %gather3A_1693 = arith.constant 0 : i32
      %gather3A_1694 = arith.constant 0 : i32
      %gather3A_1695 = tpu.memref_slice %arg11[%gather3A_1692, %gather3A_1693, %gather3A_1694] : memref<4x64x128xf32, #tpu.memory_space<vmem>> -> memref<1x64x128xf32, #tpu.memory_space<vmem>>
      %gather3A_1696 = tpu.memref_squeeze %gather3A_1695 : memref<1x64x128xf32, #tpu.memory_space<vmem>> -> memref<64x128xf32, #tpu.memory_space<vmem>>
      %gather3A_1697 = tpu.vector_load_idx %gather3A_1696[%add3A_8, %add3A_1660] : memref<64x128xf32, #tpu.memory_space<vmem>>[vector<16xi32>, vector<16xi32>], vector<16xf32>,
      %select_n3A_1698 = arith.select %broadcast_in_dim3A_1669, %gather3A_1691, %gather3A_1697 : vector<16xi1>, vector<16xf32>
      %gather3A_1699 = tpu.vector_load_idx %arg14[%add3A_8, %add3A_1688] : memref<64x64xf32, #tpu.memory_space<vmem>>[vector<16xi32>, vector<16xi32>], vector<16xf32>,
      %gather3A_1700 = arith.constant 1 : i32
      %gather3A_1701 = arith.constant 0 : i32
      %gather3A_1702 = arith.constant 0 : i32
      %gather3A_1703 = tpu.memref_slice %arg12[%gather3A_1700, %gather3A_1701, %gather3A_1702] : memref<4x64x128xf32, #tpu.memory_space<vmem>> -> memref<1x64x128xf32, #tpu.memory_space<vmem>>
      %gather3A_1704 = tpu.memref_squeeze %gather3A_1703 : memref<1x64x128xf32, #tpu.memory_space<vmem>> -> memref<64x128xf32, #tpu.memory_space<vmem>>
      %gather3A_1705 = tpu.vector_load_idx %gather3A_1704[%add3A_8, %add3A_1666] : memref<64x128xf32, #tpu.memory_space<vmem>>[vector<16xi32>, vector<16xi32>], vector<16xf32>,
      %select_n3A_1706 = arith.select %broadcast_in_dim3A_1672, %gather3A_1699, %gather3A_1705 : vector<16xi1>, vector<16xf32>
      %mul3A_1707 = arith.mulf %select_n3A_1698, %select_n3A_1706 : vector<16xf32>
      %add3A_1708 = arith.addf %broadcast_in_dim3A_1690, %mul3A_1707 : vector<16xf32>
      %gather3A_1709 = tpu.vector_load_idx %arg13[%add3A_11, %add3A_1680] : memref<64x64xf32, #tpu.memory_space<vmem>>[vector<16xi32>, vector<16xi32>], vector<16xf32>,
      %gather3A_1710 = arith.constant 1 : i32
      %gather3A_1711 = arith.constant 0 : i32
      %gather3A_1712 = arith.constant 0 : i32
      %gather3A_1713 = tpu.memref_slice %arg11[%gather3A_1710, %gather3A_1711, %gather3A_1712] : memref<4x64x128xf32, #tpu.memory_space<vmem>> -> memref<1x64x128xf32, #tpu.memory_space<vmem>>
      %gather3A_1714 = tpu.memref_squeeze %gather3A_1713 : memref<1x64x128xf32, #tpu.memory_space<vmem>> -> memref<64x128xf32, #tpu.memory_space<vmem>>
      %gather3A_1715 = tpu.vector_load_idx %gather3A_1714[%add3A_11, %add3A_1660] : memref<64x128xf32, #tpu.memory_space<vmem>>[vector<16xi32>, vector<16xi32>], vector<16xf32>,
      %select_n3A_1716 = arith.select %broadcast_in_dim3A_1669, %gather3A_1709, %gather3A_1715 : vector<16xi1>, vector<16xf32>
      %gather3A_1717 = tpu.vector_load_idx %arg14[%add3A_11, %add3A_1688] : memref<64x64xf32, #tpu.memory_space<vmem>>[vector<16xi32>, vector<16xi32>], vector<16xf32>,
      %gather3A_1718 = arith.constant 1 : i32
      %gather3A_1719 = arith.constant 0 : i32
      %gather3A_1720 = arith.constant 0 : i32
      %gather3A_1721 = tpu.memref_slice %arg12[%gather3A_1718, %gather3A_1719, %gather3A_1720] : memref<4x64x128xf32, #tpu.memory_space<vmem>> -> memref<1x64x128xf32, #tpu.memory_space<vmem>>
      %gather3A_1722 = tpu.memref_squeeze %gather3A_1721 : memref<1x64x128xf32, #tpu.memory_space<vmem>> -> memref<64x128xf32, #tpu.memory_space<vmem>>
      %gather3A_1723 = tpu.vector_load_idx %gather3A_1722[%add3A_11, %add3A_1666] : memref<64x128xf32, #tpu.memory_space<vmem>>[vector<16xi32>, vector<16xi32>], vector<16xf32>,
      %select_n3A_1724 = arith.select %broadcast_in_dim3A_1672, %gather3A_1717, %gather3A_1723 : vector<16xi1>, vector<16xf32>
      %mul3A_1725 = arith.mulf %select_n3A_1716, %select_n3A_1724 : vector<16xf32>
      %add3A_1726 = arith.addf %add3A_1708, %mul3A_1725 : vector<16xf32>
      %gather3A_1727 = tpu.vector_load_idx %arg13[%add3A_14, %add3A_1680] : memref<64x64xf32, #tpu.memory_space<vmem>>[vector<16xi32>, vector<16xi32>], vector<16xf32>,
      %gather3A_1728 = arith.constant 1 : i32
      %gather3A_1729 = arith.constant 0 : i32
      %gather3A_1730 = arith.constant 0 : i32
      %gather3A_1731 = tpu.memref_slice %arg11[%gather3A_1728, %gather3A_1729, %gather3A_1730] : memref<4x64x128xf32, #tpu.memory_space<vmem>> -> memref<1x64x128xf32, #tpu.memory_space<vmem>>
      %gather3A_1732 = tpu.memref_squeeze %gather3A_1731 : memref<1x64x128xf32, #tpu.memory_space<vmem>> -> memref<64x128xf32, #tpu.memory_space<vmem>>
      %gather3A_1733 = tpu.vector_load_idx %gather3A_1732[%add3A_14, %add3A_1660] : memref<64x128xf32, #tpu.memory_space<vmem>>[vector<16xi32>, vector<16xi32>], vector<16xf32>,
      %select_n3A_1734 = arith.select %broadcast_in_dim3A_1669, %gather3A_1727, %gather3A_1733 : vector<16xi1>, vector<16xf32>
      %gather3A_1735 = tpu.vector_load_idx %arg14[%add3A_14, %add3A_1688] : memref<64x64xf32, #tpu.memory_space<vmem>>[vector<16xi32>, vector<16xi32>], vector<16xf32>,
      %gather3A_1736 = arith.constant 1 : i32
      %gather3A_1737 = arith.constant 0 : i32
      %gather3A_1738 = arith.constant 0 : i32
      %gather3A_1739 = tpu.memref_slice %arg12[%gather3A_1736, %gather3A_1737, %gather3A_1738] : memref<4x64x128xf32, #tpu.memory_space<vmem>> -> memref<1x64x128xf32, #tpu.memory_space<vmem>>
      %gather3A_1740 = tpu.memref_squeeze %gather3A_1739 : memref<1x64x128xf32, #tpu.memory_space<vmem>> -> memref<64x128xf32, #tpu.memory_space<vmem>>
      %gather3A_1741 = tpu.vector_load_idx %gather3A_1740[%add3A_14, %add3A_1666] : memref<64x128xf32, #tpu.memory_space<vmem>>[vector<16xi32>, vector<16xi32>], vector<16xf32>,
      %select_n3A_1742 = arith.select %broadcast_in_dim3A_1672, %gather3A_1735, %gather3A_1741 : vector<16xi1>, vector<16xf32>
      %mul3A_1743 = arith.mulf %select_n3A_1734, %select_n3A_1742 : vector<16xf32>
      %add3A_1744 = arith.addf %add3A_1726, %mul3A_1743 : vector<16xf32>
      %gather3A_1745 = tpu.vector_load_idx %arg13[%add3A_17, %add3A_1680] : memref<64x64xf32, #tpu.memory_space<vmem>>[vector<16xi32>, vector<16xi32>], vector<16xf32>,
      %gather3A_1746 = arith.constant 1 : i32
      %gather3A_1747 = arith.constant 0 : i32
      %gather3A_1748 = arith.constant 0 : i32
      %gather3A_1749 = tpu.memref_slice %arg11[%gather3A_1746, %gather3A_1747, %gather3A_1748] : memref<4x64x128xf32, #tpu.memory_space<vmem>> -> memref<1x64x128xf32, #tpu.memory_space<vmem>>
      %gather3A_1750 = tpu.memref_squeeze %gather3A_1749 : memref<1x64x128xf32, #tpu.memory_space<vmem>> -> memref<64x128xf32, #tpu.memory_space<vmem>>
      %gather3A_1751 = tpu.vector_load_idx %gather3A_1750[%add3A_17, %add3A_1660] : memref<64x128xf32, #tpu.memory_space<vmem>>[vector<16xi32>, vector<16xi32>], vector<16xf32>,
      %select_n3A_1752 = arith.select %broadcast_in_dim3A_1669, %gather3A_1745, %gather3A_1751 : vector<16xi1>, vector<16xf32>
      %gather3A_1753 = tpu.vector_load_idx %arg14[%add3A_17, %add3A_1688] : memref<64x64xf32, #tpu.memory_space<vmem>>[vector<16xi32>, vector<16xi32>], vector<16xf32>,
      %gather3A_1754 = arith.constant 1 : i32
      %gather3A_1755 = arith.constant 0 : i32
      %gather3A_1756 = arith.constant 0 : i32
      %gather3A_1757 = tpu.memref_slice %arg12[%gather3A_1754, %gather3A_1755, %gather3A_1756] : memref<4x64x128xf32, #tpu.memory_space<vmem>> -> memref<1x64x128xf32, #tpu.memory_space<vmem>>
      %gather3A_1758 = tpu.memref_squeeze %gather3A_1757 : memref<1x64x128xf32, #tpu.memory_space<vmem>> -> memref<64x128xf32, #tpu.memory_space<vmem>>
      %gather3A_1759 = tpu.vector_load_idx %gather3A_1758[%add3A_17, %add3A_1666] : memref<64x128xf32, #tpu.memory_space<vmem>>[vector<16xi32>, vector<16xi32>], vector<16xf32>,
      %select_n3A_1760 = arith.select %broadcast_in_dim3A_1672, %gather3A_1753, %gather3A_1759 : vector<16xi1>, vector<16xf32>
      %mul3A_1761 = arith.mulf %select_n3A_1752, %select_n3A_1760 : vector<16xf32>
      %add3A_1762 = arith.addf %add3A_1744, %mul3A_1761 : vector<16xf32>
      %swap3A_1763 = arith.constant 144 : index
      %swap3A_1764 = tpu.vector_load %arg15[%swap3A_1763] {strides = array<i32>} : memref<256xf32, #tpu.memory_space<vmem>>, vector<16xf32>,
      tpu.vector_store %arg15[%swap3A_1763], %add3A_1762 {strides = array<i32>} : memref<256xf32, #tpu.memory_space<vmem>>, vector<16xf32>,
      %add3A_1765 = arith.constant 13 : i32
      %add3A_1766 = arith.addi %mul3A_198, %add3A_1765 : i32
      %lt3A_1767 = arith.constant 512 : i32
      %lt3A_1768 = arith.cmpi slt, %add3A_1766, %lt3A_1767 : i32
      %convert_element_type3A_1769 = arith.extui %lt3A_1768 : i1 to i32
      %cond3A_1770 = arith.constant 0 : i32
      %cond3A_1771 = arith.cmpi ne, %convert_element_type3A_1769, %cond3A_1770 : i32
      scf.if %cond3A_1771 {
        %slice3A_2805 = vector.extract_strided_slice %get3A_200 {offsets = [13], sizes = [1], strides = [1]} : vector<16xi32> to vector<1xi32>
        %squeeze3A_2806 = vector.extract %slice3A_2805[0] : i32 from vector<1xi32>
        %shift_right_logical3A_2807 = arith.constant 7 : i32
        %shift_right_logical3A_2808 = arith.shrui %squeeze3A_2806, %shift_right_logical3A_2807 : i32
        %mul3A_2809 = arith.constant 128 : i32
        %mul3A_2810 = arith.muli %shift_right_logical3A_2808, %mul3A_2809 : i32
        %min3A_2811 = arith.constant 999808 : i32
        %min3A_2812 = arith.minsi %mul3A_2810, %min3A_2811 : i32
        %multiple_of3A_2813 = tpu.assume_multiple %min3A_2812, 128 : i32
        %dma_start3A_2814 = arith.constant 1 : i32
        %dma_start3A_2815 = arith.constant 0 : i32
        %dma_start3A_2816 = arith.constant 0 : i32
        %dma_start3A_2817 = tpu.memref_slice %arg11[%dma_start3A_2814, %dma_start3A_2815, %dma_start3A_2816] : memref<4x64x128xf32, #tpu.memory_space<vmem>> -> memref<1x64x128xf32, #tpu.memory_space<vmem>>
        %dma_start3A_2818 = tpu.memref_squeeze %dma_start3A_2817 : memref<1x64x128xf32, #tpu.memory_space<vmem>> -> memref<64x128xf32, #tpu.memory_space<vmem>>
        %dma_start3A_2819 = arith.constant 0 : i32
        %dma_start3A_2820 = tpu.memref_slice %arg4[%dma_start3A_2819, %multiple_of3A_2813] : memref<64x1000000xf32, #tpu.memory_space<hbm>> -> memref<64x128xf32, #tpu.memory_space<hbm>>
        %dma_start3A_2821 = arith.constant 0 : i32
        %dma_start3A_2822 = arith.constant 0 : i32
        %dma_start3A_2823 = tpu.memref_slice %arg11[%dma_start3A_2814, %dma_start3A_2821, %dma_start3A_2822] : memref<4x64x128xf32, #tpu.memory_space<vmem>> -> memref<1x64x128xf32, #tpu.memory_space<vmem>>
        %dma_start3A_2824 = tpu.memref_squeeze %dma_start3A_2823 : memref<1x64x128xf32, #tpu.memory_space<vmem>> -> memref<64x128xf32, #tpu.memory_space<vmem>>
        %dma_start3A_2825 = arith.constant 0 : i32
        %dma_start3A_2826 = tpu.memref_slice %arg4[%dma_start3A_2825, %multiple_of3A_2813] : memref<64x1000000xf32, #tpu.memory_space<hbm>> -> memref<64x128xf32, #tpu.memory_space<hbm>>
        tpu.enqueue_dma source(%dma_start3A_2826 : memref<64x128xf32, #tpu.memory_space<hbm>>) target(%dma_start3A_2824 : memref<64x128xf32, #tpu.memory_space<vmem>>) target_semaphore(%arg18 : memref<!tpu.dma_semaphore, #tpu.memory_space<semaphore_mem>>)
      } else {
      }
      %add3A_1772 = arith.constant 13 : i32
      %add3A_1773 = arith.addi %mul3A_198, %add3A_1772 : i32
      %lt3A_1774 = arith.constant 512 : i32
      %lt3A_1775 = arith.cmpi slt, %add3A_1773, %lt3A_1774 : i32
      %convert_element_type3A_1776 = arith.extui %lt3A_1775 : i1 to i32
      %cond3A_1777 = arith.constant 0 : i32
      %cond3A_1778 = arith.cmpi ne, %convert_element_type3A_1776, %cond3A_1777 : i32
      scf.if %cond3A_1778 {
        %slice3A_2805 = vector.extract_strided_slice %get3A_202 {offsets = [13], sizes = [1], strides = [1]} : vector<16xi32> to vector<1xi32>
        %squeeze3A_2806 = vector.extract %slice3A_2805[0] : i32 from vector<1xi32>
        %shift_right_logical3A_2807 = arith.constant 7 : i32
        %shift_right_logical3A_2808 = arith.shrui %squeeze3A_2806, %shift_right_logical3A_2807 : i32
        %mul3A_2809 = arith.constant 128 : i32
        %mul3A_2810 = arith.muli %shift_right_logical3A_2808, %mul3A_2809 : i32
        %min3A_2811 = arith.constant 999808 : i32
        %min3A_2812 = arith.minsi %mul3A_2810, %min3A_2811 : i32
        %multiple_of3A_2813 = tpu.assume_multiple %min3A_2812, 128 : i32
        %dma_start3A_2814 = arith.constant 1 : i32
        %dma_start3A_2815 = arith.constant 0 : i32
        %dma_start3A_2816 = arith.constant 0 : i32
        %dma_start3A_2817 = tpu.memref_slice %arg12[%dma_start3A_2814, %dma_start3A_2815, %dma_start3A_2816] : memref<4x64x128xf32, #tpu.memory_space<vmem>> -> memref<1x64x128xf32, #tpu.memory_space<vmem>>
        %dma_start3A_2818 = tpu.memref_squeeze %dma_start3A_2817 : memref<1x64x128xf32, #tpu.memory_space<vmem>> -> memref<64x128xf32, #tpu.memory_space<vmem>>
        %dma_start3A_2819 = arith.constant 0 : i32
        %dma_start3A_2820 = tpu.memref_slice %arg5[%dma_start3A_2819, %multiple_of3A_2813] : memref<64x1000000xf32, #tpu.memory_space<hbm>> -> memref<64x128xf32, #tpu.memory_space<hbm>>
        %dma_start3A_2821 = arith.constant 0 : i32
        %dma_start3A_2822 = arith.constant 0 : i32
        %dma_start3A_2823 = tpu.memref_slice %arg12[%dma_start3A_2814, %dma_start3A_2821, %dma_start3A_2822] : memref<4x64x128xf32, #tpu.memory_space<vmem>> -> memref<1x64x128xf32, #tpu.memory_space<vmem>>
        %dma_start3A_2824 = tpu.memref_squeeze %dma_start3A_2823 : memref<1x64x128xf32, #tpu.memory_space<vmem>> -> memref<64x128xf32, #tpu.memory_space<vmem>>
        %dma_start3A_2825 = arith.constant 0 : i32
        %dma_start3A_2826 = tpu.memref_slice %arg5[%dma_start3A_2825, %multiple_of3A_2813] : memref<64x1000000xf32, #tpu.memory_space<hbm>> -> memref<64x128xf32, #tpu.memory_space<hbm>>
        tpu.enqueue_dma source(%dma_start3A_2826 : memref<64x128xf32, #tpu.memory_space<hbm>>) target(%dma_start3A_2824 : memref<64x128xf32, #tpu.memory_space<vmem>>) target_semaphore(%arg22 : memref<!tpu.dma_semaphore, #tpu.memory_space<semaphore_mem>>)
      } else {
      }
      %dma_wait3A_1779 = arith.constant 2 : i32
      %dma_wait3A_1780 = arith.constant 0 : i32
      %dma_wait3A_1781 = arith.constant 0 : i32
      %dma_wait3A_1782 = tpu.memref_slice %arg11[%dma_wait3A_1779, %dma_wait3A_1780, %dma_wait3A_1781] : memref<4x64x128xf32, #tpu.memory_space<vmem>> -> memref<1x64x128xf32, #tpu.memory_space<vmem>>
      %dma_wait3A_1783 = tpu.memref_squeeze %dma_wait3A_1782 : memref<1x64x128xf32, #tpu.memory_space<vmem>> -> memref<64x128xf32, #tpu.memory_space<vmem>>
      %dma_wait3A_1784 = arith.constant 0 : i32
      %dma_wait3A_1785 = arith.constant 0 : i32
      %dma_wait3A_1786 = tpu.memref_slice %arg4[%dma_wait3A_1784, %dma_wait3A_1785] : memref<64x1000000xf32, #tpu.memory_space<hbm>> -> memref<64x128xf32, #tpu.memory_space<hbm>>
      %dma_wait3A_1787 = arith.constant 0 : i32
      %dma_wait3A_1788 = arith.constant 0 : i32
      %dma_wait3A_1789 = tpu.memref_slice %arg11[%dma_wait3A_1779, %dma_wait3A_1787, %dma_wait3A_1788] : memref<4x64x128xf32, #tpu.memory_space<vmem>> -> memref<1x64x128xf32, #tpu.memory_space<vmem>>
      %dma_wait3A_1790 = tpu.memref_squeeze %dma_wait3A_1789 : memref<1x64x128xf32, #tpu.memory_space<vmem>> -> memref<64x128xf32, #tpu.memory_space<vmem>>
      %dma_wait3A_1791 = arith.constant 0 : i32
      %dma_wait3A_1792 = arith.constant 0 : i32
      %dma_wait3A_1793 = tpu.memref_slice %arg4[%dma_wait3A_1791, %dma_wait3A_1792] : memref<64x1000000xf32, #tpu.memory_space<hbm>> -> memref<64x128xf32, #tpu.memory_space<hbm>>
      tpu.wait_dma2 semaphore(%arg19 : memref<!tpu.dma_semaphore, #tpu.memory_space<semaphore_mem>>) src(%dma_wait3A_1793 : memref<64x128xf32, #tpu.memory_space<hbm>>) dst(%dma_wait3A_1790 : memref<64x128xf32, #tpu.memory_space<vmem>>)
      %dma_wait3A_1794 = arith.constant 2 : i32
      %dma_wait3A_1795 = arith.constant 0 : i32
      %dma_wait3A_1796 = arith.constant 0 : i32
      %dma_wait3A_1797 = tpu.memref_slice %arg12[%dma_wait3A_1794, %dma_wait3A_1795, %dma_wait3A_1796] : memref<4x64x128xf32, #tpu.memory_space<vmem>> -> memref<1x64x128xf32, #tpu.memory_space<vmem>>
      %dma_wait3A_1798 = tpu.memref_squeeze %dma_wait3A_1797 : memref<1x64x128xf32, #tpu.memory_space<vmem>> -> memref<64x128xf32, #tpu.memory_space<vmem>>
      %dma_wait3A_1799 = arith.constant 0 : i32
      %dma_wait3A_1800 = arith.constant 0 : i32
      %dma_wait3A_1801 = tpu.memref_slice %arg5[%dma_wait3A_1799, %dma_wait3A_1800] : memref<64x1000000xf32, #tpu.memory_space<hbm>> -> memref<64x128xf32, #tpu.memory_space<hbm>>
      %dma_wait3A_1802 = arith.constant 0 : i32
      %dma_wait3A_1803 = arith.constant 0 : i32
      %dma_wait3A_1804 = tpu.memref_slice %arg12[%dma_wait3A_1794, %dma_wait3A_1802, %dma_wait3A_1803] : memref<4x64x128xf32, #tpu.memory_space<vmem>> -> memref<1x64x128xf32, #tpu.memory_space<vmem>>
      %dma_wait3A_1805 = tpu.memref_squeeze %dma_wait3A_1804 : memref<1x64x128xf32, #tpu.memory_space<vmem>> -> memref<64x128xf32, #tpu.memory_space<vmem>>
      %dma_wait3A_1806 = arith.constant 0 : i32
      %dma_wait3A_1807 = arith.constant 0 : i32
      %dma_wait3A_1808 = tpu.memref_slice %arg5[%dma_wait3A_1806, %dma_wait3A_1807] : memref<64x1000000xf32, #tpu.memory_space<hbm>> -> memref<64x128xf32, #tpu.memory_space<hbm>>
      tpu.wait_dma2 semaphore(%arg23 : memref<!tpu.dma_semaphore, #tpu.memory_space<semaphore_mem>>) src(%dma_wait3A_1808 : memref<64x128xf32, #tpu.memory_space<hbm>>) dst(%dma_wait3A_1805 : memref<64x128xf32, #tpu.memory_space<vmem>>)
      %slice3A_1809 = vector.extract_strided_slice %get3A_200 {offsets = [10], sizes = [1], strides = [1]} : vector<16xi32> to vector<1xi32>
      %squeeze3A_1810 = vector.extract %slice3A_1809[0] : i32 from vector<1xi32>
      %slice3A_1811 = vector.extract_strided_slice %get3A_202 {offsets = [10], sizes = [1], strides = [1]} : vector<16xi32> to vector<1xi32>
      %squeeze3A_1812 = vector.extract %slice3A_1811[0] : i32 from vector<1xi32>
      %broadcast_in_dim3A_1813 = arith.constant 0 : i32
      %broadcast_in_dim3A_1814 = vector.broadcast %broadcast_in_dim3A_1813 : i32 to vector<16xi32>
      %and3A_1815 = arith.constant 127 : i32
      %and3A_1816 = arith.andi %squeeze3A_1810, %and3A_1815 : i32
      %add3A_1817 = vector.broadcast %and3A_1816 : i32 to vector<16xi32>
      %add3A_1818 = arith.addi %broadcast_in_dim3A_1814, %add3A_1817 : vector<16xi32>
      %broadcast_in_dim3A_1819 = arith.constant 0 : i32
      %broadcast_in_dim3A_1820 = vector.broadcast %broadcast_in_dim3A_1819 : i32 to vector<16xi32>
      %and3A_1821 = arith.constant 127 : i32
      %and3A_1822 = arith.andi %squeeze3A_1812, %and3A_1821 : i32
      %add3A_1823 = vector.broadcast %and3A_1822 : i32 to vector<16xi32>
      %add3A_1824 = arith.addi %broadcast_in_dim3A_1820, %add3A_1823 : vector<16xi32>
      %ge3A_1825 = arith.constant 999936 : i32
      %ge3A_1826 = arith.cmpi sge, %squeeze3A_1810, %ge3A_1825 : i32
      %broadcast_in_dim3A_1827 = vector.broadcast %ge3A_1826 : i1 to vector<16xi1>
      %ge3A_1828 = arith.constant 999936 : i32
      %ge3A_1829 = arith.cmpi sge, %squeeze3A_1812, %ge3A_1828 : i32
      %broadcast_in_dim3A_1830 = vector.broadcast %ge3A_1829 : i1 to vector<16xi1>
      %broadcast_in_dim3A_1831 = arith.constant 0 : i32
      %broadcast_in_dim3A_1832 = vector.broadcast %broadcast_in_dim3A_1831 : i32 to vector<16xi32>
      %sub3A_1833 = arith.constant 999936 : i32
      %sub3A_1834 = arith.subi %squeeze3A_1810, %sub3A_1833 : i32
      %max3A_1835 = arith.constant 0 : i32
      %max3A_1836 = arith.maxsi %sub3A_1834, %max3A_1835 : i32
      %add3A_1837 = vector.broadcast %max3A_1836 : i32 to vector<16xi32>
      %add3A_1838 = arith.addi %broadcast_in_dim3A_1832, %add3A_1837 : vector<16xi32>
      %broadcast_in_dim3A_1839 = arith.constant 0 : i32
      %broadcast_in_dim3A_1840 = vector.broadcast %broadcast_in_dim3A_1839 : i32 to vector<16xi32>
      %sub3A_1841 = arith.constant 999936 : i32
      %sub3A_1842 = arith.subi %squeeze3A_1812, %sub3A_1841 : i32
      %max3A_1843 = arith.constant 0 : i32
      %max3A_1844 = arith.maxsi %sub3A_1842, %max3A_1843 : i32
      %add3A_1845 = vector.broadcast %max3A_1844 : i32 to vector<16xi32>
      %add3A_1846 = arith.addi %broadcast_in_dim3A_1840, %add3A_1845 : vector<16xi32>
      %broadcast_in_dim3A_1847 = arith.constant 0.000000e+00 : f32
      %broadcast_in_dim3A_1848 = vector.broadcast %broadcast_in_dim3A_1847 : f32 to vector<16xf32>
      %gather3A_1849 = tpu.vector_load_idx %arg13[%add3A_8, %add3A_1838] : memref<64x64xf32, #tpu.memory_space<vmem>>[vector<16xi32>, vector<16xi32>], vector<16xf32>,
      %gather3A_1850 = arith.constant 2 : i32
      %gather3A_1851 = arith.constant 0 : i32
      %gather3A_1852 = arith.constant 0 : i32
      %gather3A_1853 = tpu.memref_slice %arg11[%gather3A_1850, %gather3A_1851, %gather3A_1852] : memref<4x64x128xf32, #tpu.memory_space<vmem>> -> memref<1x64x128xf32, #tpu.memory_space<vmem>>
      %gather3A_1854 = tpu.memref_squeeze %gather3A_1853 : memref<1x64x128xf32, #tpu.memory_space<vmem>> -> memref<64x128xf32, #tpu.memory_space<vmem>>
      %gather3A_1855 = tpu.vector_load_idx %gather3A_1854[%add3A_8, %add3A_1818] : memref<64x128xf32, #tpu.memory_space<vmem>>[vector<16xi32>, vector<16xi32>], vector<16xf32>,
      %select_n3A_1856 = arith.select %broadcast_in_dim3A_1827, %gather3A_1849, %gather3A_1855 : vector<16xi1>, vector<16xf32>
      %gather3A_1857 = tpu.vector_load_idx %arg14[%add3A_8, %add3A_1846] : memref<64x64xf32, #tpu.memory_space<vmem>>[vector<16xi32>, vector<16xi32>], vector<16xf32>,
      %gather3A_1858 = arith.constant 2 : i32
      %gather3A_1859 = arith.constant 0 : i32
      %gather3A_1860 = arith.constant 0 : i32
      %gather3A_1861 = tpu.memref_slice %arg12[%gather3A_1858, %gather3A_1859, %gather3A_1860] : memref<4x64x128xf32, #tpu.memory_space<vmem>> -> memref<1x64x128xf32, #tpu.memory_space<vmem>>
      %gather3A_1862 = tpu.memref_squeeze %gather3A_1861 : memref<1x64x128xf32, #tpu.memory_space<vmem>> -> memref<64x128xf32, #tpu.memory_space<vmem>>
      %gather3A_1863 = tpu.vector_load_idx %gather3A_1862[%add3A_8, %add3A_1824] : memref<64x128xf32, #tpu.memory_space<vmem>>[vector<16xi32>, vector<16xi32>], vector<16xf32>,
      %select_n3A_1864 = arith.select %broadcast_in_dim3A_1830, %gather3A_1857, %gather3A_1863 : vector<16xi1>, vector<16xf32>
      %mul3A_1865 = arith.mulf %select_n3A_1856, %select_n3A_1864 : vector<16xf32>
      %add3A_1866 = arith.addf %broadcast_in_dim3A_1848, %mul3A_1865 : vector<16xf32>
      %gather3A_1867 = tpu.vector_load_idx %arg13[%add3A_11, %add3A_1838] : memref<64x64xf32, #tpu.memory_space<vmem>>[vector<16xi32>, vector<16xi32>], vector<16xf32>,
      %gather3A_1868 = arith.constant 2 : i32
      %gather3A_1869 = arith.constant 0 : i32
      %gather3A_1870 = arith.constant 0 : i32
      %gather3A_1871 = tpu.memref_slice %arg11[%gather3A_1868, %gather3A_1869, %gather3A_1870] : memref<4x64x128xf32, #tpu.memory_space<vmem>> -> memref<1x64x128xf32, #tpu.memory_space<vmem>>
      %gather3A_1872 = tpu.memref_squeeze %gather3A_1871 : memref<1x64x128xf32, #tpu.memory_space<vmem>> -> memref<64x128xf32, #tpu.memory_space<vmem>>
      %gather3A_1873 = tpu.vector_load_idx %gather3A_1872[%add3A_11, %add3A_1818] : memref<64x128xf32, #tpu.memory_space<vmem>>[vector<16xi32>, vector<16xi32>], vector<16xf32>,
      %select_n3A_1874 = arith.select %broadcast_in_dim3A_1827, %gather3A_1867, %gather3A_1873 : vector<16xi1>, vector<16xf32>
      %gather3A_1875 = tpu.vector_load_idx %arg14[%add3A_11, %add3A_1846] : memref<64x64xf32, #tpu.memory_space<vmem>>[vector<16xi32>, vector<16xi32>], vector<16xf32>,
      %gather3A_1876 = arith.constant 2 : i32
      %gather3A_1877 = arith.constant 0 : i32
      %gather3A_1878 = arith.constant 0 : i32
      %gather3A_1879 = tpu.memref_slice %arg12[%gather3A_1876, %gather3A_1877, %gather3A_1878] : memref<4x64x128xf32, #tpu.memory_space<vmem>> -> memref<1x64x128xf32, #tpu.memory_space<vmem>>
      %gather3A_1880 = tpu.memref_squeeze %gather3A_1879 : memref<1x64x128xf32, #tpu.memory_space<vmem>> -> memref<64x128xf32, #tpu.memory_space<vmem>>
      %gather3A_1881 = tpu.vector_load_idx %gather3A_1880[%add3A_11, %add3A_1824] : memref<64x128xf32, #tpu.memory_space<vmem>>[vector<16xi32>, vector<16xi32>], vector<16xf32>,
      %select_n3A_1882 = arith.select %broadcast_in_dim3A_1830, %gather3A_1875, %gather3A_1881 : vector<16xi1>, vector<16xf32>
      %mul3A_1883 = arith.mulf %select_n3A_1874, %select_n3A_1882 : vector<16xf32>
      %add3A_1884 = arith.addf %add3A_1866, %mul3A_1883 : vector<16xf32>
      %gather3A_1885 = tpu.vector_load_idx %arg13[%add3A_14, %add3A_1838] : memref<64x64xf32, #tpu.memory_space<vmem>>[vector<16xi32>, vector<16xi32>], vector<16xf32>,
      %gather3A_1886 = arith.constant 2 : i32
      %gather3A_1887 = arith.constant 0 : i32
      %gather3A_1888 = arith.constant 0 : i32
      %gather3A_1889 = tpu.memref_slice %arg11[%gather3A_1886, %gather3A_1887, %gather3A_1888] : memref<4x64x128xf32, #tpu.memory_space<vmem>> -> memref<1x64x128xf32, #tpu.memory_space<vmem>>
      %gather3A_1890 = tpu.memref_squeeze %gather3A_1889 : memref<1x64x128xf32, #tpu.memory_space<vmem>> -> memref<64x128xf32, #tpu.memory_space<vmem>>
      %gather3A_1891 = tpu.vector_load_idx %gather3A_1890[%add3A_14, %add3A_1818] : memref<64x128xf32, #tpu.memory_space<vmem>>[vector<16xi32>, vector<16xi32>], vector<16xf32>,
      %select_n3A_1892 = arith.select %broadcast_in_dim3A_1827, %gather3A_1885, %gather3A_1891 : vector<16xi1>, vector<16xf32>
      %gather3A_1893 = tpu.vector_load_idx %arg14[%add3A_14, %add3A_1846] : memref<64x64xf32, #tpu.memory_space<vmem>>[vector<16xi32>, vector<16xi32>], vector<16xf32>,
      %gather3A_1894 = arith.constant 2 : i32
      %gather3A_1895 = arith.constant 0 : i32
      %gather3A_1896 = arith.constant 0 : i32
      %gather3A_1897 = tpu.memref_slice %arg12[%gather3A_1894, %gather3A_1895, %gather3A_1896] : memref<4x64x128xf32, #tpu.memory_space<vmem>> -> memref<1x64x128xf32, #tpu.memory_space<vmem>>
      %gather3A_1898 = tpu.memref_squeeze %gather3A_1897 : memref<1x64x128xf32, #tpu.memory_space<vmem>> -> memref<64x128xf32, #tpu.memory_space<vmem>>
      %gather3A_1899 = tpu.vector_load_idx %gather3A_1898[%add3A_14, %add3A_1824] : memref<64x128xf32, #tpu.memory_space<vmem>>[vector<16xi32>, vector<16xi32>], vector<16xf32>,
      %select_n3A_1900 = arith.select %broadcast_in_dim3A_1830, %gather3A_1893, %gather3A_1899 : vector<16xi1>, vector<16xf32>
      %mul3A_1901 = arith.mulf %select_n3A_1892, %select_n3A_1900 : vector<16xf32>
      %add3A_1902 = arith.addf %add3A_1884, %mul3A_1901 : vector<16xf32>
      %gather3A_1903 = tpu.vector_load_idx %arg13[%add3A_17, %add3A_1838] : memref<64x64xf32, #tpu.memory_space<vmem>>[vector<16xi32>, vector<16xi32>], vector<16xf32>,
      %gather3A_1904 = arith.constant 2 : i32
      %gather3A_1905 = arith.constant 0 : i32
      %gather3A_1906 = arith.constant 0 : i32
      %gather3A_1907 = tpu.memref_slice %arg11[%gather3A_1904, %gather3A_1905, %gather3A_1906] : memref<4x64x128xf32, #tpu.memory_space<vmem>> -> memref<1x64x128xf32, #tpu.memory_space<vmem>>
      %gather3A_1908 = tpu.memref_squeeze %gather3A_1907 : memref<1x64x128xf32, #tpu.memory_space<vmem>> -> memref<64x128xf32, #tpu.memory_space<vmem>>
      %gather3A_1909 = tpu.vector_load_idx %gather3A_1908[%add3A_17, %add3A_1818] : memref<64x128xf32, #tpu.memory_space<vmem>>[vector<16xi32>, vector<16xi32>], vector<16xf32>,
      %select_n3A_1910 = arith.select %broadcast_in_dim3A_1827, %gather3A_1903, %gather3A_1909 : vector<16xi1>, vector<16xf32>
      %gather3A_1911 = tpu.vector_load_idx %arg14[%add3A_17, %add3A_1846] : memref<64x64xf32, #tpu.memory_space<vmem>>[vector<16xi32>, vector<16xi32>], vector<16xf32>,
      %gather3A_1912 = arith.constant 2 : i32
      %gather3A_1913 = arith.constant 0 : i32
      %gather3A_1914 = arith.constant 0 : i32
      %gather3A_1915 = tpu.memref_slice %arg12[%gather3A_1912, %gather3A_1913, %gather3A_1914] : memref<4x64x128xf32, #tpu.memory_space<vmem>> -> memref<1x64x128xf32, #tpu.memory_space<vmem>>
      %gather3A_1916 = tpu.memref_squeeze %gather3A_1915 : memref<1x64x128xf32, #tpu.memory_space<vmem>> -> memref<64x128xf32, #tpu.memory_space<vmem>>
      %gather3A_1917 = tpu.vector_load_idx %gather3A_1916[%add3A_17, %add3A_1824] : memref<64x128xf32, #tpu.memory_space<vmem>>[vector<16xi32>, vector<16xi32>], vector<16xf32>,
      %select_n3A_1918 = arith.select %broadcast_in_dim3A_1830, %gather3A_1911, %gather3A_1917 : vector<16xi1>, vector<16xf32>
      %mul3A_1919 = arith.mulf %select_n3A_1910, %select_n3A_1918 : vector<16xf32>
      %add3A_1920 = arith.addf %add3A_1902, %mul3A_1919 : vector<16xf32>
      %swap3A_1921 = arith.constant 160 : index
      %swap3A_1922 = tpu.vector_load %arg15[%swap3A_1921] {strides = array<i32>} : memref<256xf32, #tpu.memory_space<vmem>>, vector<16xf32>,
      tpu.vector_store %arg15[%swap3A_1921], %add3A_1920 {strides = array<i32>} : memref<256xf32, #tpu.memory_space<vmem>>, vector<16xf32>,
      %add3A_1923 = arith.constant 14 : i32
      %add3A_1924 = arith.addi %mul3A_198, %add3A_1923 : i32
      %lt3A_1925 = arith.constant 512 : i32
      %lt3A_1926 = arith.cmpi slt, %add3A_1924, %lt3A_1925 : i32
      %convert_element_type3A_1927 = arith.extui %lt3A_1926 : i1 to i32
      %cond3A_1928 = arith.constant 0 : i32
      %cond3A_1929 = arith.cmpi ne, %convert_element_type3A_1927, %cond3A_1928 : i32
      scf.if %cond3A_1929 {
        %slice3A_2805 = vector.extract_strided_slice %get3A_200 {offsets = [14], sizes = [1], strides = [1]} : vector<16xi32> to vector<1xi32>
        %squeeze3A_2806 = vector.extract %slice3A_2805[0] : i32 from vector<1xi32>
        %shift_right_logical3A_2807 = arith.constant 7 : i32
        %shift_right_logical3A_2808 = arith.shrui %squeeze3A_2806, %shift_right_logical3A_2807 : i32
        %mul3A_2809 = arith.constant 128 : i32
        %mul3A_2810 = arith.muli %shift_right_logical3A_2808, %mul3A_2809 : i32
        %min3A_2811 = arith.constant 999808 : i32
        %min3A_2812 = arith.minsi %mul3A_2810, %min3A_2811 : i32
        %multiple_of3A_2813 = tpu.assume_multiple %min3A_2812, 128 : i32
        %dma_start3A_2814 = arith.constant 2 : i32
        %dma_start3A_2815 = arith.constant 0 : i32
        %dma_start3A_2816 = arith.constant 0 : i32
        %dma_start3A_2817 = tpu.memref_slice %arg11[%dma_start3A_2814, %dma_start3A_2815, %dma_start3A_2816] : memref<4x64x128xf32, #tpu.memory_space<vmem>> -> memref<1x64x128xf32, #tpu.memory_space<vmem>>
        %dma_start3A_2818 = tpu.memref_squeeze %dma_start3A_2817 : memref<1x64x128xf32, #tpu.memory_space<vmem>> -> memref<64x128xf32, #tpu.memory_space<vmem>>
        %dma_start3A_2819 = arith.constant 0 : i32
        %dma_start3A_2820 = tpu.memref_slice %arg4[%dma_start3A_2819, %multiple_of3A_2813] : memref<64x1000000xf32, #tpu.memory_space<hbm>> -> memref<64x128xf32, #tpu.memory_space<hbm>>
        %dma_start3A_2821 = arith.constant 0 : i32
        %dma_start3A_2822 = arith.constant 0 : i32
        %dma_start3A_2823 = tpu.memref_slice %arg11[%dma_start3A_2814, %dma_start3A_2821, %dma_start3A_2822] : memref<4x64x128xf32, #tpu.memory_space<vmem>> -> memref<1x64x128xf32, #tpu.memory_space<vmem>>
        %dma_start3A_2824 = tpu.memref_squeeze %dma_start3A_2823 : memref<1x64x128xf32, #tpu.memory_space<vmem>> -> memref<64x128xf32, #tpu.memory_space<vmem>>
        %dma_start3A_2825 = arith.constant 0 : i32
        %dma_start3A_2826 = tpu.memref_slice %arg4[%dma_start3A_2825, %multiple_of3A_2813] : memref<64x1000000xf32, #tpu.memory_space<hbm>> -> memref<64x128xf32, #tpu.memory_space<hbm>>
        tpu.enqueue_dma source(%dma_start3A_2826 : memref<64x128xf32, #tpu.memory_space<hbm>>) target(%dma_start3A_2824 : memref<64x128xf32, #tpu.memory_space<vmem>>) target_semaphore(%arg19 : memref<!tpu.dma_semaphore, #tpu.memory_space<semaphore_mem>>)
      } else {
      }
      %add3A_1930 = arith.constant 14 : i32
      %add3A_1931 = arith.addi %mul3A_198, %add3A_1930 : i32
      %lt3A_1932 = arith.constant 512 : i32
      %lt3A_1933 = arith.cmpi slt, %add3A_1931, %lt3A_1932 : i32
      %convert_element_type3A_1934 = arith.extui %lt3A_1933 : i1 to i32
      %cond3A_1935 = arith.constant 0 : i32
      %cond3A_1936 = arith.cmpi ne, %convert_element_type3A_1934, %cond3A_1935 : i32
      scf.if %cond3A_1936 {
        %slice3A_2805 = vector.extract_strided_slice %get3A_202 {offsets = [14], sizes = [1], strides = [1]} : vector<16xi32> to vector<1xi32>
        %squeeze3A_2806 = vector.extract %slice3A_2805[0] : i32 from vector<1xi32>
        %shift_right_logical3A_2807 = arith.constant 7 : i32
        %shift_right_logical3A_2808 = arith.shrui %squeeze3A_2806, %shift_right_logical3A_2807 : i32
        %mul3A_2809 = arith.constant 128 : i32
        %mul3A_2810 = arith.muli %shift_right_logical3A_2808, %mul3A_2809 : i32
        %min3A_2811 = arith.constant 999808 : i32
        %min3A_2812 = arith.minsi %mul3A_2810, %min3A_2811 : i32
        %multiple_of3A_2813 = tpu.assume_multiple %min3A_2812, 128 : i32
        %dma_start3A_2814 = arith.constant 2 : i32
        %dma_start3A_2815 = arith.constant 0 : i32
        %dma_start3A_2816 = arith.constant 0 : i32
        %dma_start3A_2817 = tpu.memref_slice %arg12[%dma_start3A_2814, %dma_start3A_2815, %dma_start3A_2816] : memref<4x64x128xf32, #tpu.memory_space<vmem>> -> memref<1x64x128xf32, #tpu.memory_space<vmem>>
        %dma_start3A_2818 = tpu.memref_squeeze %dma_start3A_2817 : memref<1x64x128xf32, #tpu.memory_space<vmem>> -> memref<64x128xf32, #tpu.memory_space<vmem>>
        %dma_start3A_2819 = arith.constant 0 : i32
        %dma_start3A_2820 = tpu.memref_slice %arg5[%dma_start3A_2819, %multiple_of3A_2813] : memref<64x1000000xf32, #tpu.memory_space<hbm>> -> memref<64x128xf32, #tpu.memory_space<hbm>>
        %dma_start3A_2821 = arith.constant 0 : i32
        %dma_start3A_2822 = arith.constant 0 : i32
        %dma_start3A_2823 = tpu.memref_slice %arg12[%dma_start3A_2814, %dma_start3A_2821, %dma_start3A_2822] : memref<4x64x128xf32, #tpu.memory_space<vmem>> -> memref<1x64x128xf32, #tpu.memory_space<vmem>>
        %dma_start3A_2824 = tpu.memref_squeeze %dma_start3A_2823 : memref<1x64x128xf32, #tpu.memory_space<vmem>> -> memref<64x128xf32, #tpu.memory_space<vmem>>
        %dma_start3A_2825 = arith.constant 0 : i32
        %dma_start3A_2826 = tpu.memref_slice %arg5[%dma_start3A_2825, %multiple_of3A_2813] : memref<64x1000000xf32, #tpu.memory_space<hbm>> -> memref<64x128xf32, #tpu.memory_space<hbm>>
        tpu.enqueue_dma source(%dma_start3A_2826 : memref<64x128xf32, #tpu.memory_space<hbm>>) target(%dma_start3A_2824 : memref<64x128xf32, #tpu.memory_space<vmem>>) target_semaphore(%arg23 : memref<!tpu.dma_semaphore, #tpu.memory_space<semaphore_mem>>)
      } else {
      }
      %dma_wait3A_1937 = arith.constant 3 : i32
      %dma_wait3A_1938 = arith.constant 0 : i32
      %dma_wait3A_1939 = arith.constant 0 : i32
      %dma_wait3A_1940 = tpu.memref_slice %arg11[%dma_wait3A_1937, %dma_wait3A_1938, %dma_wait3A_1939] : memref<4x64x128xf32, #tpu.memory_space<vmem>> -> memref<1x64x128xf32, #tpu.memory_space<vmem>>
      %dma_wait3A_1941 = tpu.memref_squeeze %dma_wait3A_1940 : memref<1x64x128xf32, #tpu.memory_space<vmem>> -> memref<64x128xf32, #tpu.memory_space<vmem>>
      %dma_wait3A_1942 = arith.constant 0 : i32
      %dma_wait3A_1943 = arith.constant 0 : i32
      %dma_wait3A_1944 = tpu.memref_slice %arg4[%dma_wait3A_1942, %dma_wait3A_1943] : memref<64x1000000xf32, #tpu.memory_space<hbm>> -> memref<64x128xf32, #tpu.memory_space<hbm>>
      %dma_wait3A_1945 = arith.constant 0 : i32
      %dma_wait3A_1946 = arith.constant 0 : i32
      %dma_wait3A_1947 = tpu.memref_slice %arg11[%dma_wait3A_1937, %dma_wait3A_1945, %dma_wait3A_1946] : memref<4x64x128xf32, #tpu.memory_space<vmem>> -> memref<1x64x128xf32, #tpu.memory_space<vmem>>
      %dma_wait3A_1948 = tpu.memref_squeeze %dma_wait3A_1947 : memref<1x64x128xf32, #tpu.memory_space<vmem>> -> memref<64x128xf32, #tpu.memory_space<vmem>>
      %dma_wait3A_1949 = arith.constant 0 : i32
      %dma_wait3A_1950 = arith.constant 0 : i32
      %dma_wait3A_1951 = tpu.memref_slice %arg4[%dma_wait3A_1949, %dma_wait3A_1950] : memref<64x1000000xf32, #tpu.memory_space<hbm>> -> memref<64x128xf32, #tpu.memory_space<hbm>>
      tpu.wait_dma2 semaphore(%arg20 : memref<!tpu.dma_semaphore, #tpu.memory_space<semaphore_mem>>) src(%dma_wait3A_1951 : memref<64x128xf32, #tpu.memory_space<hbm>>) dst(%dma_wait3A_1948 : memref<64x128xf32, #tpu.memory_space<vmem>>)
      %dma_wait3A_1952 = arith.constant 3 : i32
      %dma_wait3A_1953 = arith.constant 0 : i32
      %dma_wait3A_1954 = arith.constant 0 : i32
      %dma_wait3A_1955 = tpu.memref_slice %arg12[%dma_wait3A_1952, %dma_wait3A_1953, %dma_wait3A_1954] : memref<4x64x128xf32, #tpu.memory_space<vmem>> -> memref<1x64x128xf32, #tpu.memory_space<vmem>>
      %dma_wait3A_1956 = tpu.memref_squeeze %dma_wait3A_1955 : memref<1x64x128xf32, #tpu.memory_space<vmem>> -> memref<64x128xf32, #tpu.memory_space<vmem>>
      %dma_wait3A_1957 = arith.constant 0 : i32
      %dma_wait3A_1958 = arith.constant 0 : i32
      %dma_wait3A_1959 = tpu.memref_slice %arg5[%dma_wait3A_1957, %dma_wait3A_1958] : memref<64x1000000xf32, #tpu.memory_space<hbm>> -> memref<64x128xf32, #tpu.memory_space<hbm>>
      %dma_wait3A_1960 = arith.constant 0 : i32
      %dma_wait3A_1961 = arith.constant 0 : i32
      %dma_wait3A_1962 = tpu.memref_slice %arg12[%dma_wait3A_1952, %dma_wait3A_1960, %dma_wait3A_1961] : memref<4x64x128xf32, #tpu.memory_space<vmem>> -> memref<1x64x128xf32, #tpu.memory_space<vmem>>
      %dma_wait3A_1963 = tpu.memref_squeeze %dma_wait3A_1962 : memref<1x64x128xf32, #tpu.memory_space<vmem>> -> memref<64x128xf32, #tpu.memory_space<vmem>>
      %dma_wait3A_1964 = arith.constant 0 : i32
      %dma_wait3A_1965 = arith.constant 0 : i32
      %dma_wait3A_1966 = tpu.memref_slice %arg5[%dma_wait3A_1964, %dma_wait3A_1965] : memref<64x1000000xf32, #tpu.memory_space<hbm>> -> memref<64x128xf32, #tpu.memory_space<hbm>>
      tpu.wait_dma2 semaphore(%arg24 : memref<!tpu.dma_semaphore, #tpu.memory_space<semaphore_mem>>) src(%dma_wait3A_1966 : memref<64x128xf32, #tpu.memory_space<hbm>>) dst(%dma_wait3A_1963 : memref<64x128xf32, #tpu.memory_space<vmem>>)
      %slice3A_1967 = vector.extract_strided_slice %get3A_200 {offsets = [11], sizes = [1], strides = [1]} : vector<16xi32> to vector<1xi32>
      %squeeze3A_1968 = vector.extract %slice3A_1967[0] : i32 from vector<1xi32>
      %slice3A_1969 = vector.extract_strided_slice %get3A_202 {offsets = [11], sizes = [1], strides = [1]} : vector<16xi32> to vector<1xi32>
      %squeeze3A_1970 = vector.extract %slice3A_1969[0] : i32 from vector<1xi32>
      %broadcast_in_dim3A_1971 = arith.constant 0 : i32
      %broadcast_in_dim3A_1972 = vector.broadcast %broadcast_in_dim3A_1971 : i32 to vector<16xi32>
      %and3A_1973 = arith.constant 127 : i32
      %and3A_1974 = arith.andi %squeeze3A_1968, %and3A_1973 : i32
      %add3A_1975 = vector.broadcast %and3A_1974 : i32 to vector<16xi32>
      %add3A_1976 = arith.addi %broadcast_in_dim3A_1972, %add3A_1975 : vector<16xi32>
      %broadcast_in_dim3A_1977 = arith.constant 0 : i32
      %broadcast_in_dim3A_1978 = vector.broadcast %broadcast_in_dim3A_1977 : i32 to vector<16xi32>
      %and3A_1979 = arith.constant 127 : i32
      %and3A_1980 = arith.andi %squeeze3A_1970, %and3A_1979 : i32
      %add3A_1981 = vector.broadcast %and3A_1980 : i32 to vector<16xi32>
      %add3A_1982 = arith.addi %broadcast_in_dim3A_1978, %add3A_1981 : vector<16xi32>
      %ge3A_1983 = arith.constant 999936 : i32
      %ge3A_1984 = arith.cmpi sge, %squeeze3A_1968, %ge3A_1983 : i32
      %broadcast_in_dim3A_1985 = vector.broadcast %ge3A_1984 : i1 to vector<16xi1>
      %ge3A_1986 = arith.constant 999936 : i32
      %ge3A_1987 = arith.cmpi sge, %squeeze3A_1970, %ge3A_1986 : i32
      %broadcast_in_dim3A_1988 = vector.broadcast %ge3A_1987 : i1 to vector<16xi1>
      %broadcast_in_dim3A_1989 = arith.constant 0 : i32
      %broadcast_in_dim3A_1990 = vector.broadcast %broadcast_in_dim3A_1989 : i32 to vector<16xi32>
      %sub3A_1991 = arith.constant 999936 : i32
      %sub3A_1992 = arith.subi %squeeze3A_1968, %sub3A_1991 : i32
      %max3A_1993 = arith.constant 0 : i32
      %max3A_1994 = arith.maxsi %sub3A_1992, %max3A_1993 : i32
      %add3A_1995 = vector.broadcast %max3A_1994 : i32 to vector<16xi32>
      %add3A_1996 = arith.addi %broadcast_in_dim3A_1990, %add3A_1995 : vector<16xi32>
      %broadcast_in_dim3A_1997 = arith.constant 0 : i32
      %broadcast_in_dim3A_1998 = vector.broadcast %broadcast_in_dim3A_1997 : i32 to vector<16xi32>
      %sub3A_1999 = arith.constant 999936 : i32
      %sub3A_2000 = arith.subi %squeeze3A_1970, %sub3A_1999 : i32
      %max3A_2001 = arith.constant 0 : i32
      %max3A_2002 = arith.maxsi %sub3A_2000, %max3A_2001 : i32
      %add3A_2003 = vector.broadcast %max3A_2002 : i32 to vector<16xi32>
      %add3A_2004 = arith.addi %broadcast_in_dim3A_1998, %add3A_2003 : vector<16xi32>
      %broadcast_in_dim3A_2005 = arith.constant 0.000000e+00 : f32
      %broadcast_in_dim3A_2006 = vector.broadcast %broadcast_in_dim3A_2005 : f32 to vector<16xf32>
      %gather3A_2007 = tpu.vector_load_idx %arg13[%add3A_8, %add3A_1996] : memref<64x64xf32, #tpu.memory_space<vmem>>[vector<16xi32>, vector<16xi32>], vector<16xf32>,
      %gather3A_2008 = arith.constant 3 : i32
      %gather3A_2009 = arith.constant 0 : i32
      %gather3A_2010 = arith.constant 0 : i32
      %gather3A_2011 = tpu.memref_slice %arg11[%gather3A_2008, %gather3A_2009, %gather3A_2010] : memref<4x64x128xf32, #tpu.memory_space<vmem>> -> memref<1x64x128xf32, #tpu.memory_space<vmem>>
      %gather3A_2012 = tpu.memref_squeeze %gather3A_2011 : memref<1x64x128xf32, #tpu.memory_space<vmem>> -> memref<64x128xf32, #tpu.memory_space<vmem>>
      %gather3A_2013 = tpu.vector_load_idx %gather3A_2012[%add3A_8, %add3A_1976] : memref<64x128xf32, #tpu.memory_space<vmem>>[vector<16xi32>, vector<16xi32>], vector<16xf32>,
      %select_n3A_2014 = arith.select %broadcast_in_dim3A_1985, %gather3A_2007, %gather3A_2013 : vector<16xi1>, vector<16xf32>
      %gather3A_2015 = tpu.vector_load_idx %arg14[%add3A_8, %add3A_2004] : memref<64x64xf32, #tpu.memory_space<vmem>>[vector<16xi32>, vector<16xi32>], vector<16xf32>,
      %gather3A_2016 = arith.constant 3 : i32
      %gather3A_2017 = arith.constant 0 : i32
      %gather3A_2018 = arith.constant 0 : i32
      %gather3A_2019 = tpu.memref_slice %arg12[%gather3A_2016, %gather3A_2017, %gather3A_2018] : memref<4x64x128xf32, #tpu.memory_space<vmem>> -> memref<1x64x128xf32, #tpu.memory_space<vmem>>
      %gather3A_2020 = tpu.memref_squeeze %gather3A_2019 : memref<1x64x128xf32, #tpu.memory_space<vmem>> -> memref<64x128xf32, #tpu.memory_space<vmem>>
      %gather3A_2021 = tpu.vector_load_idx %gather3A_2020[%add3A_8, %add3A_1982] : memref<64x128xf32, #tpu.memory_space<vmem>>[vector<16xi32>, vector<16xi32>], vector<16xf32>,
      %select_n3A_2022 = arith.select %broadcast_in_dim3A_1988, %gather3A_2015, %gather3A_2021 : vector<16xi1>, vector<16xf32>
      %mul3A_2023 = arith.mulf %select_n3A_2014, %select_n3A_2022 : vector<16xf32>
      %add3A_2024 = arith.addf %broadcast_in_dim3A_2006, %mul3A_2023 : vector<16xf32>
      %gather3A_2025 = tpu.vector_load_idx %arg13[%add3A_11, %add3A_1996] : memref<64x64xf32, #tpu.memory_space<vmem>>[vector<16xi32>, vector<16xi32>], vector<16xf32>,
      %gather3A_2026 = arith.constant 3 : i32
      %gather3A_2027 = arith.constant 0 : i32
      %gather3A_2028 = arith.constant 0 : i32
      %gather3A_2029 = tpu.memref_slice %arg11[%gather3A_2026, %gather3A_2027, %gather3A_2028] : memref<4x64x128xf32, #tpu.memory_space<vmem>> -> memref<1x64x128xf32, #tpu.memory_space<vmem>>
      %gather3A_2030 = tpu.memref_squeeze %gather3A_2029 : memref<1x64x128xf32, #tpu.memory_space<vmem>> -> memref<64x128xf32, #tpu.memory_space<vmem>>
      %gather3A_2031 = tpu.vector_load_idx %gather3A_2030[%add3A_11, %add3A_1976] : memref<64x128xf32, #tpu.memory_space<vmem>>[vector<16xi32>, vector<16xi32>], vector<16xf32>,
      %select_n3A_2032 = arith.select %broadcast_in_dim3A_1985, %gather3A_2025, %gather3A_2031 : vector<16xi1>, vector<16xf32>
      %gather3A_2033 = tpu.vector_load_idx %arg14[%add3A_11, %add3A_2004] : memref<64x64xf32, #tpu.memory_space<vmem>>[vector<16xi32>, vector<16xi32>], vector<16xf32>,
      %gather3A_2034 = arith.constant 3 : i32
      %gather3A_2035 = arith.constant 0 : i32
      %gather3A_2036 = arith.constant 0 : i32
      %gather3A_2037 = tpu.memref_slice %arg12[%gather3A_2034, %gather3A_2035, %gather3A_2036] : memref<4x64x128xf32, #tpu.memory_space<vmem>> -> memref<1x64x128xf32, #tpu.memory_space<vmem>>
      %gather3A_2038 = tpu.memref_squeeze %gather3A_2037 : memref<1x64x128xf32, #tpu.memory_space<vmem>> -> memref<64x128xf32, #tpu.memory_space<vmem>>
      %gather3A_2039 = tpu.vector_load_idx %gather3A_2038[%add3A_11, %add3A_1982] : memref<64x128xf32, #tpu.memory_space<vmem>>[vector<16xi32>, vector<16xi32>], vector<16xf32>,
      %select_n3A_2040 = arith.select %broadcast_in_dim3A_1988, %gather3A_2033, %gather3A_2039 : vector<16xi1>, vector<16xf32>
      %mul3A_2041 = arith.mulf %select_n3A_2032, %select_n3A_2040 : vector<16xf32>
      %add3A_2042 = arith.addf %add3A_2024, %mul3A_2041 : vector<16xf32>
      %gather3A_2043 = tpu.vector_load_idx %arg13[%add3A_14, %add3A_1996] : memref<64x64xf32, #tpu.memory_space<vmem>>[vector<16xi32>, vector<16xi32>], vector<16xf32>,
      %gather3A_2044 = arith.constant 3 : i32
      %gather3A_2045 = arith.constant 0 : i32
      %gather3A_2046 = arith.constant 0 : i32
      %gather3A_2047 = tpu.memref_slice %arg11[%gather3A_2044, %gather3A_2045, %gather3A_2046] : memref<4x64x128xf32, #tpu.memory_space<vmem>> -> memref<1x64x128xf32, #tpu.memory_space<vmem>>
      %gather3A_2048 = tpu.memref_squeeze %gather3A_2047 : memref<1x64x128xf32, #tpu.memory_space<vmem>> -> memref<64x128xf32, #tpu.memory_space<vmem>>
      %gather3A_2049 = tpu.vector_load_idx %gather3A_2048[%add3A_14, %add3A_1976] : memref<64x128xf32, #tpu.memory_space<vmem>>[vector<16xi32>, vector<16xi32>], vector<16xf32>,
      %select_n3A_2050 = arith.select %broadcast_in_dim3A_1985, %gather3A_2043, %gather3A_2049 : vector<16xi1>, vector<16xf32>
      %gather3A_2051 = tpu.vector_load_idx %arg14[%add3A_14, %add3A_2004] : memref<64x64xf32, #tpu.memory_space<vmem>>[vector<16xi32>, vector<16xi32>], vector<16xf32>,
      %gather3A_2052 = arith.constant 3 : i32
      %gather3A_2053 = arith.constant 0 : i32
      %gather3A_2054 = arith.constant 0 : i32
      %gather3A_2055 = tpu.memref_slice %arg12[%gather3A_2052, %gather3A_2053, %gather3A_2054] : memref<4x64x128xf32, #tpu.memory_space<vmem>> -> memref<1x64x128xf32, #tpu.memory_space<vmem>>
      %gather3A_2056 = tpu.memref_squeeze %gather3A_2055 : memref<1x64x128xf32, #tpu.memory_space<vmem>> -> memref<64x128xf32, #tpu.memory_space<vmem>>
      %gather3A_2057 = tpu.vector_load_idx %gather3A_2056[%add3A_14, %add3A_1982] : memref<64x128xf32, #tpu.memory_space<vmem>>[vector<16xi32>, vector<16xi32>], vector<16xf32>,
      %select_n3A_2058 = arith.select %broadcast_in_dim3A_1988, %gather3A_2051, %gather3A_2057 : vector<16xi1>, vector<16xf32>
      %mul3A_2059 = arith.mulf %select_n3A_2050, %select_n3A_2058 : vector<16xf32>
      %add3A_2060 = arith.addf %add3A_2042, %mul3A_2059 : vector<16xf32>
      %gather3A_2061 = tpu.vector_load_idx %arg13[%add3A_17, %add3A_1996] : memref<64x64xf32, #tpu.memory_space<vmem>>[vector<16xi32>, vector<16xi32>], vector<16xf32>,
      %gather3A_2062 = arith.constant 3 : i32
      %gather3A_2063 = arith.constant 0 : i32
      %gather3A_2064 = arith.constant 0 : i32
      %gather3A_2065 = tpu.memref_slice %arg11[%gather3A_2062, %gather3A_2063, %gather3A_2064] : memref<4x64x128xf32, #tpu.memory_space<vmem>> -> memref<1x64x128xf32, #tpu.memory_space<vmem>>
      %gather3A_2066 = tpu.memref_squeeze %gather3A_2065 : memref<1x64x128xf32, #tpu.memory_space<vmem>> -> memref<64x128xf32, #tpu.memory_space<vmem>>
      %gather3A_2067 = tpu.vector_load_idx %gather3A_2066[%add3A_17, %add3A_1976] : memref<64x128xf32, #tpu.memory_space<vmem>>[vector<16xi32>, vector<16xi32>], vector<16xf32>,
      %select_n3A_2068 = arith.select %broadcast_in_dim3A_1985, %gather3A_2061, %gather3A_2067 : vector<16xi1>, vector<16xf32>
      %gather3A_2069 = tpu.vector_load_idx %arg14[%add3A_17, %add3A_2004] : memref<64x64xf32, #tpu.memory_space<vmem>>[vector<16xi32>, vector<16xi32>], vector<16xf32>,
      %gather3A_2070 = arith.constant 3 : i32
      %gather3A_2071 = arith.constant 0 : i32
      %gather3A_2072 = arith.constant 0 : i32
      %gather3A_2073 = tpu.memref_slice %arg12[%gather3A_2070, %gather3A_2071, %gather3A_2072] : memref<4x64x128xf32, #tpu.memory_space<vmem>> -> memref<1x64x128xf32, #tpu.memory_space<vmem>>
      %gather3A_2074 = tpu.memref_squeeze %gather3A_2073 : memref<1x64x128xf32, #tpu.memory_space<vmem>> -> memref<64x128xf32, #tpu.memory_space<vmem>>
      %gather3A_2075 = tpu.vector_load_idx %gather3A_2074[%add3A_17, %add3A_1982] : memref<64x128xf32, #tpu.memory_space<vmem>>[vector<16xi32>, vector<16xi32>], vector<16xf32>,
      %select_n3A_2076 = arith.select %broadcast_in_dim3A_1988, %gather3A_2069, %gather3A_2075 : vector<16xi1>, vector<16xf32>
      %mul3A_2077 = arith.mulf %select_n3A_2068, %select_n3A_2076 : vector<16xf32>
      %add3A_2078 = arith.addf %add3A_2060, %mul3A_2077 : vector<16xf32>
      %swap3A_2079 = arith.constant 176 : index
      %swap3A_2080 = tpu.vector_load %arg15[%swap3A_2079] {strides = array<i32>} : memref<256xf32, #tpu.memory_space<vmem>>, vector<16xf32>,
      tpu.vector_store %arg15[%swap3A_2079], %add3A_2078 {strides = array<i32>} : memref<256xf32, #tpu.memory_space<vmem>>, vector<16xf32>,
      %add3A_2081 = arith.constant 15 : i32
      %add3A_2082 = arith.addi %mul3A_198, %add3A_2081 : i32
      %lt3A_2083 = arith.constant 512 : i32
      %lt3A_2084 = arith.cmpi slt, %add3A_2082, %lt3A_2083 : i32
      %convert_element_type3A_2085 = arith.extui %lt3A_2084 : i1 to i32
      %cond3A_2086 = arith.constant 0 : i32
      %cond3A_2087 = arith.cmpi ne, %convert_element_type3A_2085, %cond3A_2086 : i32
      scf.if %cond3A_2087 {
        %slice3A_2805 = vector.extract_strided_slice %get3A_200 {offsets = [15], sizes = [1], strides = [1]} : vector<16xi32> to vector<1xi32>
        %squeeze3A_2806 = vector.extract %slice3A_2805[0] : i32 from vector<1xi32>
        %shift_right_logical3A_2807 = arith.constant 7 : i32
        %shift_right_logical3A_2808 = arith.shrui %squeeze3A_2806, %shift_right_logical3A_2807 : i32
        %mul3A_2809 = arith.constant 128 : i32
        %mul3A_2810 = arith.muli %shift_right_logical3A_2808, %mul3A_2809 : i32
        %min3A_2811 = arith.constant 999808 : i32
        %min3A_2812 = arith.minsi %mul3A_2810, %min3A_2811 : i32
        %multiple_of3A_2813 = tpu.assume_multiple %min3A_2812, 128 : i32
        %dma_start3A_2814 = arith.constant 3 : i32
        %dma_start3A_2815 = arith.constant 0 : i32
        %dma_start3A_2816 = arith.constant 0 : i32
        %dma_start3A_2817 = tpu.memref_slice %arg11[%dma_start3A_2814, %dma_start3A_2815, %dma_start3A_2816] : memref<4x64x128xf32, #tpu.memory_space<vmem>> -> memref<1x64x128xf32, #tpu.memory_space<vmem>>
        %dma_start3A_2818 = tpu.memref_squeeze %dma_start3A_2817 : memref<1x64x128xf32, #tpu.memory_space<vmem>> -> memref<64x128xf32, #tpu.memory_space<vmem>>
        %dma_start3A_2819 = arith.constant 0 : i32
        %dma_start3A_2820 = tpu.memref_slice %arg4[%dma_start3A_2819, %multiple_of3A_2813] : memref<64x1000000xf32, #tpu.memory_space<hbm>> -> memref<64x128xf32, #tpu.memory_space<hbm>>
        %dma_start3A_2821 = arith.constant 0 : i32
        %dma_start3A_2822 = arith.constant 0 : i32
        %dma_start3A_2823 = tpu.memref_slice %arg11[%dma_start3A_2814, %dma_start3A_2821, %dma_start3A_2822] : memref<4x64x128xf32, #tpu.memory_space<vmem>> -> memref<1x64x128xf32, #tpu.memory_space<vmem>>
        %dma_start3A_2824 = tpu.memref_squeeze %dma_start3A_2823 : memref<1x64x128xf32, #tpu.memory_space<vmem>> -> memref<64x128xf32, #tpu.memory_space<vmem>>
        %dma_start3A_2825 = arith.constant 0 : i32
        %dma_start3A_2826 = tpu.memref_slice %arg4[%dma_start3A_2825, %multiple_of3A_2813] : memref<64x1000000xf32, #tpu.memory_space<hbm>> -> memref<64x128xf32, #tpu.memory_space<hbm>>
        tpu.enqueue_dma source(%dma_start3A_2826 : memref<64x128xf32, #tpu.memory_space<hbm>>) target(%dma_start3A_2824 : memref<64x128xf32, #tpu.memory_space<vmem>>) target_semaphore(%arg20 : memref<!tpu.dma_semaphore, #tpu.memory_space<semaphore_mem>>)
      } else {
      }
      %add3A_2088 = arith.constant 15 : i32
      %add3A_2089 = arith.addi %mul3A_198, %add3A_2088 : i32
      %lt3A_2090 = arith.constant 512 : i32
      %lt3A_2091 = arith.cmpi slt, %add3A_2089, %lt3A_2090 : i32
      %convert_element_type3A_2092 = arith.extui %lt3A_2091 : i1 to i32
      %cond3A_2093 = arith.constant 0 : i32
      %cond3A_2094 = arith.cmpi ne, %convert_element_type3A_2092, %cond3A_2093 : i32
      scf.if %cond3A_2094 {
        %slice3A_2805 = vector.extract_strided_slice %get3A_202 {offsets = [15], sizes = [1], strides = [1]} : vector<16xi32> to vector<1xi32>
        %squeeze3A_2806 = vector.extract %slice3A_2805[0] : i32 from vector<1xi32>
        %shift_right_logical3A_2807 = arith.constant 7 : i32
        %shift_right_logical3A_2808 = arith.shrui %squeeze3A_2806, %shift_right_logical3A_2807 : i32
        %mul3A_2809 = arith.constant 128 : i32
        %mul3A_2810 = arith.muli %shift_right_logical3A_2808, %mul3A_2809 : i32
        %min3A_2811 = arith.constant 999808 : i32
        %min3A_2812 = arith.minsi %mul3A_2810, %min3A_2811 : i32
        %multiple_of3A_2813 = tpu.assume_multiple %min3A_2812, 128 : i32
        %dma_start3A_2814 = arith.constant 3 : i32
        %dma_start3A_2815 = arith.constant 0 : i32
        %dma_start3A_2816 = arith.constant 0 : i32
        %dma_start3A_2817 = tpu.memref_slice %arg12[%dma_start3A_2814, %dma_start3A_2815, %dma_start3A_2816] : memref<4x64x128xf32, #tpu.memory_space<vmem>> -> memref<1x64x128xf32, #tpu.memory_space<vmem>>
        %dma_start3A_2818 = tpu.memref_squeeze %dma_start3A_2817 : memref<1x64x128xf32, #tpu.memory_space<vmem>> -> memref<64x128xf32, #tpu.memory_space<vmem>>
        %dma_start3A_2819 = arith.constant 0 : i32
        %dma_start3A_2820 = tpu.memref_slice %arg5[%dma_start3A_2819, %multiple_of3A_2813] : memref<64x1000000xf32, #tpu.memory_space<hbm>> -> memref<64x128xf32, #tpu.memory_space<hbm>>
        %dma_start3A_2821 = arith.constant 0 : i32
        %dma_start3A_2822 = arith.constant 0 : i32
        %dma_start3A_2823 = tpu.memref_slice %arg12[%dma_start3A_2814, %dma_start3A_2821, %dma_start3A_2822] : memref<4x64x128xf32, #tpu.memory_space<vmem>> -> memref<1x64x128xf32, #tpu.memory_space<vmem>>
        %dma_start3A_2824 = tpu.memref_squeeze %dma_start3A_2823 : memref<1x64x128xf32, #tpu.memory_space<vmem>> -> memref<64x128xf32, #tpu.memory_space<vmem>>
        %dma_start3A_2825 = arith.constant 0 : i32
        %dma_start3A_2826 = tpu.memref_slice %arg5[%dma_start3A_2825, %multiple_of3A_2813] : memref<64x1000000xf32, #tpu.memory_space<hbm>> -> memref<64x128xf32, #tpu.memory_space<hbm>>
        tpu.enqueue_dma source(%dma_start3A_2826 : memref<64x128xf32, #tpu.memory_space<hbm>>) target(%dma_start3A_2824 : memref<64x128xf32, #tpu.memory_space<vmem>>) target_semaphore(%arg24 : memref<!tpu.dma_semaphore, #tpu.memory_space<semaphore_mem>>)
      } else {
      }
      %dma_wait3A_2095 = arith.constant 0 : i32
      %dma_wait3A_2096 = arith.constant 0 : i32
      %dma_wait3A_2097 = arith.constant 0 : i32
      %dma_wait3A_2098 = tpu.memref_slice %arg11[%dma_wait3A_2095, %dma_wait3A_2096, %dma_wait3A_2097] : memref<4x64x128xf32, #tpu.memory_space<vmem>> -> memref<1x64x128xf32, #tpu.memory_space<vmem>>
      %dma_wait3A_2099 = tpu.memref_squeeze %dma_wait3A_2098 : memref<1x64x128xf32, #tpu.memory_space<vmem>> -> memref<64x128xf32, #tpu.memory_space<vmem>>
      %dma_wait3A_2100 = arith.constant 0 : i32
      %dma_wait3A_2101 = arith.constant 0 : i32
      %dma_wait3A_2102 = tpu.memref_slice %arg4[%dma_wait3A_2100, %dma_wait3A_2101] : memref<64x1000000xf32, #tpu.memory_space<hbm>> -> memref<64x128xf32, #tpu.memory_space<hbm>>
      %dma_wait3A_2103 = arith.constant 0 : i32
      %dma_wait3A_2104 = arith.constant 0 : i32
      %dma_wait3A_2105 = tpu.memref_slice %arg11[%dma_wait3A_2095, %dma_wait3A_2103, %dma_wait3A_2104] : memref<4x64x128xf32, #tpu.memory_space<vmem>> -> memref<1x64x128xf32, #tpu.memory_space<vmem>>
      %dma_wait3A_2106 = tpu.memref_squeeze %dma_wait3A_2105 : memref<1x64x128xf32, #tpu.memory_space<vmem>> -> memref<64x128xf32, #tpu.memory_space<vmem>>
      %dma_wait3A_2107 = arith.constant 0 : i32
      %dma_wait3A_2108 = arith.constant 0 : i32
      %dma_wait3A_2109 = tpu.memref_slice %arg4[%dma_wait3A_2107, %dma_wait3A_2108] : memref<64x1000000xf32, #tpu.memory_space<hbm>> -> memref<64x128xf32, #tpu.memory_space<hbm>>
      tpu.wait_dma2 semaphore(%arg17 : memref<!tpu.dma_semaphore, #tpu.memory_space<semaphore_mem>>) src(%dma_wait3A_2109 : memref<64x128xf32, #tpu.memory_space<hbm>>) dst(%dma_wait3A_2106 : memref<64x128xf32, #tpu.memory_space<vmem>>)
      %dma_wait3A_2110 = arith.constant 0 : i32
      %dma_wait3A_2111 = arith.constant 0 : i32
      %dma_wait3A_2112 = arith.constant 0 : i32
      %dma_wait3A_2113 = tpu.memref_slice %arg12[%dma_wait3A_2110, %dma_wait3A_2111, %dma_wait3A_2112] : memref<4x64x128xf32, #tpu.memory_space<vmem>> -> memref<1x64x128xf32, #tpu.memory_space<vmem>>
      %dma_wait3A_2114 = tpu.memref_squeeze %dma_wait3A_2113 : memref<1x64x128xf32, #tpu.memory_space<vmem>> -> memref<64x128xf32, #tpu.memory_space<vmem>>
      %dma_wait3A_2115 = arith.constant 0 : i32
      %dma_wait3A_2116 = arith.constant 0 : i32
      %dma_wait3A_2117 = tpu.memref_slice %arg5[%dma_wait3A_2115, %dma_wait3A_2116] : memref<64x1000000xf32, #tpu.memory_space<hbm>> -> memref<64x128xf32, #tpu.memory_space<hbm>>
      %dma_wait3A_2118 = arith.constant 0 : i32
      %dma_wait3A_2119 = arith.constant 0 : i32
      %dma_wait3A_2120 = tpu.memref_slice %arg12[%dma_wait3A_2110, %dma_wait3A_2118, %dma_wait3A_2119] : memref<4x64x128xf32, #tpu.memory_space<vmem>> -> memref<1x64x128xf32, #tpu.memory_space<vmem>>
      %dma_wait3A_2121 = tpu.memref_squeeze %dma_wait3A_2120 : memref<1x64x128xf32, #tpu.memory_space<vmem>> -> memref<64x128xf32, #tpu.memory_space<vmem>>
      %dma_wait3A_2122 = arith.constant 0 : i32
      %dma_wait3A_2123 = arith.constant 0 : i32
      %dma_wait3A_2124 = tpu.memref_slice %arg5[%dma_wait3A_2122, %dma_wait3A_2123] : memref<64x1000000xf32, #tpu.memory_space<hbm>> -> memref<64x128xf32, #tpu.memory_space<hbm>>
      tpu.wait_dma2 semaphore(%arg21 : memref<!tpu.dma_semaphore, #tpu.memory_space<semaphore_mem>>) src(%dma_wait3A_2124 : memref<64x128xf32, #tpu.memory_space<hbm>>) dst(%dma_wait3A_2121 : memref<64x128xf32, #tpu.memory_space<vmem>>)
      %slice3A_2125 = vector.extract_strided_slice %get3A_200 {offsets = [12], sizes = [1], strides = [1]} : vector<16xi32> to vector<1xi32>
      %squeeze3A_2126 = vector.extract %slice3A_2125[0] : i32 from vector<1xi32>
      %slice3A_2127 = vector.extract_strided_slice %get3A_202 {offsets = [12], sizes = [1], strides = [1]} : vector<16xi32> to vector<1xi32>
      %squeeze3A_2128 = vector.extract %slice3A_2127[0] : i32 from vector<1xi32>
      %broadcast_in_dim3A_2129 = arith.constant 0 : i32
      %broadcast_in_dim3A_2130 = vector.broadcast %broadcast_in_dim3A_2129 : i32 to vector<16xi32>
      %and3A_2131 = arith.constant 127 : i32
      %and3A_2132 = arith.andi %squeeze3A_2126, %and3A_2131 : i32
      %add3A_2133 = vector.broadcast %and3A_2132 : i32 to vector<16xi32>
      %add3A_2134 = arith.addi %broadcast_in_dim3A_2130, %add3A_2133 : vector<16xi32>
      %broadcast_in_dim3A_2135 = arith.constant 0 : i32
      %broadcast_in_dim3A_2136 = vector.broadcast %broadcast_in_dim3A_2135 : i32 to vector<16xi32>
      %and3A_2137 = arith.constant 127 : i32
      %and3A_2138 = arith.andi %squeeze3A_2128, %and3A_2137 : i32
      %add3A_2139 = vector.broadcast %and3A_2138 : i32 to vector<16xi32>
      %add3A_2140 = arith.addi %broadcast_in_dim3A_2136, %add3A_2139 : vector<16xi32>
      %ge3A_2141 = arith.constant 999936 : i32
      %ge3A_2142 = arith.cmpi sge, %squeeze3A_2126, %ge3A_2141 : i32
      %broadcast_in_dim3A_2143 = vector.broadcast %ge3A_2142 : i1 to vector<16xi1>
      %ge3A_2144 = arith.constant 999936 : i32
      %ge3A_2145 = arith.cmpi sge, %squeeze3A_2128, %ge3A_2144 : i32
      %broadcast_in_dim3A_2146 = vector.broadcast %ge3A_2145 : i1 to vector<16xi1>
      %broadcast_in_dim3A_2147 = arith.constant 0 : i32
      %broadcast_in_dim3A_2148 = vector.broadcast %broadcast_in_dim3A_2147 : i32 to vector<16xi32>
      %sub3A_2149 = arith.constant 999936 : i32
      %sub3A_2150 = arith.subi %squeeze3A_2126, %sub3A_2149 : i32
      %max3A_2151 = arith.constant 0 : i32
      %max3A_2152 = arith.maxsi %sub3A_2150, %max3A_2151 : i32
      %add3A_2153 = vector.broadcast %max3A_2152 : i32 to vector<16xi32>
      %add3A_2154 = arith.addi %broadcast_in_dim3A_2148, %add3A_2153 : vector<16xi32>
      %broadcast_in_dim3A_2155 = arith.constant 0 : i32
      %broadcast_in_dim3A_2156 = vector.broadcast %broadcast_in_dim3A_2155 : i32 to vector<16xi32>
      %sub3A_2157 = arith.constant 999936 : i32
      %sub3A_2158 = arith.subi %squeeze3A_2128, %sub3A_2157 : i32
      %max3A_2159 = arith.constant 0 : i32
      %max3A_2160 = arith.maxsi %sub3A_2158, %max3A_2159 : i32
      %add3A_2161 = vector.broadcast %max3A_2160 : i32 to vector<16xi32>
      %add3A_2162 = arith.addi %broadcast_in_dim3A_2156, %add3A_2161 : vector<16xi32>
      %broadcast_in_dim3A_2163 = arith.constant 0.000000e+00 : f32
      %broadcast_in_dim3A_2164 = vector.broadcast %broadcast_in_dim3A_2163 : f32 to vector<16xf32>
      %gather3A_2165 = tpu.vector_load_idx %arg13[%add3A_8, %add3A_2154] : memref<64x64xf32, #tpu.memory_space<vmem>>[vector<16xi32>, vector<16xi32>], vector<16xf32>,
      %gather3A_2166 = arith.constant 0 : i32
      %gather3A_2167 = arith.constant 0 : i32
      %gather3A_2168 = arith.constant 0 : i32
      %gather3A_2169 = tpu.memref_slice %arg11[%gather3A_2166, %gather3A_2167, %gather3A_2168] : memref<4x64x128xf32, #tpu.memory_space<vmem>> -> memref<1x64x128xf32, #tpu.memory_space<vmem>>
      %gather3A_2170 = tpu.memref_squeeze %gather3A_2169 : memref<1x64x128xf32, #tpu.memory_space<vmem>> -> memref<64x128xf32, #tpu.memory_space<vmem>>
      %gather3A_2171 = tpu.vector_load_idx %gather3A_2170[%add3A_8, %add3A_2134] : memref<64x128xf32, #tpu.memory_space<vmem>>[vector<16xi32>, vector<16xi32>], vector<16xf32>,
      %select_n3A_2172 = arith.select %broadcast_in_dim3A_2143, %gather3A_2165, %gather3A_2171 : vector<16xi1>, vector<16xf32>
      %gather3A_2173 = tpu.vector_load_idx %arg14[%add3A_8, %add3A_2162] : memref<64x64xf32, #tpu.memory_space<vmem>>[vector<16xi32>, vector<16xi32>], vector<16xf32>,
      %gather3A_2174 = arith.constant 0 : i32
      %gather3A_2175 = arith.constant 0 : i32
      %gather3A_2176 = arith.constant 0 : i32
      %gather3A_2177 = tpu.memref_slice %arg12[%gather3A_2174, %gather3A_2175, %gather3A_2176] : memref<4x64x128xf32, #tpu.memory_space<vmem>> -> memref<1x64x128xf32, #tpu.memory_space<vmem>>
      %gather3A_2178 = tpu.memref_squeeze %gather3A_2177 : memref<1x64x128xf32, #tpu.memory_space<vmem>> -> memref<64x128xf32, #tpu.memory_space<vmem>>
      %gather3A_2179 = tpu.vector_load_idx %gather3A_2178[%add3A_8, %add3A_2140] : memref<64x128xf32, #tpu.memory_space<vmem>>[vector<16xi32>, vector<16xi32>], vector<16xf32>,
      %select_n3A_2180 = arith.select %broadcast_in_dim3A_2146, %gather3A_2173, %gather3A_2179 : vector<16xi1>, vector<16xf32>
      %mul3A_2181 = arith.mulf %select_n3A_2172, %select_n3A_2180 : vector<16xf32>
      %add3A_2182 = arith.addf %broadcast_in_dim3A_2164, %mul3A_2181 : vector<16xf32>
      %gather3A_2183 = tpu.vector_load_idx %arg13[%add3A_11, %add3A_2154] : memref<64x64xf32, #tpu.memory_space<vmem>>[vector<16xi32>, vector<16xi32>], vector<16xf32>,
      %gather3A_2184 = arith.constant 0 : i32
      %gather3A_2185 = arith.constant 0 : i32
      %gather3A_2186 = arith.constant 0 : i32
      %gather3A_2187 = tpu.memref_slice %arg11[%gather3A_2184, %gather3A_2185, %gather3A_2186] : memref<4x64x128xf32, #tpu.memory_space<vmem>> -> memref<1x64x128xf32, #tpu.memory_space<vmem>>
      %gather3A_2188 = tpu.memref_squeeze %gather3A_2187 : memref<1x64x128xf32, #tpu.memory_space<vmem>> -> memref<64x128xf32, #tpu.memory_space<vmem>>
      %gather3A_2189 = tpu.vector_load_idx %gather3A_2188[%add3A_11, %add3A_2134] : memref<64x128xf32, #tpu.memory_space<vmem>>[vector<16xi32>, vector<16xi32>], vector<16xf32>,
      %select_n3A_2190 = arith.select %broadcast_in_dim3A_2143, %gather3A_2183, %gather3A_2189 : vector<16xi1>, vector<16xf32>
      %gather3A_2191 = tpu.vector_load_idx %arg14[%add3A_11, %add3A_2162] : memref<64x64xf32, #tpu.memory_space<vmem>>[vector<16xi32>, vector<16xi32>], vector<16xf32>,
      %gather3A_2192 = arith.constant 0 : i32
      %gather3A_2193 = arith.constant 0 : i32
      %gather3A_2194 = arith.constant 0 : i32
      %gather3A_2195 = tpu.memref_slice %arg12[%gather3A_2192, %gather3A_2193, %gather3A_2194] : memref<4x64x128xf32, #tpu.memory_space<vmem>> -> memref<1x64x128xf32, #tpu.memory_space<vmem>>
      %gather3A_2196 = tpu.memref_squeeze %gather3A_2195 : memref<1x64x128xf32, #tpu.memory_space<vmem>> -> memref<64x128xf32, #tpu.memory_space<vmem>>
      %gather3A_2197 = tpu.vector_load_idx %gather3A_2196[%add3A_11, %add3A_2140] : memref<64x128xf32, #tpu.memory_space<vmem>>[vector<16xi32>, vector<16xi32>], vector<16xf32>,
      %select_n3A_2198 = arith.select %broadcast_in_dim3A_2146, %gather3A_2191, %gather3A_2197 : vector<16xi1>, vector<16xf32>
      %mul3A_2199 = arith.mulf %select_n3A_2190, %select_n3A_2198 : vector<16xf32>
      %add3A_2200 = arith.addf %add3A_2182, %mul3A_2199 : vector<16xf32>
      %gather3A_2201 = tpu.vector_load_idx %arg13[%add3A_14, %add3A_2154] : memref<64x64xf32, #tpu.memory_space<vmem>>[vector<16xi32>, vector<16xi32>], vector<16xf32>,
      %gather3A_2202 = arith.constant 0 : i32
      %gather3A_2203 = arith.constant 0 : i32
      %gather3A_2204 = arith.constant 0 : i32
      %gather3A_2205 = tpu.memref_slice %arg11[%gather3A_2202, %gather3A_2203, %gather3A_2204] : memref<4x64x128xf32, #tpu.memory_space<vmem>> -> memref<1x64x128xf32, #tpu.memory_space<vmem>>
      %gather3A_2206 = tpu.memref_squeeze %gather3A_2205 : memref<1x64x128xf32, #tpu.memory_space<vmem>> -> memref<64x128xf32, #tpu.memory_space<vmem>>
      %gather3A_2207 = tpu.vector_load_idx %gather3A_2206[%add3A_14, %add3A_2134] : memref<64x128xf32, #tpu.memory_space<vmem>>[vector<16xi32>, vector<16xi32>], vector<16xf32>,
      %select_n3A_2208 = arith.select %broadcast_in_dim3A_2143, %gather3A_2201, %gather3A_2207 : vector<16xi1>, vector<16xf32>
      %gather3A_2209 = tpu.vector_load_idx %arg14[%add3A_14, %add3A_2162] : memref<64x64xf32, #tpu.memory_space<vmem>>[vector<16xi32>, vector<16xi32>], vector<16xf32>,
      %gather3A_2210 = arith.constant 0 : i32
      %gather3A_2211 = arith.constant 0 : i32
      %gather3A_2212 = arith.constant 0 : i32
      %gather3A_2213 = tpu.memref_slice %arg12[%gather3A_2210, %gather3A_2211, %gather3A_2212] : memref<4x64x128xf32, #tpu.memory_space<vmem>> -> memref<1x64x128xf32, #tpu.memory_space<vmem>>
      %gather3A_2214 = tpu.memref_squeeze %gather3A_2213 : memref<1x64x128xf32, #tpu.memory_space<vmem>> -> memref<64x128xf32, #tpu.memory_space<vmem>>
      %gather3A_2215 = tpu.vector_load_idx %gather3A_2214[%add3A_14, %add3A_2140] : memref<64x128xf32, #tpu.memory_space<vmem>>[vector<16xi32>, vector<16xi32>], vector<16xf32>,
      %select_n3A_2216 = arith.select %broadcast_in_dim3A_2146, %gather3A_2209, %gather3A_2215 : vector<16xi1>, vector<16xf32>
      %mul3A_2217 = arith.mulf %select_n3A_2208, %select_n3A_2216 : vector<16xf32>
      %add3A_2218 = arith.addf %add3A_2200, %mul3A_2217 : vector<16xf32>
      %gather3A_2219 = tpu.vector_load_idx %arg13[%add3A_17, %add3A_2154] : memref<64x64xf32, #tpu.memory_space<vmem>>[vector<16xi32>, vector<16xi32>], vector<16xf32>,
      %gather3A_2220 = arith.constant 0 : i32
      %gather3A_2221 = arith.constant 0 : i32
      %gather3A_2222 = arith.constant 0 : i32
      %gather3A_2223 = tpu.memref_slice %arg11[%gather3A_2220, %gather3A_2221, %gather3A_2222] : memref<4x64x128xf32, #tpu.memory_space<vmem>> -> memref<1x64x128xf32, #tpu.memory_space<vmem>>
      %gather3A_2224 = tpu.memref_squeeze %gather3A_2223 : memref<1x64x128xf32, #tpu.memory_space<vmem>> -> memref<64x128xf32, #tpu.memory_space<vmem>>
      %gather3A_2225 = tpu.vector_load_idx %gather3A_2224[%add3A_17, %add3A_2134] : memref<64x128xf32, #tpu.memory_space<vmem>>[vector<16xi32>, vector<16xi32>], vector<16xf32>,
      %select_n3A_2226 = arith.select %broadcast_in_dim3A_2143, %gather3A_2219, %gather3A_2225 : vector<16xi1>, vector<16xf32>
      %gather3A_2227 = tpu.vector_load_idx %arg14[%add3A_17, %add3A_2162] : memref<64x64xf32, #tpu.memory_space<vmem>>[vector<16xi32>, vector<16xi32>], vector<16xf32>,
      %gather3A_2228 = arith.constant 0 : i32
      %gather3A_2229 = arith.constant 0 : i32
      %gather3A_2230 = arith.constant 0 : i32
      %gather3A_2231 = tpu.memref_slice %arg12[%gather3A_2228, %gather3A_2229, %gather3A_2230] : memref<4x64x128xf32, #tpu.memory_space<vmem>> -> memref<1x64x128xf32, #tpu.memory_space<vmem>>
      %gather3A_2232 = tpu.memref_squeeze %gather3A_2231 : memref<1x64x128xf32, #tpu.memory_space<vmem>> -> memref<64x128xf32, #tpu.memory_space<vmem>>
      %gather3A_2233 = tpu.vector_load_idx %gather3A_2232[%add3A_17, %add3A_2140] : memref<64x128xf32, #tpu.memory_space<vmem>>[vector<16xi32>, vector<16xi32>], vector<16xf32>,
      %select_n3A_2234 = arith.select %broadcast_in_dim3A_2146, %gather3A_2227, %gather3A_2233 : vector<16xi1>, vector<16xf32>
      %mul3A_2235 = arith.mulf %select_n3A_2226, %select_n3A_2234 : vector<16xf32>
      %add3A_2236 = arith.addf %add3A_2218, %mul3A_2235 : vector<16xf32>
      %swap3A_2237 = arith.constant 192 : index
      %swap3A_2238 = tpu.vector_load %arg15[%swap3A_2237] {strides = array<i32>} : memref<256xf32, #tpu.memory_space<vmem>>, vector<16xf32>,
      tpu.vector_store %arg15[%swap3A_2237], %add3A_2236 {strides = array<i32>} : memref<256xf32, #tpu.memory_space<vmem>>, vector<16xf32>,
      %add3A_2239 = arith.constant 16 : i32
      %add3A_2240 = arith.addi %mul3A_198, %add3A_2239 : i32
      %lt3A_2241 = arith.constant 512 : i32
      %lt3A_2242 = arith.cmpi slt, %add3A_2240, %lt3A_2241 : i32
      %convert_element_type3A_2243 = arith.extui %lt3A_2242 : i1 to i32
      %cond3A_2244 = arith.constant 0 : i32
      %cond3A_2245 = arith.cmpi ne, %convert_element_type3A_2243, %cond3A_2244 : i32
      scf.if %cond3A_2245 {
        %slice3A_2805 = vector.extract_strided_slice %get3A_208 {offsets = [0], sizes = [1], strides = [1]} : vector<16xi32> to vector<1xi32>
        %squeeze3A_2806 = vector.extract %slice3A_2805[0] : i32 from vector<1xi32>
        %shift_right_logical3A_2807 = arith.constant 7 : i32
        %shift_right_logical3A_2808 = arith.shrui %squeeze3A_2806, %shift_right_logical3A_2807 : i32
        %mul3A_2809 = arith.constant 128 : i32
        %mul3A_2810 = arith.muli %shift_right_logical3A_2808, %mul3A_2809 : i32
        %min3A_2811 = arith.constant 999808 : i32
        %min3A_2812 = arith.minsi %mul3A_2810, %min3A_2811 : i32
        %multiple_of3A_2813 = tpu.assume_multiple %min3A_2812, 128 : i32
        %dma_start3A_2814 = arith.constant 0 : i32
        %dma_start3A_2815 = arith.constant 0 : i32
        %dma_start3A_2816 = arith.constant 0 : i32
        %dma_start3A_2817 = tpu.memref_slice %arg11[%dma_start3A_2814, %dma_start3A_2815, %dma_start3A_2816] : memref<4x64x128xf32, #tpu.memory_space<vmem>> -> memref<1x64x128xf32, #tpu.memory_space<vmem>>
        %dma_start3A_2818 = tpu.memref_squeeze %dma_start3A_2817 : memref<1x64x128xf32, #tpu.memory_space<vmem>> -> memref<64x128xf32, #tpu.memory_space<vmem>>
        %dma_start3A_2819 = arith.constant 0 : i32
        %dma_start3A_2820 = tpu.memref_slice %arg4[%dma_start3A_2819, %multiple_of3A_2813] : memref<64x1000000xf32, #tpu.memory_space<hbm>> -> memref<64x128xf32, #tpu.memory_space<hbm>>
        %dma_start3A_2821 = arith.constant 0 : i32
        %dma_start3A_2822 = arith.constant 0 : i32
        %dma_start3A_2823 = tpu.memref_slice %arg11[%dma_start3A_2814, %dma_start3A_2821, %dma_start3A_2822] : memref<4x64x128xf32, #tpu.memory_space<vmem>> -> memref<1x64x128xf32, #tpu.memory_space<vmem>>
        %dma_start3A_2824 = tpu.memref_squeeze %dma_start3A_2823 : memref<1x64x128xf32, #tpu.memory_space<vmem>> -> memref<64x128xf32, #tpu.memory_space<vmem>>
        %dma_start3A_2825 = arith.constant 0 : i32
        %dma_start3A_2826 = tpu.memref_slice %arg4[%dma_start3A_2825, %multiple_of3A_2813] : memref<64x1000000xf32, #tpu.memory_space<hbm>> -> memref<64x128xf32, #tpu.memory_space<hbm>>
        tpu.enqueue_dma source(%dma_start3A_2826 : memref<64x128xf32, #tpu.memory_space<hbm>>) target(%dma_start3A_2824 : memref<64x128xf32, #tpu.memory_space<vmem>>) target_semaphore(%arg17 : memref<!tpu.dma_semaphore, #tpu.memory_space<semaphore_mem>>)
      } else {
      }
      %add3A_2246 = arith.constant 16 : i32
      %add3A_2247 = arith.addi %mul3A_198, %add3A_2246 : i32
      %lt3A_2248 = arith.constant 512 : i32
      %lt3A_2249 = arith.cmpi slt, %add3A_2247, %lt3A_2248 : i32
      %convert_element_type3A_2250 = arith.extui %lt3A_2249 : i1 to i32
      %cond3A_2251 = arith.constant 0 : i32
      %cond3A_2252 = arith.cmpi ne, %convert_element_type3A_2250, %cond3A_2251 : i32
      scf.if %cond3A_2252 {
        %slice3A_2805 = vector.extract_strided_slice %get3A_210 {offsets = [0], sizes = [1], strides = [1]} : vector<16xi32> to vector<1xi32>
        %squeeze3A_2806 = vector.extract %slice3A_2805[0] : i32 from vector<1xi32>
        %shift_right_logical3A_2807 = arith.constant 7 : i32
        %shift_right_logical3A_2808 = arith.shrui %squeeze3A_2806, %shift_right_logical3A_2807 : i32
        %mul3A_2809 = arith.constant 128 : i32
        %mul3A_2810 = arith.muli %shift_right_logical3A_2808, %mul3A_2809 : i32
        %min3A_2811 = arith.constant 999808 : i32
        %min3A_2812 = arith.minsi %mul3A_2810, %min3A_2811 : i32
        %multiple_of3A_2813 = tpu.assume_multiple %min3A_2812, 128 : i32
        %dma_start3A_2814 = arith.constant 0 : i32
        %dma_start3A_2815 = arith.constant 0 : i32
        %dma_start3A_2816 = arith.constant 0 : i32
        %dma_start3A_2817 = tpu.memref_slice %arg12[%dma_start3A_2814, %dma_start3A_2815, %dma_start3A_2816] : memref<4x64x128xf32, #tpu.memory_space<vmem>> -> memref<1x64x128xf32, #tpu.memory_space<vmem>>
        %dma_start3A_2818 = tpu.memref_squeeze %dma_start3A_2817 : memref<1x64x128xf32, #tpu.memory_space<vmem>> -> memref<64x128xf32, #tpu.memory_space<vmem>>
        %dma_start3A_2819 = arith.constant 0 : i32
        %dma_start3A_2820 = tpu.memref_slice %arg5[%dma_start3A_2819, %multiple_of3A_2813] : memref<64x1000000xf32, #tpu.memory_space<hbm>> -> memref<64x128xf32, #tpu.memory_space<hbm>>
        %dma_start3A_2821 = arith.constant 0 : i32
        %dma_start3A_2822 = arith.constant 0 : i32
        %dma_start3A_2823 = tpu.memref_slice %arg12[%dma_start3A_2814, %dma_start3A_2821, %dma_start3A_2822] : memref<4x64x128xf32, #tpu.memory_space<vmem>> -> memref<1x64x128xf32, #tpu.memory_space<vmem>>
        %dma_start3A_2824 = tpu.memref_squeeze %dma_start3A_2823 : memref<1x64x128xf32, #tpu.memory_space<vmem>> -> memref<64x128xf32, #tpu.memory_space<vmem>>
        %dma_start3A_2825 = arith.constant 0 : i32
        %dma_start3A_2826 = tpu.memref_slice %arg5[%dma_start3A_2825, %multiple_of3A_2813] : memref<64x1000000xf32, #tpu.memory_space<hbm>> -> memref<64x128xf32, #tpu.memory_space<hbm>>
        tpu.enqueue_dma source(%dma_start3A_2826 : memref<64x128xf32, #tpu.memory_space<hbm>>) target(%dma_start3A_2824 : memref<64x128xf32, #tpu.memory_space<vmem>>) target_semaphore(%arg21 : memref<!tpu.dma_semaphore, #tpu.memory_space<semaphore_mem>>)
      } else {
      }
      %dma_wait3A_2253 = arith.constant 1 : i32
      %dma_wait3A_2254 = arith.constant 0 : i32
      %dma_wait3A_2255 = arith.constant 0 : i32
      %dma_wait3A_2256 = tpu.memref_slice %arg11[%dma_wait3A_2253, %dma_wait3A_2254, %dma_wait3A_2255] : memref<4x64x128xf32, #tpu.memory_space<vmem>> -> memref<1x64x128xf32, #tpu.memory_space<vmem>>
      %dma_wait3A_2257 = tpu.memref_squeeze %dma_wait3A_2256 : memref<1x64x128xf32, #tpu.memory_space<vmem>> -> memref<64x128xf32, #tpu.memory_space<vmem>>
      %dma_wait3A_2258 = arith.constant 0 : i32
      %dma_wait3A_2259 = arith.constant 0 : i32
      %dma_wait3A_2260 = tpu.memref_slice %arg4[%dma_wait3A_2258, %dma_wait3A_2259] : memref<64x1000000xf32, #tpu.memory_space<hbm>> -> memref<64x128xf32, #tpu.memory_space<hbm>>
      %dma_wait3A_2261 = arith.constant 0 : i32
      %dma_wait3A_2262 = arith.constant 0 : i32
      %dma_wait3A_2263 = tpu.memref_slice %arg11[%dma_wait3A_2253, %dma_wait3A_2261, %dma_wait3A_2262] : memref<4x64x128xf32, #tpu.memory_space<vmem>> -> memref<1x64x128xf32, #tpu.memory_space<vmem>>
      %dma_wait3A_2264 = tpu.memref_squeeze %dma_wait3A_2263 : memref<1x64x128xf32, #tpu.memory_space<vmem>> -> memref<64x128xf32, #tpu.memory_space<vmem>>
      %dma_wait3A_2265 = arith.constant 0 : i32
      %dma_wait3A_2266 = arith.constant 0 : i32
      %dma_wait3A_2267 = tpu.memref_slice %arg4[%dma_wait3A_2265, %dma_wait3A_2266] : memref<64x1000000xf32, #tpu.memory_space<hbm>> -> memref<64x128xf32, #tpu.memory_space<hbm>>
      tpu.wait_dma2 semaphore(%arg18 : memref<!tpu.dma_semaphore, #tpu.memory_space<semaphore_mem>>) src(%dma_wait3A_2267 : memref<64x128xf32, #tpu.memory_space<hbm>>) dst(%dma_wait3A_2264 : memref<64x128xf32, #tpu.memory_space<vmem>>)
      %dma_wait3A_2268 = arith.constant 1 : i32
      %dma_wait3A_2269 = arith.constant 0 : i32
      %dma_wait3A_2270 = arith.constant 0 : i32
      %dma_wait3A_2271 = tpu.memref_slice %arg12[%dma_wait3A_2268, %dma_wait3A_2269, %dma_wait3A_2270] : memref<4x64x128xf32, #tpu.memory_space<vmem>> -> memref<1x64x128xf32, #tpu.memory_space<vmem>>
      %dma_wait3A_2272 = tpu.memref_squeeze %dma_wait3A_2271 : memref<1x64x128xf32, #tpu.memory_space<vmem>> -> memref<64x128xf32, #tpu.memory_space<vmem>>
      %dma_wait3A_2273 = arith.constant 0 : i32
      %dma_wait3A_2274 = arith.constant 0 : i32
      %dma_wait3A_2275 = tpu.memref_slice %arg5[%dma_wait3A_2273, %dma_wait3A_2274] : memref<64x1000000xf32, #tpu.memory_space<hbm>> -> memref<64x128xf32, #tpu.memory_space<hbm>>
      %dma_wait3A_2276 = arith.constant 0 : i32
      %dma_wait3A_2277 = arith.constant 0 : i32
      %dma_wait3A_2278 = tpu.memref_slice %arg12[%dma_wait3A_2268, %dma_wait3A_2276, %dma_wait3A_2277] : memref<4x64x128xf32, #tpu.memory_space<vmem>> -> memref<1x64x128xf32, #tpu.memory_space<vmem>>
      %dma_wait3A_2279 = tpu.memref_squeeze %dma_wait3A_2278 : memref<1x64x128xf32, #tpu.memory_space<vmem>> -> memref<64x128xf32, #tpu.memory_space<vmem>>
      %dma_wait3A_2280 = arith.constant 0 : i32
      %dma_wait3A_2281 = arith.constant 0 : i32
      %dma_wait3A_2282 = tpu.memref_slice %arg5[%dma_wait3A_2280, %dma_wait3A_2281] : memref<64x1000000xf32, #tpu.memory_space<hbm>> -> memref<64x128xf32, #tpu.memory_space<hbm>>
      tpu.wait_dma2 semaphore(%arg22 : memref<!tpu.dma_semaphore, #tpu.memory_space<semaphore_mem>>) src(%dma_wait3A_2282 : memref<64x128xf32, #tpu.memory_space<hbm>>) dst(%dma_wait3A_2279 : memref<64x128xf32, #tpu.memory_space<vmem>>)
      %slice3A_2283 = vector.extract_strided_slice %get3A_200 {offsets = [13], sizes = [1], strides = [1]} : vector<16xi32> to vector<1xi32>
      %squeeze3A_2284 = vector.extract %slice3A_2283[0] : i32 from vector<1xi32>
      %slice3A_2285 = vector.extract_strided_slice %get3A_202 {offsets = [13], sizes = [1], strides = [1]} : vector<16xi32> to vector<1xi32>
      %squeeze3A_2286 = vector.extract %slice3A_2285[0] : i32 from vector<1xi32>
      %broadcast_in_dim3A_2287 = arith.constant 0 : i32
      %broadcast_in_dim3A_2288 = vector.broadcast %broadcast_in_dim3A_2287 : i32 to vector<16xi32>
      %and3A_2289 = arith.constant 127 : i32
      %and3A_2290 = arith.andi %squeeze3A_2284, %and3A_2289 : i32
      %add3A_2291 = vector.broadcast %and3A_2290 : i32 to vector<16xi32>
      %add3A_2292 = arith.addi %broadcast_in_dim3A_2288, %add3A_2291 : vector<16xi32>
      %broadcast_in_dim3A_2293 = arith.constant 0 : i32
      %broadcast_in_dim3A_2294 = vector.broadcast %broadcast_in_dim3A_2293 : i32 to vector<16xi32>
      %and3A_2295 = arith.constant 127 : i32
      %and3A_2296 = arith.andi %squeeze3A_2286, %and3A_2295 : i32
      %add3A_2297 = vector.broadcast %and3A_2296 : i32 to vector<16xi32>
      %add3A_2298 = arith.addi %broadcast_in_dim3A_2294, %add3A_2297 : vector<16xi32>
      %ge3A_2299 = arith.constant 999936 : i32
      %ge3A_2300 = arith.cmpi sge, %squeeze3A_2284, %ge3A_2299 : i32
      %broadcast_in_dim3A_2301 = vector.broadcast %ge3A_2300 : i1 to vector<16xi1>
      %ge3A_2302 = arith.constant 999936 : i32
      %ge3A_2303 = arith.cmpi sge, %squeeze3A_2286, %ge3A_2302 : i32
      %broadcast_in_dim3A_2304 = vector.broadcast %ge3A_2303 : i1 to vector<16xi1>
      %broadcast_in_dim3A_2305 = arith.constant 0 : i32
      %broadcast_in_dim3A_2306 = vector.broadcast %broadcast_in_dim3A_2305 : i32 to vector<16xi32>
      %sub3A_2307 = arith.constant 999936 : i32
      %sub3A_2308 = arith.subi %squeeze3A_2284, %sub3A_2307 : i32
      %max3A_2309 = arith.constant 0 : i32
      %max3A_2310 = arith.maxsi %sub3A_2308, %max3A_2309 : i32
      %add3A_2311 = vector.broadcast %max3A_2310 : i32 to vector<16xi32>
      %add3A_2312 = arith.addi %broadcast_in_dim3A_2306, %add3A_2311 : vector<16xi32>
      %broadcast_in_dim3A_2313 = arith.constant 0 : i32
      %broadcast_in_dim3A_2314 = vector.broadcast %broadcast_in_dim3A_2313 : i32 to vector<16xi32>
      %sub3A_2315 = arith.constant 999936 : i32
      %sub3A_2316 = arith.subi %squeeze3A_2286, %sub3A_2315 : i32
      %max3A_2317 = arith.constant 0 : i32
      %max3A_2318 = arith.maxsi %sub3A_2316, %max3A_2317 : i32
      %add3A_2319 = vector.broadcast %max3A_2318 : i32 to vector<16xi32>
      %add3A_2320 = arith.addi %broadcast_in_dim3A_2314, %add3A_2319 : vector<16xi32>
      %broadcast_in_dim3A_2321 = arith.constant 0.000000e+00 : f32
      %broadcast_in_dim3A_2322 = vector.broadcast %broadcast_in_dim3A_2321 : f32 to vector<16xf32>
      %gather3A_2323 = tpu.vector_load_idx %arg13[%add3A_8, %add3A_2312] : memref<64x64xf32, #tpu.memory_space<vmem>>[vector<16xi32>, vector<16xi32>], vector<16xf32>,
      %gather3A_2324 = arith.constant 1 : i32
      %gather3A_2325 = arith.constant 0 : i32
      %gather3A_2326 = arith.constant 0 : i32
      %gather3A_2327 = tpu.memref_slice %arg11[%gather3A_2324, %gather3A_2325, %gather3A_2326] : memref<4x64x128xf32, #tpu.memory_space<vmem>> -> memref<1x64x128xf32, #tpu.memory_space<vmem>>
      %gather3A_2328 = tpu.memref_squeeze %gather3A_2327 : memref<1x64x128xf32, #tpu.memory_space<vmem>> -> memref<64x128xf32, #tpu.memory_space<vmem>>
      %gather3A_2329 = tpu.vector_load_idx %gather3A_2328[%add3A_8, %add3A_2292] : memref<64x128xf32, #tpu.memory_space<vmem>>[vector<16xi32>, vector<16xi32>], vector<16xf32>,
      %select_n3A_2330 = arith.select %broadcast_in_dim3A_2301, %gather3A_2323, %gather3A_2329 : vector<16xi1>, vector<16xf32>
      %gather3A_2331 = tpu.vector_load_idx %arg14[%add3A_8, %add3A_2320] : memref<64x64xf32, #tpu.memory_space<vmem>>[vector<16xi32>, vector<16xi32>], vector<16xf32>,
      %gather3A_2332 = arith.constant 1 : i32
      %gather3A_2333 = arith.constant 0 : i32
      %gather3A_2334 = arith.constant 0 : i32
      %gather3A_2335 = tpu.memref_slice %arg12[%gather3A_2332, %gather3A_2333, %gather3A_2334] : memref<4x64x128xf32, #tpu.memory_space<vmem>> -> memref<1x64x128xf32, #tpu.memory_space<vmem>>
      %gather3A_2336 = tpu.memref_squeeze %gather3A_2335 : memref<1x64x128xf32, #tpu.memory_space<vmem>> -> memref<64x128xf32, #tpu.memory_space<vmem>>
      %gather3A_2337 = tpu.vector_load_idx %gather3A_2336[%add3A_8, %add3A_2298] : memref<64x128xf32, #tpu.memory_space<vmem>>[vector<16xi32>, vector<16xi32>], vector<16xf32>,
      %select_n3A_2338 = arith.select %broadcast_in_dim3A_2304, %gather3A_2331, %gather3A_2337 : vector<16xi1>, vector<16xf32>
      %mul3A_2339 = arith.mulf %select_n3A_2330, %select_n3A_2338 : vector<16xf32>
      %add3A_2340 = arith.addf %broadcast_in_dim3A_2322, %mul3A_2339 : vector<16xf32>
      %gather3A_2341 = tpu.vector_load_idx %arg13[%add3A_11, %add3A_2312] : memref<64x64xf32, #tpu.memory_space<vmem>>[vector<16xi32>, vector<16xi32>], vector<16xf32>,
      %gather3A_2342 = arith.constant 1 : i32
      %gather3A_2343 = arith.constant 0 : i32
      %gather3A_2344 = arith.constant 0 : i32
      %gather3A_2345 = tpu.memref_slice %arg11[%gather3A_2342, %gather3A_2343, %gather3A_2344] : memref<4x64x128xf32, #tpu.memory_space<vmem>> -> memref<1x64x128xf32, #tpu.memory_space<vmem>>
      %gather3A_2346 = tpu.memref_squeeze %gather3A_2345 : memref<1x64x128xf32, #tpu.memory_space<vmem>> -> memref<64x128xf32, #tpu.memory_space<vmem>>
      %gather3A_2347 = tpu.vector_load_idx %gather3A_2346[%add3A_11, %add3A_2292] : memref<64x128xf32, #tpu.memory_space<vmem>>[vector<16xi32>, vector<16xi32>], vector<16xf32>,
      %select_n3A_2348 = arith.select %broadcast_in_dim3A_2301, %gather3A_2341, %gather3A_2347 : vector<16xi1>, vector<16xf32>
      %gather3A_2349 = tpu.vector_load_idx %arg14[%add3A_11, %add3A_2320] : memref<64x64xf32, #tpu.memory_space<vmem>>[vector<16xi32>, vector<16xi32>], vector<16xf32>,
      %gather3A_2350 = arith.constant 1 : i32
      %gather3A_2351 = arith.constant 0 : i32
      %gather3A_2352 = arith.constant 0 : i32
      %gather3A_2353 = tpu.memref_slice %arg12[%gather3A_2350, %gather3A_2351, %gather3A_2352] : memref<4x64x128xf32, #tpu.memory_space<vmem>> -> memref<1x64x128xf32, #tpu.memory_space<vmem>>
      %gather3A_2354 = tpu.memref_squeeze %gather3A_2353 : memref<1x64x128xf32, #tpu.memory_space<vmem>> -> memref<64x128xf32, #tpu.memory_space<vmem>>
      %gather3A_2355 = tpu.vector_load_idx %gather3A_2354[%add3A_11, %add3A_2298] : memref<64x128xf32, #tpu.memory_space<vmem>>[vector<16xi32>, vector<16xi32>], vector<16xf32>,
      %select_n3A_2356 = arith.select %broadcast_in_dim3A_2304, %gather3A_2349, %gather3A_2355 : vector<16xi1>, vector<16xf32>
      %mul3A_2357 = arith.mulf %select_n3A_2348, %select_n3A_2356 : vector<16xf32>
      %add3A_2358 = arith.addf %add3A_2340, %mul3A_2357 : vector<16xf32>
      %gather3A_2359 = tpu.vector_load_idx %arg13[%add3A_14, %add3A_2312] : memref<64x64xf32, #tpu.memory_space<vmem>>[vector<16xi32>, vector<16xi32>], vector<16xf32>,
      %gather3A_2360 = arith.constant 1 : i32
      %gather3A_2361 = arith.constant 0 : i32
      %gather3A_2362 = arith.constant 0 : i32
      %gather3A_2363 = tpu.memref_slice %arg11[%gather3A_2360, %gather3A_2361, %gather3A_2362] : memref<4x64x128xf32, #tpu.memory_space<vmem>> -> memref<1x64x128xf32, #tpu.memory_space<vmem>>
      %gather3A_2364 = tpu.memref_squeeze %gather3A_2363 : memref<1x64x128xf32, #tpu.memory_space<vmem>> -> memref<64x128xf32, #tpu.memory_space<vmem>>
      %gather3A_2365 = tpu.vector_load_idx %gather3A_2364[%add3A_14, %add3A_2292] : memref<64x128xf32, #tpu.memory_space<vmem>>[vector<16xi32>, vector<16xi32>], vector<16xf32>,
      %select_n3A_2366 = arith.select %broadcast_in_dim3A_2301, %gather3A_2359, %gather3A_2365 : vector<16xi1>, vector<16xf32>
      %gather3A_2367 = tpu.vector_load_idx %arg14[%add3A_14, %add3A_2320] : memref<64x64xf32, #tpu.memory_space<vmem>>[vector<16xi32>, vector<16xi32>], vector<16xf32>,
      %gather3A_2368 = arith.constant 1 : i32
      %gather3A_2369 = arith.constant 0 : i32
      %gather3A_2370 = arith.constant 0 : i32
      %gather3A_2371 = tpu.memref_slice %arg12[%gather3A_2368, %gather3A_2369, %gather3A_2370] : memref<4x64x128xf32, #tpu.memory_space<vmem>> -> memref<1x64x128xf32, #tpu.memory_space<vmem>>
      %gather3A_2372 = tpu.memref_squeeze %gather3A_2371 : memref<1x64x128xf32, #tpu.memory_space<vmem>> -> memref<64x128xf32, #tpu.memory_space<vmem>>
      %gather3A_2373 = tpu.vector_load_idx %gather3A_2372[%add3A_14, %add3A_2298] : memref<64x128xf32, #tpu.memory_space<vmem>>[vector<16xi32>, vector<16xi32>], vector<16xf32>,
      %select_n3A_2374 = arith.select %broadcast_in_dim3A_2304, %gather3A_2367, %gather3A_2373 : vector<16xi1>, vector<16xf32>
      %mul3A_2375 = arith.mulf %select_n3A_2366, %select_n3A_2374 : vector<16xf32>
      %add3A_2376 = arith.addf %add3A_2358, %mul3A_2375 : vector<16xf32>
      %gather3A_2377 = tpu.vector_load_idx %arg13[%add3A_17, %add3A_2312] : memref<64x64xf32, #tpu.memory_space<vmem>>[vector<16xi32>, vector<16xi32>], vector<16xf32>,
      %gather3A_2378 = arith.constant 1 : i32
      %gather3A_2379 = arith.constant 0 : i32
      %gather3A_2380 = arith.constant 0 : i32
      %gather3A_2381 = tpu.memref_slice %arg11[%gather3A_2378, %gather3A_2379, %gather3A_2380] : memref<4x64x128xf32, #tpu.memory_space<vmem>> -> memref<1x64x128xf32, #tpu.memory_space<vmem>>
      %gather3A_2382 = tpu.memref_squeeze %gather3A_2381 : memref<1x64x128xf32, #tpu.memory_space<vmem>> -> memref<64x128xf32, #tpu.memory_space<vmem>>
      %gather3A_2383 = tpu.vector_load_idx %gather3A_2382[%add3A_17, %add3A_2292] : memref<64x128xf32, #tpu.memory_space<vmem>>[vector<16xi32>, vector<16xi32>], vector<16xf32>,
      %select_n3A_2384 = arith.select %broadcast_in_dim3A_2301, %gather3A_2377, %gather3A_2383 : vector<16xi1>, vector<16xf32>
      %gather3A_2385 = tpu.vector_load_idx %arg14[%add3A_17, %add3A_2320] : memref<64x64xf32, #tpu.memory_space<vmem>>[vector<16xi32>, vector<16xi32>], vector<16xf32>,
      %gather3A_2386 = arith.constant 1 : i32
      %gather3A_2387 = arith.constant 0 : i32
      %gather3A_2388 = arith.constant 0 : i32
      %gather3A_2389 = tpu.memref_slice %arg12[%gather3A_2386, %gather3A_2387, %gather3A_2388] : memref<4x64x128xf32, #tpu.memory_space<vmem>> -> memref<1x64x128xf32, #tpu.memory_space<vmem>>
      %gather3A_2390 = tpu.memref_squeeze %gather3A_2389 : memref<1x64x128xf32, #tpu.memory_space<vmem>> -> memref<64x128xf32, #tpu.memory_space<vmem>>
      %gather3A_2391 = tpu.vector_load_idx %gather3A_2390[%add3A_17, %add3A_2298] : memref<64x128xf32, #tpu.memory_space<vmem>>[vector<16xi32>, vector<16xi32>], vector<16xf32>,
      %select_n3A_2392 = arith.select %broadcast_in_dim3A_2304, %gather3A_2385, %gather3A_2391 : vector<16xi1>, vector<16xf32>
      %mul3A_2393 = arith.mulf %select_n3A_2384, %select_n3A_2392 : vector<16xf32>
      %add3A_2394 = arith.addf %add3A_2376, %mul3A_2393 : vector<16xf32>
      %swap3A_2395 = arith.constant 208 : index
      %swap3A_2396 = tpu.vector_load %arg15[%swap3A_2395] {strides = array<i32>} : memref<256xf32, #tpu.memory_space<vmem>>, vector<16xf32>,
      tpu.vector_store %arg15[%swap3A_2395], %add3A_2394 {strides = array<i32>} : memref<256xf32, #tpu.memory_space<vmem>>, vector<16xf32>,
      %add3A_2397 = arith.constant 17 : i32
      %add3A_2398 = arith.addi %mul3A_198, %add3A_2397 : i32
      %lt3A_2399 = arith.constant 512 : i32
      %lt3A_2400 = arith.cmpi slt, %add3A_2398, %lt3A_2399 : i32
      %convert_element_type3A_2401 = arith.extui %lt3A_2400 : i1 to i32
      %cond3A_2402 = arith.constant 0 : i32
      %cond3A_2403 = arith.cmpi ne, %convert_element_type3A_2401, %cond3A_2402 : i32
      scf.if %cond3A_2403 {
        %slice3A_2805 = vector.extract_strided_slice %get3A_208 {offsets = [1], sizes = [1], strides = [1]} : vector<16xi32> to vector<1xi32>
        %squeeze3A_2806 = vector.extract %slice3A_2805[0] : i32 from vector<1xi32>
        %shift_right_logical3A_2807 = arith.constant 7 : i32
        %shift_right_logical3A_2808 = arith.shrui %squeeze3A_2806, %shift_right_logical3A_2807 : i32
        %mul3A_2809 = arith.constant 128 : i32
        %mul3A_2810 = arith.muli %shift_right_logical3A_2808, %mul3A_2809 : i32
        %min3A_2811 = arith.constant 999808 : i32
        %min3A_2812 = arith.minsi %mul3A_2810, %min3A_2811 : i32
        %multiple_of3A_2813 = tpu.assume_multiple %min3A_2812, 128 : i32
        %dma_start3A_2814 = arith.constant 1 : i32
        %dma_start3A_2815 = arith.constant 0 : i32
        %dma_start3A_2816 = arith.constant 0 : i32
        %dma_start3A_2817 = tpu.memref_slice %arg11[%dma_start3A_2814, %dma_start3A_2815, %dma_start3A_2816] : memref<4x64x128xf32, #tpu.memory_space<vmem>> -> memref<1x64x128xf32, #tpu.memory_space<vmem>>
        %dma_start3A_2818 = tpu.memref_squeeze %dma_start3A_2817 : memref<1x64x128xf32, #tpu.memory_space<vmem>> -> memref<64x128xf32, #tpu.memory_space<vmem>>
        %dma_start3A_2819 = arith.constant 0 : i32
        %dma_start3A_2820 = tpu.memref_slice %arg4[%dma_start3A_2819, %multiple_of3A_2813] : memref<64x1000000xf32, #tpu.memory_space<hbm>> -> memref<64x128xf32, #tpu.memory_space<hbm>>
        %dma_start3A_2821 = arith.constant 0 : i32
        %dma_start3A_2822 = arith.constant 0 : i32
        %dma_start3A_2823 = tpu.memref_slice %arg11[%dma_start3A_2814, %dma_start3A_2821, %dma_start3A_2822] : memref<4x64x128xf32, #tpu.memory_space<vmem>> -> memref<1x64x128xf32, #tpu.memory_space<vmem>>
        %dma_start3A_2824 = tpu.memref_squeeze %dma_start3A_2823 : memref<1x64x128xf32, #tpu.memory_space<vmem>> -> memref<64x128xf32, #tpu.memory_space<vmem>>
        %dma_start3A_2825 = arith.constant 0 : i32
        %dma_start3A_2826 = tpu.memref_slice %arg4[%dma_start3A_2825, %multiple_of3A_2813] : memref<64x1000000xf32, #tpu.memory_space<hbm>> -> memref<64x128xf32, #tpu.memory_space<hbm>>
        tpu.enqueue_dma source(%dma_start3A_2826 : memref<64x128xf32, #tpu.memory_space<hbm>>) target(%dma_start3A_2824 : memref<64x128xf32, #tpu.memory_space<vmem>>) target_semaphore(%arg18 : memref<!tpu.dma_semaphore, #tpu.memory_space<semaphore_mem>>)
      } else {
      }
      %add3A_2404 = arith.constant 17 : i32
      %add3A_2405 = arith.addi %mul3A_198, %add3A_2404 : i32
      %lt3A_2406 = arith.constant 512 : i32
      %lt3A_2407 = arith.cmpi slt, %add3A_2405, %lt3A_2406 : i32
      %convert_element_type3A_2408 = arith.extui %lt3A_2407 : i1 to i32
      %cond3A_2409 = arith.constant 0 : i32
      %cond3A_2410 = arith.cmpi ne, %convert_element_type3A_2408, %cond3A_2409 : i32
      scf.if %cond3A_2410 {
        %slice3A_2805 = vector.extract_strided_slice %get3A_210 {offsets = [1], sizes = [1], strides = [1]} : vector<16xi32> to vector<1xi32>
        %squeeze3A_2806 = vector.extract %slice3A_2805[0] : i32 from vector<1xi32>
        %shift_right_logical3A_2807 = arith.constant 7 : i32
        %shift_right_logical3A_2808 = arith.shrui %squeeze3A_2806, %shift_right_logical3A_2807 : i32
        %mul3A_2809 = arith.constant 128 : i32
        %mul3A_2810 = arith.muli %shift_right_logical3A_2808, %mul3A_2809 : i32
        %min3A_2811 = arith.constant 999808 : i32
        %min3A_2812 = arith.minsi %mul3A_2810, %min3A_2811 : i32
        %multiple_of3A_2813 = tpu.assume_multiple %min3A_2812, 128 : i32
        %dma_start3A_2814 = arith.constant 1 : i32
        %dma_start3A_2815 = arith.constant 0 : i32
        %dma_start3A_2816 = arith.constant 0 : i32
        %dma_start3A_2817 = tpu.memref_slice %arg12[%dma_start3A_2814, %dma_start3A_2815, %dma_start3A_2816] : memref<4x64x128xf32, #tpu.memory_space<vmem>> -> memref<1x64x128xf32, #tpu.memory_space<vmem>>
        %dma_start3A_2818 = tpu.memref_squeeze %dma_start3A_2817 : memref<1x64x128xf32, #tpu.memory_space<vmem>> -> memref<64x128xf32, #tpu.memory_space<vmem>>
        %dma_start3A_2819 = arith.constant 0 : i32
        %dma_start3A_2820 = tpu.memref_slice %arg5[%dma_start3A_2819, %multiple_of3A_2813] : memref<64x1000000xf32, #tpu.memory_space<hbm>> -> memref<64x128xf32, #tpu.memory_space<hbm>>
        %dma_start3A_2821 = arith.constant 0 : i32
        %dma_start3A_2822 = arith.constant 0 : i32
        %dma_start3A_2823 = tpu.memref_slice %arg12[%dma_start3A_2814, %dma_start3A_2821, %dma_start3A_2822] : memref<4x64x128xf32, #tpu.memory_space<vmem>> -> memref<1x64x128xf32, #tpu.memory_space<vmem>>
        %dma_start3A_2824 = tpu.memref_squeeze %dma_start3A_2823 : memref<1x64x128xf32, #tpu.memory_space<vmem>> -> memref<64x128xf32, #tpu.memory_space<vmem>>
        %dma_start3A_2825 = arith.constant 0 : i32
        %dma_start3A_2826 = tpu.memref_slice %arg5[%dma_start3A_2825, %multiple_of3A_2813] : memref<64x1000000xf32, #tpu.memory_space<hbm>> -> memref<64x128xf32, #tpu.memory_space<hbm>>
        tpu.enqueue_dma source(%dma_start3A_2826 : memref<64x128xf32, #tpu.memory_space<hbm>>) target(%dma_start3A_2824 : memref<64x128xf32, #tpu.memory_space<vmem>>) target_semaphore(%arg22 : memref<!tpu.dma_semaphore, #tpu.memory_space<semaphore_mem>>)
      } else {
      }
      %dma_wait3A_2411 = arith.constant 2 : i32
      %dma_wait3A_2412 = arith.constant 0 : i32
      %dma_wait3A_2413 = arith.constant 0 : i32
      %dma_wait3A_2414 = tpu.memref_slice %arg11[%dma_wait3A_2411, %dma_wait3A_2412, %dma_wait3A_2413] : memref<4x64x128xf32, #tpu.memory_space<vmem>> -> memref<1x64x128xf32, #tpu.memory_space<vmem>>
      %dma_wait3A_2415 = tpu.memref_squeeze %dma_wait3A_2414 : memref<1x64x128xf32, #tpu.memory_space<vmem>> -> memref<64x128xf32, #tpu.memory_space<vmem>>
      %dma_wait3A_2416 = arith.constant 0 : i32
      %dma_wait3A_2417 = arith.constant 0 : i32
      %dma_wait3A_2418 = tpu.memref_slice %arg4[%dma_wait3A_2416, %dma_wait3A_2417] : memref<64x1000000xf32, #tpu.memory_space<hbm>> -> memref<64x128xf32, #tpu.memory_space<hbm>>
      %dma_wait3A_2419 = arith.constant 0 : i32
      %dma_wait3A_2420 = arith.constant 0 : i32
      %dma_wait3A_2421 = tpu.memref_slice %arg11[%dma_wait3A_2411, %dma_wait3A_2419, %dma_wait3A_2420] : memref<4x64x128xf32, #tpu.memory_space<vmem>> -> memref<1x64x128xf32, #tpu.memory_space<vmem>>
      %dma_wait3A_2422 = tpu.memref_squeeze %dma_wait3A_2421 : memref<1x64x128xf32, #tpu.memory_space<vmem>> -> memref<64x128xf32, #tpu.memory_space<vmem>>
      %dma_wait3A_2423 = arith.constant 0 : i32
      %dma_wait3A_2424 = arith.constant 0 : i32
      %dma_wait3A_2425 = tpu.memref_slice %arg4[%dma_wait3A_2423, %dma_wait3A_2424] : memref<64x1000000xf32, #tpu.memory_space<hbm>> -> memref<64x128xf32, #tpu.memory_space<hbm>>
      tpu.wait_dma2 semaphore(%arg19 : memref<!tpu.dma_semaphore, #tpu.memory_space<semaphore_mem>>) src(%dma_wait3A_2425 : memref<64x128xf32, #tpu.memory_space<hbm>>) dst(%dma_wait3A_2422 : memref<64x128xf32, #tpu.memory_space<vmem>>)
      %dma_wait3A_2426 = arith.constant 2 : i32
      %dma_wait3A_2427 = arith.constant 0 : i32
      %dma_wait3A_2428 = arith.constant 0 : i32
      %dma_wait3A_2429 = tpu.memref_slice %arg12[%dma_wait3A_2426, %dma_wait3A_2427, %dma_wait3A_2428] : memref<4x64x128xf32, #tpu.memory_space<vmem>> -> memref<1x64x128xf32, #tpu.memory_space<vmem>>
      %dma_wait3A_2430 = tpu.memref_squeeze %dma_wait3A_2429 : memref<1x64x128xf32, #tpu.memory_space<vmem>> -> memref<64x128xf32, #tpu.memory_space<vmem>>
      %dma_wait3A_2431 = arith.constant 0 : i32
      %dma_wait3A_2432 = arith.constant 0 : i32
      %dma_wait3A_2433 = tpu.memref_slice %arg5[%dma_wait3A_2431, %dma_wait3A_2432] : memref<64x1000000xf32, #tpu.memory_space<hbm>> -> memref<64x128xf32, #tpu.memory_space<hbm>>
      %dma_wait3A_2434 = arith.constant 0 : i32
      %dma_wait3A_2435 = arith.constant 0 : i32
      %dma_wait3A_2436 = tpu.memref_slice %arg12[%dma_wait3A_2426, %dma_wait3A_2434, %dma_wait3A_2435] : memref<4x64x128xf32, #tpu.memory_space<vmem>> -> memref<1x64x128xf32, #tpu.memory_space<vmem>>
      %dma_wait3A_2437 = tpu.memref_squeeze %dma_wait3A_2436 : memref<1x64x128xf32, #tpu.memory_space<vmem>> -> memref<64x128xf32, #tpu.memory_space<vmem>>
      %dma_wait3A_2438 = arith.constant 0 : i32
      %dma_wait3A_2439 = arith.constant 0 : i32
      %dma_wait3A_2440 = tpu.memref_slice %arg5[%dma_wait3A_2438, %dma_wait3A_2439] : memref<64x1000000xf32, #tpu.memory_space<hbm>> -> memref<64x128xf32, #tpu.memory_space<hbm>>
      tpu.wait_dma2 semaphore(%arg23 : memref<!tpu.dma_semaphore, #tpu.memory_space<semaphore_mem>>) src(%dma_wait3A_2440 : memref<64x128xf32, #tpu.memory_space<hbm>>) dst(%dma_wait3A_2437 : memref<64x128xf32, #tpu.memory_space<vmem>>)
      %slice3A_2441 = vector.extract_strided_slice %get3A_200 {offsets = [14], sizes = [1], strides = [1]} : vector<16xi32> to vector<1xi32>
      %squeeze3A_2442 = vector.extract %slice3A_2441[0] : i32 from vector<1xi32>
      %slice3A_2443 = vector.extract_strided_slice %get3A_202 {offsets = [14], sizes = [1], strides = [1]} : vector<16xi32> to vector<1xi32>
      %squeeze3A_2444 = vector.extract %slice3A_2443[0] : i32 from vector<1xi32>
      %broadcast_in_dim3A_2445 = arith.constant 0 : i32
      %broadcast_in_dim3A_2446 = vector.broadcast %broadcast_in_dim3A_2445 : i32 to vector<16xi32>
      %and3A_2447 = arith.constant 127 : i32
      %and3A_2448 = arith.andi %squeeze3A_2442, %and3A_2447 : i32
      %add3A_2449 = vector.broadcast %and3A_2448 : i32 to vector<16xi32>
      %add3A_2450 = arith.addi %broadcast_in_dim3A_2446, %add3A_2449 : vector<16xi32>
      %broadcast_in_dim3A_2451 = arith.constant 0 : i32
      %broadcast_in_dim3A_2452 = vector.broadcast %broadcast_in_dim3A_2451 : i32 to vector<16xi32>
      %and3A_2453 = arith.constant 127 : i32
      %and3A_2454 = arith.andi %squeeze3A_2444, %and3A_2453 : i32
      %add3A_2455 = vector.broadcast %and3A_2454 : i32 to vector<16xi32>
      %add3A_2456 = arith.addi %broadcast_in_dim3A_2452, %add3A_2455 : vector<16xi32>
      %ge3A_2457 = arith.constant 999936 : i32
      %ge3A_2458 = arith.cmpi sge, %squeeze3A_2442, %ge3A_2457 : i32
      %broadcast_in_dim3A_2459 = vector.broadcast %ge3A_2458 : i1 to vector<16xi1>
      %ge3A_2460 = arith.constant 999936 : i32
      %ge3A_2461 = arith.cmpi sge, %squeeze3A_2444, %ge3A_2460 : i32
      %broadcast_in_dim3A_2462 = vector.broadcast %ge3A_2461 : i1 to vector<16xi1>
      %broadcast_in_dim3A_2463 = arith.constant 0 : i32
      %broadcast_in_dim3A_2464 = vector.broadcast %broadcast_in_dim3A_2463 : i32 to vector<16xi32>
      %sub3A_2465 = arith.constant 999936 : i32
      %sub3A_2466 = arith.subi %squeeze3A_2442, %sub3A_2465 : i32
      %max3A_2467 = arith.constant 0 : i32
      %max3A_2468 = arith.maxsi %sub3A_2466, %max3A_2467 : i32
      %add3A_2469 = vector.broadcast %max3A_2468 : i32 to vector<16xi32>
      %add3A_2470 = arith.addi %broadcast_in_dim3A_2464, %add3A_2469 : vector<16xi32>
      %broadcast_in_dim3A_2471 = arith.constant 0 : i32
      %broadcast_in_dim3A_2472 = vector.broadcast %broadcast_in_dim3A_2471 : i32 to vector<16xi32>
      %sub3A_2473 = arith.constant 999936 : i32
      %sub3A_2474 = arith.subi %squeeze3A_2444, %sub3A_2473 : i32
      %max3A_2475 = arith.constant 0 : i32
      %max3A_2476 = arith.maxsi %sub3A_2474, %max3A_2475 : i32
      %add3A_2477 = vector.broadcast %max3A_2476 : i32 to vector<16xi32>
      %add3A_2478 = arith.addi %broadcast_in_dim3A_2472, %add3A_2477 : vector<16xi32>
      %broadcast_in_dim3A_2479 = arith.constant 0.000000e+00 : f32
      %broadcast_in_dim3A_2480 = vector.broadcast %broadcast_in_dim3A_2479 : f32 to vector<16xf32>
      %gather3A_2481 = tpu.vector_load_idx %arg13[%add3A_8, %add3A_2470] : memref<64x64xf32, #tpu.memory_space<vmem>>[vector<16xi32>, vector<16xi32>], vector<16xf32>,
      %gather3A_2482 = arith.constant 2 : i32
      %gather3A_2483 = arith.constant 0 : i32
      %gather3A_2484 = arith.constant 0 : i32
      %gather3A_2485 = tpu.memref_slice %arg11[%gather3A_2482, %gather3A_2483, %gather3A_2484] : memref<4x64x128xf32, #tpu.memory_space<vmem>> -> memref<1x64x128xf32, #tpu.memory_space<vmem>>
      %gather3A_2486 = tpu.memref_squeeze %gather3A_2485 : memref<1x64x128xf32, #tpu.memory_space<vmem>> -> memref<64x128xf32, #tpu.memory_space<vmem>>
      %gather3A_2487 = tpu.vector_load_idx %gather3A_2486[%add3A_8, %add3A_2450] : memref<64x128xf32, #tpu.memory_space<vmem>>[vector<16xi32>, vector<16xi32>], vector<16xf32>,
      %select_n3A_2488 = arith.select %broadcast_in_dim3A_2459, %gather3A_2481, %gather3A_2487 : vector<16xi1>, vector<16xf32>
      %gather3A_2489 = tpu.vector_load_idx %arg14[%add3A_8, %add3A_2478] : memref<64x64xf32, #tpu.memory_space<vmem>>[vector<16xi32>, vector<16xi32>], vector<16xf32>,
      %gather3A_2490 = arith.constant 2 : i32
      %gather3A_2491 = arith.constant 0 : i32
      %gather3A_2492 = arith.constant 0 : i32
      %gather3A_2493 = tpu.memref_slice %arg12[%gather3A_2490, %gather3A_2491, %gather3A_2492] : memref<4x64x128xf32, #tpu.memory_space<vmem>> -> memref<1x64x128xf32, #tpu.memory_space<vmem>>
      %gather3A_2494 = tpu.memref_squeeze %gather3A_2493 : memref<1x64x128xf32, #tpu.memory_space<vmem>> -> memref<64x128xf32, #tpu.memory_space<vmem>>
      %gather3A_2495 = tpu.vector_load_idx %gather3A_2494[%add3A_8, %add3A_2456] : memref<64x128xf32, #tpu.memory_space<vmem>>[vector<16xi32>, vector<16xi32>], vector<16xf32>,
      %select_n3A_2496 = arith.select %broadcast_in_dim3A_2462, %gather3A_2489, %gather3A_2495 : vector<16xi1>, vector<16xf32>
      %mul3A_2497 = arith.mulf %select_n3A_2488, %select_n3A_2496 : vector<16xf32>
      %add3A_2498 = arith.addf %broadcast_in_dim3A_2480, %mul3A_2497 : vector<16xf32>
      %gather3A_2499 = tpu.vector_load_idx %arg13[%add3A_11, %add3A_2470] : memref<64x64xf32, #tpu.memory_space<vmem>>[vector<16xi32>, vector<16xi32>], vector<16xf32>,
      %gather3A_2500 = arith.constant 2 : i32
      %gather3A_2501 = arith.constant 0 : i32
      %gather3A_2502 = arith.constant 0 : i32
      %gather3A_2503 = tpu.memref_slice %arg11[%gather3A_2500, %gather3A_2501, %gather3A_2502] : memref<4x64x128xf32, #tpu.memory_space<vmem>> -> memref<1x64x128xf32, #tpu.memory_space<vmem>>
      %gather3A_2504 = tpu.memref_squeeze %gather3A_2503 : memref<1x64x128xf32, #tpu.memory_space<vmem>> -> memref<64x128xf32, #tpu.memory_space<vmem>>
      %gather3A_2505 = tpu.vector_load_idx %gather3A_2504[%add3A_11, %add3A_2450] : memref<64x128xf32, #tpu.memory_space<vmem>>[vector<16xi32>, vector<16xi32>], vector<16xf32>,
      %select_n3A_2506 = arith.select %broadcast_in_dim3A_2459, %gather3A_2499, %gather3A_2505 : vector<16xi1>, vector<16xf32>
      %gather3A_2507 = tpu.vector_load_idx %arg14[%add3A_11, %add3A_2478] : memref<64x64xf32, #tpu.memory_space<vmem>>[vector<16xi32>, vector<16xi32>], vector<16xf32>,
      %gather3A_2508 = arith.constant 2 : i32
      %gather3A_2509 = arith.constant 0 : i32
      %gather3A_2510 = arith.constant 0 : i32
      %gather3A_2511 = tpu.memref_slice %arg12[%gather3A_2508, %gather3A_2509, %gather3A_2510] : memref<4x64x128xf32, #tpu.memory_space<vmem>> -> memref<1x64x128xf32, #tpu.memory_space<vmem>>
      %gather3A_2512 = tpu.memref_squeeze %gather3A_2511 : memref<1x64x128xf32, #tpu.memory_space<vmem>> -> memref<64x128xf32, #tpu.memory_space<vmem>>
      %gather3A_2513 = tpu.vector_load_idx %gather3A_2512[%add3A_11, %add3A_2456] : memref<64x128xf32, #tpu.memory_space<vmem>>[vector<16xi32>, vector<16xi32>], vector<16xf32>,
      %select_n3A_2514 = arith.select %broadcast_in_dim3A_2462, %gather3A_2507, %gather3A_2513 : vector<16xi1>, vector<16xf32>
      %mul3A_2515 = arith.mulf %select_n3A_2506, %select_n3A_2514 : vector<16xf32>
      %add3A_2516 = arith.addf %add3A_2498, %mul3A_2515 : vector<16xf32>
      %gather3A_2517 = tpu.vector_load_idx %arg13[%add3A_14, %add3A_2470] : memref<64x64xf32, #tpu.memory_space<vmem>>[vector<16xi32>, vector<16xi32>], vector<16xf32>,
      %gather3A_2518 = arith.constant 2 : i32
      %gather3A_2519 = arith.constant 0 : i32
      %gather3A_2520 = arith.constant 0 : i32
      %gather3A_2521 = tpu.memref_slice %arg11[%gather3A_2518, %gather3A_2519, %gather3A_2520] : memref<4x64x128xf32, #tpu.memory_space<vmem>> -> memref<1x64x128xf32, #tpu.memory_space<vmem>>
      %gather3A_2522 = tpu.memref_squeeze %gather3A_2521 : memref<1x64x128xf32, #tpu.memory_space<vmem>> -> memref<64x128xf32, #tpu.memory_space<vmem>>
      %gather3A_2523 = tpu.vector_load_idx %gather3A_2522[%add3A_14, %add3A_2450] : memref<64x128xf32, #tpu.memory_space<vmem>>[vector<16xi32>, vector<16xi32>], vector<16xf32>,
      %select_n3A_2524 = arith.select %broadcast_in_dim3A_2459, %gather3A_2517, %gather3A_2523 : vector<16xi1>, vector<16xf32>
      %gather3A_2525 = tpu.vector_load_idx %arg14[%add3A_14, %add3A_2478] : memref<64x64xf32, #tpu.memory_space<vmem>>[vector<16xi32>, vector<16xi32>], vector<16xf32>,
      %gather3A_2526 = arith.constant 2 : i32
      %gather3A_2527 = arith.constant 0 : i32
      %gather3A_2528 = arith.constant 0 : i32
      %gather3A_2529 = tpu.memref_slice %arg12[%gather3A_2526, %gather3A_2527, %gather3A_2528] : memref<4x64x128xf32, #tpu.memory_space<vmem>> -> memref<1x64x128xf32, #tpu.memory_space<vmem>>
      %gather3A_2530 = tpu.memref_squeeze %gather3A_2529 : memref<1x64x128xf32, #tpu.memory_space<vmem>> -> memref<64x128xf32, #tpu.memory_space<vmem>>
      %gather3A_2531 = tpu.vector_load_idx %gather3A_2530[%add3A_14, %add3A_2456] : memref<64x128xf32, #tpu.memory_space<vmem>>[vector<16xi32>, vector<16xi32>], vector<16xf32>,
      %select_n3A_2532 = arith.select %broadcast_in_dim3A_2462, %gather3A_2525, %gather3A_2531 : vector<16xi1>, vector<16xf32>
      %mul3A_2533 = arith.mulf %select_n3A_2524, %select_n3A_2532 : vector<16xf32>
      %add3A_2534 = arith.addf %add3A_2516, %mul3A_2533 : vector<16xf32>
      %gather3A_2535 = tpu.vector_load_idx %arg13[%add3A_17, %add3A_2470] : memref<64x64xf32, #tpu.memory_space<vmem>>[vector<16xi32>, vector<16xi32>], vector<16xf32>,
      %gather3A_2536 = arith.constant 2 : i32
      %gather3A_2537 = arith.constant 0 : i32
      %gather3A_2538 = arith.constant 0 : i32
      %gather3A_2539 = tpu.memref_slice %arg11[%gather3A_2536, %gather3A_2537, %gather3A_2538] : memref<4x64x128xf32, #tpu.memory_space<vmem>> -> memref<1x64x128xf32, #tpu.memory_space<vmem>>
      %gather3A_2540 = tpu.memref_squeeze %gather3A_2539 : memref<1x64x128xf32, #tpu.memory_space<vmem>> -> memref<64x128xf32, #tpu.memory_space<vmem>>
      %gather3A_2541 = tpu.vector_load_idx %gather3A_2540[%add3A_17, %add3A_2450] : memref<64x128xf32, #tpu.memory_space<vmem>>[vector<16xi32>, vector<16xi32>], vector<16xf32>,
      %select_n3A_2542 = arith.select %broadcast_in_dim3A_2459, %gather3A_2535, %gather3A_2541 : vector<16xi1>, vector<16xf32>
      %gather3A_2543 = tpu.vector_load_idx %arg14[%add3A_17, %add3A_2478] : memref<64x64xf32, #tpu.memory_space<vmem>>[vector<16xi32>, vector<16xi32>], vector<16xf32>,
      %gather3A_2544 = arith.constant 2 : i32
      %gather3A_2545 = arith.constant 0 : i32
      %gather3A_2546 = arith.constant 0 : i32
      %gather3A_2547 = tpu.memref_slice %arg12[%gather3A_2544, %gather3A_2545, %gather3A_2546] : memref<4x64x128xf32, #tpu.memory_space<vmem>> -> memref<1x64x128xf32, #tpu.memory_space<vmem>>
      %gather3A_2548 = tpu.memref_squeeze %gather3A_2547 : memref<1x64x128xf32, #tpu.memory_space<vmem>> -> memref<64x128xf32, #tpu.memory_space<vmem>>
      %gather3A_2549 = tpu.vector_load_idx %gather3A_2548[%add3A_17, %add3A_2456] : memref<64x128xf32, #tpu.memory_space<vmem>>[vector<16xi32>, vector<16xi32>], vector<16xf32>,
      %select_n3A_2550 = arith.select %broadcast_in_dim3A_2462, %gather3A_2543, %gather3A_2549 : vector<16xi1>, vector<16xf32>
      %mul3A_2551 = arith.mulf %select_n3A_2542, %select_n3A_2550 : vector<16xf32>
      %add3A_2552 = arith.addf %add3A_2534, %mul3A_2551 : vector<16xf32>
      %swap3A_2553 = arith.constant 224 : index
      %swap3A_2554 = tpu.vector_load %arg15[%swap3A_2553] {strides = array<i32>} : memref<256xf32, #tpu.memory_space<vmem>>, vector<16xf32>,
      tpu.vector_store %arg15[%swap3A_2553], %add3A_2552 {strides = array<i32>} : memref<256xf32, #tpu.memory_space<vmem>>, vector<16xf32>,
      %add3A_2555 = arith.constant 18 : i32
      %add3A_2556 = arith.addi %mul3A_198, %add3A_2555 : i32
      %lt3A_2557 = arith.constant 512 : i32
      %lt3A_2558 = arith.cmpi slt, %add3A_2556, %lt3A_2557 : i32
      %convert_element_type3A_2559 = arith.extui %lt3A_2558 : i1 to i32
      %cond3A_2560 = arith.constant 0 : i32
      %cond3A_2561 = arith.cmpi ne, %convert_element_type3A_2559, %cond3A_2560 : i32
      scf.if %cond3A_2561 {
        %slice3A_2805 = vector.extract_strided_slice %get3A_208 {offsets = [2], sizes = [1], strides = [1]} : vector<16xi32> to vector<1xi32>
        %squeeze3A_2806 = vector.extract %slice3A_2805[0] : i32 from vector<1xi32>
        %shift_right_logical3A_2807 = arith.constant 7 : i32
        %shift_right_logical3A_2808 = arith.shrui %squeeze3A_2806, %shift_right_logical3A_2807 : i32
        %mul3A_2809 = arith.constant 128 : i32
        %mul3A_2810 = arith.muli %shift_right_logical3A_2808, %mul3A_2809 : i32
        %min3A_2811 = arith.constant 999808 : i32
        %min3A_2812 = arith.minsi %mul3A_2810, %min3A_2811 : i32
        %multiple_of3A_2813 = tpu.assume_multiple %min3A_2812, 128 : i32
        %dma_start3A_2814 = arith.constant 2 : i32
        %dma_start3A_2815 = arith.constant 0 : i32
        %dma_start3A_2816 = arith.constant 0 : i32
        %dma_start3A_2817 = tpu.memref_slice %arg11[%dma_start3A_2814, %dma_start3A_2815, %dma_start3A_2816] : memref<4x64x128xf32, #tpu.memory_space<vmem>> -> memref<1x64x128xf32, #tpu.memory_space<vmem>>
        %dma_start3A_2818 = tpu.memref_squeeze %dma_start3A_2817 : memref<1x64x128xf32, #tpu.memory_space<vmem>> -> memref<64x128xf32, #tpu.memory_space<vmem>>
        %dma_start3A_2819 = arith.constant 0 : i32
        %dma_start3A_2820 = tpu.memref_slice %arg4[%dma_start3A_2819, %multiple_of3A_2813] : memref<64x1000000xf32, #tpu.memory_space<hbm>> -> memref<64x128xf32, #tpu.memory_space<hbm>>
        %dma_start3A_2821 = arith.constant 0 : i32
        %dma_start3A_2822 = arith.constant 0 : i32
        %dma_start3A_2823 = tpu.memref_slice %arg11[%dma_start3A_2814, %dma_start3A_2821, %dma_start3A_2822] : memref<4x64x128xf32, #tpu.memory_space<vmem>> -> memref<1x64x128xf32, #tpu.memory_space<vmem>>
        %dma_start3A_2824 = tpu.memref_squeeze %dma_start3A_2823 : memref<1x64x128xf32, #tpu.memory_space<vmem>> -> memref<64x128xf32, #tpu.memory_space<vmem>>
        %dma_start3A_2825 = arith.constant 0 : i32
        %dma_start3A_2826 = tpu.memref_slice %arg4[%dma_start3A_2825, %multiple_of3A_2813] : memref<64x1000000xf32, #tpu.memory_space<hbm>> -> memref<64x128xf32, #tpu.memory_space<hbm>>
        tpu.enqueue_dma source(%dma_start3A_2826 : memref<64x128xf32, #tpu.memory_space<hbm>>) target(%dma_start3A_2824 : memref<64x128xf32, #tpu.memory_space<vmem>>) target_semaphore(%arg19 : memref<!tpu.dma_semaphore, #tpu.memory_space<semaphore_mem>>)
      } else {
      }
      %add3A_2562 = arith.constant 18 : i32
      %add3A_2563 = arith.addi %mul3A_198, %add3A_2562 : i32
      %lt3A_2564 = arith.constant 512 : i32
      %lt3A_2565 = arith.cmpi slt, %add3A_2563, %lt3A_2564 : i32
      %convert_element_type3A_2566 = arith.extui %lt3A_2565 : i1 to i32
      %cond3A_2567 = arith.constant 0 : i32
      %cond3A_2568 = arith.cmpi ne, %convert_element_type3A_2566, %cond3A_2567 : i32
      scf.if %cond3A_2568 {
        %slice3A_2805 = vector.extract_strided_slice %get3A_210 {offsets = [2], sizes = [1], strides = [1]} : vector<16xi32> to vector<1xi32>
        %squeeze3A_2806 = vector.extract %slice3A_2805[0] : i32 from vector<1xi32>
        %shift_right_logical3A_2807 = arith.constant 7 : i32
        %shift_right_logical3A_2808 = arith.shrui %squeeze3A_2806, %shift_right_logical3A_2807 : i32
        %mul3A_2809 = arith.constant 128 : i32
        %mul3A_2810 = arith.muli %shift_right_logical3A_2808, %mul3A_2809 : i32
        %min3A_2811 = arith.constant 999808 : i32
        %min3A_2812 = arith.minsi %mul3A_2810, %min3A_2811 : i32
        %multiple_of3A_2813 = tpu.assume_multiple %min3A_2812, 128 : i32
        %dma_start3A_2814 = arith.constant 2 : i32
        %dma_start3A_2815 = arith.constant 0 : i32
        %dma_start3A_2816 = arith.constant 0 : i32
        %dma_start3A_2817 = tpu.memref_slice %arg12[%dma_start3A_2814, %dma_start3A_2815, %dma_start3A_2816] : memref<4x64x128xf32, #tpu.memory_space<vmem>> -> memref<1x64x128xf32, #tpu.memory_space<vmem>>
        %dma_start3A_2818 = tpu.memref_squeeze %dma_start3A_2817 : memref<1x64x128xf32, #tpu.memory_space<vmem>> -> memref<64x128xf32, #tpu.memory_space<vmem>>
        %dma_start3A_2819 = arith.constant 0 : i32
        %dma_start3A_2820 = tpu.memref_slice %arg5[%dma_start3A_2819, %multiple_of3A_2813] : memref<64x1000000xf32, #tpu.memory_space<hbm>> -> memref<64x128xf32, #tpu.memory_space<hbm>>
        %dma_start3A_2821 = arith.constant 0 : i32
        %dma_start3A_2822 = arith.constant 0 : i32
        %dma_start3A_2823 = tpu.memref_slice %arg12[%dma_start3A_2814, %dma_start3A_2821, %dma_start3A_2822] : memref<4x64x128xf32, #tpu.memory_space<vmem>> -> memref<1x64x128xf32, #tpu.memory_space<vmem>>
        %dma_start3A_2824 = tpu.memref_squeeze %dma_start3A_2823 : memref<1x64x128xf32, #tpu.memory_space<vmem>> -> memref<64x128xf32, #tpu.memory_space<vmem>>
        %dma_start3A_2825 = arith.constant 0 : i32
        %dma_start3A_2826 = tpu.memref_slice %arg5[%dma_start3A_2825, %multiple_of3A_2813] : memref<64x1000000xf32, #tpu.memory_space<hbm>> -> memref<64x128xf32, #tpu.memory_space<hbm>>
        tpu.enqueue_dma source(%dma_start3A_2826 : memref<64x128xf32, #tpu.memory_space<hbm>>) target(%dma_start3A_2824 : memref<64x128xf32, #tpu.memory_space<vmem>>) target_semaphore(%arg23 : memref<!tpu.dma_semaphore, #tpu.memory_space<semaphore_mem>>)
      } else {
      }
      %dma_wait3A_2569 = arith.constant 3 : i32
      %dma_wait3A_2570 = arith.constant 0 : i32
      %dma_wait3A_2571 = arith.constant 0 : i32
      %dma_wait3A_2572 = tpu.memref_slice %arg11[%dma_wait3A_2569, %dma_wait3A_2570, %dma_wait3A_2571] : memref<4x64x128xf32, #tpu.memory_space<vmem>> -> memref<1x64x128xf32, #tpu.memory_space<vmem>>
      %dma_wait3A_2573 = tpu.memref_squeeze %dma_wait3A_2572 : memref<1x64x128xf32, #tpu.memory_space<vmem>> -> memref<64x128xf32, #tpu.memory_space<vmem>>
      %dma_wait3A_2574 = arith.constant 0 : i32
      %dma_wait3A_2575 = arith.constant 0 : i32
      %dma_wait3A_2576 = tpu.memref_slice %arg4[%dma_wait3A_2574, %dma_wait3A_2575] : memref<64x1000000xf32, #tpu.memory_space<hbm>> -> memref<64x128xf32, #tpu.memory_space<hbm>>
      %dma_wait3A_2577 = arith.constant 0 : i32
      %dma_wait3A_2578 = arith.constant 0 : i32
      %dma_wait3A_2579 = tpu.memref_slice %arg11[%dma_wait3A_2569, %dma_wait3A_2577, %dma_wait3A_2578] : memref<4x64x128xf32, #tpu.memory_space<vmem>> -> memref<1x64x128xf32, #tpu.memory_space<vmem>>
      %dma_wait3A_2580 = tpu.memref_squeeze %dma_wait3A_2579 : memref<1x64x128xf32, #tpu.memory_space<vmem>> -> memref<64x128xf32, #tpu.memory_space<vmem>>
      %dma_wait3A_2581 = arith.constant 0 : i32
      %dma_wait3A_2582 = arith.constant 0 : i32
      %dma_wait3A_2583 = tpu.memref_slice %arg4[%dma_wait3A_2581, %dma_wait3A_2582] : memref<64x1000000xf32, #tpu.memory_space<hbm>> -> memref<64x128xf32, #tpu.memory_space<hbm>>
      tpu.wait_dma2 semaphore(%arg20 : memref<!tpu.dma_semaphore, #tpu.memory_space<semaphore_mem>>) src(%dma_wait3A_2583 : memref<64x128xf32, #tpu.memory_space<hbm>>) dst(%dma_wait3A_2580 : memref<64x128xf32, #tpu.memory_space<vmem>>)
      %dma_wait3A_2584 = arith.constant 3 : i32
      %dma_wait3A_2585 = arith.constant 0 : i32
      %dma_wait3A_2586 = arith.constant 0 : i32
      %dma_wait3A_2587 = tpu.memref_slice %arg12[%dma_wait3A_2584, %dma_wait3A_2585, %dma_wait3A_2586] : memref<4x64x128xf32, #tpu.memory_space<vmem>> -> memref<1x64x128xf32, #tpu.memory_space<vmem>>
      %dma_wait3A_2588 = tpu.memref_squeeze %dma_wait3A_2587 : memref<1x64x128xf32, #tpu.memory_space<vmem>> -> memref<64x128xf32, #tpu.memory_space<vmem>>
      %dma_wait3A_2589 = arith.constant 0 : i32
      %dma_wait3A_2590 = arith.constant 0 : i32
      %dma_wait3A_2591 = tpu.memref_slice %arg5[%dma_wait3A_2589, %dma_wait3A_2590] : memref<64x1000000xf32, #tpu.memory_space<hbm>> -> memref<64x128xf32, #tpu.memory_space<hbm>>
      %dma_wait3A_2592 = arith.constant 0 : i32
      %dma_wait3A_2593 = arith.constant 0 : i32
      %dma_wait3A_2594 = tpu.memref_slice %arg12[%dma_wait3A_2584, %dma_wait3A_2592, %dma_wait3A_2593] : memref<4x64x128xf32, #tpu.memory_space<vmem>> -> memref<1x64x128xf32, #tpu.memory_space<vmem>>
      %dma_wait3A_2595 = tpu.memref_squeeze %dma_wait3A_2594 : memref<1x64x128xf32, #tpu.memory_space<vmem>> -> memref<64x128xf32, #tpu.memory_space<vmem>>
      %dma_wait3A_2596 = arith.constant 0 : i32
      %dma_wait3A_2597 = arith.constant 0 : i32
      %dma_wait3A_2598 = tpu.memref_slice %arg5[%dma_wait3A_2596, %dma_wait3A_2597] : memref<64x1000000xf32, #tpu.memory_space<hbm>> -> memref<64x128xf32, #tpu.memory_space<hbm>>
      tpu.wait_dma2 semaphore(%arg24 : memref<!tpu.dma_semaphore, #tpu.memory_space<semaphore_mem>>) src(%dma_wait3A_2598 : memref<64x128xf32, #tpu.memory_space<hbm>>) dst(%dma_wait3A_2595 : memref<64x128xf32, #tpu.memory_space<vmem>>)
      %slice3A_2599 = vector.extract_strided_slice %get3A_200 {offsets = [15], sizes = [1], strides = [1]} : vector<16xi32> to vector<1xi32>
      %squeeze3A_2600 = vector.extract %slice3A_2599[0] : i32 from vector<1xi32>
      %slice3A_2601 = vector.extract_strided_slice %get3A_202 {offsets = [15], sizes = [1], strides = [1]} : vector<16xi32> to vector<1xi32>
      %squeeze3A_2602 = vector.extract %slice3A_2601[0] : i32 from vector<1xi32>
      %broadcast_in_dim3A_2603 = arith.constant 0 : i32
      %broadcast_in_dim3A_2604 = vector.broadcast %broadcast_in_dim3A_2603 : i32 to vector<16xi32>
      %and3A_2605 = arith.constant 127 : i32
      %and3A_2606 = arith.andi %squeeze3A_2600, %and3A_2605 : i32
      %add3A_2607 = vector.broadcast %and3A_2606 : i32 to vector<16xi32>
      %add3A_2608 = arith.addi %broadcast_in_dim3A_2604, %add3A_2607 : vector<16xi32>
      %broadcast_in_dim3A_2609 = arith.constant 0 : i32
      %broadcast_in_dim3A_2610 = vector.broadcast %broadcast_in_dim3A_2609 : i32 to vector<16xi32>
      %and3A_2611 = arith.constant 127 : i32
      %and3A_2612 = arith.andi %squeeze3A_2602, %and3A_2611 : i32
      %add3A_2613 = vector.broadcast %and3A_2612 : i32 to vector<16xi32>
      %add3A_2614 = arith.addi %broadcast_in_dim3A_2610, %add3A_2613 : vector<16xi32>
      %ge3A_2615 = arith.constant 999936 : i32
      %ge3A_2616 = arith.cmpi sge, %squeeze3A_2600, %ge3A_2615 : i32
      %broadcast_in_dim3A_2617 = vector.broadcast %ge3A_2616 : i1 to vector<16xi1>
      %ge3A_2618 = arith.constant 999936 : i32
      %ge3A_2619 = arith.cmpi sge, %squeeze3A_2602, %ge3A_2618 : i32
      %broadcast_in_dim3A_2620 = vector.broadcast %ge3A_2619 : i1 to vector<16xi1>
      %broadcast_in_dim3A_2621 = arith.constant 0 : i32
      %broadcast_in_dim3A_2622 = vector.broadcast %broadcast_in_dim3A_2621 : i32 to vector<16xi32>
      %sub3A_2623 = arith.constant 999936 : i32
      %sub3A_2624 = arith.subi %squeeze3A_2600, %sub3A_2623 : i32
      %max3A_2625 = arith.constant 0 : i32
      %max3A_2626 = arith.maxsi %sub3A_2624, %max3A_2625 : i32
      %add3A_2627 = vector.broadcast %max3A_2626 : i32 to vector<16xi32>
      %add3A_2628 = arith.addi %broadcast_in_dim3A_2622, %add3A_2627 : vector<16xi32>
      %broadcast_in_dim3A_2629 = arith.constant 0 : i32
      %broadcast_in_dim3A_2630 = vector.broadcast %broadcast_in_dim3A_2629 : i32 to vector<16xi32>
      %sub3A_2631 = arith.constant 999936 : i32
      %sub3A_2632 = arith.subi %squeeze3A_2602, %sub3A_2631 : i32
      %max3A_2633 = arith.constant 0 : i32
      %max3A_2634 = arith.maxsi %sub3A_2632, %max3A_2633 : i32
      %add3A_2635 = vector.broadcast %max3A_2634 : i32 to vector<16xi32>
      %add3A_2636 = arith.addi %broadcast_in_dim3A_2630, %add3A_2635 : vector<16xi32>
      %broadcast_in_dim3A_2637 = arith.constant 0.000000e+00 : f32
      %broadcast_in_dim3A_2638 = vector.broadcast %broadcast_in_dim3A_2637 : f32 to vector<16xf32>
      %gather3A_2639 = tpu.vector_load_idx %arg13[%add3A_8, %add3A_2628] : memref<64x64xf32, #tpu.memory_space<vmem>>[vector<16xi32>, vector<16xi32>], vector<16xf32>,
      %gather3A_2640 = arith.constant 3 : i32
      %gather3A_2641 = arith.constant 0 : i32
      %gather3A_2642 = arith.constant 0 : i32
      %gather3A_2643 = tpu.memref_slice %arg11[%gather3A_2640, %gather3A_2641, %gather3A_2642] : memref<4x64x128xf32, #tpu.memory_space<vmem>> -> memref<1x64x128xf32, #tpu.memory_space<vmem>>
      %gather3A_2644 = tpu.memref_squeeze %gather3A_2643 : memref<1x64x128xf32, #tpu.memory_space<vmem>> -> memref<64x128xf32, #tpu.memory_space<vmem>>
      %gather3A_2645 = tpu.vector_load_idx %gather3A_2644[%add3A_8, %add3A_2608] : memref<64x128xf32, #tpu.memory_space<vmem>>[vector<16xi32>, vector<16xi32>], vector<16xf32>,
      %select_n3A_2646 = arith.select %broadcast_in_dim3A_2617, %gather3A_2639, %gather3A_2645 : vector<16xi1>, vector<16xf32>
      %gather3A_2647 = tpu.vector_load_idx %arg14[%add3A_8, %add3A_2636] : memref<64x64xf32, #tpu.memory_space<vmem>>[vector<16xi32>, vector<16xi32>], vector<16xf32>,
      %gather3A_2648 = arith.constant 3 : i32
      %gather3A_2649 = arith.constant 0 : i32
      %gather3A_2650 = arith.constant 0 : i32
      %gather3A_2651 = tpu.memref_slice %arg12[%gather3A_2648, %gather3A_2649, %gather3A_2650] : memref<4x64x128xf32, #tpu.memory_space<vmem>> -> memref<1x64x128xf32, #tpu.memory_space<vmem>>
      %gather3A_2652 = tpu.memref_squeeze %gather3A_2651 : memref<1x64x128xf32, #tpu.memory_space<vmem>> -> memref<64x128xf32, #tpu.memory_space<vmem>>
      %gather3A_2653 = tpu.vector_load_idx %gather3A_2652[%add3A_8, %add3A_2614] : memref<64x128xf32, #tpu.memory_space<vmem>>[vector<16xi32>, vector<16xi32>], vector<16xf32>,
      %select_n3A_2654 = arith.select %broadcast_in_dim3A_2620, %gather3A_2647, %gather3A_2653 : vector<16xi1>, vector<16xf32>
      %mul3A_2655 = arith.mulf %select_n3A_2646, %select_n3A_2654 : vector<16xf32>
      %add3A_2656 = arith.addf %broadcast_in_dim3A_2638, %mul3A_2655 : vector<16xf32>
      %gather3A_2657 = tpu.vector_load_idx %arg13[%add3A_11, %add3A_2628] : memref<64x64xf32, #tpu.memory_space<vmem>>[vector<16xi32>, vector<16xi32>], vector<16xf32>,
      %gather3A_2658 = arith.constant 3 : i32
      %gather3A_2659 = arith.constant 0 : i32
      %gather3A_2660 = arith.constant 0 : i32
      %gather3A_2661 = tpu.memref_slice %arg11[%gather3A_2658, %gather3A_2659, %gather3A_2660] : memref<4x64x128xf32, #tpu.memory_space<vmem>> -> memref<1x64x128xf32, #tpu.memory_space<vmem>>
      %gather3A_2662 = tpu.memref_squeeze %gather3A_2661 : memref<1x64x128xf32, #tpu.memory_space<vmem>> -> memref<64x128xf32, #tpu.memory_space<vmem>>
      %gather3A_2663 = tpu.vector_load_idx %gather3A_2662[%add3A_11, %add3A_2608] : memref<64x128xf32, #tpu.memory_space<vmem>>[vector<16xi32>, vector<16xi32>], vector<16xf32>,
      %select_n3A_2664 = arith.select %broadcast_in_dim3A_2617, %gather3A_2657, %gather3A_2663 : vector<16xi1>, vector<16xf32>
      %gather3A_2665 = tpu.vector_load_idx %arg14[%add3A_11, %add3A_2636] : memref<64x64xf32, #tpu.memory_space<vmem>>[vector<16xi32>, vector<16xi32>], vector<16xf32>,
      %gather3A_2666 = arith.constant 3 : i32
      %gather3A_2667 = arith.constant 0 : i32
      %gather3A_2668 = arith.constant 0 : i32
      %gather3A_2669 = tpu.memref_slice %arg12[%gather3A_2666, %gather3A_2667, %gather3A_2668] : memref<4x64x128xf32, #tpu.memory_space<vmem>> -> memref<1x64x128xf32, #tpu.memory_space<vmem>>
      %gather3A_2670 = tpu.memref_squeeze %gather3A_2669 : memref<1x64x128xf32, #tpu.memory_space<vmem>> -> memref<64x128xf32, #tpu.memory_space<vmem>>
      %gather3A_2671 = tpu.vector_load_idx %gather3A_2670[%add3A_11, %add3A_2614] : memref<64x128xf32, #tpu.memory_space<vmem>>[vector<16xi32>, vector<16xi32>], vector<16xf32>,
      %select_n3A_2672 = arith.select %broadcast_in_dim3A_2620, %gather3A_2665, %gather3A_2671 : vector<16xi1>, vector<16xf32>
      %mul3A_2673 = arith.mulf %select_n3A_2664, %select_n3A_2672 : vector<16xf32>
      %add3A_2674 = arith.addf %add3A_2656, %mul3A_2673 : vector<16xf32>
      %gather3A_2675 = tpu.vector_load_idx %arg13[%add3A_14, %add3A_2628] : memref<64x64xf32, #tpu.memory_space<vmem>>[vector<16xi32>, vector<16xi32>], vector<16xf32>,
      %gather3A_2676 = arith.constant 3 : i32
      %gather3A_2677 = arith.constant 0 : i32
      %gather3A_2678 = arith.constant 0 : i32
      %gather3A_2679 = tpu.memref_slice %arg11[%gather3A_2676, %gather3A_2677, %gather3A_2678] : memref<4x64x128xf32, #tpu.memory_space<vmem>> -> memref<1x64x128xf32, #tpu.memory_space<vmem>>
      %gather3A_2680 = tpu.memref_squeeze %gather3A_2679 : memref<1x64x128xf32, #tpu.memory_space<vmem>> -> memref<64x128xf32, #tpu.memory_space<vmem>>
      %gather3A_2681 = tpu.vector_load_idx %gather3A_2680[%add3A_14, %add3A_2608] : memref<64x128xf32, #tpu.memory_space<vmem>>[vector<16xi32>, vector<16xi32>], vector<16xf32>,
      %select_n3A_2682 = arith.select %broadcast_in_dim3A_2617, %gather3A_2675, %gather3A_2681 : vector<16xi1>, vector<16xf32>
      %gather3A_2683 = tpu.vector_load_idx %arg14[%add3A_14, %add3A_2636] : memref<64x64xf32, #tpu.memory_space<vmem>>[vector<16xi32>, vector<16xi32>], vector<16xf32>,
      %gather3A_2684 = arith.constant 3 : i32
      %gather3A_2685 = arith.constant 0 : i32
      %gather3A_2686 = arith.constant 0 : i32
      %gather3A_2687 = tpu.memref_slice %arg12[%gather3A_2684, %gather3A_2685, %gather3A_2686] : memref<4x64x128xf32, #tpu.memory_space<vmem>> -> memref<1x64x128xf32, #tpu.memory_space<vmem>>
      %gather3A_2688 = tpu.memref_squeeze %gather3A_2687 : memref<1x64x128xf32, #tpu.memory_space<vmem>> -> memref<64x128xf32, #tpu.memory_space<vmem>>
      %gather3A_2689 = tpu.vector_load_idx %gather3A_2688[%add3A_14, %add3A_2614] : memref<64x128xf32, #tpu.memory_space<vmem>>[vector<16xi32>, vector<16xi32>], vector<16xf32>,
      %select_n3A_2690 = arith.select %broadcast_in_dim3A_2620, %gather3A_2683, %gather3A_2689 : vector<16xi1>, vector<16xf32>
      %mul3A_2691 = arith.mulf %select_n3A_2682, %select_n3A_2690 : vector<16xf32>
      %add3A_2692 = arith.addf %add3A_2674, %mul3A_2691 : vector<16xf32>
      %gather3A_2693 = tpu.vector_load_idx %arg13[%add3A_17, %add3A_2628] : memref<64x64xf32, #tpu.memory_space<vmem>>[vector<16xi32>, vector<16xi32>], vector<16xf32>,
      %gather3A_2694 = arith.constant 3 : i32
      %gather3A_2695 = arith.constant 0 : i32
      %gather3A_2696 = arith.constant 0 : i32
      %gather3A_2697 = tpu.memref_slice %arg11[%gather3A_2694, %gather3A_2695, %gather3A_2696] : memref<4x64x128xf32, #tpu.memory_space<vmem>> -> memref<1x64x128xf32, #tpu.memory_space<vmem>>
      %gather3A_2698 = tpu.memref_squeeze %gather3A_2697 : memref<1x64x128xf32, #tpu.memory_space<vmem>> -> memref<64x128xf32, #tpu.memory_space<vmem>>
      %gather3A_2699 = tpu.vector_load_idx %gather3A_2698[%add3A_17, %add3A_2608] : memref<64x128xf32, #tpu.memory_space<vmem>>[vector<16xi32>, vector<16xi32>], vector<16xf32>,
      %select_n3A_2700 = arith.select %broadcast_in_dim3A_2617, %gather3A_2693, %gather3A_2699 : vector<16xi1>, vector<16xf32>
      %gather3A_2701 = tpu.vector_load_idx %arg14[%add3A_17, %add3A_2636] : memref<64x64xf32, #tpu.memory_space<vmem>>[vector<16xi32>, vector<16xi32>], vector<16xf32>,
      %gather3A_2702 = arith.constant 3 : i32
      %gather3A_2703 = arith.constant 0 : i32
      %gather3A_2704 = arith.constant 0 : i32
      %gather3A_2705 = tpu.memref_slice %arg12[%gather3A_2702, %gather3A_2703, %gather3A_2704] : memref<4x64x128xf32, #tpu.memory_space<vmem>> -> memref<1x64x128xf32, #tpu.memory_space<vmem>>
      %gather3A_2706 = tpu.memref_squeeze %gather3A_2705 : memref<1x64x128xf32, #tpu.memory_space<vmem>> -> memref<64x128xf32, #tpu.memory_space<vmem>>
      %gather3A_2707 = tpu.vector_load_idx %gather3A_2706[%add3A_17, %add3A_2614] : memref<64x128xf32, #tpu.memory_space<vmem>>[vector<16xi32>, vector<16xi32>], vector<16xf32>,
      %select_n3A_2708 = arith.select %broadcast_in_dim3A_2620, %gather3A_2701, %gather3A_2707 : vector<16xi1>, vector<16xf32>
      %mul3A_2709 = arith.mulf %select_n3A_2700, %select_n3A_2708 : vector<16xf32>
      %add3A_2710 = arith.addf %add3A_2692, %mul3A_2709 : vector<16xf32>
      %swap3A_2711 = arith.constant 240 : index
      %swap3A_2712 = tpu.vector_load %arg15[%swap3A_2711] {strides = array<i32>} : memref<256xf32, #tpu.memory_space<vmem>>, vector<16xf32>,
      tpu.vector_store %arg15[%swap3A_2711], %add3A_2710 {strides = array<i32>} : memref<256xf32, #tpu.memory_space<vmem>>, vector<16xf32>,
      %add3A_2713 = arith.constant 19 : i32
      %add3A_2714 = arith.addi %mul3A_198, %add3A_2713 : i32
      %lt3A_2715 = arith.constant 512 : i32
      %lt3A_2716 = arith.cmpi slt, %add3A_2714, %lt3A_2715 : i32
      %convert_element_type3A_2717 = arith.extui %lt3A_2716 : i1 to i32
      %cond3A_2718 = arith.constant 0 : i32
      %cond3A_2719 = arith.cmpi ne, %convert_element_type3A_2717, %cond3A_2718 : i32
      scf.if %cond3A_2719 {
        %slice3A_2805 = vector.extract_strided_slice %get3A_208 {offsets = [3], sizes = [1], strides = [1]} : vector<16xi32> to vector<1xi32>
        %squeeze3A_2806 = vector.extract %slice3A_2805[0] : i32 from vector<1xi32>
        %shift_right_logical3A_2807 = arith.constant 7 : i32
        %shift_right_logical3A_2808 = arith.shrui %squeeze3A_2806, %shift_right_logical3A_2807 : i32
        %mul3A_2809 = arith.constant 128 : i32
        %mul3A_2810 = arith.muli %shift_right_logical3A_2808, %mul3A_2809 : i32
        %min3A_2811 = arith.constant 999808 : i32
        %min3A_2812 = arith.minsi %mul3A_2810, %min3A_2811 : i32
        %multiple_of3A_2813 = tpu.assume_multiple %min3A_2812, 128 : i32
        %dma_start3A_2814 = arith.constant 3 : i32
        %dma_start3A_2815 = arith.constant 0 : i32
        %dma_start3A_2816 = arith.constant 0 : i32
        %dma_start3A_2817 = tpu.memref_slice %arg11[%dma_start3A_2814, %dma_start3A_2815, %dma_start3A_2816] : memref<4x64x128xf32, #tpu.memory_space<vmem>> -> memref<1x64x128xf32, #tpu.memory_space<vmem>>
        %dma_start3A_2818 = tpu.memref_squeeze %dma_start3A_2817 : memref<1x64x128xf32, #tpu.memory_space<vmem>> -> memref<64x128xf32, #tpu.memory_space<vmem>>
        %dma_start3A_2819 = arith.constant 0 : i32
        %dma_start3A_2820 = tpu.memref_slice %arg4[%dma_start3A_2819, %multiple_of3A_2813] : memref<64x1000000xf32, #tpu.memory_space<hbm>> -> memref<64x128xf32, #tpu.memory_space<hbm>>
        %dma_start3A_2821 = arith.constant 0 : i32
        %dma_start3A_2822 = arith.constant 0 : i32
        %dma_start3A_2823 = tpu.memref_slice %arg11[%dma_start3A_2814, %dma_start3A_2821, %dma_start3A_2822] : memref<4x64x128xf32, #tpu.memory_space<vmem>> -> memref<1x64x128xf32, #tpu.memory_space<vmem>>
        %dma_start3A_2824 = tpu.memref_squeeze %dma_start3A_2823 : memref<1x64x128xf32, #tpu.memory_space<vmem>> -> memref<64x128xf32, #tpu.memory_space<vmem>>
        %dma_start3A_2825 = arith.constant 0 : i32
        %dma_start3A_2826 = tpu.memref_slice %arg4[%dma_start3A_2825, %multiple_of3A_2813] : memref<64x1000000xf32, #tpu.memory_space<hbm>> -> memref<64x128xf32, #tpu.memory_space<hbm>>
        tpu.enqueue_dma source(%dma_start3A_2826 : memref<64x128xf32, #tpu.memory_space<hbm>>) target(%dma_start3A_2824 : memref<64x128xf32, #tpu.memory_space<vmem>>) target_semaphore(%arg20 : memref<!tpu.dma_semaphore, #tpu.memory_space<semaphore_mem>>)
      } else {
      }
      %add3A_2720 = arith.constant 19 : i32
      %add3A_2721 = arith.addi %mul3A_198, %add3A_2720 : i32
      %lt3A_2722 = arith.constant 512 : i32
      %lt3A_2723 = arith.cmpi slt, %add3A_2721, %lt3A_2722 : i32
      %convert_element_type3A_2724 = arith.extui %lt3A_2723 : i1 to i32
      %cond3A_2725 = arith.constant 0 : i32
      %cond3A_2726 = arith.cmpi ne, %convert_element_type3A_2724, %cond3A_2725 : i32
      scf.if %cond3A_2726 {
        %slice3A_2805 = vector.extract_strided_slice %get3A_210 {offsets = [3], sizes = [1], strides = [1]} : vector<16xi32> to vector<1xi32>
        %squeeze3A_2806 = vector.extract %slice3A_2805[0] : i32 from vector<1xi32>
        %shift_right_logical3A_2807 = arith.constant 7 : i32
        %shift_right_logical3A_2808 = arith.shrui %squeeze3A_2806, %shift_right_logical3A_2807 : i32
        %mul3A_2809 = arith.constant 128 : i32
        %mul3A_2810 = arith.muli %shift_right_logical3A_2808, %mul3A_2809 : i32
        %min3A_2811 = arith.constant 999808 : i32
        %min3A_2812 = arith.minsi %mul3A_2810, %min3A_2811 : i32
        %multiple_of3A_2813 = tpu.assume_multiple %min3A_2812, 128 : i32
        %dma_start3A_2814 = arith.constant 3 : i32
        %dma_start3A_2815 = arith.constant 0 : i32
        %dma_start3A_2816 = arith.constant 0 : i32
        %dma_start3A_2817 = tpu.memref_slice %arg12[%dma_start3A_2814, %dma_start3A_2815, %dma_start3A_2816] : memref<4x64x128xf32, #tpu.memory_space<vmem>> -> memref<1x64x128xf32, #tpu.memory_space<vmem>>
        %dma_start3A_2818 = tpu.memref_squeeze %dma_start3A_2817 : memref<1x64x128xf32, #tpu.memory_space<vmem>> -> memref<64x128xf32, #tpu.memory_space<vmem>>
        %dma_start3A_2819 = arith.constant 0 : i32
        %dma_start3A_2820 = tpu.memref_slice %arg5[%dma_start3A_2819, %multiple_of3A_2813] : memref<64x1000000xf32, #tpu.memory_space<hbm>> -> memref<64x128xf32, #tpu.memory_space<hbm>>
        %dma_start3A_2821 = arith.constant 0 : i32
        %dma_start3A_2822 = arith.constant 0 : i32
        %dma_start3A_2823 = tpu.memref_slice %arg12[%dma_start3A_2814, %dma_start3A_2821, %dma_start3A_2822] : memref<4x64x128xf32, #tpu.memory_space<vmem>> -> memref<1x64x128xf32, #tpu.memory_space<vmem>>
        %dma_start3A_2824 = tpu.memref_squeeze %dma_start3A_2823 : memref<1x64x128xf32, #tpu.memory_space<vmem>> -> memref<64x128xf32, #tpu.memory_space<vmem>>
        %dma_start3A_2825 = arith.constant 0 : i32
        %dma_start3A_2826 = tpu.memref_slice %arg5[%dma_start3A_2825, %multiple_of3A_2813] : memref<64x1000000xf32, #tpu.memory_space<hbm>> -> memref<64x128xf32, #tpu.memory_space<hbm>>
        tpu.enqueue_dma source(%dma_start3A_2826 : memref<64x128xf32, #tpu.memory_space<hbm>>) target(%dma_start3A_2824 : memref<64x128xf32, #tpu.memory_space<vmem>>) target_semaphore(%arg24 : memref<!tpu.dma_semaphore, #tpu.memory_space<semaphore_mem>>)
      } else {
      }
      %gather3A_2727 = tpu.vector_load_idx %arg15[%mul3A_5] : memref<256xf32, #tpu.memory_space<vmem>>[vector<16xi32>], vector<16xf32>,
      %add3A_2728 = arith.constant 1 : i32
      %add3A_2729 = vector.broadcast %add3A_2728 : i32 to vector<16xi32>
      %add3A_2730 = arith.addi %mul3A_5, %add3A_2729 : vector<16xi32>
      %gather3A_2731 = tpu.vector_load_idx %arg15[%add3A_2730] : memref<256xf32, #tpu.memory_space<vmem>>[vector<16xi32>], vector<16xf32>,
      %add3A_2732 = arith.addf %gather3A_2727, %gather3A_2731 : vector<16xf32>
      %add3A_2733 = arith.constant 2 : i32
      %add3A_2734 = vector.broadcast %add3A_2733 : i32 to vector<16xi32>
      %add3A_2735 = arith.addi %mul3A_5, %add3A_2734 : vector<16xi32>
      %gather3A_2736 = tpu.vector_load_idx %arg15[%add3A_2735] : memref<256xf32, #tpu.memory_space<vmem>>[vector<16xi32>], vector<16xf32>,
      %add3A_2737 = arith.addf %add3A_2732, %gather3A_2736 : vector<16xf32>
      %add3A_2738 = arith.constant 3 : i32
      %add3A_2739 = vector.broadcast %add3A_2738 : i32 to vector<16xi32>
      %add3A_2740 = arith.addi %mul3A_5, %add3A_2739 : vector<16xi32>
      %gather3A_2741 = tpu.vector_load_idx %arg15[%add3A_2740] : memref<256xf32, #tpu.memory_space<vmem>>[vector<16xi32>], vector<16xf32>,
      %add3A_2742 = arith.addf %add3A_2737, %gather3A_2741 : vector<16xf32>
      %add3A_2743 = arith.constant 4 : i32
      %add3A_2744 = vector.broadcast %add3A_2743 : i32 to vector<16xi32>
      %add3A_2745 = arith.addi %mul3A_5, %add3A_2744 : vector<16xi32>
      %gather3A_2746 = tpu.vector_load_idx %arg15[%add3A_2745] : memref<256xf32, #tpu.memory_space<vmem>>[vector<16xi32>], vector<16xf32>,
      %add3A_2747 = arith.addf %add3A_2742, %gather3A_2746 : vector<16xf32>
      %add3A_2748 = arith.constant 5 : i32
      %add3A_2749 = vector.broadcast %add3A_2748 : i32 to vector<16xi32>
      %add3A_2750 = arith.addi %mul3A_5, %add3A_2749 : vector<16xi32>
      %gather3A_2751 = tpu.vector_load_idx %arg15[%add3A_2750] : memref<256xf32, #tpu.memory_space<vmem>>[vector<16xi32>], vector<16xf32>,
      %add3A_2752 = arith.addf %add3A_2747, %gather3A_2751 : vector<16xf32>
      %add3A_2753 = arith.constant 6 : i32
      %add3A_2754 = vector.broadcast %add3A_2753 : i32 to vector<16xi32>
      %add3A_2755 = arith.addi %mul3A_5, %add3A_2754 : vector<16xi32>
      %gather3A_2756 = tpu.vector_load_idx %arg15[%add3A_2755] : memref<256xf32, #tpu.memory_space<vmem>>[vector<16xi32>], vector<16xf32>,
      %add3A_2757 = arith.addf %add3A_2752, %gather3A_2756 : vector<16xf32>
      %add3A_2758 = arith.constant 7 : i32
      %add3A_2759 = vector.broadcast %add3A_2758 : i32 to vector<16xi32>
      %add3A_2760 = arith.addi %mul3A_5, %add3A_2759 : vector<16xi32>
      %gather3A_2761 = tpu.vector_load_idx %arg15[%add3A_2760] : memref<256xf32, #tpu.memory_space<vmem>>[vector<16xi32>], vector<16xf32>,
      %add3A_2762 = arith.addf %add3A_2757, %gather3A_2761 : vector<16xf32>
      %add3A_2763 = arith.constant 8 : i32
      %add3A_2764 = vector.broadcast %add3A_2763 : i32 to vector<16xi32>
      %add3A_2765 = arith.addi %mul3A_5, %add3A_2764 : vector<16xi32>
      %gather3A_2766 = tpu.vector_load_idx %arg15[%add3A_2765] : memref<256xf32, #tpu.memory_space<vmem>>[vector<16xi32>], vector<16xf32>,
      %add3A_2767 = arith.addf %add3A_2762, %gather3A_2766 : vector<16xf32>
      %add3A_2768 = arith.constant 9 : i32
      %add3A_2769 = vector.broadcast %add3A_2768 : i32 to vector<16xi32>
      %add3A_2770 = arith.addi %mul3A_5, %add3A_2769 : vector<16xi32>
      %gather3A_2771 = tpu.vector_load_idx %arg15[%add3A_2770] : memref<256xf32, #tpu.memory_space<vmem>>[vector<16xi32>], vector<16xf32>,
      %add3A_2772 = arith.addf %add3A_2767, %gather3A_2771 : vector<16xf32>
      %add3A_2773 = arith.constant 10 : i32
      %add3A_2774 = vector.broadcast %add3A_2773 : i32 to vector<16xi32>
      %add3A_2775 = arith.addi %mul3A_5, %add3A_2774 : vector<16xi32>
      %gather3A_2776 = tpu.vector_load_idx %arg15[%add3A_2775] : memref<256xf32, #tpu.memory_space<vmem>>[vector<16xi32>], vector<16xf32>,
      %add3A_2777 = arith.addf %add3A_2772, %gather3A_2776 : vector<16xf32>
      %add3A_2778 = arith.constant 11 : i32
      %add3A_2779 = vector.broadcast %add3A_2778 : i32 to vector<16xi32>
      %add3A_2780 = arith.addi %mul3A_5, %add3A_2779 : vector<16xi32>
      %gather3A_2781 = tpu.vector_load_idx %arg15[%add3A_2780] : memref<256xf32, #tpu.memory_space<vmem>>[vector<16xi32>], vector<16xf32>,
      %add3A_2782 = arith.addf %add3A_2777, %gather3A_2781 : vector<16xf32>
      %add3A_2783 = arith.constant 12 : i32
      %add3A_2784 = vector.broadcast %add3A_2783 : i32 to vector<16xi32>
      %add3A_2785 = arith.addi %mul3A_5, %add3A_2784 : vector<16xi32>
      %gather3A_2786 = tpu.vector_load_idx %arg15[%add3A_2785] : memref<256xf32, #tpu.memory_space<vmem>>[vector<16xi32>], vector<16xf32>,
      %add3A_2787 = arith.addf %add3A_2782, %gather3A_2786 : vector<16xf32>
      %add3A_2788 = arith.constant 13 : i32
      %add3A_2789 = vector.broadcast %add3A_2788 : i32 to vector<16xi32>
      %add3A_2790 = arith.addi %mul3A_5, %add3A_2789 : vector<16xi32>
      %gather3A_2791 = tpu.vector_load_idx %arg15[%add3A_2790] : memref<256xf32, #tpu.memory_space<vmem>>[vector<16xi32>], vector<16xf32>,
      %add3A_2792 = arith.addf %add3A_2787, %gather3A_2791 : vector<16xf32>
      %add3A_2793 = arith.constant 14 : i32
      %add3A_2794 = vector.broadcast %add3A_2793 : i32 to vector<16xi32>
      %add3A_2795 = arith.addi %mul3A_5, %add3A_2794 : vector<16xi32>
      %gather3A_2796 = tpu.vector_load_idx %arg15[%add3A_2795] : memref<256xf32, #tpu.memory_space<vmem>>[vector<16xi32>], vector<16xf32>,
      %add3A_2797 = arith.addf %add3A_2792, %gather3A_2796 : vector<16xf32>
      %add3A_2798 = arith.constant 15 : i32
      %add3A_2799 = vector.broadcast %add3A_2798 : i32 to vector<16xi32>
      %add3A_2800 = arith.addi %mul3A_5, %add3A_2799 : vector<16xi32>
      %gather3A_2801 = tpu.vector_load_idx %arg15[%add3A_2800] : memref<256xf32, #tpu.memory_space<vmem>>[vector<16xi32>], vector<16xf32>,
      %add3A_2802 = arith.addf %add3A_2797, %gather3A_2801 : vector<16xf32>
      %swap3A_2803 = arith.index_cast %mul3A_198 : i32 to index
      %swap3A_2804 = tpu.vector_load %arg16[%swap3A_2803] {strides = array<i32>} : memref<512xf32, #tpu.memory_space<vmem>>, vector<16xf32>,
      tpu.vector_store %arg16[%swap3A_2803], %add3A_2802 {strides = array<i32>} : memref<512xf32, #tpu.memory_space<vmem>>, vector<16xf32>,
    }
    %scan3A_195 = arith.constant 32 : i32
    "tpu.region"() ({
      %run_scoped3A = tpu.sem_alloc : memref<!tpu.dma_semaphore, #tpu.memory_space<semaphore_mem>>
      %dma_start3A_196 = tpu.memref_slice %arg8[%mul3A_2] : memref<16384xf32, #tpu.memory_space<hbm>> -> memref<512xf32, #tpu.memory_space<hbm>>
      %dma_start3A_197 = tpu.memref_slice %arg8[%mul3A_2] : memref<16384xf32, #tpu.memory_space<hbm>> -> memref<512xf32, #tpu.memory_space<hbm>>
      tpu.enqueue_dma source(%arg16 : memref<512xf32, #tpu.memory_space<vmem>>) target(%dma_start3A_197 : memref<512xf32, #tpu.memory_space<hbm>>) target_semaphore(%run_scoped3A : memref<!tpu.dma_semaphore, #tpu.memory_space<semaphore_mem>>)
      %dma_wait3A = tpu.memref_slice %arg8[%mul3A_2] : memref<16384xf32, #tpu.memory_space<hbm>> -> memref<512xf32, #tpu.memory_space<hbm>>
      %dma_wait3A_198 = tpu.memref_slice %arg8[%mul3A_2] : memref<16384xf32, #tpu.memory_space<hbm>> -> memref<512xf32, #tpu.memory_space<hbm>>
      tpu.wait_dma2 semaphore(%run_scoped3A : memref<!tpu.dma_semaphore, #tpu.memory_space<semaphore_mem>>) src(%arg16 : memref<512xf32, #tpu.memory_space<vmem>>) dst(%dma_wait3A_198 : memref<512xf32, #tpu.memory_space<hbm>>)
      tpu.yield
    }) : () -> ()
    return
  }
}

</mosaic_0001>

<sc_bundles>
// kernel: kernel.3.cloned.1.call-start
scs
__scs_entry_jumppad:
0x0: {  	(pc) =	sbr.rel $0x88, $3  }
0x1: {  	(tag) =	ssettag $0x0;
	lr =	simm.s32 $0x1  }
0x2: {  	[smem:$0x3F9D] =	sst lr;
	_ =	strace $0xD0000000  }
0x3: {  	_ = 	snop  }
0x4: {  	_ = 	snop  }
0x5: {  	_ = 	snop  }
0x6: {  	_ = 	snop  }
0x7: {  	_ = 	snop  }
__scs_overlays_trampoline_lowered:
0x8: {  	[smem:$0x3FAC] =	sst s0  }
0x9: {  	[smem:$0x3FAD] =	sst s1  }
0xa: {  	[smem:$0x3FAE] =	sst s2  }
0xb: {  	[smem:$0x3FAF] =	sst s3  }
0xc: {  	[smem:$0x3FB0] =	sst s4  }
0xd: {  	[smem:$0x3FB1] =	sst s5  }
0xe: {  	[smem:$0x3FB2] =	sst s6  }
0xf: {  	[smem:$0x3FB3] =	sst s7  }
0x10: {  	[smem:$0x3FB4] =	sst s8  }
0x11: {  	[smem:$0x3FB5] =	sst s9;
	s0 =	simm.s32 @!p0 $0x0  }
0x12: {  	s1 =	sld [smem:$0x3F9B];
	s0 =	simm.s32 @p0 $0x1  }
0x13: {  	[smem:$0x3FB6] =	sst s0;
	s0 =	simm.s32 @!p1 $0x0  }
0x14: {  	s2 =	sld [smem:$0x3F9A];
	s0 =	simm.s32 @p1 $0x1  }
0x15: {  	[smem:$0x3FB7] =	sst s0;
	s0 =	simm.s32 @!p2 $0x0  }
0x16: {  	s3 =	sld [smem:$0x3FDB];
	s0 =	simm.s32 @p2 $0x1  }
0x17: {  	s4 =	simm.s32 $0x1BF5;
	[smem:$0x3FB9] =	sst s0  }
0x18: {  	s0 =	sld [smem:$0x3F9C];
	_ =	swait.ge [sflag:s4], $0x0  }
0x19: {  	s7 =	sld [smem:$0x3F9D]  }
0x1a: {  	s8 =	sadd.s32 $0xFFFFE003, lr  }
0x1b: {  	s9 =	sadd.s32 $0xFFFFFEF7, lr;
	s5 =	simm.s32 $0xFFFFFFFF;
	p2 =	slt.u32 s8, $0xFFFFF086  }
0x1c: {  	p1 =	slt.u32 s9, $0xF7A;
	s5 =	simm.s32 @!p2 $0x0  }
0x1d: {  	s5 =	simm.s32 @p1 $0x1;
	p0 =	seq.s32 s7, s2  }
0x1e: {  	s7 =	smul.u32 @!p0 $0xF7A, s2;
	p2 =	seq.s32 @!p0 s5, $0x0  }
0x1f: {  	s9 =	smul.u32 $0xF7A, s1;
	s8 =	simm.s32 @!p0 $0x1BF5;
	p2 =	por !p2, p0  }
0x20: {  	[sflag:s8] =	ssyncset.s32 @!p0 $0xFFFFF086;
	s6 =	sadd.s32 @!p0 s3, s7;
	s7 =	simm.s32 @!p0 $0x108  }
0x21: {  	s3 =	sadd.s32 s3, s9;
	s6 =	sadd.s32 @!p0 $0x88, s6;
	s7 =	simm.s32 @p2 $0x1082  }
0x22: {  	[simem:s7], [sflag:s8] =	dma.local @!p0 [hbm:s6], $0xF7A  }
0x23: {  	s9 =	sor.u32 $0xD0000000, s2;
	s6 =	simm.s32 $0x108;
	_ =	swait.ge @!p0 [sflag:s8], $0x0  }
0x24: {  	s3 =	sadd.s32 $0x88, s3;
	s6 =	simm.s32 @!p1 $0x1082;
	[sflag:s4] =	ssyncset.s32 $0xFFFFF086  }
0x25: {  	[simem:s6], [sflag:s4] =	dma.local [hbm:s3], $0xF7A  }
0x26: {  	[smem:$0x3F9D] =	sst s1;
	(tag) =	ssettag s2;
	_ =	strace s9  }
0x27: {  	s1 =	sld [smem:$0x3FAD]  }
0x28: {  	s2 =	sld [smem:$0x3FAE]  }
0x29: {  	s4 =	sld [smem:$0x3FB0]  }
0x2a: {  	p0 =	seq.s32 s5, $0x0;
	s5 =	sld [smem:$0x3FB1]  }
0x2b: {  	s6 =	sld [smem:$0x3FB2]  }
0x2c: {  	s7 =	sld [smem:$0x3FB3]  }
0x2d: {  	s3 =	simm.s32 $0x108;
	s8 =	sld [smem:$0x3FB4]  }
0x2e: {  	s3 =	simm.s32 @!p0 $0x1082;
	s9 =	sld [smem:$0x3FB5]  }
0x2f: {  	lr =	sadd.s32 s0, s3;
	s0 =	sld [smem:$0x3FAC]  }
0x30: {  	s3 =	sld [smem:$0x3FAF]  }
0x31: {  	[smem:$0x3FB8] =	sst s10  }
0x32: {  	s10 =	sld [smem:$0x3FB6];
	_ =	sdelay $0x3  }
0x33: {  	p0 =	seq.s32 s10, $0x1;
	s10 =	sld [smem:$0x3FB8];
	_ =	sdelay $0x3  }
0x34: {  	[smem:$0x3FB8] =	sst s10  }
0x35: {  	s10 =	sld [smem:$0x3FB7];
	_ =	sdelay $0x3  }
0x36: {  	p1 =	seq.s32 s10, $0x1;
	s10 =	sld [smem:$0x3FB8];
	_ =	sdelay $0x3  }
0x37: {  	[smem:$0x3FB8] =	sst s10  }
0x38: {  	s10 =	sld [smem:$0x3FB9]  }
0x39: {  	_ = 	snop;
	(pc) =	sbr.ind lr, $3  }
0x3a: {  	_ = 	snop  }
0x3b: {  	_ = 	snop  }
0x3c: {  	p2 =	seq.s32 s10, $0x1;
	s10 =	sld [smem:$0x3FB8]  }
0x3d: {  	_ =	shalt  }
0x3e: {  	_ =	shalt  }
0x3f: {  	_ =	shalt  }
0x40: {  	_ =	shalt  }
0x41: {  	_ =	shalt  }
0x42: {  	_ =	shalt  }
0x43: {  	_ =	shalt  }
0x44: {  	_ =	shalt  }
0x45: {  	_ =	shalt  }
0x46: {  	_ =	shalt  }
0x47: {  	_ =	shalt  }
0x48: {  	_ =	shalt  }
0x49: {  	_ =	shalt  }
0x4a: {  	_ =	shalt  }
0x4b: {  	_ =	shalt  }
0x4c: {  	_ =	shalt  }
0x4d: {  	_ =	shalt  }
0x4e: {  	_ =	shalt  }
0x4f: {  	_ =	shalt  }
0x50: {  	_ =	shalt  }
0x51: {  	_ =	shalt  }
0x52: {  	_ =	shalt  }
0x53: {  	_ =	shalt  }
0x54: {  	_ =	shalt  }
0x55: {  	_ =	shalt  }
0x56: {  	_ =	shalt  }
0x57: {  	_ =	shalt  }
0x58: {  	_ =	shalt  }
0x59: {  	_ =	shalt  }
0x5a: {  	_ =	shalt  }
0x5b: {  	_ =	shalt  }
0x5c: {  	_ =	shalt  }
0x5d: {  	_ =	shalt  }
0x5e: {  	_ =	shalt  }
0x5f: {  	_ =	shalt  }
0x60: {  	_ =	shalt  }
0x61: {  	_ =	shalt  }
0x62: {  	_ =	shalt  }
0x63: {  	_ =	shalt  }
0x64: {  	_ =	shalt  }
0x65: {  	_ =	shalt  }
0x66: {  	_ =	shalt  }
0x67: {  	_ =	shalt  }
0x68: {  	_ =	shalt  }
0x69: {  	_ =	shalt  }
0x6a: {  	_ =	shalt  }
0x6b: {  	_ =	shalt  }
0x6c: {  	_ =	shalt  }
0x6d: {  	_ =	shalt  }
0x6e: {  	_ =	shalt  }
0x6f: {  	_ =	shalt  }
0x70: {  	_ =	shalt  }
0x71: {  	_ =	shalt  }
0x72: {  	_ =	shalt  }
0x73: {  	_ =	shalt  }
0x74: {  	_ =	shalt  }
0x75: {  	_ =	shalt  }
0x76: {  	_ =	shalt  }
0x77: {  	_ =	shalt  }
0x78: {  	_ =	shalt  }
0x79: {  	_ =	shalt  }
0x7a: {  	_ =	shalt  }
0x7b: {  	_ =	shalt  }
0x7c: {  	_ =	shalt  }
0x7d: {  	_ =	shalt  }
0x7e: {  	_ =	shalt  }
0x7f: {  	_ =	shalt  }
0x80: {  	_ =	shalt  }
0x81: {  	_ =	shalt  }
0x82: {  	_ =	shalt  }
0x83: {  	_ =	shalt  }
0x84: {  	_ =	shalt  }
0x85: {  	_ =	shalt  }
0x86: {  	_ =	shalt  }
0x87: {  	_ =	shalt  }
.Lfunc_end0:
.L_simem_size_0:
called_computation_lowered:
.L_overlay_start_0:
0x88: {  	s2 =	sld [smem:$0x3FD9]  }
0x89: {  	s3 =	sld [smem:$0x3FFE];
	_ =	sdelay $0x1  }
0x8a: {  	s1 =	srdreg.scid  }
0x8b: {  	s0 =	sand.u32 $0x1, s1  }
0x8c: {  	s17 =	sshll.u32 s0, $0xA;
	s2 =	sadd.s32 s3, s2  }
0x8d: {  	s2 =	sadd.s32 s2, s17  }
0x8e: {  	[smem:$0x3FC4] =	sst s2  }
0x8f: {  	_ = 	snop  }
0x90: {  	s2 =	sld [smem:$0x3FC9]  }
0x91: {  	s18 =	sld [smem:$0x3FC8]  }
0x92: {  	s4 =	sld [smem:$0x3FC7]  }
0x93: {  	s5 =	sld [smem:$0x3FC6]  }
0x94: {  	s6 =	sld [smem:$0x3FD0];
	(tm) =	ssettm $0x1  }
0x95: {  	s7 =	sld [smem:$0x3FFB];
	_ =	sdelay $0x3  }
0x96: {  	_ =	strace s7  }
0x97: {  	s7 =	sld [smem:$0x3FFC];
	_ =	sdelay $0x3  }
0x98: {  	_ =	strace s7  }
0x99: {  	s7 =	sld [smem:$0x3FFD];
	_ =	sdelay $0x3  }
0x9a: {  	_ =	strace s7  }
0x9b: {  	_ =	strace $0x8FFFFFFF  }
0x9c: {  	s19 =	sld [smem:$0x3FDB];
	_ =	sdelay $0x1  }
0x9d: {  	s8 =	simm.s32 $_scs_section_size  }
0x9e: {  	s9 =	simm.s32 $_size__tile_overlayer_lowered;
	s10 =	simm.s32 $_tile_overlayer_lowered  }
0x9f: {  	s22 =	simm.s32 $0x1BFF;
	s21 =	sshll.u32 s10, $0x1;
	s7 =	sadd.s32 s8, s19  }
0xa0: {  	s11 =	simm.s32 $0x0;
	s20 =	sshll.u32 s9, $0x1;
	s9 =	sadd.s32 s21, s7  }
0xa1: {  	[timem:s11], [sflag:s22] =	dma.local [hbm:s9], s20  }
0xa2: {  	_ =	swait.ge [sflag:s22], s20  }
0xa3: {  	s8 =	ssub.s32 $0x0, s20;
	[sflag:s22] =	ssyncset.done $0x0  }
0xa4: {  	[sflag:s22] =	ssyncadd.s32 s8;
	_ =	sdelay $0x1  }
0xa5: {  	s23 =	simm.s32 $0x1B8B  }
0xa6: {  	_ =	swait.ge [sflag:s23], $0x1  }
0xa7: {  	[sflag:s23] =	ssyncset.done $0x0  }
0xa8: {  	s25 =	simm.s32 $0x1B8E;
	s24 =	sld [smem:$0x3FFE];
	[sflag:s23] =	ssyncadd.s32 $0xFFFFFFFF  }
0xa9: {  	s26 =	simm.s32 $execute0_lowered;
	[smem:$0x3FD2] =	sst s25  }
0xaa: {  	s9 =	sshll.u32 s26, $0x1;
	_ =	strace $0x80000046;
	[dreg:$0x1] =	wrdreg $0xFFFFFFFF  }
0xab: {  	s28 =	simm.s32 $_size_execute0_lowered;
	s7 =	sadd.s32 s7, s9;
	[dreg:$0x0] =	wrdreg $0x0  }
0xac: {  	s9 =	sshll.u32 s28, $0x1;
	[dreg:$0x2] =	wrdreg s7  }
0xad: {  	[dreg:$0x3] =	wrdreg s9  }
0xae: {  	[dreg:$0x4] =	wrdreg $0xC0  }
0xaf: {  	_ =	task [dreg:s11], $0x5FFFF  }
0xb0: {  	[dreg:$0x1] =	wrdreg $0xFFFFFFFF  }
0xb1: {  	[dreg:$0x0] =	wrdreg $0x60  }
0xb2: {  	[dreg:$0x2] =	wrdreg s2  }
0xb3: {  	[dreg:$0x3] =	wrdreg s18  }
0xb4: {  	[dreg:$0x4] =	wrdreg s4  }
0xb5: {  	[dreg:$0x5] =	wrdreg s5  }
0xb6: {  	[dreg:$0x6] =	wrdreg s24  }
0xb7: {  	[dreg:$0x7] =	wrdreg s6  }
0xb8: {  	[dreg:$0x8] =	wrdreg $0x9  }
0xb9: {  	_ =	task.clear_ibuf [dreg:s11], $0x9FFFF;
	_ =	strace $0x90000046  }
0xba: {  	s29 =	simm.s32 $0x9;
	_ =	strace $0x80000048  }
0xbb: {  	_ =	swait.ge [sflag:s29], $0x1  }
0xbc: {  	[sflag:s29] =	ssyncadd.s32 $0xFFFFFFFF  }
0xbd: {  	_ =	strace $0x90000048  }
0xbe: {  	_ =	sfence  }
0xbf: {  	s30 =	sld [smem:$0x0];
	_ =	sdelay $0x2  }
0xc0: {  	s31 =	sshll.u32 s1, $0xD;
	s1 =	sshrl.u32 s1, $0x2  }
0xc1: {  	s3 =	sand.u32 $0x4000, s31;
	s1 =	sadd.s32 s1, s30  }
0xc2: {  	s0 =	sor.u32 s3, s0;
	s1 =	sshll.u32 s1, $0x11  }
0xc3: {  	s0 =	sor.u32 s1, s0  }
0xc4: {  	s0 =	sadd.s32 $0x8F2B, s0  }
0xc5: {  	[sflag:s0] =	ssyncadd.remote.s32 $0x1  }
0xc6: {  	_ =	sfence.sel $0xFFFF  }
0xc7: {  	[dreg:$0x0] =	wrdreg $0xFFFFFFFF;
	(pc) =	sbr.abs _section_cstart, $3  }
0xc8: {  	[dreg:$0x1] =	wrdreg $0xFFFFFFFF  }
0xc9: {  	_ =	task.clear_ibuf [dreg:s11], $0x2FFFF;
	_ =	strace $0x9FFFFFFF  }
0xca: {  	(tm) =	ssettm $0x7FFFFFFF  }
0xcb: {  	_ =	shalt  }
tec
execute0_lowered:
.L_overlay_start_1:
0x0: {  	(tag) =	ssettag $0x1  }
0x1: {  	s0 =	rddreg [dreg:$0x0]  }
0x2: {  	s3 =	rddreg [dreg:$0x1]  }
0x3: {  	s2 =	rddreg [dreg:$0x2]  }
0x4: {  	s25 =	rddreg [dreg:$0x3]  }
0x5: {  	s4 =	rddreg [dreg:$0x4]  }
0x6: {  	s5 =	rddreg [dreg:$0x5];
	s10 =	simm.s32 $0x0  }
0x7: {  	s6 =	srdreg.scid;
	s9 =	stileid.u32;
	s12 =	simm.s32 $0x10400  }
0x8: {  	s13 =	simm.s32 $0x12400;
	s14 =	simm.s32 $0x7A1400;
	s15 =	simm.s32 $0x400  }
0x9: {  	s16 =	simm.s32 $0x2400;
	s17 =	simm.s32 $0x4400;
	s18 =	simm.s32 $0x6400  }
0xa: {  	s19 =	simm.s32 $0x8400;
	s20 =	simm.s32 $0xA400;
	s21 =	simm.s32 $0xC400  }
0xb: {  	s29 =	simm.s32 $0x3;
	s1 =	simm.s32 $0x4;
	s30 =	simm.s32 $0x8  }
0xc: {  	s31 =	simm.s32 $0x3;
	[smem:$0x7FF] =	sst s10;
	s6 =	sand.u32 $0x1, s6  }
0xd: {  	v1 =	vlaneseq.u32;
	s7 =	sadd.s32 $0xA00, s4;
	s9 =	sshll.u32 s9, $0x7;
	s4 =	sadd.s32 $0x600, s4  }
0xe: {  	v0 =	vmul.u32 $0x80, v1;
	_ =	strace $0x80000047;
	[dreg:$0x7] =	wrdreg s7;
	s22 =	ssub.s32 $0x2, s6  }
0xf: {  	v1 =	vmul.u32 $0x10, v1;
	s6 =	sshll.u32 s6, $0x6;
	[dreg:$0x8] =	wrdreg s4;
	s4 =	simm.s32 $0x9  }
0x10: {  	s7 =	simm.s32 $0x7;
	s8 =	sshrl.u32 s22, $0x1;
	s6 =	sor.u32 s6, s9;
	v2 =	vor.u32 $0x800, v0;
	v3 =	vor.u32 $0x1000, v0;
	v4 =	vor.u32 $0x1800, v0  }
0x11: {  	v5 =	vor.u32 $0x1, v1;
	v6 =	vor.u32 $0x2, v1;
	v7 =	vor.u32 $0x3, v1;
	s9 =	simm.s32 $0x1;
	s23 =	ssub.s32 s22, s8;
	s0 =	sadd.s32 s0, s6  }
0x12: {  	v8 =	vor.u32 $0x4, v1;
	v9 =	vor.u32 $0x5, v1;
	v10 =	vor.u32 $0x6, v1;
	s24 =	sadd.s32 s3, s6;
	s26 =	sadd.s32 s5, s6;
	[dreg:$0x9] =	wrdreg s0  }
0x13: {  	v11 =	vor.u32 $0x7, v1;
	v12 =	vor.u32 $0x8, v1;
	v13 =	vor.u32 $0x9, v1;
	s22 =	simm.s32 $0xE400;
	s5 =	simm.s32 $0x5;
	[dreg:$0xa] =	wrdreg s24  }
0x14: {  	v14 =	vor.u32 $0xA, v1;
	v15 =	vor.u32 $0xB, v1;
	v16 =	vor.u32 $0xC, v1;
	s6 =	simm.s32 $0x6;
	[dreg:$0xb] =	wrdreg s26;
	s28 =	smax.u32 s23, $0x1  }
0x15: {  	v17 =	vor.u32 $0xD, v1;
	v18 =	vor.u32 $0xE, v1;
	v19 =	vor.u32 $0xF, v1;
	s24 =	simm.s32 $0x2;
	s0 =	simm.s32 $0x0;
	[dreg:$0xc] =	wrdreg s28  }
.LBB2_1:
0x16: {  	[dreg:$0xd] =	wrdreg s0  }
0x17: {  	s3 =	rddreg [dreg:$0x9]  }
0x18: {  	[tilespmem:s10], [sflag:$0x9] =	stream.linear.gather [hbm4b:s3+s10], $0x200, $0x38;
	[tilespmem:$0x14700] =	vst v63  }
0x19: {  	_ =	swait.ge [sflag:s4], $0x200  }
0x1a: {  	[sflag:s4] =	ssyncset.done $0x0  }
0x1b: {  	s0 =	simm.s32 $0x200;
	s11 =	rddreg [dreg:$0xa];
	[sflag:s4] =	ssyncadd.s32 $0xFFFFFE00  }
0x1c: {  	[tilespmem:s0], [sflag:$0x9] =	stream.linear.gather [hbm4b:s11+s10], $0x200, $0x38;
	[tilespmem:$0x14700] =	vst v63  }
0x1d: {  	_ =	swait.ge [sflag:s4], $0x200  }
0x1e: {  	[sflag:s4] =	ssyncset.done $0x0  }
0x1f: {  	s23 =	rddreg [dreg:$0x7];
	[sflag:s4] =	ssyncadd.s32 $0xFFFFFE00  }
0x20: {  	[tilespmem:s12], [sflag:$0x9] =	stream.linear.gather [hbm4b:s23+s10], $0x2000, $0x38;
	[tilespmem:$0x14700] =	vst v63  }
0x21: {  	_ =	swait.ge [sflag:s4], $0x2000  }
0x22: {  	[sflag:s4] =	ssyncset.done $0x0  }
0x23: {  	s26 =	rddreg [dreg:$0x8];
	[sflag:s4] =	ssyncadd.s32 $0xFFFFE000  }
0x24: {  	[tilespmem:s13], [sflag:$0x9] =	stream.linear.gather [hbm4b:s26+s10], $0x2000, $0x38;
	[tilespmem:$0x14700] =	vst v63  }
0x25: {  	_ =	swait.ge [sflag:s4], $0x2000  }
0x26: {  	[sflag:s4] =	ssyncset.done $0x0  }
0x27: {  	[sflag:s4] =	ssyncadd.s32 $0xFFFFE000  }
0x28: {  	v20 =	vld [tilespmem:$0x0];
	_ =	sdelay $0x4  }
0x29: {  	(v2sf) =	vpush v20, $0x0;
	_ =	sdelay $0x3  }
0x2a: {  	(v2sf) =	vpush v20, $0x1;
	_ =	sdelay $0x4  }
0x2b: {  	(v2sf) =	vpush v20, $0x2;
	_ =	sdelay $0x5  }
0x2c: {  	s28 =	spop (v2sf)  }
0x2d: {  	(v2sf) =	vpush v20, $0x3;
	s3 =	sand.u32 $0xFFFFFF80, s28  }
0x2e: {  	v20 =	vld [tilespmem:$0x200];
	p0 =	slt.s32 s3, $0xF4180  }
0x2f: {  	s3 =	simm.s32 @!p0 $0xF4180  }
0x30: {  	s4 =	spop (v2sf);
	s3 =	sadd.s32 s2, s3  }
0x31: {  	[tilespmem:s15], [sflag:$0x1] =	stream.strided.gather [hbm4b:s3+s15], $0x2000, s14, s15, $0x38;
	[tilespmem:$0x14700] =	vst v63  }
0x32: {  	s3 =	sand.u32 $0xFFFFFF80, s4  }
0x33: {  	(v2sf) =	vpush v20, $0x0;
	p0 =	slt.s32 s3, $0xF4180  }
0x34: {  	s3 =	simm.s32 @!p0 $0xF4180  }
0x35: {  	s8 =	spop (v2sf);
	s3 =	sadd.s32 s2, s3  }
0x36: {  	[tilespmem:s16], [sflag:$0x2] =	stream.strided.gather [hbm4b:s3+s15], $0x2000, s14, s15, $0x38;
	[tilespmem:$0x14700] =	vst v63  }
0x37: {  	(v2sf) =	vpush v20, $0x1;
	s3 =	sand.u32 $0xFFFFFF80, s8  }
0x38: {  	p0 =	slt.s32 s3, $0xF4180  }
0x39: {  	s3 =	simm.s32 @!p0 $0xF4180  }
0x3a: {  	s3 =	sadd.s32 s2, s3  }
0x3b: {  	[tilespmem:s17], [sflag:$0x3] =	stream.strided.gather [hbm4b:s3+s15], $0x2000, s14, s15, $0x38;
	[tilespmem:$0x14700] =	vst v63  }
0x3c: {  	s10 =	spop (v2sf)  }
0x3d: {  	s3 =	sand.u32 $0xFFFFFF80, s10  }
0x3e: {  	(v2sf) =	vpush v20, $0x2;
	p0 =	slt.s32 s3, $0xF4180  }
0x3f: {  	s3 =	simm.s32 @!p0 $0xF4180  }
0x40: {  	s3 =	sadd.s32 s2, s3  }
0x41: {  	[tilespmem:s18], [sflag:$0x4] =	stream.strided.gather [hbm4b:s3+s15], $0x2000, s14, s15, $0x38;
	[tilespmem:$0x14700] =	vst v63  }
0x42: {  	s11 =	spop (v2sf)  }
0x43: {  	s3 =	sand.u32 $0xFFFFFF80, s11  }
0x44: {  	(v2sf) =	vpush v20, $0x3;
	p0 =	slt.s32 s3, $0xF4180  }
0x45: {  	s3 =	simm.s32 @!p0 $0xF4180  }
0x46: {  	s23 =	spop (v2sf);
	s3 =	sadd.s32 s25, s3  }
0x47: {  	[tilespmem:s19], [sflag:$0x5] =	stream.strided.gather [hbm4b:s3+s15], $0x2000, s14, s15, $0x38;
	[tilespmem:$0x14700] =	vst v63  }
0x48: {  	s3 =	sand.u32 $0xFFFFFF80, s23  }
0x49: {  	p0 =	slt.s32 s3, $0xF4180  }
0x4a: {  	s3 =	simm.s32 @!p0 $0xF4180  }
0x4b: {  	s3 =	sadd.s32 s25, s3  }
0x4c: {  	[tilespmem:s20], [sflag:$0x6] =	stream.strided.gather [hbm4b:s3+s15], $0x2000, s14, s15, $0x38;
	[tilespmem:$0x14700] =	vst v63  }
0x4d: {  	s26 =	spop (v2sf)  }
0x4e: {  	s3 =	sand.u32 $0xFFFFFF80, s26  }
0x4f: {  	p0 =	slt.s32 s3, $0xF4180  }
0x50: {  	s3 =	simm.s32 @!p0 $0xF4180  }
0x51: {  	s3 =	sadd.s32 s25, s3  }
0x52: {  	[tilespmem:s21], [sflag:$0x7] =	stream.strided.gather [hbm4b:s3+s15], $0x2000, s14, s15, $0x38;
	[tilespmem:$0x14700] =	vst v63  }
0x53: {  	s28 =	spop (v2sf)  }
0x54: {  	s3 =	sand.u32 $0xFFFFFF80, s28  }
0x55: {  	p0 =	slt.s32 s3, $0xF4180  }
0x56: {  	s3 =	simm.s32 @!p0 $0xF4180  }
0x57: {  	s3 =	sadd.s32 s25, s3  }
0x58: {  	[tilespmem:s22], [sflag:$0x8] =	stream.strided.gather [hbm4b:s3+s15], $0x2000, s14, s15, $0x38;
	[tilespmem:$0x14700] =	vst v63  }
0x59: {  	s4 =	simm.s32 $0x0;
	s8 =	simm.s32 $0x0;
	s3 =	simm.s32 $0x14500  }
.LBB2_2:
0x5a: {  	[dreg:$0x10] =	wrdreg s4;
	v23 =	vld [tilespmem:s4+$0x0]  }
0x5b: {  	[dreg:$0xf] =	wrdreg s3;
	v22 =	vld [tilespmem:s0+$0x0];
	s26 =	smin.u32 s8, $0x1E0  }
0x5c: {  	[dreg:$0xe] =	wrdreg s0;
	v21 =	vld [tilespmem:s26+$0x10]  }
0x5d: {  	v20 =	vld [tilespmem:s26+$0x210];
	_ =	swait.ge [sflag:s9], $0x2000  }
0x5e: {  	[sflag:s9] =	ssyncset.done $0x0  }
0x5f: {  	[sflag:s9] =	ssyncadd.s32 $0xFFFFE000  }
0x60: {  	_ =	swait.ge [sflag:s5], $0x2000  }
0x61: {  	(v2sf) =	vpush v23, $0x0;
	_ =	sdelay $0x3  }
0x62: {  	(v2sf) =	vpush v22, $0x0;
	_ =	sdelay $0xa  }
0x63: {  	s28 =	spop (v2sf)  }
0x64: {  	s11 =	sand.u32 $0x7F, s28  }
0x65: {  	v25 =	vor.u32 s11, v0  }
0x66: {  	v29 =	vor.u32 s11, v2  }
0x67: {  	s5 =	simm.s32 $0x5;
	s0 =	spop (v2sf);
	v33 =	vor.u32 s11, v3  }
0x68: {  	[sflag:s5] =	ssyncset.done $0x0;
	s23 =	sand.u32 $0x7F, s0;
	v37 =	vor.u32 s11, v4  }
0x69: {  	[sflag:s5] =	ssyncadd.s32 $0xFFFFE000;
	v27 =	vor.u32 s23, v0  }
0x6a: {  	s4 =	sadd.s32 $0xFFF0BE00, s28;
	v31 =	vor.u32 s23, v2;
	v25 =	vld.idx.msk [tilespmem:v25+s15+$0x0], $0xffff  }
0x6b: {  	p0 =	sgt.s32 s4, $0x0;
	s10 =	sadd.s32 $0xFFF0BE00, s0;
	v35 =	vor.u32 s23, v3;
	v29 =	vld.idx.msk [tilespmem:v29+s15+$0x0], $0xffff  }
0x6c: {  	s4 =	simm.s32 @!p0 $0x0;
	p0 =	sgt.s32 s10, $0x0;
	v39 =	vor.u32 s23, v4;
	v33 =	vld.idx.msk [tilespmem:v33+s15+$0x0], $0xffff  }
0x6d: {  	v24 =	vadd.s32 s4, v0;
	s10 =	simm.s32 @!p0 $0x0;
	v37 =	vld.idx.msk [tilespmem:v37+s15+$0x0], $0xffff  }
0x6e: {  	v26 =	vadd.s32 s10, v0;
	v27 =	vld.idx.msk [tilespmem:v27+s19+$0x0], $0xffff  }
0x6f: {  	v28 =	vadd.s32 s4, v2;
	v31 =	vld.idx.msk [tilespmem:v31+s19+$0x0], $0xffff  }
0x70: {  	(v2sf) =	vpush v23, $0x4;
	v30 =	vadd.s32 s10, v2;
	v35 =	vld.idx.msk [tilespmem:v35+s19+$0x0], $0xffff  }
0x71: {  	v32 =	vadd.s32 s4, v3;
	v40 =	vld.idx.msk [tilespmem:v39+s19+$0x0], $0xffff  }
0x72: {  	v34 =	vadd.s32 s10, v3;
	v24 =	vld.idx.msk [tilespmem:v24+s12+$0x0], $0xffff  }
0x73: {  	v36 =	vadd.s32 s4, v4;
	v26 =	vld.idx.msk [tilespmem:v26+s13+$0x0], $0xffff  }
0x74: {  	v38 =	vadd.s32 s10, v4;
	v28 =	vld.idx.msk [tilespmem:v28+s12+$0x0], $0xffff  }
0x75: {  	v30 =	vld.idx.msk [tilespmem:v30+s13+$0x0], $0xffff  }
0x76: {  	(v2sf) =	vpush v22, $0x4;
	v32 =	vld.idx.msk [tilespmem:v32+s12+$0x0], $0xffff  }
0x77: {  	p4 =	sgt.s32 s28, $0xF41FF;
	p1 =	sgt.s32 s0, $0xF41FF;
	v34 =	vld.idx.msk [tilespmem:v34+s13+$0x0], $0xffff  }
0x78: {  	v36 =	vld.idx.msk [tilespmem:v36+s12+$0x0], $0xffff;
	v24 =	vpsel p4, v24, v25;
	v63 =	vpsel p1, v26, v27  }
0x79: {  	v38 =	vld.idx.msk [tilespmem:v38+s13+$0x0], $0xffff;
	v24 =	vmul.f32 v63, v24  }
0x7a: {  	v41 =	vpsel p4, v28, v29;
	v42 =	vpsel p1, v30, v31  }
0x7b: {  	v27 =	vmul.f32 v42, v41;
	v24 =	vadd.f32 $0.0e+00, v24  }
0x7c: {  	v43 =	vpsel p4, v32, v33;
	v44 =	vpsel p1, v34, v35  }
0x7d: {  	v45 =	vmul.f32 v44, v43;
	v24 =	vadd.f32 v27, v24  }
0x7e: {  	v46 =	vpsel p4, v36, v37;
	v25 =	vpsel p1, v38, v40  }
0x7f: {  	s9 =	spop (v2sf);
	v25 =	vmul.f32 v25, v46;
	v24 =	vadd.f32 v45, v24  }
0x80: {  	s3 =	sand.u32 $0xFFFFFF80, s9  }
0x81: {  	p0 =	slt.s32 s3, $0xF4180;
	v24 =	vadd.f32 v25, v24  }
0x82: {  	s3 =	simm.s32 @!p0 $0xF4180  }
0x83: {  	s3 =	sadd.s32 s2, s3;
	[tilespmem:$0x14400] =	vst v24  }
0x84: {  	[tilespmem:s15], [sflag:$0x1] =	stream.strided.gather [hbm4b:s3+s15], $0x2000, s14, s15, $0x38;
	[tilespmem:$0x14700] =	vst v63  }
0x85: {  	s3 =	spop (v2sf)  }
0x86: {  	s4 =	sand.u32 $0xFFFFFF80, s3  }
0x87: {  	p0 =	slt.s32 s4, $0xF4180  }
0x88: {  	s4 =	simm.s32 @!p0 $0xF4180  }
0x89: {  	s4 =	sadd.s32 s25, s4  }
0x8a: {  	[tilespmem:s19], [sflag:$0x5] =	stream.strided.gather [hbm4b:s4+s15], $0x2000, s14, s15, $0x38;
	[tilespmem:$0x14700] =	vst v63  }
0x8b: {  	_ =	swait.ge [sflag:s24], $0x2000  }
0x8c: {  	[sflag:s24] =	ssyncset.done $0x0  }
0x8d: {  	[sflag:s24] =	ssyncadd.s32 $0xFFFFE000  }
0x8e: {  	_ =	swait.ge [sflag:s6], $0x2000  }
0x8f: {  	(v2sf) =	vpush v23, $0x1;
	_ =	sdelay $0x3  }
0x90: {  	(v2sf) =	vpush v22, $0x1;
	_ =	sdelay $0xa  }
0x91: {  	s4 =	spop (v2sf)  }
0x92: {  	s26 =	sand.u32 $0x7F, s4  }
0x93: {  	v48 =	vor.u32 s26, v0  }
0x94: {  	v52 =	vor.u32 s26, v2  }
0x95: {  	s6 =	simm.s32 $0x6;
	s11 =	spop (v2sf);
	v56 =	vor.u32 s26, v3  }
0x96: {  	[sflag:s6] =	ssyncset.done $0x0;
	s28 =	sand.u32 $0x7F, s11;
	v60 =	vor.u32 s26, v4  }
0x97: {  	[sflag:s6] =	ssyncadd.s32 $0xFFFFE000;
	v50 =	vor.u32 s28, v0  }
0x98: {  	s10 =	sadd.s32 $0xFFF0BE00, s4;
	v54 =	vor.u32 s28, v2;
	v25 =	vld.idx.msk [tilespmem:v48+s16+$0x0], $0xffff  }
0x99: {  	p0 =	sgt.s32 s10, $0x0;
	s23 =	sadd.s32 $0xFFF0BE00, s11;
	v58 =	vor.u32 s28, v3;
	v29 =	vld.idx.msk [tilespmem:v52+s16+$0x0], $0xffff  }
0x9a: {  	s10 =	simm.s32 @!p0 $0x0;
	p0 =	sgt.s32 s23, $0x0;
	v62 =	vor.u32 s28, v4;
	v33 =	vld.idx.msk [tilespmem:v56+s16+$0x0], $0xffff  }
0x9b: {  	v47 =	vadd.s32 s10, v0;
	s23 =	simm.s32 @!p0 $0x0;
	v37 =	vld.idx.msk [tilespmem:v60+s16+$0x0], $0xffff  }
0x9c: {  	v49 =	vadd.s32 s23, v0;
	v27 =	vld.idx.msk [tilespmem:v50+s20+$0x0], $0xffff  }
0x9d: {  	v51 =	vadd.s32 s10, v2;
	v31 =	vld.idx.msk [tilespmem:v54+s20+$0x0], $0xffff  }
0x9e: {  	(v2sf) =	vpush v23, $0x5;
	v53 =	vadd.s32 s23, v2;
	v35 =	vld.idx.msk [tilespmem:v58+s20+$0x0], $0xffff  }
0x9f: {  	v55 =	vadd.s32 s10, v3;
	v40 =	vld.idx.msk [tilespmem:v62+s20+$0x0], $0xffff  }
0xa0: {  	v57 =	vadd.s32 s23, v3;
	v24 =	vld.idx.msk [tilespmem:v47+s12+$0x0], $0xffff  }
0xa1: {  	v59 =	vadd.s32 s10, v4;
	v26 =	vld.idx.msk [tilespmem:v49+s13+$0x0], $0xffff  }
0xa2: {  	(v2sf) =	vpush v22, $0x5;
	v61 =	vadd.s32 s23, v4;
	v28 =	vld.idx.msk [tilespmem:v51+s12+$0x0], $0xffff  }
0xa3: {  	v30 =	vld.idx.msk [tilespmem:v53+s13+$0x0], $0xffff  }
0xa4: {  	v32 =	vld.idx.msk [tilespmem:v55+s12+$0x0], $0xffff  }
0xa5: {  	p5 =	sgt.s32 s4, $0xF41FF;
	p6 =	sgt.s32 s11, $0xF41FF;
	v34 =	vld.idx.msk [tilespmem:v57+s13+$0x0], $0xffff  }
0xa6: {  	v36 =	vld.idx.msk [tilespmem:v59+s12+$0x0], $0xffff;
	v24 =	vpsel p5, v24, v25;
	v63 =	vpsel p6, v26, v27  }
0xa7: {  	v38 =	vld.idx.msk [tilespmem:v61+s13+$0x0], $0xffff;
	v24 =	vmul.f32 v63, v24  }
0xa8: {  	v41 =	vpsel p5, v28, v29;
	v42 =	vpsel p6, v30, v31  }
0xa9: {  	v27 =	vmul.f32 v42, v41;
	v24 =	vadd.f32 $0.0e+00, v24  }
0xaa: {  	v43 =	vpsel p5, v32, v33;
	v44 =	vpsel p6, v34, v35  }
0xab: {  	v45 =	vmul.f32 v44, v43;
	v24 =	vadd.f32 v27, v24  }
0xac: {  	v46 =	vpsel p5, v36, v37;
	v25 =	vpsel p6, v38, v40  }
0xad: {  	s10 =	spop (v2sf);
	v25 =	vmul.f32 v25, v46;
	v24 =	vadd.f32 v45, v24  }
0xae: {  	s4 =	sand.u32 $0xFFFFFF80, s10  }
0xaf: {  	p0 =	slt.s32 s4, $0xF4180;
	v24 =	vadd.f32 v25, v24  }
0xb0: {  	s4 =	simm.s32 @!p0 $0xF4180  }
0xb1: {  	s11 =	spop (v2sf);
	s4 =	sadd.s32 s2, s4;
	[tilespmem:$0x14410] =	vst v24  }
0xb2: {  	[tilespmem:s16], [sflag:$0x2] =	stream.strided.gather [hbm4b:s4+s15], $0x2000, s14, s15, $0x38;
	[tilespmem:$0x14700] =	vst v63  }
0xb3: {  	s4 =	sand.u32 $0xFFFFFF80, s11  }
0xb4: {  	p0 =	slt.s32 s4, $0xF4180  }
0xb5: {  	s0 =	smov.u32 s25;
	s4 =	simm.s32 @!p0 $0xF4180  }
0xb6: {  	s4 =	sadd.s32 s0, s4  }
0xb7: {  	[tilespmem:s20], [sflag:$0x6] =	stream.strided.gather [hbm4b:s4+s15], $0x2000, s14, s15, $0x38;
	[tilespmem:$0x14700] =	vst v63  }
0xb8: {  	_ =	swait.ge [sflag:s29], $0x2000  }
0xb9: {  	[sflag:s29] =	ssyncset.done $0x0  }
0xba: {  	[sflag:s29] =	ssyncadd.s32 $0xFFFFE000  }
0xbb: {  	_ =	swait.ge [sflag:s7], $0x2000  }
0xbc: {  	(v2sf) =	vpush v23, $0x2;
	_ =	sdelay $0x3  }
0xbd: {  	(v2sf) =	vpush v22, $0x2;
	_ =	sdelay $0xa  }
0xbe: {  	s4 =	spop (v2sf)  }
0xbf: {  	s26 =	sand.u32 $0x7F, s4  }
0xc0: {  	v48 =	vor.u32 s26, v0  }
0xc1: {  	v52 =	vor.u32 s26, v2  }
0xc2: {  	s24 =	spop (v2sf);
	v56 =	vor.u32 s26, v3  }
0xc3: {  	[sflag:s7] =	ssyncset.done $0x0;
	s28 =	sand.u32 $0x7F, s24;
	v60 =	vor.u32 s26, v4  }
0xc4: {  	[sflag:s7] =	ssyncadd.s32 $0xFFFFE000;
	v50 =	vor.u32 s28, v0  }
0xc5: {  	s23 =	sadd.s32 $0xFFF0BE00, s4;
	v54 =	vor.u32 s28, v2;
	v25 =	vld.idx.msk [tilespmem:v48+s17+$0x0], $0xffff  }
0xc6: {  	p0 =	sgt.s32 s23, $0x0;
	s25 =	sadd.s32 $0xFFF0BE00, s24;
	v58 =	vor.u32 s28, v3;
	v29 =	vld.idx.msk [tilespmem:v52+s17+$0x0], $0xffff  }
0xc7: {  	s23 =	simm.s32 @!p0 $0x0;
	p0 =	sgt.s32 s25, $0x0;
	v62 =	vor.u32 s28, v4;
	v33 =	vld.idx.msk [tilespmem:v56+s17+$0x0], $0xffff  }
0xc8: {  	v47 =	vadd.s32 s23, v0;
	s25 =	simm.s32 @!p0 $0x0;
	v37 =	vld.idx.msk [tilespmem:v60+s17+$0x0], $0xffff  }
0xc9: {  	v49 =	vadd.s32 s25, v0;
	v27 =	vld.idx.msk [tilespmem:v50+s21+$0x0], $0xffff  }
0xca: {  	v51 =	vadd.s32 s23, v2;
	v31 =	vld.idx.msk [tilespmem:v54+s21+$0x0], $0xffff  }
0xcb: {  	(v2sf) =	vpush v23, $0x6;
	v53 =	vadd.s32 s25, v2;
	v35 =	vld.idx.msk [tilespmem:v58+s21+$0x0], $0xffff  }
0xcc: {  	v55 =	vadd.s32 s23, v3;
	v40 =	vld.idx.msk [tilespmem:v62+s21+$0x0], $0xffff  }
0xcd: {  	v57 =	vadd.s32 s25, v3;
	v24 =	vld.idx.msk [tilespmem:v47+s12+$0x0], $0xffff  }
0xce: {  	v59 =	vadd.s32 s23, v4;
	v26 =	vld.idx.msk [tilespmem:v49+s13+$0x0], $0xffff  }
0xcf: {  	(v2sf) =	vpush v22, $0x6;
	v61 =	vadd.s32 s25, v4;
	v28 =	vld.idx.msk [tilespmem:v51+s12+$0x0], $0xffff  }
0xd0: {  	v30 =	vld.idx.msk [tilespmem:v53+s13+$0x0], $0xffff  }
0xd1: {  	v32 =	vld.idx.msk [tilespmem:v55+s12+$0x0], $0xffff  }
0xd2: {  	p1 =	sgt.s32 s4, $0xF41FF;
	p2 =	sgt.s32 s24, $0xF41FF;
	v34 =	vld.idx.msk [tilespmem:v57+s13+$0x0], $0xffff  }
0xd3: {  	v36 =	vld.idx.msk [tilespmem:v59+s12+$0x0], $0xffff;
	v24 =	vpsel p1, v24, v25;
	v63 =	vpsel p2, v26, v27  }
0xd4: {  	v38 =	vld.idx.msk [tilespmem:v61+s13+$0x0], $0xffff;
	v24 =	vmul.f32 v63, v24  }
0xd5: {  	v41 =	vpsel p1, v28, v29;
	v42 =	vpsel p2, v30, v31  }
0xd6: {  	v27 =	vmul.f32 v42, v41;
	v24 =	vadd.f32 $0.0e+00, v24  }
0xd7: {  	v43 =	vpsel p1, v32, v33;
	v44 =	vpsel p2, v34, v35  }
0xd8: {  	v45 =	vmul.f32 v44, v43;
	v24 =	vadd.f32 v27, v24  }
0xd9: {  	v46 =	vpsel p1, v36, v37;
	v25 =	vpsel p2, v38, v40  }
0xda: {  	s4 =	spop (v2sf);
	v25 =	vmul.f32 v25, v46;
	v24 =	vadd.f32 v45, v24  }
0xdb: {  	s23 =	sand.u32 $0xFFFFFF80, s4  }
0xdc: {  	p0 =	slt.s32 s23, $0xF4180;
	v24 =	vadd.f32 v25, v24  }
0xdd: {  	s23 =	simm.s32 @!p0 $0xF4180  }
0xde: {  	s24 =	spop (v2sf);
	s23 =	sadd.s32 s2, s23;
	[tilespmem:$0x14420] =	vst v24  }
0xdf: {  	[tilespmem:s17], [sflag:$0x3] =	stream.strided.gather [hbm4b:s23+s15], $0x2000, s14, s15, $0x38;
	[tilespmem:$0x14700] =	vst v63  }
0xe0: {  	s23 =	sand.u32 $0xFFFFFF80, s24  }
0xe1: {  	p0 =	slt.s32 s23, $0xF4180  }
0xe2: {  	s23 =	simm.s32 @!p0 $0xF4180  }
0xe3: {  	s23 =	sadd.s32 s0, s23  }
0xe4: {  	[tilespmem:s21], [sflag:$0x7] =	stream.strided.gather [hbm4b:s23+s15], $0x2000, s14, s15, $0x38;
	[tilespmem:$0x14700] =	vst v63  }
0xe5: {  	_ =	swait.ge [sflag:s1], $0x2000  }
0xe6: {  	[sflag:s1] =	ssyncset.done $0x0  }
0xe7: {  	[sflag:s1] =	ssyncadd.s32 $0xFFFFE000  }
0xe8: {  	_ =	swait.ge [sflag:s30], $0x2000  }
0xe9: {  	(v2sf) =	vpush v23, $0x3;
	_ =	sdelay $0x3  }
0xea: {  	(v2sf) =	vpush v22, $0x3;
	_ =	sdelay $0xa  }
0xeb: {  	s23 =	spop (v2sf)  }
0xec: {  	s29 =	sand.u32 $0x7F, s23  }
0xed: {  	v48 =	vor.u32 s29, v0  }
0xee: {  	v52 =	vor.u32 s29, v2  }
0xef: {  	s1 =	simm.s32 $0x8;
	s26 =	spop (v2sf);
	v56 =	vor.u32 s29, v3  }
0xf0: {  	[sflag:s1] =	ssyncset.done $0x0;
	s30 =	sand.u32 $0x7F, s26;
	v60 =	vor.u32 s29, v4  }
0xf1: {  	[sflag:s1] =	ssyncadd.s32 $0xFFFFE000;
	v50 =	vor.u32 s30, v0  }
0xf2: {  	s25 =	sadd.s32 $0xFFF0BE00, s23;
	v54 =	vor.u32 s30, v2;
	v25 =	vld.idx.msk [tilespmem:v48+s18+$0x0], $0xffff  }
0xf3: {  	p0 =	sgt.s32 s25, $0x0;
	s28 =	sadd.s32 $0xFFF0BE00, s26;
	v58 =	vor.u32 s30, v3;
	v29 =	vld.idx.msk [tilespmem:v52+s18+$0x0], $0xffff  }
0xf4: {  	s25 =	simm.s32 @!p0 $0x0;
	p0 =	sgt.s32 s28, $0x0;
	v62 =	vor.u32 s30, v4;
	v33 =	vld.idx.msk [tilespmem:v56+s18+$0x0], $0xffff  }
0xf5: {  	v47 =	vadd.s32 s25, v0;
	s28 =	simm.s32 @!p0 $0x0;
	v37 =	vld.idx.msk [tilespmem:v60+s18+$0x0], $0xffff  }
0xf6: {  	v49 =	vadd.s32 s28, v0;
	v27 =	vld.idx.msk [tilespmem:v50+s22+$0x0], $0xffff  }
0xf7: {  	v51 =	vadd.s32 s25, v2;
	v31 =	vld.idx.msk [tilespmem:v54+s22+$0x0], $0xffff  }
0xf8: {  	(v2sf) =	vpush v23, $0x7;
	v53 =	vadd.s32 s28, v2;
	v35 =	vld.idx.msk [tilespmem:v58+s22+$0x0], $0xffff  }
0xf9: {  	v55 =	vadd.s32 s25, v3;
	v40 =	vld.idx.msk [tilespmem:v62+s22+$0x0], $0xffff  }
0xfa: {  	v57 =	vadd.s32 s28, v3;
	v24 =	vld.idx.msk [tilespmem:v47+s12+$0x0], $0xffff  }
0xfb: {  	v59 =	vadd.s32 s25, v4;
	v26 =	vld.idx.msk [tilespmem:v49+s13+$0x0], $0xffff  }
0xfc: {  	v61 =	vadd.s32 s28, v4;
	v28 =	vld.idx.msk [tilespmem:v51+s12+$0x0], $0xffff  }
0xfd: {  	v30 =	vld.idx.msk [tilespmem:v53+s13+$0x0], $0xffff  }
0xfe: {  	(v2sf) =	vpush v22, $0x7;
	v32 =	vld.idx.msk [tilespmem:v55+s12+$0x0], $0xffff  }
0xff: {  	p3 =	sgt.s32 s23, $0xF41FF;
	p4 =	sgt.s32 s26, $0xF41FF;
	v34 =	vld.idx.msk [tilespmem:v57+s13+$0x0], $0xffff  }
0x100: {  	v36 =	vld.idx.msk [tilespmem:v59+s12+$0x0], $0xffff;
	v24 =	vpsel p3, v24, v25;
	v63 =	vpsel p4, v26, v27  }
0x101: {  	v38 =	vld.idx.msk [tilespmem:v61+s13+$0x0], $0xffff;
	v24 =	vmul.f32 v63, v24  }
0x102: {  	v41 =	vpsel p3, v28, v29;
	v42 =	vpsel p4, v30, v31  }
0x103: {  	v27 =	vmul.f32 v42, v41;
	v24 =	vadd.f32 $0.0e+00, v24  }
0x104: {  	v43 =	vpsel p3, v32, v33;
	v44 =	vpsel p4, v34, v35  }
0x105: {  	v45 =	vmul.f32 v44, v43;
	v24 =	vadd.f32 v27, v24  }
0x106: {  	v46 =	vpsel p3, v36, v37;
	v25 =	vpsel p4, v38, v40  }
0x107: {  	s23 =	spop (v2sf);
	v25 =	vmul.f32 v25, v46;
	v24 =	vadd.f32 v45, v24  }
0x108: {  	s25 =	sand.u32 $0xFFFFFF80, s23  }
0x109: {  	p0 =	slt.s32 s25, $0xF4180;
	v24 =	vadd.f32 v25, v24  }
0x10a: {  	s25 =	simm.s32 @!p0 $0xF4180  }
0x10b: {  	s25 =	sadd.s32 s2, s25;
	[tilespmem:$0x14430] =	vst v24  }
0x10c: {  	[tilespmem:s18], [sflag:$0x4] =	stream.strided.gather [hbm4b:s25+s15], $0x2000, s14, s15, $0x38;
	[tilespmem:$0x14700] =	vst v63  }
0x10d: {  	s25 =	spop (v2sf)  }
0x10e: {  	s26 =	sand.u32 $0xFFFFFF80, s25  }
0x10f: {  	p0 =	slt.s32 s26, $0xF4180  }
0x110: {  	s26 =	simm.s32 @!p0 $0xF4180  }
0x111: {  	s26 =	sadd.s32 s0, s26  }
0x112: {  	[tilespmem:s22], [sflag:$0x8] =	stream.strided.gather [hbm4b:s26+s15], $0x2000, s14, s15, $0x38;
	[tilespmem:$0x14700] =	vst v63  }
0x113: {  	s26 =	sadd.s32 $0xFFF0BE00, s9  }
0x114: {  	s28 =	simm.s32 $0x1;
	p0 =	sgt.s32 s26, $0x0  }
0x115: {  	s29 =	simm.s32 $0x1;
	_ =	swait.ge [sflag:s28], $0x2000;
	s26 =	simm.s32 @!p0 $0x0  }
0x116: {  	s30 =	simm.s32 $0x1;
	[sflag:s29] =	ssyncset.done $0x0;
	s29 =	sand.u32 $0x7F, s9;
	v47 =	vadd.s32 s26, v0  }
0x117: {  	[sflag:s30] =	ssyncadd.s32 $0xFFFFE000;
	v48 =	vor.u32 s29, v0  }
0x118: {  	v51 =	vadd.s32 s26, v2;
	_ =	swait.ge [sflag:s5], $0x2000  }
0x119: {  	v52 =	vor.u32 s29, v2;
	[sflag:s5] =	ssyncset.done $0x0  }
0x11a: {  	v55 =	vadd.s32 s26, v3;
	[sflag:s5] =	ssyncadd.s32 $0xFFFFE000  }
0x11b: {  	s28 =	sadd.s32 $0xFFF0BE00, s3;
	v56 =	vor.u32 s29, v3;
	v24 =	vld.idx.msk [tilespmem:v47+s12+$0x0], $0xffff  }
0x11c: {  	p0 =	sgt.s32 s28, $0x0;
	v59 =	vadd.s32 s26, v4;
	v25 =	vld.idx.msk [tilespmem:v48+s15+$0x0], $0xffff  }
0x11d: {  	s28 =	simm.s32 @!p0 $0x0;
	v60 =	vor.u32 s29, v4;
	v28 =	vld.idx.msk [tilespmem:v51+s12+$0x0], $0xffff  }
0x11e: {  	s30 =	sand.u32 $0x7F, s3;
	v49 =	vadd.s32 s28, v0;
	v29 =	vld.idx.msk [tilespmem:v52+s15+$0x0], $0xffff  }
0x11f: {  	v50 =	vor.u32 s30, v0;
	v32 =	vld.idx.msk [tilespmem:v55+s12+$0x0], $0xffff  }
0x120: {  	v53 =	vadd.s32 s28, v2;
	v33 =	vld.idx.msk [tilespmem:v56+s15+$0x0], $0xffff  }
0x121: {  	v54 =	vor.u32 s30, v2;
	(v2sf) =	vpush v23, $0x8;
	v36 =	vld.idx.msk [tilespmem:v59+s12+$0x0], $0xffff  }
0x122: {  	v57 =	vadd.s32 s28, v3;
	v37 =	vld.idx.msk [tilespmem:v60+s15+$0x0], $0xffff  }
0x123: {  	v58 =	vor.u32 s30, v3;
	v26 =	vld.idx.msk [tilespmem:v49+s13+$0x0], $0xffff  }
0x124: {  	v61 =	vadd.s32 s28, v4;
	v27 =	vld.idx.msk [tilespmem:v50+s19+$0x0], $0xffff  }
0x125: {  	v62 =	vor.u32 s30, v4;
	(v2sf) =	vpush v22, $0x8;
	v30 =	vld.idx.msk [tilespmem:v53+s13+$0x0], $0xffff  }
0x126: {  	v31 =	vld.idx.msk [tilespmem:v54+s19+$0x0], $0xffff  }
0x127: {  	v34 =	vld.idx.msk [tilespmem:v57+s13+$0x0], $0xffff  }
0x128: {  	p5 =	sgt.s32 s9, $0xF41FF;
	p6 =	sgt.s32 s3, $0xF41FF;
	v35 =	vld.idx.msk [tilespmem:v58+s19+$0x0], $0xffff  }
0x129: {  	v38 =	vld.idx.msk [tilespmem:v61+s13+$0x0], $0xffff;
	v24 =	vpsel p5, v24, v25;
	v63 =	vpsel p6, v26, v27  }
0x12a: {  	v40 =	vld.idx.msk [tilespmem:v62+s19+$0x0], $0xffff;
	v24 =	vmul.f32 v63, v24  }
0x12b: {  	v41 =	vpsel p5, v28, v29;
	v42 =	vpsel p6, v30, v31  }
0x12c: {  	v27 =	vmul.f32 v42, v41;
	v24 =	vadd.f32 $0.0e+00, v24  }
0x12d: {  	v43 =	vpsel p5, v32, v33;
	v44 =	vpsel p6, v34, v35  }
0x12e: {  	v45 =	vmul.f32 v44, v43;
	v24 =	vadd.f32 v27, v24  }
0x12f: {  	v46 =	vpsel p5, v36, v37;
	v25 =	vpsel p6, v38, v40  }
0x130: {  	v25 =	vmul.f32 v25, v46;
	s3 =	spop (v2sf);
	v24 =	vadd.f32 v45, v24  }
0x131: {  	s9 =	sand.u32 $0xFFFFFF80, s3  }
0x132: {  	p0 =	slt.s32 s9, $0xF4180;
	v24 =	vadd.f32 v25, v24  }
0x133: {  	s9 =	simm.s32 @!p0 $0xF4180  }
0x134: {  	s26 =	spop (v2sf);
	s9 =	sadd.s32 s2, s9;
	[tilespmem:$0x14440] =	vst v24  }
0x135: {  	[tilespmem:s15], [sflag:$0x1] =	stream.strided.gather [hbm4b:s9+s15], $0x2000, s14, s15, $0x38;
	[tilespmem:$0x14700] =	vst v63  }
0x136: {  	s9 =	sand.u32 $0xFFFFFF80, s26  }
0x137: {  	p0 =	slt.s32 s9, $0xF4180  }
0x138: {  	s9 =	simm.s32 @!p0 $0xF4180  }
0x139: {  	s9 =	sadd.s32 s0, s9  }
0x13a: {  	[tilespmem:s19], [sflag:$0x5] =	stream.strided.gather [hbm4b:s9+s15], $0x2000, s14, s15, $0x38;
	[tilespmem:$0x14700] =	vst v63  }
0x13b: {  	s9 =	sadd.s32 $0xFFF0BE00, s10  }
0x13c: {  	s28 =	simm.s32 $0x2;
	p0 =	sgt.s32 s9, $0x0  }
0x13d: {  	s29 =	simm.s32 $0x2;
	_ =	swait.ge [sflag:s28], $0x2000;
	s9 =	simm.s32 @!p0 $0x0  }
0x13e: {  	s30 =	simm.s32 $0x2;
	[sflag:s29] =	ssyncset.done $0x0;
	s29 =	sand.u32 $0x7F, s10;
	v47 =	vadd.s32 s9, v0  }
0x13f: {  	[sflag:s30] =	ssyncadd.s32 $0xFFFFE000;
	v48 =	vor.u32 s29, v0  }
0x140: {  	v51 =	vadd.s32 s9, v2;
	_ =	swait.ge [sflag:s6], $0x2000  }
0x141: {  	v52 =	vor.u32 s29, v2;
	[sflag:s6] =	ssyncset.done $0x0  }
0x142: {  	v55 =	vadd.s32 s9, v3;
	[sflag:s6] =	ssyncadd.s32 $0xFFFFE000  }
0x143: {  	s28 =	sadd.s32 $0xFFF0BE00, s11;
	v56 =	vor.u32 s29, v3;
	v24 =	vld.idx.msk [tilespmem:v47+s12+$0x0], $0xffff  }
0x144: {  	p0 =	sgt.s32 s28, $0x0;
	v59 =	vadd.s32 s9, v4;
	v25 =	vld.idx.msk [tilespmem:v48+s16+$0x0], $0xffff  }
0x145: {  	s28 =	simm.s32 @!p0 $0x0;
	v60 =	vor.u32 s29, v4;
	v28 =	vld.idx.msk [tilespmem:v51+s12+$0x0], $0xffff  }
0x146: {  	s30 =	sand.u32 $0x7F, s11;
	v49 =	vadd.s32 s28, v0;
	v29 =	vld.idx.msk [tilespmem:v52+s16+$0x0], $0xffff  }
0x147: {  	v50 =	vor.u32 s30, v0;
	v32 =	vld.idx.msk [tilespmem:v55+s12+$0x0], $0xffff  }
0x148: {  	v53 =	vadd.s32 s28, v2;
	v33 =	vld.idx.msk [tilespmem:v56+s16+$0x0], $0xffff  }
0x149: {  	v54 =	vor.u32 s30, v2;
	(v2sf) =	vpush v23, $0x9;
	v36 =	vld.idx.msk [tilespmem:v59+s12+$0x0], $0xffff  }
0x14a: {  	v57 =	vadd.s32 s28, v3;
	v37 =	vld.idx.msk [tilespmem:v60+s16+$0x0], $0xffff  }
0x14b: {  	v58 =	vor.u32 s30, v3;
	v26 =	vld.idx.msk [tilespmem:v49+s13+$0x0], $0xffff  }
0x14c: {  	v61 =	vadd.s32 s28, v4;
	v27 =	vld.idx.msk [tilespmem:v50+s20+$0x0], $0xffff  }
0x14d: {  	v62 =	vor.u32 s30, v4;
	(v2sf) =	vpush v22, $0x9;
	v30 =	vld.idx.msk [tilespmem:v53+s13+$0x0], $0xffff  }
0x14e: {  	v31 =	vld.idx.msk [tilespmem:v54+s20+$0x0], $0xffff  }
0x14f: {  	v34 =	vld.idx.msk [tilespmem:v57+s13+$0x0], $0xffff  }
0x150: {  	p1 =	sgt.s32 s10, $0xF41FF;
	p2 =	sgt.s32 s11, $0xF41FF;
	v35 =	vld.idx.msk [tilespmem:v58+s20+$0x0], $0xffff  }
0x151: {  	v38 =	vld.idx.msk [tilespmem:v61+s13+$0x0], $0xffff;
	v24 =	vpsel p1, v24, v25;
	v63 =	vpsel p2, v26, v27  }
0x152: {  	v40 =	vld.idx.msk [tilespmem:v62+s20+$0x0], $0xffff;
	v24 =	vmul.f32 v63, v24  }
0x153: {  	v41 =	vpsel p1, v28, v29;
	v42 =	vpsel p2, v30, v31  }
0x154: {  	v27 =	vmul.f32 v42, v41;
	v24 =	vadd.f32 $0.0e+00, v24  }
0x155: {  	v43 =	vpsel p1, v32, v33;
	v44 =	vpsel p2, v34, v35  }
0x156: {  	v45 =	vmul.f32 v44, v43;
	v24 =	vadd.f32 v27, v24  }
0x157: {  	v46 =	vpsel p1, v36, v37;
	v25 =	vpsel p2, v38, v40  }
0x158: {  	v25 =	vmul.f32 v25, v46;
	s9 =	spop (v2sf);
	v24 =	vadd.f32 v45, v24  }
0x159: {  	s10 =	sand.u32 $0xFFFFFF80, s9  }
0x15a: {  	p0 =	slt.s32 s10, $0xF4180;
	v24 =	vadd.f32 v25, v24  }
0x15b: {  	s10 =	simm.s32 @!p0 $0xF4180  }
0x15c: {  	s11 =	spop (v2sf);
	s10 =	sadd.s32 s2, s10;
	[tilespmem:$0x14450] =	vst v24  }
0x15d: {  	[tilespmem:s16], [sflag:$0x2] =	stream.strided.gather [hbm4b:s10+s15], $0x2000, s14, s15, $0x38;
	[tilespmem:$0x14700] =	vst v63  }
0x15e: {  	s10 =	sand.u32 $0xFFFFFF80, s11  }
0x15f: {  	p0 =	slt.s32 s10, $0xF4180  }
0x160: {  	s10 =	simm.s32 @!p0 $0xF4180  }
0x161: {  	s10 =	sadd.s32 s0, s10  }
0x162: {  	[tilespmem:s20], [sflag:$0x6] =	stream.strided.gather [hbm4b:s10+s15], $0x2000, s14, s15, $0x38;
	[tilespmem:$0x14700] =	vst v63  }
0x163: {  	s29 =	sand.u32 $0x7F, s4;
	_ =	swait.ge [sflag:s31], $0x2000  }
0x164: {  	s30 =	sand.u32 $0x7F, s24;
	v48 =	vor.u32 s29, v0;
	[sflag:s31] =	ssyncset.done $0x0  }
0x165: {  	s7 =	simm.s32 $0x7;
	v50 =	vor.u32 s30, v0;
	[sflag:s31] =	ssyncadd.s32 $0xFFFFE000  }
0x166: {  	v52 =	vor.u32 s29, v2;
	_ =	swait.ge [sflag:s7], $0x2000  }
0x167: {  	v54 =	vor.u32 s30, v2;
	[sflag:s7] =	ssyncset.done $0x0  }
0x168: {  	v56 =	vor.u32 s29, v3;
	[sflag:s7] =	ssyncadd.s32 $0xFFFFE000  }
0x169: {  	v58 =	vor.u32 s30, v3;
	s10 =	sadd.s32 $0xFFF0BE00, s4;
	v25 =	vld.idx.msk [tilespmem:v48+s17+$0x0], $0xffff  }
0x16a: {  	s28 =	sadd.s32 $0xFFF0BE00, s24;
	v60 =	vor.u32 s29, v4;
	p0 =	sgt.s32 s10, $0x0;
	v27 =	vld.idx.msk [tilespmem:v50+s21+$0x0], $0xffff  }
0x16b: {  	v62 =	vor.u32 s30, v4;
	s10 =	simm.s32 @!p0 $0x0;
	p0 =	sgt.s32 s28, $0x0;
	v29 =	vld.idx.msk [tilespmem:v52+s17+$0x0], $0xffff  }
0x16c: {  	v47 =	vadd.s32 s10, v0;
	s28 =	simm.s32 @!p0 $0x0;
	v31 =	vld.idx.msk [tilespmem:v54+s21+$0x0], $0xffff  }
0x16d: {  	v49 =	vadd.s32 s28, v0;
	v33 =	vld.idx.msk [tilespmem:v56+s17+$0x0], $0xffff  }
0x16e: {  	v51 =	vadd.s32 s10, v2;
	v35 =	vld.idx.msk [tilespmem:v58+s21+$0x0], $0xffff  }
0x16f: {  	v53 =	vadd.s32 s28, v2;
	(v2sf) =	vpush v23, $0xA;
	v37 =	vld.idx.msk [tilespmem:v60+s17+$0x0], $0xffff  }
0x170: {  	v55 =	vadd.s32 s10, v3;
	v40 =	vld.idx.msk [tilespmem:v62+s21+$0x0], $0xffff  }
0x171: {  	v57 =	vadd.s32 s28, v3;
	v24 =	vld.idx.msk [tilespmem:v47+s12+$0x0], $0xffff  }
0x172: {  	v59 =	vadd.s32 s10, v4;
	v26 =	vld.idx.msk [tilespmem:v49+s13+$0x0], $0xffff  }
0x173: {  	v61 =	vadd.s32 s28, v4;
	(v2sf) =	vpush v22, $0xA;
	v28 =	vld.idx.msk [tilespmem:v51+s12+$0x0], $0xffff  }
0x174: {  	v30 =	vld.idx.msk [tilespmem:v53+s13+$0x0], $0xffff  }
0x175: {  	v32 =	vld.idx.msk [tilespmem:v55+s12+$0x0], $0xffff  }
0x176: {  	p3 =	sgt.s32 s4, $0xF41FF;
	p4 =	sgt.s32 s24, $0xF41FF;
	v34 =	vld.idx.msk [tilespmem:v57+s13+$0x0], $0xffff  }
0x177: {  	v36 =	vld.idx.msk [tilespmem:v59+s12+$0x0], $0xffff;
	v24 =	vpsel p3, v24, v25;
	v63 =	vpsel p4, v26, v27  }
0x178: {  	v38 =	vld.idx.msk [tilespmem:v61+s13+$0x0], $0xffff;
	v24 =	vmul.f32 v63, v24  }
0x179: {  	v41 =	vpsel p3, v28, v29;
	v42 =	vpsel p4, v30, v31  }
0x17a: {  	v27 =	vmul.f32 v42, v41;
	v24 =	vadd.f32 $0.0e+00, v24  }
0x17b: {  	v43 =	vpsel p3, v32, v33;
	v44 =	vpsel p4, v34, v35  }
0x17c: {  	v45 =	vmul.f32 v44, v43;
	v24 =	vadd.f32 v27, v24  }
0x17d: {  	v46 =	vpsel p3, v36, v37;
	v25 =	vpsel p4, v38, v40  }
0x17e: {  	v25 =	vmul.f32 v25, v46;
	s10 =	spop (v2sf);
	v24 =	vadd.f32 v45, v24  }
0x17f: {  	s4 =	sand.u32 $0xFFFFFF80, s10  }
0x180: {  	p0 =	slt.s32 s4, $0xF4180;
	v24 =	vadd.f32 v25, v24  }
0x181: {  	s4 =	simm.s32 @!p0 $0xF4180  }
0x182: {  	s28 =	spop (v2sf);
	s4 =	sadd.s32 s2, s4;
	[tilespmem:$0x14460] =	vst v24  }
0x183: {  	[tilespmem:s17], [sflag:$0x3] =	stream.strided.gather [hbm4b:s4+s15], $0x2000, s14, s15, $0x38;
	[tilespmem:$0x14700] =	vst v63  }
0x184: {  	s4 =	sand.u32 $0xFFFFFF80, s28  }
0x185: {  	p0 =	slt.s32 s4, $0xF4180  }
0x186: {  	s4 =	simm.s32 @!p0 $0xF4180  }
0x187: {  	s4 =	sadd.s32 s0, s4  }
0x188: {  	[tilespmem:s21], [sflag:$0x7] =	stream.strided.gather [hbm4b:s4+s15], $0x2000, s14, s15, $0x38;
	[tilespmem:$0x14700] =	vst v63  }
0x189: {  	s4 =	sadd.s32 $0xFFF0BE00, s23  }
0x18a: {  	s24 =	simm.s32 $0x4;
	p0 =	sgt.s32 s4, $0x0  }
0x18b: {  	s29 =	simm.s32 $0x4;
	_ =	swait.ge [sflag:s24], $0x2000;
	s4 =	simm.s32 @!p0 $0x0  }
0x18c: {  	s30 =	simm.s32 $0x4;
	[sflag:s29] =	ssyncset.done $0x0;
	s29 =	sand.u32 $0x7F, s23;
	v47 =	vadd.s32 s4, v0  }
0x18d: {  	[sflag:s30] =	ssyncadd.s32 $0xFFFFE000;
	v48 =	vor.u32 s29, v0  }
0x18e: {  	v51 =	vadd.s32 s4, v2;
	_ =	swait.ge [sflag:s1], $0x2000  }
0x18f: {  	v52 =	vor.u32 s29, v2;
	[sflag:s1] =	ssyncset.done $0x0  }
0x190: {  	v55 =	vadd.s32 s4, v3;
	[sflag:s1] =	ssyncadd.s32 $0xFFFFE000  }
0x191: {  	s24 =	sadd.s32 $0xFFF0BE00, s25;
	v56 =	vor.u32 s29, v3;
	v24 =	vld.idx.msk [tilespmem:v47+s12+$0x0], $0xffff  }
0x192: {  	p0 =	sgt.s32 s24, $0x0;
	v59 =	vadd.s32 s4, v4;
	v25 =	vld.idx.msk [tilespmem:v48+s18+$0x0], $0xffff  }
0x193: {  	s24 =	simm.s32 @!p0 $0x0;
	v60 =	vor.u32 s29, v4;
	v28 =	vld.idx.msk [tilespmem:v51+s12+$0x0], $0xffff  }
0x194: {  	s30 =	sand.u32 $0x7F, s25;
	v49 =	vadd.s32 s24, v0;
	v29 =	vld.idx.msk [tilespmem:v52+s18+$0x0], $0xffff  }
0x195: {  	v50 =	vor.u32 s30, v0;
	v32 =	vld.idx.msk [tilespmem:v55+s12+$0x0], $0xffff  }
0x196: {  	v53 =	vadd.s32 s24, v2;
	v33 =	vld.idx.msk [tilespmem:v56+s18+$0x0], $0xffff  }
0x197: {  	v54 =	vor.u32 s30, v2;
	(v2sf) =	vpush v23, $0xB;
	v36 =	vld.idx.msk [tilespmem:v59+s12+$0x0], $0xffff  }
0x198: {  	v57 =	vadd.s32 s24, v3;
	v37 =	vld.idx.msk [tilespmem:v60+s18+$0x0], $0xffff  }
0x199: {  	v58 =	vor.u32 s30, v3;
	v26 =	vld.idx.msk [tilespmem:v49+s13+$0x0], $0xffff  }
0x19a: {  	v61 =	vadd.s32 s24, v4;
	v27 =	vld.idx.msk [tilespmem:v50+s22+$0x0], $0xffff  }
0x19b: {  	v62 =	vor.u32 s30, v4;
	(v2sf) =	vpush v22, $0xB;
	v30 =	vld.idx.msk [tilespmem:v53+s13+$0x0], $0xffff  }
0x19c: {  	v31 =	vld.idx.msk [tilespmem:v54+s22+$0x0], $0xffff  }
0x19d: {  	v34 =	vld.idx.msk [tilespmem:v57+s13+$0x0], $0xffff  }
0x19e: {  	p5 =	sgt.s32 s23, $0xF41FF;
	p6 =	sgt.s32 s25, $0xF41FF;
	v35 =	vld.idx.msk [tilespmem:v58+s22+$0x0], $0xffff  }
0x19f: {  	v38 =	vld.idx.msk [tilespmem:v61+s13+$0x0], $0xffff;
	v24 =	vpsel p5, v24, v25;
	v63 =	vpsel p6, v26, v27  }
0x1a0: {  	v40 =	vld.idx.msk [tilespmem:v62+s22+$0x0], $0xffff;
	v24 =	vmul.f32 v63, v24  }
0x1a1: {  	v41 =	vpsel p5, v28, v29;
	v42 =	vpsel p6, v30, v31  }
0x1a2: {  	v27 =	vmul.f32 v42, v41;
	v24 =	vadd.f32 $0.0e+00, v24  }
0x1a3: {  	v43 =	vpsel p5, v32, v33;
	v44 =	vpsel p6, v34, v35  }
0x1a4: {  	v45 =	vmul.f32 v44, v43;
	v24 =	vadd.f32 v27, v24  }
0x1a5: {  	v46 =	vpsel p5, v36, v37;
	v25 =	vpsel p6, v38, v40  }
0x1a6: {  	v25 =	vmul.f32 v25, v46;
	s24 =	spop (v2sf);
	v24 =	vadd.f32 v45, v24  }
0x1a7: {  	s4 =	sand.u32 $0xFFFFFF80, s24  }
0x1a8: {  	p0 =	slt.s32 s4, $0xF4180;
	v24 =	vadd.f32 v25, v24  }
0x1a9: {  	s4 =	simm.s32 @!p0 $0xF4180  }
0x1aa: {  	s29 =	spop (v2sf);
	s4 =	sadd.s32 s2, s4;
	[tilespmem:$0x14470] =	vst v24  }
0x1ab: {  	[tilespmem:s18], [sflag:$0x4] =	stream.strided.gather [hbm4b:s4+s15], $0x2000, s14, s15, $0x38;
	[tilespmem:$0x14700] =	vst v63  }
0x1ac: {  	s4 =	sand.u32 $0xFFFFFF80, s29  }
0x1ad: {  	p0 =	slt.s32 s4, $0xF4180  }
0x1ae: {  	s4 =	simm.s32 @!p0 $0xF4180  }
0x1af: {  	s4 =	sadd.s32 s0, s4  }
0x1b0: {  	[tilespmem:s22], [sflag:$0x8] =	stream.strided.gather [hbm4b:s4+s15], $0x2000, s14, s15, $0x38;
	[tilespmem:$0x14700] =	vst v63  }
0x1b1: {  	s4 =	sadd.s32 $0xFFF0BE00, s3  }
0x1b2: {  	s25 =	simm.s32 $0x1;
	p0 =	sgt.s32 s4, $0x0  }
0x1b3: {  	_ =	swait.ge [sflag:s25], $0x2000;
	s25 =	simm.s32 $0x1;
	s4 =	simm.s32 @!p0 $0x0  }
0x1b4: {  	s30 =	simm.s32 $0x1;
	[sflag:s25] =	ssyncset.done $0x0;
	s25 =	sand.u32 $0x7F, s3;
	v47 =	vadd.s32 s4, v0  }
0x1b5: {  	[sflag:s30] =	ssyncadd.s32 $0xFFFFE000;
	v48 =	vor.u32 s25, v0  }
0x1b6: {  	v51 =	vadd.s32 s4, v2;
	_ =	swait.ge [sflag:s5], $0x2000  }
0x1b7: {  	v52 =	vor.u32 s25, v2;
	[sflag:s5] =	ssyncset.done $0x0  }
0x1b8: {  	v55 =	vadd.s32 s4, v3;
	[sflag:s5] =	ssyncadd.s32 $0xFFFFE000  }
0x1b9: {  	s23 =	sadd.s32 $0xFFF0BE00, s26;
	v56 =	vor.u32 s25, v3;
	v24 =	vld.idx.msk [tilespmem:v47+s12+$0x0], $0xffff  }
0x1ba: {  	p0 =	sgt.s32 s23, $0x0;
	v59 =	vadd.s32 s4, v4;
	v25 =	vld.idx.msk [tilespmem:v48+s15+$0x0], $0xffff  }
0x1bb: {  	s23 =	simm.s32 @!p0 $0x0;
	v60 =	vor.u32 s25, v4;
	v28 =	vld.idx.msk [tilespmem:v51+s12+$0x0], $0xffff  }
0x1bc: {  	s30 =	sand.u32 $0x7F, s26;
	v49 =	vadd.s32 s23, v0;
	v29 =	vld.idx.msk [tilespmem:v52+s15+$0x0], $0xffff  }
0x1bd: {  	v50 =	vor.u32 s30, v0;
	v32 =	vld.idx.msk [tilespmem:v55+s12+$0x0], $0xffff  }
0x1be: {  	v53 =	vadd.s32 s23, v2;
	v33 =	vld.idx.msk [tilespmem:v56+s15+$0x0], $0xffff  }
0x1bf: {  	v54 =	vor.u32 s30, v2;
	(v2sf) =	vpush v23, $0xC;
	v36 =	vld.idx.msk [tilespmem:v59+s12+$0x0], $0xffff  }
0x1c0: {  	v57 =	vadd.s32 s23, v3;
	v37 =	vld.idx.msk [tilespmem:v60+s15+$0x0], $0xffff  }
0x1c1: {  	v58 =	vor.u32 s30, v3;
	v26 =	vld.idx.msk [tilespmem:v49+s13+$0x0], $0xffff  }
0x1c2: {  	v61 =	vadd.s32 s23, v4;
	v27 =	vld.idx.msk [tilespmem:v50+s19+$0x0], $0xffff  }
0x1c3: {  	v62 =	vor.u32 s30, v4;
	(v2sf) =	vpush v22, $0xC;
	v30 =	vld.idx.msk [tilespmem:v53+s13+$0x0], $0xffff  }
0x1c4: {  	v31 =	vld.idx.msk [tilespmem:v54+s19+$0x0], $0xffff  }
0x1c5: {  	v34 =	vld.idx.msk [tilespmem:v57+s13+$0x0], $0xffff  }
0x1c6: {  	p1 =	sgt.s32 s3, $0xF41FF;
	p2 =	sgt.s32 s26, $0xF41FF;
	v35 =	vld.idx.msk [tilespmem:v58+s19+$0x0], $0xffff  }
0x1c7: {  	v38 =	vld.idx.msk [tilespmem:v61+s13+$0x0], $0xffff;
	v24 =	vpsel p1, v24, v25;
	v63 =	vpsel p2, v26, v27  }
0x1c8: {  	v40 =	vld.idx.msk [tilespmem:v62+s19+$0x0], $0xffff;
	v24 =	vmul.f32 v63, v24  }
0x1c9: {  	v41 =	vpsel p1, v28, v29;
	v42 =	vpsel p2, v30, v31  }
0x1ca: {  	v27 =	vmul.f32 v42, v41;
	v24 =	vadd.f32 $0.0e+00, v24  }
0x1cb: {  	v43 =	vpsel p1, v32, v33;
	v44 =	vpsel p2, v34, v35  }
0x1cc: {  	v45 =	vmul.f32 v44, v43;
	v24 =	vadd.f32 v27, v24  }
0x1cd: {  	v46 =	vpsel p1, v36, v37;
	v25 =	vpsel p2, v38, v40  }
0x1ce: {  	v25 =	vmul.f32 v25, v46;
	s23 =	spop (v2sf);
	v24 =	vadd.f32 v45, v24  }
0x1cf: {  	s3 =	sand.u32 $0xFFFFFF80, s23  }
0x1d0: {  	p0 =	slt.s32 s3, $0xF4180;
	v24 =	vadd.f32 v25, v24  }
0x1d1: {  	s3 =	simm.s32 @!p0 $0xF4180  }
0x1d2: {  	s26 =	spop (v2sf);
	s3 =	sadd.s32 s2, s3;
	[tilespmem:$0x14480] =	vst v24  }
0x1d3: {  	[tilespmem:s15], [sflag:$0x1] =	stream.strided.gather [hbm4b:s3+s15], $0x2000, s14, s15, $0x38;
	[tilespmem:$0x14700] =	vst v63  }
0x1d4: {  	s3 =	sand.u32 $0xFFFFFF80, s26  }
0x1d5: {  	p0 =	slt.s32 s3, $0xF4180  }
0x1d6: {  	s3 =	simm.s32 @!p0 $0xF4180  }
0x1d7: {  	s5 =	simm.s32 $0x2;
	s3 =	sadd.s32 s0, s3  }
0x1d8: {  	[tilespmem:s19], [sflag:$0x5] =	stream.strided.gather [hbm4b:s3+s15], $0x2000, s14, s15, $0x38;
	[tilespmem:$0x14700] =	vst v63  }
0x1d9: {  	s25 =	simm.s32 $0x2;
	s30 =	sand.u32 $0x7F, s11;
	_ =	swait.ge [sflag:s5], $0x2000  }
0x1da: {  	v50 =	vor.u32 s30, v0;
	s5 =	simm.s32 $0x2;
	[sflag:s25] =	ssyncset.done $0x0  }
0x1db: {  	v54 =	vor.u32 s30, v2;
	s3 =	sadd.s32 $0xFFF0BE00, s9;
	[sflag:s5] =	ssyncadd.s32 $0xFFFFE000  }
0x1dc: {  	v58 =	vor.u32 s30, v3;
	p0 =	sgt.s32 s3, $0x0;
	_ =	swait.ge [sflag:s6], $0x2000  }
0x1dd: {  	v62 =	vor.u32 s30, v4;
	s3 =	simm.s32 @!p0 $0x0;
	[sflag:s6] =	ssyncset.done $0x0  }
0x1de: {  	s25 =	sand.u32 $0x7F, s9;
	v47 =	vadd.s32 s3, v0;
	[sflag:s6] =	ssyncadd.s32 $0xFFFFE000  }
0x1df: {  	v48 =	vor.u32 s25, v0;
	v27 =	vld.idx.msk [tilespmem:v50+s20+$0x0], $0xffff  }
0x1e0: {  	s4 =	sadd.s32 $0xFFF0BE00, s11;
	v51 =	vadd.s32 s3, v2;
	v31 =	vld.idx.msk [tilespmem:v54+s20+$0x0], $0xffff  }
0x1e1: {  	p0 =	sgt.s32 s4, $0x0;
	v52 =	vor.u32 s25, v2;
	v35 =	vld.idx.msk [tilespmem:v58+s20+$0x0], $0xffff  }
0x1e2: {  	s4 =	simm.s32 @!p0 $0x0;
	v55 =	vadd.s32 s3, v3;
	v40 =	vld.idx.msk [tilespmem:v62+s20+$0x0], $0xffff  }
0x1e3: {  	v49 =	vadd.s32 s4, v0;
	v24 =	vld.idx.msk [tilespmem:v47+s12+$0x0], $0xffff  }
0x1e4: {  	v56 =	vor.u32 s25, v3;
	v25 =	vld.idx.msk [tilespmem:v48+s16+$0x0], $0xffff  }
0x1e5: {  	v53 =	vadd.s32 s4, v2;
	(v2sf) =	vpush v23, $0xD;
	v28 =	vld.idx.msk [tilespmem:v51+s12+$0x0], $0xffff  }
0x1e6: {  	v59 =	vadd.s32 s3, v4;
	v29 =	vld.idx.msk [tilespmem:v52+s16+$0x0], $0xffff  }
0x1e7: {  	v57 =	vadd.s32 s4, v3;
	v32 =	vld.idx.msk [tilespmem:v55+s12+$0x0], $0xffff  }
0x1e8: {  	v60 =	vor.u32 s25, v4;
	v26 =	vld.idx.msk [tilespmem:v49+s13+$0x0], $0xffff  }
0x1e9: {  	v61 =	vadd.s32 s4, v4;
	(v2sf) =	vpush v22, $0xD;
	v33 =	vld.idx.msk [tilespmem:v56+s16+$0x0], $0xffff  }
0x1ea: {  	v30 =	vld.idx.msk [tilespmem:v53+s13+$0x0], $0xffff  }
0x1eb: {  	v36 =	vld.idx.msk [tilespmem:v59+s12+$0x0], $0xffff  }
0x1ec: {  	p3 =	sgt.s32 s9, $0xF41FF;
	p4 =	sgt.s32 s11, $0xF41FF;
	v34 =	vld.idx.msk [tilespmem:v57+s13+$0x0], $0xffff  }
0x1ed: {  	v37 =	vld.idx.msk [tilespmem:v60+s16+$0x0], $0xffff;
	v24 =	vpsel p3, v24, v25;
	v63 =	vpsel p4, v26, v27  }
0x1ee: {  	v38 =	vld.idx.msk [tilespmem:v61+s13+$0x0], $0xffff;
	v24 =	vmul.f32 v63, v24  }
0x1ef: {  	v41 =	vpsel p3, v28, v29;
	v42 =	vpsel p4, v30, v31  }
0x1f0: {  	v27 =	vmul.f32 v42, v41;
	v24 =	vadd.f32 $0.0e+00, v24  }
0x1f1: {  	v43 =	vpsel p3, v32, v33;
	v44 =	vpsel p4, v34, v35  }
0x1f2: {  	v45 =	vmul.f32 v44, v43;
	v24 =	vadd.f32 v27, v24  }
0x1f3: {  	v46 =	vpsel p3, v36, v37;
	v25 =	vpsel p4, v38, v40  }
0x1f4: {  	v25 =	vmul.f32 v25, v46;
	s4 =	spop (v2sf);
	v24 =	vadd.f32 v45, v24  }
0x1f5: {  	s3 =	sand.u32 $0xFFFFFF80, s4  }
0x1f6: {  	p0 =	slt.s32 s3, $0xF4180;
	v24 =	vadd.f32 v25, v24  }
0x1f7: {  	s3 =	simm.s32 @!p0 $0xF4180  }
0x1f8: {  	s25 =	spop (v2sf);
	s3 =	sadd.s32 s2, s3;
	[tilespmem:$0x14490] =	vst v24  }
0x1f9: {  	[tilespmem:s16], [sflag:$0x2] =	stream.strided.gather [hbm4b:s3+s15], $0x2000, s14, s15, $0x38;
	[tilespmem:$0x14700] =	vst v63  }
0x1fa: {  	s3 =	sand.u32 $0xFFFFFF80, s25  }
0x1fb: {  	p0 =	slt.s32 s3, $0xF4180  }
0x1fc: {  	s3 =	simm.s32 @!p0 $0xF4180  }
0x1fd: {  	s3 =	sadd.s32 s0, s3  }
0x1fe: {  	[tilespmem:s20], [sflag:$0x6] =	stream.strided.gather [hbm4b:s3+s15], $0x2000, s14, s15, $0x38;
	[tilespmem:$0x14700] =	vst v63  }
0x1ff: {  	s6 =	sand.u32 $0x7F, s10;
	_ =	swait.ge [sflag:s31], $0x2000  }
0x200: {  	s30 =	sand.u32 $0x7F, s28;
	v48 =	vor.u32 s6, v0;
	[sflag:s31] =	ssyncset.done $0x0  }
0x201: {  	v50 =	vor.u32 s30, v0;
	[sflag:s31] =	ssyncadd.s32 $0xFFFFE000  }
0x202: {  	v52 =	vor.u32 s6, v2;
	_ =	swait.ge [sflag:s7], $0x2000  }
0x203: {  	v54 =	vor.u32 s30, v2;
	[sflag:s7] =	ssyncset.done $0x0  }
0x204: {  	v56 =	vor.u32 s6, v3;
	[sflag:s7] =	ssyncadd.s32 $0xFFFFE000  }
0x205: {  	v58 =	vor.u32 s30, v3;
	s3 =	sadd.s32 $0xFFF0BE00, s10;
	v25 =	vld.idx.msk [tilespmem:v48+s17+$0x0], $0xffff  }
0x206: {  	s9 =	sadd.s32 $0xFFF0BE00, s28;
	v60 =	vor.u32 s6, v4;
	p0 =	sgt.s32 s3, $0x0;
	v27 =	vld.idx.msk [tilespmem:v50+s21+$0x0], $0xffff  }
0x207: {  	v62 =	vor.u32 s30, v4;
	s3 =	simm.s32 @!p0 $0x0;
	p0 =	sgt.s32 s9, $0x0;
	v29 =	vld.idx.msk [tilespmem:v52+s17+$0x0], $0xffff  }
0x208: {  	v47 =	vadd.s32 s3, v0;
	s9 =	simm.s32 @!p0 $0x0;
	v31 =	vld.idx.msk [tilespmem:v54+s21+$0x0], $0xffff  }
0x209: {  	v49 =	vadd.s32 s9, v0;
	v33 =	vld.idx.msk [tilespmem:v56+s17+$0x0], $0xffff  }
0x20a: {  	v51 =	vadd.s32 s3, v2;
	v35 =	vld.idx.msk [tilespmem:v58+s21+$0x0], $0xffff  }
0x20b: {  	v53 =	vadd.s32 s9, v2;
	(v2sf) =	vpush v23, $0xE;
	v37 =	vld.idx.msk [tilespmem:v60+s17+$0x0], $0xffff  }
0x20c: {  	v55 =	vadd.s32 s3, v3;
	v40 =	vld.idx.msk [tilespmem:v62+s21+$0x0], $0xffff  }
0x20d: {  	v57 =	vadd.s32 s9, v3;
	v24 =	vld.idx.msk [tilespmem:v47+s12+$0x0], $0xffff  }
0x20e: {  	v59 =	vadd.s32 s3, v4;
	v26 =	vld.idx.msk [tilespmem:v49+s13+$0x0], $0xffff  }
0x20f: {  	v61 =	vadd.s32 s9, v4;
	(v2sf) =	vpush v22, $0xE;
	v28 =	vld.idx.msk [tilespmem:v51+s12+$0x0], $0xffff  }
0x210: {  	v30 =	vld.idx.msk [tilespmem:v53+s13+$0x0], $0xffff  }
0x211: {  	v32 =	vld.idx.msk [tilespmem:v55+s12+$0x0], $0xffff  }
0x212: {  	p5 =	sgt.s32 s10, $0xF41FF;
	p6 =	sgt.s32 s28, $0xF41FF;
	v34 =	vld.idx.msk [tilespmem:v57+s13+$0x0], $0xffff  }
0x213: {  	v36 =	vld.idx.msk [tilespmem:v59+s12+$0x0], $0xffff;
	v24 =	vpsel p5, v24, v25;
	v63 =	vpsel p6, v26, v27  }
0x214: {  	v38 =	vld.idx.msk [tilespmem:v61+s13+$0x0], $0xffff;
	v24 =	vmul.f32 v63, v24  }
0x215: {  	v41 =	vpsel p5, v28, v29;
	v42 =	vpsel p6, v30, v31  }
0x216: {  	v27 =	vmul.f32 v42, v41;
	v24 =	vadd.f32 $0.0e+00, v24  }
0x217: {  	v43 =	vpsel p5, v32, v33;
	v44 =	vpsel p6, v34, v35  }
0x218: {  	v45 =	vmul.f32 v44, v43;
	v24 =	vadd.f32 v27, v24  }
0x219: {  	v46 =	vpsel p5, v36, v37;
	v25 =	vpsel p6, v38, v40  }
0x21a: {  	v25 =	vmul.f32 v25, v46;
	s10 =	spop (v2sf);
	v24 =	vadd.f32 v45, v24  }
0x21b: {  	s3 =	sand.u32 $0xFFFFFF80, s10  }
0x21c: {  	p0 =	slt.s32 s3, $0xF4180;
	v24 =	vadd.f32 v25, v24  }
0x21d: {  	s3 =	simm.s32 @!p0 $0xF4180  }
0x21e: {  	s11 =	spop (v2sf);
	s3 =	sadd.s32 s2, s3;
	[tilespmem:$0x144A0] =	vst v24  }
0x21f: {  	[tilespmem:s17], [sflag:$0x3] =	stream.strided.gather [hbm4b:s3+s15], $0x2000, s14, s15, $0x38;
	[tilespmem:$0x14700] =	vst v63  }
0x220: {  	s3 =	sand.u32 $0xFFFFFF80, s11  }
0x221: {  	p0 =	slt.s32 s3, $0xF4180  }
0x222: {  	s3 =	simm.s32 @!p0 $0xF4180  }
0x223: {  	s9 =	simm.s32 $0x4;
	s3 =	sadd.s32 s0, s3  }
0x224: {  	[tilespmem:s21], [sflag:$0x7] =	stream.strided.gather [hbm4b:s3+s15], $0x2000, s14, s15, $0x38;
	[tilespmem:$0x14700] =	vst v63  }
0x225: {  	s28 =	simm.s32 $0x4;
	s6 =	sand.u32 $0x7F, s24;
	_ =	swait.ge [sflag:s9], $0x2000  }
0x226: {  	s30 =	sand.u32 $0x7F, s29;
	s7 =	simm.s32 $0x4;
	v48 =	vor.u32 s6, v0;
	[sflag:s28] =	ssyncset.done $0x0  }
0x227: {  	v50 =	vor.u32 s30, v0;
	[sflag:s7] =	ssyncadd.s32 $0xFFFFE000  }
0x228: {  	v52 =	vor.u32 s6, v2;
	_ =	swait.ge [sflag:s1], $0x2000  }
0x229: {  	v54 =	vor.u32 s30, v2;
	[sflag:s1] =	ssyncset.done $0x0  }
0x22a: {  	v56 =	vor.u32 s6, v3;
	[sflag:s1] =	ssyncadd.s32 $0xFFFFE000  }
0x22b: {  	v58 =	vor.u32 s30, v3;
	s3 =	sadd.s32 $0xFFF0BE00, s24;
	v25 =	vld.idx.msk [tilespmem:v48+s18+$0x0], $0xffff  }
0x22c: {  	v61 =	vor.u32 s6, v4;
	p0 =	sgt.s32 s3, $0x0;
	s9 =	sadd.s32 $0xFFF0BE00, s29;
	v27 =	vld.idx.msk [tilespmem:v50+s22+$0x0], $0xffff  }
0x22d: {  	v63 =	vor.u32 s30, v4;
	s3 =	simm.s32 @!p0 $0x0;
	p0 =	sgt.s32 s9, $0x0;
	v29 =	vld.idx.msk [tilespmem:v52+s18+$0x0], $0xffff  }
0x22e: {  	v47 =	vadd.s32 s3, v0;
	s9 =	simm.s32 @!p0 $0x0;
	v59 =	vld.idx.msk [tilespmem:v54+s22+$0x0], $0xffff  }
0x22f: {  	v49 =	vadd.s32 s9, v0;
	v33 =	vld.idx.msk [tilespmem:v56+s18+$0x0], $0xffff  }
0x230: {  	v51 =	vadd.s32 s3, v2;
	v35 =	vld.idx.msk [tilespmem:v58+s22+$0x0], $0xffff  }
0x231: {  	v53 =	vadd.s32 s9, v2;
	(v2sf) =	vpush v23, $0xF;
	v40 =	vld.idx.msk [tilespmem:v61+s18+$0x0], $0xffff  }
0x232: {  	v55 =	vadd.s32 s3, v3;
	v43 =	vld.idx.msk [tilespmem:v63+s22+$0x0], $0xffff  }
0x233: {  	v57 =	vadd.s32 s9, v3;
	v24 =	vld.idx.msk [tilespmem:v47+s12+$0x0], $0xffff  }
0x234: {  	v60 =	vadd.s32 s3, v4;
	v26 =	vld.idx.msk [tilespmem:v49+s13+$0x0], $0xffff  }
0x235: {  	v62 =	vadd.s32 s9, v4;
	v28 =	vld.idx.msk [tilespmem:v51+s12+$0x0], $0xffff  }
0x236: {  	v30 =	vld.idx.msk [tilespmem:v53+s13+$0x0], $0xffff  }
0x237: {  	(v2sf) =	vpush v22, $0xF;
	v32 =	vld.idx.msk [tilespmem:v55+s12+$0x0], $0xffff  }
0x238: {  	p2 =	sgt.s32 s24, $0xF41FF;
	p3 =	sgt.s32 s29, $0xF41FF;
	v34 =	vld.idx.msk [tilespmem:v57+s13+$0x0], $0xffff  }
0x239: {  	v39 =	vld.idx.msk [tilespmem:v60+s12+$0x0], $0xffff;
	v24 =	vpsel p2, v24, v25;
	v41 =	vpsel p3, v26, v27  }
0x23a: {  	v42 =	vld.idx.msk [tilespmem:v62+s13+$0x0], $0xffff;
	v24 =	vmul.f32 v41, v24  }
0x23b: {  	v44 =	vpsel p2, v28, v29;
	v23 =	vpsel p3, v30, v59  }
0x23c: {  	v23 =	vmul.f32 v23, v44;
	v24 =	vadd.f32 $0.0e+00, v24  }
0x23d: {  	v45 =	vpsel p2, v32, v33;
	v46 =	vpsel p3, v34, v35  }
0x23e: {  	v47 =	vmul.f32 v46, v45;
	v23 =	vadd.f32 v23, v24  }
0x23f: {  	v22 =	vpsel p2, v39, v40;
	v25 =	vpsel p3, v42, v43  }
0x240: {  	v22 =	vmul.f32 v25, v22;
	s9 =	spop (v2sf);
	v23 =	vadd.f32 v47, v23  }
0x241: {  	s3 =	sand.u32 $0xFFFFFF80, s9  }
0x242: {  	p0 =	slt.s32 s3, $0xF4180;
	v22 =	vadd.f32 v22, v23  }
0x243: {  	s3 =	simm.s32 @!p0 $0xF4180  }
0x244: {  	s3 =	sadd.s32 s2, s3;
	[tilespmem:$0x144B0] =	vst v22  }
0x245: {  	[tilespmem:s18], [sflag:$0x4] =	stream.strided.gather [hbm4b:s3+s15], $0x2000, s14, s15, $0x38;
	[tilespmem:$0x14700] =	vst v63  }
0x246: {  	s3 =	spop (v2sf)  }
0x247: {  	s24 =	sand.u32 $0xFFFFFF80, s3  }
0x248: {  	p0 =	slt.s32 s24, $0xF4180  }
0x249: {  	s24 =	simm.s32 @!p0 $0xF4180  }
0x24a: {  	s1 =	simm.s32 $0x1;
	s24 =	sadd.s32 s0, s24  }
0x24b: {  	[tilespmem:s22], [sflag:$0x8] =	stream.strided.gather [hbm4b:s24+s15], $0x2000, s14, s15, $0x38;
	[tilespmem:$0x14700] =	vst v63  }
0x24c: {  	s6 =	simm.s32 $0x1;
	s29 =	sand.u32 $0x7F, s23;
	_ =	swait.ge [sflag:s1], $0x2000  }
0x24d: {  	s30 =	sand.u32 $0x7F, s26;
	s7 =	simm.s32 $0x1;
	v49 =	vor.u32 s29, v0;
	[sflag:s6] =	ssyncset.done $0x0  }
0x24e: {  	s5 =	simm.s32 $0x5;
	v51 =	vor.u32 s30, v0;
	[sflag:s7] =	ssyncadd.s32 $0xFFFFE000  }
0x24f: {  	v53 =	vor.u32 s29, v2;
	_ =	swait.ge [sflag:s5], $0x2000  }
0x250: {  	v55 =	vor.u32 s30, v2;
	[sflag:s5] =	ssyncset.done $0x0  }
0x251: {  	v57 =	vor.u32 s29, v3;
	[sflag:s5] =	ssyncadd.s32 $0xFFFFE000  }
0x252: {  	v59 =	vor.u32 s30, v3;
	s24 =	sadd.s32 $0xFFF0BE00, s23;
	v23 =	vld.idx.msk [tilespmem:v49+s15+$0x0], $0xffff  }
0x253: {  	s28 =	sadd.s32 $0xFFF0BE00, s26;
	v61 =	vor.u32 s29, v4;
	p0 =	sgt.s32 s24, $0x0;
	v25 =	vld.idx.msk [tilespmem:v51+s19+$0x0], $0xffff  }
0x254: {  	v63 =	vor.u32 s30, v4;
	s24 =	simm.s32 @!p0 $0x0;
	p0 =	sgt.s32 s28, $0x0;
	v27 =	vld.idx.msk [tilespmem:v53+s15+$0x0], $0xffff  }
0x255: {  	v48 =	vadd.s32 s24, v0;
	s28 =	simm.s32 @!p0 $0x0;
	v29 =	vld.idx.msk [tilespmem:v55+s19+$0x0], $0xffff  }
0x256: {  	p0 =	seq.s32 s8, $0x1F0;
	v50 =	vadd.s32 s28, v0;
	v31 =	vld.idx.msk [tilespmem:v57+s15+$0x0], $0xffff  }
0x257: {  	v52 =	vadd.s32 s24, v2;
	(v2sf) =	vpush @!p0 v21, $0x0;
	v33 =	vld.idx.msk [tilespmem:v59+s19+$0x0], $0xffff  }
0x258: {  	v54 =	vadd.s32 s28, v2;
	v35 =	vld.idx.msk [tilespmem:v61+s15+$0x0], $0xffff  }
0x259: {  	v56 =	vadd.s32 s24, v3;
	v41 =	vld.idx.msk [tilespmem:v63+s19+$0x0], $0xffff  }
0x25a: {  	v58 =	vadd.s32 s28, v3;
	v22 =	vld.idx.msk [tilespmem:v48+s12+$0x0], $0xffff  }
0x25b: {  	v60 =	vadd.s32 s24, v4;
	v24 =	vld.idx.msk [tilespmem:v50+s13+$0x0], $0xffff  }
0x25c: {  	v62 =	vadd.s32 s28, v4;
	v26 =	vld.idx.msk [tilespmem:v52+s12+$0x0], $0xffff  }
0x25d: {  	v28 =	vld.idx.msk [tilespmem:v54+s13+$0x0], $0xffff  }
0x25e: {  	(v2sf) =	vpush @!p0 v20, $0x0;
	v30 =	vld.idx.msk [tilespmem:v56+s12+$0x0], $0xffff  }
0x25f: {  	p4 =	sgt.s32 s23, $0xF41FF;
	p2 =	sgt.s32 s26, $0xF41FF;
	v32 =	vld.idx.msk [tilespmem:v58+s13+$0x0], $0xffff  }
0x260: {  	v34 =	vld.idx.msk [tilespmem:v60+s12+$0x0], $0xffff;
	v22 =	vpsel p4, v22, v23;
	v39 =	vpsel p2, v24, v25  }
0x261: {  	v40 =	vld.idx.msk [tilespmem:v62+s13+$0x0], $0xffff;
	v22 =	vmul.f32 v39, v22  }
0x262: {  	v42 =	vpsel p4, v26, v27;
	v43 =	vpsel p2, v28, v29  }
0x263: {  	v25 =	vmul.f32 v43, v42;
	v22 =	vadd.f32 $0.0e+00, v22  }
0x264: {  	v44 =	vpsel p4, v30, v31;
	v45 =	vpsel p2, v32, v33  }
0x265: {  	v46 =	vmul.f32 v45, v44;
	v22 =	vadd.f32 v25, v22  }
0x266: {  	v47 =	vpsel p4, v34, v35;
	v23 =	vpsel p2, v40, v41;
	s23 =	spop @!p0 (v2sf)  }
0x267: {  	v23 =	vmul.f32 v23, v47;
	v22 =	vadd.f32 v46, v22;
	s23 =	sand.u32 @!p0 $0xFFFFFF80, s23  }
0x268: {  	p1 =	slt.s32 @!p0 s23, $0xF4180  }
0x269: {  	v22 =	vadd.f32 v23, v22;
	p1 =	por !p1, p0  }
0x26a: {  	s23 =	simm.s32 @p1 $0xF4180  }
0x26b: {  	s24 =	simm.s32 @!p0 $0x400;
	[tilespmem:$0x144C0] =	vst v22;
	s26 =	sadd.s32 @!p0 s2, s23;
	s23 =	simm.s32 @!p0 $0x7A1400  }
0x26c: {  	[tilespmem:s24], [sflag:$0x1] =	stream.strided.gather @!p0 [hbm4b:s26+s24], $0x2000, s23, s24, $0x38;
	[tilespmem:$0x14700] =	vst v63  }
0x26d: {  	s26 =	spop @!p0 (v2sf)  }
0x26e: {  	s26 =	sand.u32 @!p0 $0xFFFFFF80, s26  }
0x26f: {  	p1 =	slt.s32 @!p0 s26, $0xF4180  }
0x270: {  	p1 =	por !p1, p0  }
0x271: {  	s26 =	simm.s32 @p1 $0xF4180  }
0x272: {  	s28 =	simm.s32 @!p0 $0x8400;
	s26 =	sadd.s32 @!p0 s0, s26  }
0x273: {  	[tilespmem:s28], [sflag:$0x5] =	stream.strided.gather @!p0 [hbm4b:s26+s24], $0x2000, s23, s24, $0x38;
	[tilespmem:$0x14700] =	vst v63  }
0x274: {  	s28 =	simm.s32 $0x2  }
0x275: {  	s29 =	sand.u32 $0x7F, s4;
	s1 =	simm.s32 $0x2;
	_ =	swait.ge [sflag:s28], $0x2000  }
0x276: {  	s30 =	sand.u32 $0x7F, s25;
	s7 =	simm.s32 $0x2;
	v49 =	vor.u32 s29, v0;
	[sflag:s1] =	ssyncset.done $0x0  }
0x277: {  	s6 =	simm.s32 $0x6;
	v51 =	vor.u32 s30, v0;
	[sflag:s7] =	ssyncadd.s32 $0xFFFFE000  }
0x278: {  	v53 =	vor.u32 s29, v2;
	_ =	swait.ge [sflag:s6], $0x2000  }
0x279: {  	v55 =	vor.u32 s30, v2;
	[sflag:s6] =	ssyncset.done $0x0  }
0x27a: {  	v57 =	vor.u32 s29, v3;
	[sflag:s6] =	ssyncadd.s32 $0xFFFFE000  }
0x27b: {  	v59 =	vor.u32 s30, v3;
	s26 =	sadd.s32 $0xFFF0BE00, s4;
	v23 =	vld.idx.msk [tilespmem:v49+s16+$0x0], $0xffff  }
0x27c: {  	v61 =	vor.u32 s29, v4;
	p1 =	sgt.s32 s26, $0x0;
	s28 =	sadd.s32 $0xFFF0BE00, s25;
	v25 =	vld.idx.msk [tilespmem:v51+s20+$0x0], $0xffff  }
0x27d: {  	v63 =	vor.u32 s30, v4;
	s26 =	simm.s32 @!p1 $0x0;
	p1 =	sgt.s32 s28, $0x0;
	v27 =	vld.idx.msk [tilespmem:v53+s16+$0x0], $0xffff  }
0x27e: {  	v48 =	vadd.s32 s26, v0;
	s28 =	simm.s32 @!p1 $0x0;
	v29 =	vld.idx.msk [tilespmem:v55+s20+$0x0], $0xffff  }
0x27f: {  	v50 =	vadd.s32 s28, v0;
	v31 =	vld.idx.msk [tilespmem:v57+s16+$0x0], $0xffff  }
0x280: {  	v52 =	vadd.s32 s26, v2;
	(v2sf) =	vpush @!p0 v21, $0x1;
	v33 =	vld.idx.msk [tilespmem:v59+s20+$0x0], $0xffff  }
0x281: {  	v54 =	vadd.s32 s28, v2;
	v35 =	vld.idx.msk [tilespmem:v61+s16+$0x0], $0xffff  }
0x282: {  	v56 =	vadd.s32 s26, v3;
	v41 =	vld.idx.msk [tilespmem:v63+s20+$0x0], $0xffff  }
0x283: {  	v58 =	vadd.s32 s28, v3;
	v22 =	vld.idx.msk [tilespmem:v48+s12+$0x0], $0xffff  }
0x284: {  	v60 =	vadd.s32 s26, v4;
	v24 =	vld.idx.msk [tilespmem:v50+s13+$0x0], $0xffff  }
0x285: {  	v62 =	vadd.s32 s28, v4;
	v26 =	vld.idx.msk [tilespmem:v52+s12+$0x0], $0xffff  }
0x286: {  	v28 =	vld.idx.msk [tilespmem:v54+s13+$0x0], $0xffff  }
0x287: {  	(v2sf) =	vpush @!p0 v20, $0x1;
	v30 =	vld.idx.msk [tilespmem:v56+s12+$0x0], $0xffff  }
0x288: {  	p5 =	sgt.s32 s4, $0xF41FF;
	p6 =	sgt.s32 s25, $0xF41FF;
	v32 =	vld.idx.msk [tilespmem:v58+s13+$0x0], $0xffff  }
0x289: {  	v34 =	vld.idx.msk [tilespmem:v60+s12+$0x0], $0xffff;
	v22 =	vpsel p5, v22, v23;
	v39 =	vpsel p6, v24, v25  }
0x28a: {  	v40 =	vld.idx.msk [tilespmem:v62+s13+$0x0], $0xffff;
	v22 =	vmul.f32 v39, v22  }
0x28b: {  	v42 =	vpsel p5, v26, v27;
	v43 =	vpsel p6, v28, v29  }
0x28c: {  	v25 =	vmul.f32 v43, v42;
	v22 =	vadd.f32 $0.0e+00, v22  }
0x28d: {  	v44 =	vpsel p5, v30, v31;
	v45 =	vpsel p6, v32, v33  }
0x28e: {  	v46 =	vmul.f32 v45, v44;
	v22 =	vadd.f32 v25, v22  }
0x28f: {  	v47 =	vpsel p5, v34, v35;
	v23 =	vpsel p6, v40, v41;
	s4 =	spop @!p0 (v2sf)  }
0x290: {  	v23 =	vmul.f32 v23, v47;
	v22 =	vadd.f32 v46, v22;
	s4 =	sand.u32 @!p0 $0xFFFFFF80, s4  }
0x291: {  	p1 =	slt.s32 @!p0 s4, $0xF4180  }
0x292: {  	v22 =	vadd.f32 v23, v22;
	p1 =	por !p1, p0  }
0x293: {  	s4 =	simm.s32 @p1 $0xF4180  }
0x294: {  	s25 =	simm.s32 @!p0 $0x2400;
	[tilespmem:$0x144D0] =	vst v22;
	s4 =	sadd.s32 @!p0 s2, s4  }
0x295: {  	[tilespmem:s25], [sflag:$0x2] =	stream.strided.gather @!p0 [hbm4b:s4+s24], $0x2000, s23, s24, $0x38;
	[tilespmem:$0x14700] =	vst v63  }
0x296: {  	s4 =	spop @!p0 (v2sf)  }
0x297: {  	s4 =	sand.u32 @!p0 $0xFFFFFF80, s4  }
0x298: {  	p1 =	slt.s32 @!p0 s4, $0xF4180  }
0x299: {  	p1 =	por !p1, p0  }
0x29a: {  	s4 =	simm.s32 @p1 $0xF4180  }
0x29b: {  	s29 =	simm.s32 $0x3;
	s25 =	simm.s32 @!p0 $0xA400;
	s4 =	sadd.s32 @!p0 s0, s4  }
0x29c: {  	[tilespmem:s25], [sflag:$0x6] =	stream.strided.gather @!p0 [hbm4b:s4+s24], $0x2000, s23, s24, $0x38;
	[tilespmem:$0x14700] =	vst v63  }
0x29d: {  	s26 =	sand.u32 $0x7F, s10;
	_ =	swait.ge [sflag:s29], $0x2000  }
0x29e: {  	s28 =	sand.u32 $0x7F, s11;
	v49 =	vor.u32 s26, v0;
	[sflag:s29] =	ssyncset.done $0x0  }
0x29f: {  	s7 =	simm.s32 $0x7;
	v51 =	vor.u32 s28, v0;
	[sflag:s29] =	ssyncadd.s32 $0xFFFFE000  }
0x2a0: {  	v53 =	vor.u32 s26, v2;
	_ =	swait.ge [sflag:s7], $0x2000  }
0x2a1: {  	v55 =	vor.u32 s28, v2;
	[sflag:s7] =	ssyncset.done $0x0  }
0x2a2: {  	v57 =	vor.u32 s26, v3;
	[sflag:s7] =	ssyncadd.s32 $0xFFFFE000  }
0x2a3: {  	v59 =	vor.u32 s28, v3;
	s4 =	sadd.s32 $0xFFF0BE00, s10;
	v23 =	vld.idx.msk [tilespmem:v49+s17+$0x0], $0xffff  }
0x2a4: {  	v61 =	vor.u32 s26, v4;
	s25 =	sadd.s32 $0xFFF0BE00, s11;
	p1 =	sgt.s32 s4, $0x0;
	v25 =	vld.idx.msk [tilespmem:v51+s21+$0x0], $0xffff  }
0x2a5: {  	v63 =	vor.u32 s28, v4;
	s4 =	simm.s32 @!p1 $0x0;
	p1 =	sgt.s32 s25, $0x0;
	v27 =	vld.idx.msk [tilespmem:v53+s17+$0x0], $0xffff  }
0x2a6: {  	v48 =	vadd.s32 s4, v0;
	s25 =	simm.s32 @!p1 $0x0;
	v29 =	vld.idx.msk [tilespmem:v55+s21+$0x0], $0xffff  }
0x2a7: {  	v50 =	vadd.s32 s25, v0;
	v31 =	vld.idx.msk [tilespmem:v57+s17+$0x0], $0xffff  }
0x2a8: {  	v52 =	vadd.s32 s4, v2;
	(v2sf) =	vpush @!p0 v21, $0x2;
	v33 =	vld.idx.msk [tilespmem:v59+s21+$0x0], $0xffff  }
0x2a9: {  	v54 =	vadd.s32 s25, v2;
	v35 =	vld.idx.msk [tilespmem:v61+s17+$0x0], $0xffff  }
0x2aa: {  	v56 =	vadd.s32 s4, v3;
	v41 =	vld.idx.msk [tilespmem:v63+s21+$0x0], $0xffff  }
0x2ab: {  	v58 =	vadd.s32 s25, v3;
	v22 =	vld.idx.msk [tilespmem:v48+s12+$0x0], $0xffff  }
0x2ac: {  	v60 =	vadd.s32 s4, v4;
	v24 =	vld.idx.msk [tilespmem:v50+s13+$0x0], $0xffff  }
0x2ad: {  	v62 =	vadd.s32 s25, v4;
	v26 =	vld.idx.msk [tilespmem:v52+s12+$0x0], $0xffff  }
0x2ae: {  	v28 =	vld.idx.msk [tilespmem:v54+s13+$0x0], $0xffff  }
0x2af: {  	(v2sf) =	vpush @!p0 v20, $0x2;
	v30 =	vld.idx.msk [tilespmem:v56+s12+$0x0], $0xffff  }
0x2b0: {  	p3 =	sgt.s32 s10, $0xF41FF;
	p4 =	sgt.s32 s11, $0xF41FF;
	v32 =	vld.idx.msk [tilespmem:v58+s13+$0x0], $0xffff  }
0x2b1: {  	v34 =	vld.idx.msk [tilespmem:v60+s12+$0x0], $0xffff;
	v22 =	vpsel p3, v22, v23;
	v39 =	vpsel p4, v24, v25  }
0x2b2: {  	v40 =	vld.idx.msk [tilespmem:v62+s13+$0x0], $0xffff;
	v22 =	vmul.f32 v39, v22  }
0x2b3: {  	v42 =	vpsel p3, v26, v27;
	v43 =	vpsel p4, v28, v29  }
0x2b4: {  	v25 =	vmul.f32 v43, v42;
	v22 =	vadd.f32 $0.0e+00, v22  }
0x2b5: {  	v44 =	vpsel p3, v30, v31;
	v45 =	vpsel p4, v32, v33  }
0x2b6: {  	v46 =	vmul.f32 v45, v44;
	v22 =	vadd.f32 v25, v22  }
0x2b7: {  	v47 =	vpsel p3, v34, v35;
	v23 =	vpsel p4, v40, v41;
	s4 =	spop @!p0 (v2sf)  }
0x2b8: {  	v23 =	vmul.f32 v23, v47;
	v22 =	vadd.f32 v46, v22;
	s4 =	sand.u32 @!p0 $0xFFFFFF80, s4  }
0x2b9: {  	p1 =	slt.s32 @!p0 s4, $0xF4180  }
0x2ba: {  	v22 =	vadd.f32 v23, v22;
	p1 =	por !p1, p0  }
0x2bb: {  	s4 =	simm.s32 @p1 $0xF4180  }
0x2bc: {  	s10 =	simm.s32 @!p0 $0x4400;
	[tilespmem:$0x144E0] =	vst v22;
	s4 =	sadd.s32 @!p0 s2, s4  }
0x2bd: {  	[tilespmem:s10], [sflag:$0x3] =	stream.strided.gather @!p0 [hbm4b:s4+s24], $0x2000, s23, s24, $0x38;
	[tilespmem:$0x14700] =	vst v63  }
0x2be: {  	s4 =	spop @!p0 (v2sf)  }
0x2bf: {  	s4 =	sand.u32 @!p0 $0xFFFFFF80, s4  }
0x2c0: {  	p1 =	slt.s32 @!p0 s4, $0xF4180  }
0x2c1: {  	p1 =	por !p1, p0  }
0x2c2: {  	s4 =	simm.s32 @p1 $0xF4180  }
0x2c3: {  	s1 =	simm.s32 $0x4;
	s10 =	simm.s32 @!p0 $0xC400;
	s4 =	sadd.s32 @!p0 s0, s4  }
0x2c4: {  	[tilespmem:s10], [sflag:$0x7] =	stream.strided.gather @!p0 [hbm4b:s4+s24], $0x2000, s23, s24, $0x38;
	[tilespmem:$0x14700] =	vst v63  }
0x2c5: {  	s26 =	sand.u32 $0x7F, s9;
	_ =	swait.ge [sflag:s1], $0x2000  }
0x2c6: {  	s28 =	sand.u32 $0x7F, s3;
	v49 =	vor.u32 s26, v0;
	[sflag:s1] =	ssyncset.done $0x0  }
0x2c7: {  	s30 =	simm.s32 $0x8;
	v51 =	vor.u32 s28, v0;
	[sflag:s1] =	ssyncadd.s32 $0xFFFFE000  }
0x2c8: {  	v53 =	vor.u32 s26, v2;
	_ =	swait.ge [sflag:s30], $0x2000  }
0x2c9: {  	v55 =	vor.u32 s28, v2;
	[sflag:s30] =	ssyncset.done $0x0  }
0x2ca: {  	v57 =	vor.u32 s26, v3;
	[sflag:s30] =	ssyncadd.s32 $0xFFFFE000  }
0x2cb: {  	v60 =	vor.u32 s28, v3;
	s4 =	sadd.s32 $0xFFF0BE00, s9;
	v23 =	vld.idx.msk [tilespmem:v49+s18+$0x0], $0xffff  }
0x2cc: {  	v62 =	vor.u32 s26, v4;
	s10 =	sadd.s32 $0xFFF0BE00, s3;
	p1 =	sgt.s32 s4, $0x0;
	v25 =	vld.idx.msk [tilespmem:v51+s22+$0x0], $0xffff  }
0x2cd: {  	v40 =	vor.u32 s28, v4;
	s4 =	simm.s32 @!p1 $0x0;
	p1 =	sgt.s32 s10, $0x0;
	v27 =	vld.idx.msk [tilespmem:v53+s18+$0x0], $0xffff  }
0x2ce: {  	v48 =	vadd.s32 s4, v0;
	s10 =	simm.s32 @!p1 $0x0;
	v29 =	vld.idx.msk [tilespmem:v55+s22+$0x0], $0xffff  }
0x2cf: {  	v50 =	vadd.s32 s10, v0;
	v31 =	vld.idx.msk [tilespmem:v57+s18+$0x0], $0xffff  }
0x2d0: {  	v52 =	vadd.s32 s4, v2;
	(v2sf) =	vpush @!p0 v21, $0x3;
	v28 =	vld.idx.msk [tilespmem:v60+s22+$0x0], $0xffff  }
0x2d1: {  	v54 =	vadd.s32 s10, v2;
	v41 =	vld.idx.msk [tilespmem:v62+s18+$0x0], $0xffff  }
0x2d2: {  	v56 =	vadd.s32 s4, v3;
	v44 =	vld.idx.msk [tilespmem:v40+s22+$0x0], $0xffff  }
0x2d3: {  	v58 =	vadd.s32 s10, v3;
	v22 =	vld.idx.msk [tilespmem:v48+s12+$0x0], $0xffff  }
0x2d4: {  	v61 =	vadd.s32 s4, v4;
	v24 =	vld.idx.msk [tilespmem:v50+s13+$0x0], $0xffff  }
0x2d5: {  	v63 =	vadd.s32 s10, v4;
	v26 =	vld.idx.msk [tilespmem:v52+s12+$0x0], $0xffff  }
0x2d6: {  	v59 =	vld.idx.msk [tilespmem:v54+s13+$0x0], $0xffff  }
0x2d7: {  	(v2sf) =	vpush @!p0 v20, $0x3;
	v30 =	vld.idx.msk [tilespmem:v56+s12+$0x0], $0xffff  }
0x2d8: {  	p5 =	sgt.s32 s9, $0xF41FF;
	p6 =	sgt.s32 s3, $0xF41FF;
	v32 =	vld.idx.msk [tilespmem:v58+s13+$0x0], $0xffff  }
0x2d9: {  	v20 =	vld.idx.msk [tilespmem:v61+s12+$0x0], $0xffff;
	v22 =	vpsel p5, v22, v23;
	v42 =	vpsel p6, v24, v25  }
0x2da: {  	v43 =	vld.idx.msk [tilespmem:v63+s13+$0x0], $0xffff;
	v22 =	vmul.f32 v42, v22  }
0x2db: {  	v45 =	vpsel p5, v26, v27;
	v21 =	vpsel p6, v59, v29  }
0x2dc: {  	v21 =	vmul.f32 v21, v45;
	v22 =	vadd.f32 $0.0e+00, v22  }
0x2dd: {  	v46 =	vpsel p5, v30, v31;
	v47 =	vpsel p6, v32, v28  }
0x2de: {  	v48 =	vmul.f32 v47, v46;
	v21 =	vadd.f32 v21, v22  }
0x2df: {  	v20 =	vpsel p5, v20, v41;
	v23 =	vpsel p6, v43, v44;
	s3 =	spop @!p0 (v2sf)  }
0x2e0: {  	v20 =	vmul.f32 v23, v20;
	v21 =	vadd.f32 v48, v21;
	s3 =	sand.u32 @!p0 $0xFFFFFF80, s3  }
0x2e1: {  	p1 =	slt.s32 @!p0 s3, $0xF4180  }
0x2e2: {  	v20 =	vadd.f32 v20, v21;
	p1 =	por !p1, p0  }
0x2e3: {  	s3 =	simm.s32 @p1 $0xF4180  }
0x2e4: {  	s4 =	simm.s32 @!p0 $0x6400;
	[tilespmem:$0x144F0] =	vst v20;
	s3 =	sadd.s32 @!p0 s2, s3  }
0x2e5: {  	[tilespmem:s4], [sflag:$0x4] =	stream.strided.gather @!p0 [hbm4b:s3+s24], $0x2000, s23, s24, $0x38;
	[tilespmem:$0x14700] =	vst v63  }
0x2e6: {  	s3 =	spop @!p0 (v2sf)  }
0x2e7: {  	s3 =	sand.u32 @!p0 $0xFFFFFF80, s3  }
0x2e8: {  	p1 =	slt.s32 @!p0 s3, $0xF4180  }
0x2e9: {  	p1 =	por !p1, p0  }
0x2ea: {  	s25 =	smov.u32 s0;
	s3 =	simm.s32 @p1 $0xF4180  }
0x2eb: {  	s11 =	simm.s32 $0x14400;
	s4 =	simm.s32 @!p0 $0xE400;
	s3 =	sadd.s32 @!p0 s25, s3  }
0x2ec: {  	[tilespmem:s4], [sflag:$0x8] =	stream.strided.gather @!p0 [hbm4b:s3+s24], $0x2000, s23, s24, $0x38;
	[tilespmem:$0x14700] =	vst v63  }
0x2ed: {  	v20 =	vld.idx.msk [tilespmem:v1+s11+$0x0], $0xffff  }
0x2ee: {  	v49 =	vld.idx.msk [tilespmem:v5+s11+$0x0], $0xffff;
	_ =	sdelay $0x1  }
0x2ef: {  	v50 =	vld.idx.msk [tilespmem:v6+s11+$0x0], $0xffff;
	_ =	sdelay $0x1  }
0x2f0: {  	v51 =	vld.idx.msk [tilespmem:v7+s11+$0x0], $0xffff  }
0x2f1: {  	v20 =	vadd.f32 v49, v20  }
0x2f2: {  	v52 =	vld.idx.msk [tilespmem:v8+s11+$0x0], $0xffff  }
0x2f3: {  	v20 =	vadd.f32 v50, v20  }
0x2f4: {  	v53 =	vld.idx.msk [tilespmem:v9+s11+$0x0], $0xffff  }
0x2f5: {  	v20 =	vadd.f32 v51, v20  }
0x2f6: {  	v54 =	vld.idx.msk [tilespmem:v10+s11+$0x0], $0xffff  }
0x2f7: {  	v20 =	vadd.f32 v52, v20  }
0x2f8: {  	v55 =	vld.idx.msk [tilespmem:v11+s11+$0x0], $0xffff  }
0x2f9: {  	v20 =	vadd.f32 v53, v20  }
0x2fa: {  	v56 =	vld.idx.msk [tilespmem:v12+s11+$0x0], $0xffff  }
0x2fb: {  	v20 =	vadd.f32 v54, v20  }
0x2fc: {  	v57 =	vld.idx.msk [tilespmem:v13+s11+$0x0], $0xffff  }
0x2fd: {  	v20 =	vadd.f32 v55, v20  }
0x2fe: {  	v58 =	vld.idx.msk [tilespmem:v14+s11+$0x0], $0xffff  }
0x2ff: {  	v20 =	vadd.f32 v56, v20  }
0x300: {  	v59 =	vld.idx.msk [tilespmem:v15+s11+$0x0], $0xffff  }
0x301: {  	v20 =	vadd.f32 v57, v20  }
0x302: {  	v60 =	vld.idx.msk [tilespmem:v16+s11+$0x0], $0xffff  }
0x303: {  	v20 =	vadd.f32 v58, v20  }
0x304: {  	v61 =	vld.idx.msk [tilespmem:v17+s11+$0x0], $0xffff  }
0x305: {  	v20 =	vadd.f32 v59, v20  }
0x306: {  	v62 =	vld.idx.msk [tilespmem:v18+s11+$0x0], $0xffff  }
0x307: {  	v20 =	vadd.f32 v60, v20  }
0x308: {  	v63 =	vld.idx.msk [tilespmem:v19+s11+$0x0], $0xffff  }
0x309: {  	s8 =	sadd.s32 $0x10, s8;
	v20 =	vadd.f32 v61, v20  }
0x30a: {  	p0 =	sne.s32 s8, $0x200  }
.Ltmp0:
0x30b: {  	v20 =	vadd.f32 v62, v20;
	(pc) =	sbr.rel @p0 .LBB2_2-.Ltmp0, $4  }
0x30c: {  	s26 =	rddreg [dreg:$0xf]  }
0x30d: {  	s28 =	rddreg [dreg:$0xe];
	v20 =	vadd.f32 v63, v20  }
0x30e: {  	s9 =	simm.s32 $0x1;
	s0 =	sadd.s32 $0x10, s28;
	s23 =	rddreg [dreg:$0x10]  }
0x30f: {  	s24 =	simm.s32 $0x2;
	s3 =	sadd.s32 $0x10, s26;
	s4 =	sadd.s32 $0x10, s23;
	[tilespmem:s26+$0x0] =	vst v20  }
0x310: {  	s10 =	simm.s32 $0x0  }
0x311: {  	s3 =	rddreg [dreg:$0xb];
	s0 =	simm.s32 $0x14500;
	s4 =	simm.s32 $0x9  }
0x312: {  	[hbm4b:s3+s10] =	stream.linear.scatter [tilespmem:s0], [sflag:$0x9], $0x200, $0x38;
	[tilespmem:$0x14700] =	vst v63  }
0x313: {  	_ =	swait.ge [sflag:s4], $0x200  }
0x314: {  	s26 =	rddreg [dreg:$0xd]  }
0x315: {  	s28 =	rddreg [dreg:$0xc];
	s0 =	sadd.s32 $0x1, s26  }
0x316: {  	p0 =	sne.s32 s0, s28  }
.Ltmp1:
0x317: {  	_ = 	snop;
	(pc) =	sbr.rel @p0 .LBB2_1-.Ltmp1, $3  }
0x318: {  	_ =	sdelay $0x1  }
0x319: {  	[sflag:s4] =	ssyncset.done $0x0  }
0x31a: {  	[sflag:s4] =	ssyncadd.s32 $0xFFFFFE00  }
0x31b: {  	_ =	sfence.sel $0x180000  }
0x31c: {  	[bflag:$0x0] =	sbarrier.arrive $0xFFFF  }
0x31d: {  	_ =	strace $0x90000047  }
0x31e: {  	s0 =	stileid.u32;
	[bflag:$0x2] =	sbarrier.arrive $0xFFFF  }
0x31f: {  	p0 =	sne.s32 s0, $0x0;
	s0 =	rddreg [dreg:$0x6]  }
0x320: {  	s0 =	sadd.s32 @!p0 $0x100000, s0  }
0x321: {  	[sflag:s0] =	ssyncadd.tile.s32 @!p0 $0x1;
	_ =	shalt  }
.Lfunc_end2:
_tile_overlayer_lowered:
.L_overlay_start_2:
0x322: {  	(tag) =	ssettag $0x2  }
0x323: {  	s0 =	rddreg [dreg:$0x0];
	s2 =	stileid.u32  }
0x324: {  	s1 =	rddreg [dreg:$0x1];
	p0 =	sne.s32 s2, $0x0  }
0x325: {  	s3 =	rddreg [dreg:$0x2];
	[bflag:$0x3] =	sbarrier.arrive $0xFFFF;
	s2 =	simm.s32 @!p0 $0x1C09  }
0x326: {  	[timem:s3], [sflag:s2] =	dma.local @!p0 [hbm:s0], s1  }
0x327: {  	s0 =	simm.s32 @!p0 $0x9  }
0x328: {  	_ =	swait.ge @!p0 [sflag:s0], s1  }
0x329: {  	s1 =	ssub.s32 @!p0 $0x0, s1;
	[sflag:s0] =	ssyncset.done @!p0 $0x0  }
0x32a: {  	[sflag:s0] =	ssyncadd.s32 @!p0 s1  }
0x32b: {  	[bflag:$0x3] =	sbarrier.arrive $0xFFFF  }
0x32c: {  	_ =	shalt  }

</sc_bundles>
